<compile_context>
chip_gen: v7x
topology: tpu7x:2x2x1
jax: 0.10.2.dev20260603
libtpu: 0.0.44.dev20260713+nightly
codegen_flags: <defaults>
</compile_context>

<pallas_src>
import dataclasses
import functools

import jax
import jax.numpy as jnp
from jax import lax
from jax.experimental import pallas as pl
from jax.experimental.pallas import tpu as pltpu
from jax.experimental.pallas import tpu_sc as plsc

N_NODES = 10000
N_EDGES = 320000
D_FEAT = 128
HID = 32

NC = 2
NS = 16
NW = NC * NS
CH = 128
NCH = 80
EC = NCH * CH
E_PAD = NW * EC
LAST_ROWS = (N_EDGES - (NW - 1) * EC) // CH
NP = 10240
NPS = NP // NS
NPN = N_NODES // NS



def _matmul_kernel(x_ref, w_ref, o_ref):
    o_ref[...] = jnp.dot(x_ref[...], w_ref[...], preferred_element_type=jnp.float32)


def _tc_matmul(x, w):
    n, k = x.shape
    m = w.shape[1]
    blk = 1000
    return pl.pallas_call(
        _matmul_kernel,
        grid=(n // blk,),
        in_specs=[
            pl.BlockSpec((blk, k), lambda i: (i, 0)),
            pl.BlockSpec((k, m), lambda i: (0, 0)),
        ],
        out_specs=pl.BlockSpec((blk, m), lambda i: (i, 0)),
        out_shape=jax.ShapeDtypeStruct((n, m), jnp.float32),
    )(x, w)


def _edge_proj_kernel(x_ref, p_ref, g_ref, o1_ref, o2_ref):
    hi = jax.lax.Precision.HIGHEST
    o1_ref[...] = jnp.dot(x_ref[...] * p_ref[0:1, :], g_ref[...],
                          preferred_element_type=jnp.float32, precision=hi)
    o2_ref[...] = jnp.dot(x_ref[...] * p_ref[1:2, :], g_ref[...],
                          preferred_element_type=jnp.float32, precision=hi)


def _edge_proj(ea128, p, g):
    n = ea128.shape[0]
    blk = 1000
    shp = jax.ShapeDtypeStruct((n, 32), jnp.float32)
    return pl.pallas_call(
        _edge_proj_kernel,
        grid=(n // blk,),
        in_specs=[
            pl.BlockSpec((blk, 128), lambda i: (i, 0)),
            pl.BlockSpec((2, 128), lambda i: (0, 0)),
            pl.BlockSpec((128, 32), lambda i: (0, 0)),
        ],
        out_specs=[pl.BlockSpec((blk, 32), lambda i: (i, 0))] * 2,
        out_shape=[shp, shp],
    )(ea128, p, g)



_MESH = plsc.VectorSubcoreMesh(core_axis_name="c", subcore_axis_name="s")

_SC_PARAMS = pltpu.CompilerParams()
if "needs_layout_passes" in pltpu.CompilerParams.__dataclass_fields__:
    _SC_PARAMS = dataclasses.replace(_SC_PARAMS, needs_layout_passes=False)
if "use_tc_tiling_on_sc" in pltpu.CompilerParams.__dataclass_fields__:
    _SC_PARAMS = dataclasses.replace(_SC_PARAMS, use_tc_tiling_on_sc=False)


def _make_sc_layer(with_deg):
    n_extra = 3 if with_deg else 0
    out_type = tuple([jax.ShapeDtypeStruct((NC, N_NODES, HID), jnp.float32)]
                     + [jax.ShapeDtypeStruct((NC, NP), jnp.float32)] * (1 + n_extra))
    scratch = [
        pltpu.VMEM((NCH, CH), jnp.int32),
        pltpu.VMEM((NCH, CH), jnp.int32),
        pltpu.VMEM((NCH, CH), jnp.float32),
        pltpu.VMEM((NCH, CH), jnp.float32),
        pltpu.VMEM((N_NODES,), jnp.float32),
        pltpu.VMEM((N_NODES,), jnp.float32),
        pltpu.VMEM((N_NODES,), jnp.float32),
        pltpu.VMEM((N_NODES,), jnp.float32),
        pltpu.VMEM((CH, HID), jnp.float32),
        pltpu.VMEM((CH, HID), jnp.float32),
        pltpu.VMEM_SHARED((N_NODES, HID), jnp.float32),
        pltpu.VMEM_SHARED((NP,), jnp.float32),
        pltpu.SemaphoreType.DMA,
        pltpu.SemaphoreType.DMA,
    ]
    if with_deg:
        scratch += [
            pltpu.VMEM((1, CH), jnp.float32),
            pltpu.VMEM((NCH, CH), jnp.float32),
            pltpu.VMEM((NCH, CH), jnp.float32),
            pltpu.VMEM_SHARED((NP,), jnp.float32),
            pltpu.VMEM_SHARED((NP,), jnp.float32),
            pltpu.VMEM_SHARED((NP,), jnp.float32),
        ]

    def body(*refs):
        if with_deg:
            (src_hbm, dst_hbm, e1_hbm, e2_hbm, ae1_hbm, ae2_hbm,
             eas_hbm, eas2_hbm, ead_hbm, ead2_hbm, h_hbm, z2_hbm, z1_hbm,
             num_out, den_out, deg_out, s1_out, s2_out,
             src_v, dst_v, w_v, e2_v, eas_v, eas2_v, ead_v, ead2_v,
             rows_a, rows_b, num_sh, den_sh, gsa, gsb,
             on_v, a1_v, a2_v, deg_sh, s1_sh, s2_sh) = refs
        else:
            (src_hbm, dst_hbm, e1_hbm, e2_hbm,
             eas_hbm, eas2_hbm, ead_hbm, ead2_hbm, h_hbm, z2_hbm, z1_hbm,
             num_out, den_out,
             src_v, dst_v, w_v, e2_v, eas_v, eas2_v, ead_v, ead2_v,
             rows_a, rows_b, num_sh, den_sh, gsa, gsb) = refs

        cid = lax.axis_index("c")
        sid = lax.axis_index("s")
        wid = cid * NS + sid
        nrows = jnp.where(wid == NW - 1, LAST_ROWS, NCH)

        pltpu.sync_copy(z2_hbm, num_sh.at[pl.ds(sid * NPN, NPN)])
        pltpu.sync_copy(z1_hbm, den_sh.at[pl.ds(sid * NPS, NPS)])
        if with_deg:
            pltpu.sync_copy(z1_hbm, deg_sh.at[pl.ds(sid * NPS, NPS)])
            pltpu.sync_copy(z1_hbm, s1_sh.at[pl.ds(sid * NPS, NPS)])
            pltpu.sync_copy(z1_hbm, s2_sh.at[pl.ds(sid * NPS, NPS)])

        pltpu.sync_copy(src_hbm.at[wid], src_v)
        pltpu.sync_copy(dst_hbm.at[wid], dst_v)
        pltpu.sync_copy(e1_hbm.at[wid], w_v)
        pltpu.sync_copy(e2_hbm.at[wid], e2_v)
        pltpu.sync_copy(eas_hbm, eas_v)
        pltpu.sync_copy(eas2_hbm, eas2_v)
        pltpu.sync_copy(ead_hbm, ead_v)
        pltpu.sync_copy(ead2_hbm, ead2_v)
        if with_deg:
            pltpu.sync_copy(ae1_hbm.at[wid], a1_v)
            pltpu.sync_copy(ae2_hbm.at[wid], a2_v)

            @pl.loop(0, CH // 16)
            def _ones(k):
                on_v[0, pl.ds(k * 16, 16)] = jnp.full((16,), 1.0, jnp.float32)
        plsc.subcore_barrier()

        @pl.loop(0, nrows)
        def _alpha(g):
            for k in range(8):
                o = k * 16
                s16 = src_v[g, pl.ds(o, 16)]
                d16 = dst_v[g, pl.ds(o, 16)]
                wpos = (plsc.load_gather(eas_v, [s16])
                        * plsc.load_gather(ead_v, [d16]) * w_v[g, pl.ds(o, 16)])
                wneg = (plsc.load_gather(eas2_v, [s16])
                        * plsc.load_gather(ead2_v, [d16]) * e2_v[g, pl.ds(o, 16)])
                w_v[g, pl.ds(o, 16)] = jnp.maximum(wpos, wneg)

        @pl.loop(0, nrows)
        def _scal_scat(c):
            pltpu.sync_copy(w_v.at[c], den_sh.at[dst_v.at[c]], add=True)
            if with_deg:
                pltpu.sync_copy(on_v.at[0], deg_sh.at[dst_v.at[c]], add=True)
                pltpu.sync_copy(a1_v.at[c], s1_sh.at[dst_v.at[c]], add=True)
                pltpu.sync_copy(a2_v.at[c], s2_sh.at[dst_v.at[c]], add=True)

        def scale(rows_v, c):
            @pl.loop(0, CH // 8)
            def _scale(eo):
                for j in range(8):
                    e = eo * 8 + j
                    wv16 = plsc.load_gather(
                        w_v, [jnp.full((16,), c, jnp.int32),
                              jnp.full((16,), e, jnp.int32)])
                    rows_v[e, pl.ds(0, 16)] = rows_v[e, pl.ds(0, 16)] * wv16
                    rows_v[e, pl.ds(16, 16)] = rows_v[e, pl.ds(16, 16)] * wv16

        pltpu.async_copy(h_hbm.at[src_v.at[0]], rows_a, gsa)
        pltpu.async_copy(h_hbm.at[src_v.at[1]], rows_b, gsb)

        @pl.loop(0, nrows // 2)
        def _agg(p):
            c0 = p * 2
            c1 = c0 + 1

            pltpu.make_async_copy(h_hbm.at[src_v.at[c0]], rows_a, gsa).wait()
            scale(rows_a, c0)
            pltpu.sync_copy(rows_a, num_sh.at[dst_v.at[c0]], add=True)

            @pl.when(c0 + 2 < nrows)
            def _next_a():
                pltpu.async_copy(h_hbm.at[src_v.at[c0 + 2]], rows_a, gsa)

            pltpu.make_async_copy(h_hbm.at[src_v.at[c1]], rows_b, gsb).wait()
            scale(rows_b, c1)
            pltpu.sync_copy(rows_b, num_sh.at[dst_v.at[c1]], add=True)

            @pl.when(c1 + 2 < nrows)
            def _next_b():
                pltpu.async_copy(h_hbm.at[src_v.at[c1 + 2]], rows_b, gsb)

        plsc.subcore_barrier()

        sl = pl.ds(sid * NPS, NPS)
        sln = pl.ds(sid * NPN, NPN)
        pltpu.sync_copy(num_sh.at[sln], num_out.at[cid, sln])
        pltpu.sync_copy(den_sh.at[sl], den_out.at[cid, sl])
        if with_deg:
            pltpu.sync_copy(deg_sh.at[sl], deg_out.at[cid, sl])
            pltpu.sync_copy(s1_sh.at[sl], s1_out.at[cid, sl])
            pltpu.sync_copy(s2_sh.at[sl], s2_out.at[cid, sl])

    return functools.partial(
        pl.kernel, mesh=_MESH, out_type=out_type,
        compiler_params=_SC_PARAMS, scratch_types=scratch)(body)


_SC_LAYER = _make_sc_layer(False)


@functools.partial(
    pl.kernel,
    mesh=_MESH,
    out_type=(jax.ShapeDtypeStruct((NC, NP), jnp.float32),
              jax.ShapeDtypeStruct((NC, NP), jnp.float32),
              jax.ShapeDtypeStruct((NC, NP), jnp.float32)),
    compiler_params=_SC_PARAMS,
    scratch_types=[
        pltpu.VMEM((NCH, CH), jnp.int32),
        pltpu.VMEM((1, CH), jnp.float32),
        pltpu.VMEM((NCH, CH), jnp.float32),
        pltpu.VMEM((NCH, CH), jnp.float32),
        pltpu.VMEM_SHARED((NP,), jnp.float32),
        pltpu.VMEM_SHARED((NP,), jnp.float32),
        pltpu.VMEM_SHARED((NP,), jnp.float32),
    ],
)
def _sc_deg_kernel(dst_hbm, ae1_hbm, ae2_hbm, z1_hbm,
                   deg_out, s1_out, s2_out,
                   dst_v, on_v, a1_v, a2_v, deg_sh, s1_sh, s2_sh):
    cid = lax.axis_index("c")
    sid = lax.axis_index("s")
    wid = cid * NS + sid
    nrows = jnp.where(wid == NW - 1, LAST_ROWS, NCH)

    pltpu.sync_copy(z1_hbm, deg_sh.at[pl.ds(sid * NPS, NPS)])
    pltpu.sync_copy(z1_hbm, s1_sh.at[pl.ds(sid * NPS, NPS)])
    pltpu.sync_copy(z1_hbm, s2_sh.at[pl.ds(sid * NPS, NPS)])

    pltpu.sync_copy(dst_hbm.at[wid], dst_v)
    pltpu.sync_copy(ae1_hbm.at[wid], a1_v)
    pltpu.sync_copy(ae2_hbm.at[wid], a2_v)

    @pl.loop(0, CH // 16)
    def _ones(k):
        on_v[0, pl.ds(k * 16, 16)] = jnp.full((16,), 1.0, jnp.float32)

    plsc.subcore_barrier()

    @pl.loop(0, nrows)
    def _scat(c):
        pltpu.sync_copy(on_v.at[0], deg_sh.at[dst_v.at[c]], add=True)
        pltpu.sync_copy(a1_v.at[c], s1_sh.at[dst_v.at[c]], add=True)
        pltpu.sync_copy(a2_v.at[c], s2_sh.at[dst_v.at[c]], add=True)

    plsc.subcore_barrier()

    sl = pl.ds(sid * NPS, NPS)
    pltpu.sync_copy(deg_sh.at[sl], deg_out.at[cid, sl])
    pltpu.sync_copy(s1_sh.at[sl], s1_out.at[cid, sl])
    pltpu.sync_copy(s2_sh.at[sl], s2_out.at[cid, sl])



def _pad_edges(a, fill):
    pad = E_PAD - N_EDGES
    return jnp.concatenate([a, jnp.full((pad,), fill, a.dtype)]).reshape(NW, NCH, CH)


def _att_exp(h, att_src, att_dst, ae):
    a_s = (h * att_src).sum(-1)
    a_d = (h * att_dst).sum(-1)
    m = jax.nn.leaky_relu(jnp.max(a_s) + jnp.max(a_d)
                          + jnp.maximum(jnp.max(ae), 0.0), 0.2)
    exps = (jnp.exp(a_s), jnp.exp(0.2 * a_s), jnp.exp(a_d), jnp.exp(0.2 * a_d))
    e1 = _pad_edges(jnp.exp(ae - m), 0.0)
    e2 = _pad_edges(jnp.exp(0.2 * ae - m), 0.0)
    return a_s, a_d, m, exps, e1, e2


def kernel(x, edge_index, edge_attr, W1, att_src1, att_dst1, We1, att_e1, b1,
           W2, att_src2, att_dst2, We2, att_e2, b2, Wl, bl):
    N = N_NODES
    src, dst = edge_index[0], edge_index[1]
    src3 = _pad_edges(src, 0)
    dst3 = _pad_edges(dst, 0)

    wv = jnp.stack([We1 @ att_e1, We2 @ att_e2], axis=1)
    f_idx = jnp.tile(jnp.arange(4), 32)
    p = wv[f_idx, :].T
    g = (jnp.arange(128)[:, None] // 4
         == jnp.arange(32)[None, :]).astype(jnp.float32)
    ea128 = edge_attr.reshape(N_EDGES // 32, 128)
    ae1_2d, ae2_2d = _edge_proj(ea128, p, g)
    ae1 = ae1_2d.reshape(-1)
    ae2 = ae2_2d.reshape(-1)
    ae1_3 = _pad_edges(ae1, 0.0)
    ae2_3 = _pad_edges(ae2, 0.0)

    z2 = jnp.zeros((NPN, HID), jnp.float32)
    z1 = jnp.zeros((NPS,), jnp.float32)

    h1 = _tc_matmul(x, W1)
    as1, ad1, m1, exps1, e1a, e2a = _att_exp(h1, att_src1, att_dst1, ae1)
    deg_p, s1_p, s2_p = _sc_deg_kernel(dst3, ae1_3, ae2_3, z1)
    num_p, den_p = _SC_LAYER(src3, dst3, e1a, e2a, *exps1, h1, z2, z1)
    num1 = num_p[0] + num_p[1]
    den1 = (den_p[0] + den_p[1])[:N]
    deg = (deg_p[0] + deg_p[1])[:N]
    lae1 = ((s1_p[0] + s1_p[1])[:N]) / jnp.clip(deg, 1.0)
    lae2 = ((s2_p[0] + s2_p[1])[:N]) / jnp.clip(deg, 1.0)
    wl1 = jnp.exp(jax.nn.leaky_relu(as1 + ad1 + lae1, 0.2) - m1)
    o1 = (num1 + wl1[:, None] * h1) / (den1[:, None] + wl1[:, None] + 1e-16) + b1
    o1 = jax.nn.relu(o1)

    h2 = _tc_matmul(o1, W2)
    as2, ad2, m2, exps2, e1b, e2b = _att_exp(h2, att_src2, att_dst2, ae2)
    num_p2, den_p2 = _SC_LAYER(src3, dst3, e1b, e2b, *exps2, h2, z2, z1)
    num2 = num_p2[0] + num_p2[1]
    den2 = (den_p2[0] + den_p2[1])[:N]
    wl2 = jnp.exp(jax.nn.leaky_relu(as2 + ad2 + lae2, 0.2) - m2)
    o2 = (num2 + wl2[:, None] * h2) / (den2[:, None] + wl2[:, None] + 1e-16) + b2

    out = o2 @ Wl + bl
    return jax.nn.relu(out)

# --- scband reference (transcript-rebuilt; emitter-appended) ---
"""Pipeline reference for scband-gnn-38749194944748 (READ-ONLY COPY).

The authoritative reference and input builder live on the scoring server;
editing this copy changes nothing except your own understanding.
"""

import jax, jax.numpy as jnp
import numpy as np

N_NODES = 10000
N_EDGES = 320000
D_FEAT = 128
HID = 32
D_EDGE = 4


def _gat_conv(x, src, dst, edge_attr, W, att_src, att_dst, We, att_e, bias):
    # Faithful PyG GATConv (heads=1, concat=True, add_self_loops=True, fill_value='mean')
    N = x.shape[0]
    h = x @ W                                   # lin(x), bias=False
    a_src = (h * att_src).sum(-1)               # [N]
    a_dst = (h * att_dst).sum(-1)               # [N]
    # add self loops; self-loop edge_attr = per-dst-node mean of incoming edge features
    deg = jax.ops.segment_sum(jnp.ones(src.shape[0], dtype=x.dtype), dst, num_segments=N)
    loop_attr = jax.ops.segment_sum(edge_attr, dst, num_segments=N) / jnp.clip(deg, 1.0)[:, None]
    loops = jnp.arange(N, dtype=src.dtype)
    src2 = jnp.concatenate([src, loops])
    dst2 = jnp.concatenate([dst, loops])
    ea = jnp.concatenate([edge_attr, loop_attr], axis=0)
    e = ea @ We                                 # lin_edge, bias=False
    a_e = (e * att_e).sum(-1)
    alpha = a_src[src2] + a_dst[dst2] + a_e
    alpha = jax.nn.leaky_relu(alpha, 0.2)
    # segment softmax over destination nodes
    amax = jax.ops.segment_max(alpha, dst2, num_segments=N)
    alpha = jnp.exp(alpha - amax[dst2])
    denom = jax.ops.segment_sum(alpha, dst2, num_segments=N)
    alpha = alpha / (denom[dst2] + 1e-16)
    out = jax.ops.segment_sum(h[src2] * alpha[:, None], dst2, num_segments=N)
    return out + bias


def setup_inputs(seed: int = 0) -> dict:
    key = jax.random.key(seed)
    ks = jax.random.split(key, 20)
    s = 0.1
    x = jax.random.normal(ks[0], (N_NODES, D_FEAT), jnp.float32)
    edge_index = jax.random.randint(ks[1], (2, N_EDGES), 0, N_NODES, dtype=jnp.int32)
    edge_attr = jax.random.normal(ks[2], (N_EDGES, D_EDGE), jnp.float32)
    W1 = jax.random.normal(ks[3], (D_FEAT, HID), jnp.float32) * s
    att_src1 = jax.random.normal(ks[4], (HID,), jnp.float32) * s
    att_dst1 = jax.random.normal(ks[5], (HID,), jnp.float32) * s
    We1 = jax.random.normal(ks[6], (D_EDGE, HID), jnp.float32) * s
    att_e1 = jax.random.normal(ks[7], (HID,), jnp.float32) * s
    b1 = jnp.zeros((HID,), jnp.float32)
    W2 = jax.random.normal(ks[8], (HID, HID), jnp.float32) * s
    att_src2 = jax.random.normal(ks[9], (HID,), jnp.float32) * s
    att_dst2 = jax.random.normal(ks[10], (HID,), jnp.float32) * s
    We2 = jax.random.normal(ks[11], (D_EDGE, HID), jnp.float32) * s
    att_e2 = jax.random.normal(ks[12], (HID,), jnp.float32) * s
    b2 = jnp.zeros((HID,), jnp.float32)
    Wl = jax.random.normal(ks[13], (HID, 1), jnp.float32) * s
    bl = jnp.zeros((1,), jnp.float32)
    return {"x": x, "edge_index": edge_index, "edge_attr": edge_attr,
            "W1": W1, "att_src1": att_src1, "att_dst1": att_dst1, "We1": We1, "att_e1": att_e1, "b1": b1,
            "W2": W2, "att_src2": att_src2, "att_dst2": att_dst2, "We2": We2, "att_e2": att_e2, "b2": b2,
            "Wl": Wl, "bl": bl}


def reference(x, edge_index, edge_attr, W1, att_src1, att_dst1, We1, att_e1, b1,
              W2, att_src2, att_dst2, We2, att_e2, b2, Wl, bl):
    src, dst = edge_index[0], edge_index[1]
    h = _gat_conv(x, src, dst, edge_attr, W1, att_src1, att_dst1, We1, att_e1, b1)
    h = jax.nn.relu(h)  # dropout is identity in eval mode
    h = _gat_conv(h, src, dst, edge_attr, W2, att_src2, att_dst2, We2, att_e2, b2)
    out = h @ Wl + bl
    return jax.nn.relu(out)

if __name__ == "__main__":
    import jax
    _d = setup_inputs()
    print(jax.jit(kernel)(*tuple(_d.values())))

</pallas_src>

<mosaic_0001>
#map = affine_map<(d0, d1) -> (0, 0, 0)>
#map1 = affine_map<(d0, d1) -> (0)>
#map2 = affine_map<(d0, d1) -> (0, 0)>
module attributes {stable_mosaic.version = 14 : i64} {
  func.func @body(%arg0: i32, %arg1: i32, %arg2: memref<32x80x128xi32, #tpu.memory_space<hbm>>, %arg3: memref<32x80x128xi32, #tpu.memory_space<hbm>>, %arg4: memref<32x80x128xf32, #tpu.memory_space<hbm>>, %arg5: memref<32x80x128xf32, #tpu.memory_space<hbm>>, %arg6: memref<10000xf32, #tpu.memory_space<hbm>>, %arg7: memref<10000xf32, #tpu.memory_space<hbm>>, %arg8: memref<10000xf32, #tpu.memory_space<hbm>>, %arg9: memref<10000xf32, #tpu.memory_space<hbm>>, %arg10: memref<10000x32xf32, #tpu.memory_space<hbm>>, %arg11: memref<625x32xf32, #tpu.memory_space<hbm>>, %arg12: memref<640xf32, #tpu.memory_space<hbm>>, %arg13: memref<2x10000x32xf32, #tpu.memory_space<hbm>>, %arg14: memref<2x10240xf32, #tpu.memory_space<hbm>>, %arg15: memref<80x128xi32, #tpu.memory_space<vmem>>, %arg16: memref<80x128xi32, #tpu.memory_space<vmem>>, %arg17: memref<80x128xf32, #tpu.memory_space<vmem>>, %arg18: memref<80x128xf32, #tpu.memory_space<vmem>>, %arg19: memref<10000xf32, #tpu.memory_space<vmem>>, %arg20: memref<10000xf32, #tpu.memory_space<vmem>>, %arg21: memref<10000xf32, #tpu.memory_space<vmem>>, %arg22: memref<10000xf32, #tpu.memory_space<vmem>>, %arg23: memref<128x32xf32, #tpu.memory_space<vmem>>, %arg24: memref<128x32xf32, #tpu.memory_space<vmem>>, %arg25: memref<10000x32xf32, #tpu.memory_space<vmem_shared>>, %arg26: memref<10240xf32, #tpu.memory_space<vmem_shared>>, %arg27: memref<!tpu.dma_semaphore, #tpu.memory_space<semaphore_mem>>, %arg28: memref<!tpu.dma_semaphore, #tpu.memory_space<semaphore_mem>>) attributes {dimension_semantics = [#tpu.dimension_semantics<core_parallel>, #tpu.dimension_semantics<subcore_parallel>], iteration_bounds = array<i64: 2, 16>, scalar_prefetch = 0 : i64, scratch_operands = 14 : i64, tpu.core_type = #tpu.core_type<sc_vector_subcore>, window_params = [{transform_indices = #map}, {transform_indices = #map}, {transform_indices = #map}, {transform_indices = #map}, {transform_indices = #map1}, {transform_indices = #map1}, {transform_indices = #map1}, {transform_indices = #map1}, {transform_indices = #map2}, {transform_indices = #map2}, {transform_indices = #map1}, {transform_indices = #map}, {transform_indices = #map2}]} {
    %mul3A = arith.constant 16 : i32
    %mul3A_0 = arith.muli %arg0, %mul3A : i32
    %add3A = arith.addi %mul3A_0, %arg1 : i32
    %eq3A = arith.constant 31 : i32
    %eq3A_1 = arith.cmpi eq, %add3A, %eq3A : i32
    %jit3A = arith.constant 20 : i32
    %jit3A_2 = arith.constant 80 : i32
    %select_n3A = arith.select %eq3A_1, %jit3A, %jit3A_2 : i32
    %mul3A_3 = arith.constant 625 : i32
    %mul3A_4 = arith.muli %arg1, %mul3A_3 : i32
    "tpu.region"() ({
      %run_scoped3A = tpu.sem_alloc : memref<!tpu.dma_semaphore, #tpu.memory_space<semaphore_mem>>
      %dma_start3A_99 = arith.constant 0 : i32
      %dma_start3A_100 = tpu.memref_slice %arg25[%mul3A_4, %dma_start3A_99] : memref<10000x32xf32, #tpu.memory_space<vmem_shared>> -> memref<625x32xf32, #tpu.memory_space<vmem_shared>>
      tpu.enqueue_dma source(%arg11 : memref<625x32xf32, #tpu.memory_space<hbm>>) target(%dma_start3A_100 : memref<625x32xf32, #tpu.memory_space<vmem_shared>>) target_semaphore(%run_scoped3A : memref<!tpu.dma_semaphore, #tpu.memory_space<semaphore_mem>>)
      %dma_wait3A = arith.constant 0 : i32
      %dma_wait3A_101 = tpu.memref_slice %arg25[%mul3A_4, %dma_wait3A] : memref<10000x32xf32, #tpu.memory_space<vmem_shared>> -> memref<625x32xf32, #tpu.memory_space<vmem_shared>>
      tpu.wait_dma2 semaphore(%run_scoped3A : memref<!tpu.dma_semaphore, #tpu.memory_space<semaphore_mem>>) src(%arg11 : memref<625x32xf32, #tpu.memory_space<hbm>>) dst(%dma_wait3A_101 : memref<625x32xf32, #tpu.memory_space<vmem_shared>>)
      tpu.yield
    }) : () -> ()
    %mul3A_5 = arith.constant 640 : i32
    %mul3A_6 = arith.muli %arg1, %mul3A_5 : i32
    "tpu.region"() ({
      %run_scoped3A = tpu.sem_alloc : memref<!tpu.dma_semaphore, #tpu.memory_space<semaphore_mem>>
      %dma_start3A_99 = tpu.memref_slice %arg26[%mul3A_6] : memref<10240xf32, #tpu.memory_space<vmem_shared>> -> memref<640xf32, #tpu.memory_space<vmem_shared>>
      tpu.enqueue_dma source(%arg12 : memref<640xf32, #tpu.memory_space<hbm>>) target(%dma_start3A_99 : memref<640xf32, #tpu.memory_space<vmem_shared>>) target_semaphore(%run_scoped3A : memref<!tpu.dma_semaphore, #tpu.memory_space<semaphore_mem>>)
      %dma_wait3A = tpu.memref_slice %arg26[%mul3A_6] : memref<10240xf32, #tpu.memory_space<vmem_shared>> -> memref<640xf32, #tpu.memory_space<vmem_shared>>
      tpu.wait_dma2 semaphore(%run_scoped3A : memref<!tpu.dma_semaphore, #tpu.memory_space<semaphore_mem>>) src(%arg12 : memref<640xf32, #tpu.memory_space<hbm>>) dst(%dma_wait3A : memref<640xf32, #tpu.memory_space<vmem_shared>>)
      tpu.yield
    }) : () -> ()
    "tpu.region"() ({
      %run_scoped3A = tpu.sem_alloc : memref<!tpu.dma_semaphore, #tpu.memory_space<semaphore_mem>>
      %dma_start3A_99 = arith.constant 0 : i32
      %dma_start3A_100 = arith.constant 0 : i32
      %dma_start3A_101 = tpu.memref_slice %arg2[%add3A, %dma_start3A_99, %dma_start3A_100] : memref<32x80x128xi32, #tpu.memory_space<hbm>> -> memref<1x80x128xi32, #tpu.memory_space<hbm>>
      %dma_start3A_102 = tpu.memref_squeeze %dma_start3A_101 : memref<1x80x128xi32, #tpu.memory_space<hbm>> -> memref<80x128xi32, #tpu.memory_space<hbm>>
      %dma_start3A_103 = arith.constant 0 : i32
      %dma_start3A_104 = arith.constant 0 : i32
      %dma_start3A_105 = tpu.memref_slice %arg2[%add3A, %dma_start3A_103, %dma_start3A_104] : memref<32x80x128xi32, #tpu.memory_space<hbm>> -> memref<1x80x128xi32, #tpu.memory_space<hbm>>
      %dma_start3A_106 = tpu.memref_squeeze %dma_start3A_105 : memref<1x80x128xi32, #tpu.memory_space<hbm>> -> memref<80x128xi32, #tpu.memory_space<hbm>>
      tpu.enqueue_dma source(%dma_start3A_106 : memref<80x128xi32, #tpu.memory_space<hbm>>) target(%arg15 : memref<80x128xi32, #tpu.memory_space<vmem>>) target_semaphore(%run_scoped3A : memref<!tpu.dma_semaphore, #tpu.memory_space<semaphore_mem>>)
      %dma_wait3A = arith.constant 0 : i32
      %dma_wait3A_107 = arith.constant 0 : i32
      %dma_wait3A_108 = tpu.memref_slice %arg2[%add3A, %dma_wait3A, %dma_wait3A_107] : memref<32x80x128xi32, #tpu.memory_space<hbm>> -> memref<1x80x128xi32, #tpu.memory_space<hbm>>
      %dma_wait3A_109 = tpu.memref_squeeze %dma_wait3A_108 : memref<1x80x128xi32, #tpu.memory_space<hbm>> -> memref<80x128xi32, #tpu.memory_space<hbm>>
      %dma_wait3A_110 = arith.constant 0 : i32
      %dma_wait3A_111 = arith.constant 0 : i32
      %dma_wait3A_112 = tpu.memref_slice %arg2[%add3A, %dma_wait3A_110, %dma_wait3A_111] : memref<32x80x128xi32, #tpu.memory_space<hbm>> -> memref<1x80x128xi32, #tpu.memory_space<hbm>>
      %dma_wait3A_113 = tpu.memref_squeeze %dma_wait3A_112 : memref<1x80x128xi32, #tpu.memory_space<hbm>> -> memref<80x128xi32, #tpu.memory_space<hbm>>
      tpu.wait_dma2 semaphore(%run_scoped3A : memref<!tpu.dma_semaphore, #tpu.memory_space<semaphore_mem>>) src(%dma_wait3A_113 : memref<80x128xi32, #tpu.memory_space<hbm>>) dst(%arg15 : memref<80x128xi32, #tpu.memory_space<vmem>>)
      tpu.yield
    }) : () -> ()
    "tpu.region"() ({
      %run_scoped3A = tpu.sem_alloc : memref<!tpu.dma_semaphore, #tpu.memory_space<semaphore_mem>>
      %dma_start3A_99 = arith.constant 0 : i32
      %dma_start3A_100 = arith.constant 0 : i32
      %dma_start3A_101 = tpu.memref_slice %arg3[%add3A, %dma_start3A_99, %dma_start3A_100] : memref<32x80x128xi32, #tpu.memory_space<hbm>> -> memref<1x80x128xi32, #tpu.memory_space<hbm>>
      %dma_start3A_102 = tpu.memref_squeeze %dma_start3A_101 : memref<1x80x128xi32, #tpu.memory_space<hbm>> -> memref<80x128xi32, #tpu.memory_space<hbm>>
      %dma_start3A_103 = arith.constant 0 : i32
      %dma_start3A_104 = arith.constant 0 : i32
      %dma_start3A_105 = tpu.memref_slice %arg3[%add3A, %dma_start3A_103, %dma_start3A_104] : memref<32x80x128xi32, #tpu.memory_space<hbm>> -> memref<1x80x128xi32, #tpu.memory_space<hbm>>
      %dma_start3A_106 = tpu.memref_squeeze %dma_start3A_105 : memref<1x80x128xi32, #tpu.memory_space<hbm>> -> memref<80x128xi32, #tpu.memory_space<hbm>>
      tpu.enqueue_dma source(%dma_start3A_106 : memref<80x128xi32, #tpu.memory_space<hbm>>) target(%arg16 : memref<80x128xi32, #tpu.memory_space<vmem>>) target_semaphore(%run_scoped3A : memref<!tpu.dma_semaphore, #tpu.memory_space<semaphore_mem>>)
      %dma_wait3A = arith.constant 0 : i32
      %dma_wait3A_107 = arith.constant 0 : i32
      %dma_wait3A_108 = tpu.memref_slice %arg3[%add3A, %dma_wait3A, %dma_wait3A_107] : memref<32x80x128xi32, #tpu.memory_space<hbm>> -> memref<1x80x128xi32, #tpu.memory_space<hbm>>
      %dma_wait3A_109 = tpu.memref_squeeze %dma_wait3A_108 : memref<1x80x128xi32, #tpu.memory_space<hbm>> -> memref<80x128xi32, #tpu.memory_space<hbm>>
      %dma_wait3A_110 = arith.constant 0 : i32
      %dma_wait3A_111 = arith.constant 0 : i32
      %dma_wait3A_112 = tpu.memref_slice %arg3[%add3A, %dma_wait3A_110, %dma_wait3A_111] : memref<32x80x128xi32, #tpu.memory_space<hbm>> -> memref<1x80x128xi32, #tpu.memory_space<hbm>>
      %dma_wait3A_113 = tpu.memref_squeeze %dma_wait3A_112 : memref<1x80x128xi32, #tpu.memory_space<hbm>> -> memref<80x128xi32, #tpu.memory_space<hbm>>
      tpu.wait_dma2 semaphore(%run_scoped3A : memref<!tpu.dma_semaphore, #tpu.memory_space<semaphore_mem>>) src(%dma_wait3A_113 : memref<80x128xi32, #tpu.memory_space<hbm>>) dst(%arg16 : memref<80x128xi32, #tpu.memory_space<vmem>>)
      tpu.yield
    }) : () -> ()
    "tpu.region"() ({
      %run_scoped3A = tpu.sem_alloc : memref<!tpu.dma_semaphore, #tpu.memory_space<semaphore_mem>>
      %dma_start3A_99 = arith.constant 0 : i32
      %dma_start3A_100 = arith.constant 0 : i32
      %dma_start3A_101 = tpu.memref_slice %arg4[%add3A, %dma_start3A_99, %dma_start3A_100] : memref<32x80x128xf32, #tpu.memory_space<hbm>> -> memref<1x80x128xf32, #tpu.memory_space<hbm>>
      %dma_start3A_102 = tpu.memref_squeeze %dma_start3A_101 : memref<1x80x128xf32, #tpu.memory_space<hbm>> -> memref<80x128xf32, #tpu.memory_space<hbm>>
      %dma_start3A_103 = arith.constant 0 : i32
      %dma_start3A_104 = arith.constant 0 : i32
      %dma_start3A_105 = tpu.memref_slice %arg4[%add3A, %dma_start3A_103, %dma_start3A_104] : memref<32x80x128xf32, #tpu.memory_space<hbm>> -> memref<1x80x128xf32, #tpu.memory_space<hbm>>
      %dma_start3A_106 = tpu.memref_squeeze %dma_start3A_105 : memref<1x80x128xf32, #tpu.memory_space<hbm>> -> memref<80x128xf32, #tpu.memory_space<hbm>>
      tpu.enqueue_dma source(%dma_start3A_106 : memref<80x128xf32, #tpu.memory_space<hbm>>) target(%arg17 : memref<80x128xf32, #tpu.memory_space<vmem>>) target_semaphore(%run_scoped3A : memref<!tpu.dma_semaphore, #tpu.memory_space<semaphore_mem>>)
      %dma_wait3A = arith.constant 0 : i32
      %dma_wait3A_107 = arith.constant 0 : i32
      %dma_wait3A_108 = tpu.memref_slice %arg4[%add3A, %dma_wait3A, %dma_wait3A_107] : memref<32x80x128xf32, #tpu.memory_space<hbm>> -> memref<1x80x128xf32, #tpu.memory_space<hbm>>
      %dma_wait3A_109 = tpu.memref_squeeze %dma_wait3A_108 : memref<1x80x128xf32, #tpu.memory_space<hbm>> -> memref<80x128xf32, #tpu.memory_space<hbm>>
      %dma_wait3A_110 = arith.constant 0 : i32
      %dma_wait3A_111 = arith.constant 0 : i32
      %dma_wait3A_112 = tpu.memref_slice %arg4[%add3A, %dma_wait3A_110, %dma_wait3A_111] : memref<32x80x128xf32, #tpu.memory_space<hbm>> -> memref<1x80x128xf32, #tpu.memory_space<hbm>>
      %dma_wait3A_113 = tpu.memref_squeeze %dma_wait3A_112 : memref<1x80x128xf32, #tpu.memory_space<hbm>> -> memref<80x128xf32, #tpu.memory_space<hbm>>
      tpu.wait_dma2 semaphore(%run_scoped3A : memref<!tpu.dma_semaphore, #tpu.memory_space<semaphore_mem>>) src(%dma_wait3A_113 : memref<80x128xf32, #tpu.memory_space<hbm>>) dst(%arg17 : memref<80x128xf32, #tpu.memory_space<vmem>>)
      tpu.yield
    }) : () -> ()
    "tpu.region"() ({
      %run_scoped3A = tpu.sem_alloc : memref<!tpu.dma_semaphore, #tpu.memory_space<semaphore_mem>>
      %dma_start3A_99 = arith.constant 0 : i32
      %dma_start3A_100 = arith.constant 0 : i32
      %dma_start3A_101 = tpu.memref_slice %arg5[%add3A, %dma_start3A_99, %dma_start3A_100] : memref<32x80x128xf32, #tpu.memory_space<hbm>> -> memref<1x80x128xf32, #tpu.memory_space<hbm>>
      %dma_start3A_102 = tpu.memref_squeeze %dma_start3A_101 : memref<1x80x128xf32, #tpu.memory_space<hbm>> -> memref<80x128xf32, #tpu.memory_space<hbm>>
      %dma_start3A_103 = arith.constant 0 : i32
      %dma_start3A_104 = arith.constant 0 : i32
      %dma_start3A_105 = tpu.memref_slice %arg5[%add3A, %dma_start3A_103, %dma_start3A_104] : memref<32x80x128xf32, #tpu.memory_space<hbm>> -> memref<1x80x128xf32, #tpu.memory_space<hbm>>
      %dma_start3A_106 = tpu.memref_squeeze %dma_start3A_105 : memref<1x80x128xf32, #tpu.memory_space<hbm>> -> memref<80x128xf32, #tpu.memory_space<hbm>>
      tpu.enqueue_dma source(%dma_start3A_106 : memref<80x128xf32, #tpu.memory_space<hbm>>) target(%arg18 : memref<80x128xf32, #tpu.memory_space<vmem>>) target_semaphore(%run_scoped3A : memref<!tpu.dma_semaphore, #tpu.memory_space<semaphore_mem>>)
      %dma_wait3A = arith.constant 0 : i32
      %dma_wait3A_107 = arith.constant 0 : i32
      %dma_wait3A_108 = tpu.memref_slice %arg5[%add3A, %dma_wait3A, %dma_wait3A_107] : memref<32x80x128xf32, #tpu.memory_space<hbm>> -> memref<1x80x128xf32, #tpu.memory_space<hbm>>
      %dma_wait3A_109 = tpu.memref_squeeze %dma_wait3A_108 : memref<1x80x128xf32, #tpu.memory_space<hbm>> -> memref<80x128xf32, #tpu.memory_space<hbm>>
      %dma_wait3A_110 = arith.constant 0 : i32
      %dma_wait3A_111 = arith.constant 0 : i32
      %dma_wait3A_112 = tpu.memref_slice %arg5[%add3A, %dma_wait3A_110, %dma_wait3A_111] : memref<32x80x128xf32, #tpu.memory_space<hbm>> -> memref<1x80x128xf32, #tpu.memory_space<hbm>>
      %dma_wait3A_113 = tpu.memref_squeeze %dma_wait3A_112 : memref<1x80x128xf32, #tpu.memory_space<hbm>> -> memref<80x128xf32, #tpu.memory_space<hbm>>
      tpu.wait_dma2 semaphore(%run_scoped3A : memref<!tpu.dma_semaphore, #tpu.memory_space<semaphore_mem>>) src(%dma_wait3A_113 : memref<80x128xf32, #tpu.memory_space<hbm>>) dst(%arg18 : memref<80x128xf32, #tpu.memory_space<vmem>>)
      tpu.yield
    }) : () -> ()
    "tpu.region"() ({
      %run_scoped3A = tpu.sem_alloc : memref<!tpu.dma_semaphore, #tpu.memory_space<semaphore_mem>>
      tpu.enqueue_dma source(%arg6 : memref<10000xf32, #tpu.memory_space<hbm>>) target(%arg19 : memref<10000xf32, #tpu.memory_space<vmem>>) target_semaphore(%run_scoped3A : memref<!tpu.dma_semaphore, #tpu.memory_space<semaphore_mem>>)
      tpu.wait_dma2 semaphore(%run_scoped3A : memref<!tpu.dma_semaphore, #tpu.memory_space<semaphore_mem>>) src(%arg6 : memref<10000xf32, #tpu.memory_space<hbm>>) dst(%arg19 : memref<10000xf32, #tpu.memory_space<vmem>>)
      tpu.yield
    }) : () -> ()
    "tpu.region"() ({
      %run_scoped3A = tpu.sem_alloc : memref<!tpu.dma_semaphore, #tpu.memory_space<semaphore_mem>>
      tpu.enqueue_dma source(%arg7 : memref<10000xf32, #tpu.memory_space<hbm>>) target(%arg20 : memref<10000xf32, #tpu.memory_space<vmem>>) target_semaphore(%run_scoped3A : memref<!tpu.dma_semaphore, #tpu.memory_space<semaphore_mem>>)
      tpu.wait_dma2 semaphore(%run_scoped3A : memref<!tpu.dma_semaphore, #tpu.memory_space<semaphore_mem>>) src(%arg7 : memref<10000xf32, #tpu.memory_space<hbm>>) dst(%arg20 : memref<10000xf32, #tpu.memory_space<vmem>>)
      tpu.yield
    }) : () -> ()
    "tpu.region"() ({
      %run_scoped3A = tpu.sem_alloc : memref<!tpu.dma_semaphore, #tpu.memory_space<semaphore_mem>>
      tpu.enqueue_dma source(%arg8 : memref<10000xf32, #tpu.memory_space<hbm>>) target(%arg21 : memref<10000xf32, #tpu.memory_space<vmem>>) target_semaphore(%run_scoped3A : memref<!tpu.dma_semaphore, #tpu.memory_space<semaphore_mem>>)
      tpu.wait_dma2 semaphore(%run_scoped3A : memref<!tpu.dma_semaphore, #tpu.memory_space<semaphore_mem>>) src(%arg8 : memref<10000xf32, #tpu.memory_space<hbm>>) dst(%arg21 : memref<10000xf32, #tpu.memory_space<vmem>>)
      tpu.yield
    }) : () -> ()
    "tpu.region"() ({
      %run_scoped3A = tpu.sem_alloc : memref<!tpu.dma_semaphore, #tpu.memory_space<semaphore_mem>>
      tpu.enqueue_dma source(%arg9 : memref<10000xf32, #tpu.memory_space<hbm>>) target(%arg22 : memref<10000xf32, #tpu.memory_space<vmem>>) target_semaphore(%run_scoped3A : memref<!tpu.dma_semaphore, #tpu.memory_space<semaphore_mem>>)
      tpu.wait_dma2 semaphore(%run_scoped3A : memref<!tpu.dma_semaphore, #tpu.memory_space<semaphore_mem>>) src(%arg9 : memref<10000xf32, #tpu.memory_space<hbm>>) dst(%arg22 : memref<10000xf32, #tpu.memory_space<vmem>>)
      tpu.yield
    }) : () -> ()
    %barrier3A = arith.constant 0 : index
    tpu.barrier barrier_id(%barrier3A)
    %sub3A = arith.constant 0 : i32
    %sub3A_7 = arith.subi %select_n3A, %sub3A : i32
    %sub3A_8 = arith.constant 1 : i32
    %sub3A_9 = arith.constant 1 : i32
    %sub3A_10 = arith.subi %sub3A_8, %sub3A_9 : i32
    %add3A_11 = arith.addi %sub3A_7, %sub3A_10 : i32
    %div3A = arith.constant 1 : i32
    %div3A_12 = arith.divsi %add3A_11, %div3A : i32
    %while3A = arith.constant 1 : i32
    %while3A_13 = arith.constant 0 : i32
    %while3A_14 = arith.constant 0 : i32
    %while3A_15 = arith.subi %div3A_12, %while3A_14 : i32
    %while3A_16 = arith.addi %while3A_14, %while3A_15 : i32
    %while3A_17 = arith.constant 1 : i32
    %while3A_18 = arith.divsi %while3A_15, %while3A_17 : i32
    %while3A_19 = arith.muli %while3A_18, %while3A_17 : i32
    %while3A_20 = arith.addi %while3A_14, %while3A_19 : i32
    %while3A_21 = arith.constant 1 : i32
    scf.for %while3A_99 = %while3A_14 to %while3A_20 step %while3A_21  : i32 {
      %mul3A_100 = arith.muli %while3A_99, %while3A : i32
      %add3A_101 = arith.addi %while3A_13, %mul3A_100 : i32
      %get3A = arith.index_cast %add3A_101 : i32 to index
      %get3A_102 = arith.constant 0 : index
      %get3A_103 = tpu.vector_load %arg15[%get3A, %get3A_102] {strides = array<i32>} : memref<80x128xi32, #tpu.memory_space<vmem>>, vector<16xi32>,
      %get3A_104 = arith.index_cast %add3A_101 : i32 to index
      %get3A_105 = arith.constant 0 : index
      %get3A_106 = tpu.vector_load %arg16[%get3A_104, %get3A_105] {strides = array<i32>} : memref<80x128xi32, #tpu.memory_space<vmem>>, vector<16xi32>,
      %gather3A = tpu.vector_load_idx %arg19[%get3A_103] : memref<10000xf32, #tpu.memory_space<vmem>>[vector<16xi32>], vector<16xf32>,
      %gather3A_107 = tpu.vector_load_idx %arg21[%get3A_106] : memref<10000xf32, #tpu.memory_space<vmem>>[vector<16xi32>], vector<16xf32>,
      %mul3A_108 = arith.mulf %gather3A, %gather3A_107 : vector<16xf32>
      %get3A_109 = arith.index_cast %add3A_101 : i32 to index
      %get3A_110 = arith.constant 0 : index
      %get3A_111 = tpu.vector_load %arg17[%get3A_109, %get3A_110] {strides = array<i32>} : memref<80x128xf32, #tpu.memory_space<vmem>>, vector<16xf32>,
      %mul3A_112 = arith.mulf %mul3A_108, %get3A_111 : vector<16xf32>
      %gather3A_113 = tpu.vector_load_idx %arg20[%get3A_103] : memref<10000xf32, #tpu.memory_space<vmem>>[vector<16xi32>], vector<16xf32>,
      %gather3A_114 = tpu.vector_load_idx %arg22[%get3A_106] : memref<10000xf32, #tpu.memory_space<vmem>>[vector<16xi32>], vector<16xf32>,
      %mul3A_115 = arith.mulf %gather3A_113, %gather3A_114 : vector<16xf32>
      %get3A_116 = arith.index_cast %add3A_101 : i32 to index
      %get3A_117 = arith.constant 0 : index
      %get3A_118 = tpu.vector_load %arg18[%get3A_116, %get3A_117] {strides = array<i32>} : memref<80x128xf32, #tpu.memory_space<vmem>>, vector<16xf32>,
      %mul3A_119 = arith.mulf %mul3A_115, %get3A_118 : vector<16xf32>
      %max3A = arith.maximumf %mul3A_112, %mul3A_119 : vector<16xf32>
      %swap3A = arith.index_cast %add3A_101 : i32 to index
      %swap3A_120 = arith.constant 0 : index
      %swap3A_121 = tpu.vector_load %arg17[%swap3A, %swap3A_120] {strides = array<i32>} : memref<80x128xf32, #tpu.memory_space<vmem>>, vector<16xf32>,
      tpu.vector_store %arg17[%swap3A, %swap3A_120], %max3A {strides = array<i32>} : memref<80x128xf32, #tpu.memory_space<vmem>>, vector<16xf32>,
      %get3A_122 = arith.index_cast %add3A_101 : i32 to index
      %get3A_123 = arith.constant 16 : index
      %get3A_124 = tpu.vector_load %arg15[%get3A_122, %get3A_123] {strides = array<i32>} : memref<80x128xi32, #tpu.memory_space<vmem>>, vector<16xi32>,
      %get3A_125 = arith.index_cast %add3A_101 : i32 to index
      %get3A_126 = arith.constant 16 : index
      %get3A_127 = tpu.vector_load %arg16[%get3A_125, %get3A_126] {strides = array<i32>} : memref<80x128xi32, #tpu.memory_space<vmem>>, vector<16xi32>,
      %gather3A_128 = tpu.vector_load_idx %arg19[%get3A_124] : memref<10000xf32, #tpu.memory_space<vmem>>[vector<16xi32>], vector<16xf32>,
      %gather3A_129 = tpu.vector_load_idx %arg21[%get3A_127] : memref<10000xf32, #tpu.memory_space<vmem>>[vector<16xi32>], vector<16xf32>,
      %mul3A_130 = arith.mulf %gather3A_128, %gather3A_129 : vector<16xf32>
      %get3A_131 = arith.index_cast %add3A_101 : i32 to index
      %get3A_132 = arith.constant 16 : index
      %get3A_133 = tpu.vector_load %arg17[%get3A_131, %get3A_132] {strides = array<i32>} : memref<80x128xf32, #tpu.memory_space<vmem>>, vector<16xf32>,
      %mul3A_134 = arith.mulf %mul3A_130, %get3A_133 : vector<16xf32>
      %gather3A_135 = tpu.vector_load_idx %arg20[%get3A_124] : memref<10000xf32, #tpu.memory_space<vmem>>[vector<16xi32>], vector<16xf32>,
      %gather3A_136 = tpu.vector_load_idx %arg22[%get3A_127] : memref<10000xf32, #tpu.memory_space<vmem>>[vector<16xi32>], vector<16xf32>,
      %mul3A_137 = arith.mulf %gather3A_135, %gather3A_136 : vector<16xf32>
      %get3A_138 = arith.index_cast %add3A_101 : i32 to index
      %get3A_139 = arith.constant 16 : index
      %get3A_140 = tpu.vector_load %arg18[%get3A_138, %get3A_139] {strides = array<i32>} : memref<80x128xf32, #tpu.memory_space<vmem>>, vector<16xf32>,
      %mul3A_141 = arith.mulf %mul3A_137, %get3A_140 : vector<16xf32>
      %max3A_142 = arith.maximumf %mul3A_134, %mul3A_141 : vector<16xf32>
      %swap3A_143 = arith.index_cast %add3A_101 : i32 to index
      %swap3A_144 = arith.constant 16 : index
      %swap3A_145 = tpu.vector_load %arg17[%swap3A_143, %swap3A_144] {strides = array<i32>} : memref<80x128xf32, #tpu.memory_space<vmem>>, vector<16xf32>,
      tpu.vector_store %arg17[%swap3A_143, %swap3A_144], %max3A_142 {strides = array<i32>} : memref<80x128xf32, #tpu.memory_space<vmem>>, vector<16xf32>,
      %get3A_146 = arith.index_cast %add3A_101 : i32 to index
      %get3A_147 = arith.constant 32 : index
      %get3A_148 = tpu.vector_load %arg15[%get3A_146, %get3A_147] {strides = array<i32>} : memref<80x128xi32, #tpu.memory_space<vmem>>, vector<16xi32>,
      %get3A_149 = arith.index_cast %add3A_101 : i32 to index
      %get3A_150 = arith.constant 32 : index
      %get3A_151 = tpu.vector_load %arg16[%get3A_149, %get3A_150] {strides = array<i32>} : memref<80x128xi32, #tpu.memory_space<vmem>>, vector<16xi32>,
      %gather3A_152 = tpu.vector_load_idx %arg19[%get3A_148] : memref<10000xf32, #tpu.memory_space<vmem>>[vector<16xi32>], vector<16xf32>,
      %gather3A_153 = tpu.vector_load_idx %arg21[%get3A_151] : memref<10000xf32, #tpu.memory_space<vmem>>[vector<16xi32>], vector<16xf32>,
      %mul3A_154 = arith.mulf %gather3A_152, %gather3A_153 : vector<16xf32>
      %get3A_155 = arith.index_cast %add3A_101 : i32 to index
      %get3A_156 = arith.constant 32 : index
      %get3A_157 = tpu.vector_load %arg17[%get3A_155, %get3A_156] {strides = array<i32>} : memref<80x128xf32, #tpu.memory_space<vmem>>, vector<16xf32>,
      %mul3A_158 = arith.mulf %mul3A_154, %get3A_157 : vector<16xf32>
      %gather3A_159 = tpu.vector_load_idx %arg20[%get3A_148] : memref<10000xf32, #tpu.memory_space<vmem>>[vector<16xi32>], vector<16xf32>,
      %gather3A_160 = tpu.vector_load_idx %arg22[%get3A_151] : memref<10000xf32, #tpu.memory_space<vmem>>[vector<16xi32>], vector<16xf32>,
      %mul3A_161 = arith.mulf %gather3A_159, %gather3A_160 : vector<16xf32>
      %get3A_162 = arith.index_cast %add3A_101 : i32 to index
      %get3A_163 = arith.constant 32 : index
      %get3A_164 = tpu.vector_load %arg18[%get3A_162, %get3A_163] {strides = array<i32>} : memref<80x128xf32, #tpu.memory_space<vmem>>, vector<16xf32>,
      %mul3A_165 = arith.mulf %mul3A_161, %get3A_164 : vector<16xf32>
      %max3A_166 = arith.maximumf %mul3A_158, %mul3A_165 : vector<16xf32>
      %swap3A_167 = arith.index_cast %add3A_101 : i32 to index
      %swap3A_168 = arith.constant 32 : index
      %swap3A_169 = tpu.vector_load %arg17[%swap3A_167, %swap3A_168] {strides = array<i32>} : memref<80x128xf32, #tpu.memory_space<vmem>>, vector<16xf32>,
      tpu.vector_store %arg17[%swap3A_167, %swap3A_168], %max3A_166 {strides = array<i32>} : memref<80x128xf32, #tpu.memory_space<vmem>>, vector<16xf32>,
      %get3A_170 = arith.index_cast %add3A_101 : i32 to index
      %get3A_171 = arith.constant 48 : index
      %get3A_172 = tpu.vector_load %arg15[%get3A_170, %get3A_171] {strides = array<i32>} : memref<80x128xi32, #tpu.memory_space<vmem>>, vector<16xi32>,
      %get3A_173 = arith.index_cast %add3A_101 : i32 to index
      %get3A_174 = arith.constant 48 : index
      %get3A_175 = tpu.vector_load %arg16[%get3A_173, %get3A_174] {strides = array<i32>} : memref<80x128xi32, #tpu.memory_space<vmem>>, vector<16xi32>,
      %gather3A_176 = tpu.vector_load_idx %arg19[%get3A_172] : memref<10000xf32, #tpu.memory_space<vmem>>[vector<16xi32>], vector<16xf32>,
      %gather3A_177 = tpu.vector_load_idx %arg21[%get3A_175] : memref<10000xf32, #tpu.memory_space<vmem>>[vector<16xi32>], vector<16xf32>,
      %mul3A_178 = arith.mulf %gather3A_176, %gather3A_177 : vector<16xf32>
      %get3A_179 = arith.index_cast %add3A_101 : i32 to index
      %get3A_180 = arith.constant 48 : index
      %get3A_181 = tpu.vector_load %arg17[%get3A_179, %get3A_180] {strides = array<i32>} : memref<80x128xf32, #tpu.memory_space<vmem>>, vector<16xf32>,
      %mul3A_182 = arith.mulf %mul3A_178, %get3A_181 : vector<16xf32>
      %gather3A_183 = tpu.vector_load_idx %arg20[%get3A_172] : memref<10000xf32, #tpu.memory_space<vmem>>[vector<16xi32>], vector<16xf32>,
      %gather3A_184 = tpu.vector_load_idx %arg22[%get3A_175] : memref<10000xf32, #tpu.memory_space<vmem>>[vector<16xi32>], vector<16xf32>,
      %mul3A_185 = arith.mulf %gather3A_183, %gather3A_184 : vector<16xf32>
      %get3A_186 = arith.index_cast %add3A_101 : i32 to index
      %get3A_187 = arith.constant 48 : index
      %get3A_188 = tpu.vector_load %arg18[%get3A_186, %get3A_187] {strides = array<i32>} : memref<80x128xf32, #tpu.memory_space<vmem>>, vector<16xf32>,
      %mul3A_189 = arith.mulf %mul3A_185, %get3A_188 : vector<16xf32>
      %max3A_190 = arith.maximumf %mul3A_182, %mul3A_189 : vector<16xf32>
      %swap3A_191 = arith.index_cast %add3A_101 : i32 to index
      %swap3A_192 = arith.constant 48 : index
      %swap3A_193 = tpu.vector_load %arg17[%swap3A_191, %swap3A_192] {strides = array<i32>} : memref<80x128xf32, #tpu.memory_space<vmem>>, vector<16xf32>,
      tpu.vector_store %arg17[%swap3A_191, %swap3A_192], %max3A_190 {strides = array<i32>} : memref<80x128xf32, #tpu.memory_space<vmem>>, vector<16xf32>,
      %get3A_194 = arith.index_cast %add3A_101 : i32 to index
      %get3A_195 = arith.constant 64 : index
      %get3A_196 = tpu.vector_load %arg15[%get3A_194, %get3A_195] {strides = array<i32>} : memref<80x128xi32, #tpu.memory_space<vmem>>, vector<16xi32>,
      %get3A_197 = arith.index_cast %add3A_101 : i32 to index
      %get3A_198 = arith.constant 64 : index
      %get3A_199 = tpu.vector_load %arg16[%get3A_197, %get3A_198] {strides = array<i32>} : memref<80x128xi32, #tpu.memory_space<vmem>>, vector<16xi32>,
      %gather3A_200 = tpu.vector_load_idx %arg19[%get3A_196] : memref<10000xf32, #tpu.memory_space<vmem>>[vector<16xi32>], vector<16xf32>,
      %gather3A_201 = tpu.vector_load_idx %arg21[%get3A_199] : memref<10000xf32, #tpu.memory_space<vmem>>[vector<16xi32>], vector<16xf32>,
      %mul3A_202 = arith.mulf %gather3A_200, %gather3A_201 : vector<16xf32>
      %get3A_203 = arith.index_cast %add3A_101 : i32 to index
      %get3A_204 = arith.constant 64 : index
      %get3A_205 = tpu.vector_load %arg17[%get3A_203, %get3A_204] {strides = array<i32>} : memref<80x128xf32, #tpu.memory_space<vmem>>, vector<16xf32>,
      %mul3A_206 = arith.mulf %mul3A_202, %get3A_205 : vector<16xf32>
      %gather3A_207 = tpu.vector_load_idx %arg20[%get3A_196] : memref<10000xf32, #tpu.memory_space<vmem>>[vector<16xi32>], vector<16xf32>,
      %gather3A_208 = tpu.vector_load_idx %arg22[%get3A_199] : memref<10000xf32, #tpu.memory_space<vmem>>[vector<16xi32>], vector<16xf32>,
      %mul3A_209 = arith.mulf %gather3A_207, %gather3A_208 : vector<16xf32>
      %get3A_210 = arith.index_cast %add3A_101 : i32 to index
      %get3A_211 = arith.constant 64 : index
      %get3A_212 = tpu.vector_load %arg18[%get3A_210, %get3A_211] {strides = array<i32>} : memref<80x128xf32, #tpu.memory_space<vmem>>, vector<16xf32>,
      %mul3A_213 = arith.mulf %mul3A_209, %get3A_212 : vector<16xf32>
      %max3A_214 = arith.maximumf %mul3A_206, %mul3A_213 : vector<16xf32>
      %swap3A_215 = arith.index_cast %add3A_101 : i32 to index
      %swap3A_216 = arith.constant 64 : index
      %swap3A_217 = tpu.vector_load %arg17[%swap3A_215, %swap3A_216] {strides = array<i32>} : memref<80x128xf32, #tpu.memory_space<vmem>>, vector<16xf32>,
      tpu.vector_store %arg17[%swap3A_215, %swap3A_216], %max3A_214 {strides = array<i32>} : memref<80x128xf32, #tpu.memory_space<vmem>>, vector<16xf32>,
      %get3A_218 = arith.index_cast %add3A_101 : i32 to index
      %get3A_219 = arith.constant 80 : index
      %get3A_220 = tpu.vector_load %arg15[%get3A_218, %get3A_219] {strides = array<i32>} : memref<80x128xi32, #tpu.memory_space<vmem>>, vector<16xi32>,
      %get3A_221 = arith.index_cast %add3A_101 : i32 to index
      %get3A_222 = arith.constant 80 : index
      %get3A_223 = tpu.vector_load %arg16[%get3A_221, %get3A_222] {strides = array<i32>} : memref<80x128xi32, #tpu.memory_space<vmem>>, vector<16xi32>,
      %gather3A_224 = tpu.vector_load_idx %arg19[%get3A_220] : memref<10000xf32, #tpu.memory_space<vmem>>[vector<16xi32>], vector<16xf32>,
      %gather3A_225 = tpu.vector_load_idx %arg21[%get3A_223] : memref<10000xf32, #tpu.memory_space<vmem>>[vector<16xi32>], vector<16xf32>,
      %mul3A_226 = arith.mulf %gather3A_224, %gather3A_225 : vector<16xf32>
      %get3A_227 = arith.index_cast %add3A_101 : i32 to index
      %get3A_228 = arith.constant 80 : index
      %get3A_229 = tpu.vector_load %arg17[%get3A_227, %get3A_228] {strides = array<i32>} : memref<80x128xf32, #tpu.memory_space<vmem>>, vector<16xf32>,
      %mul3A_230 = arith.mulf %mul3A_226, %get3A_229 : vector<16xf32>
      %gather3A_231 = tpu.vector_load_idx %arg20[%get3A_220] : memref<10000xf32, #tpu.memory_space<vmem>>[vector<16xi32>], vector<16xf32>,
      %gather3A_232 = tpu.vector_load_idx %arg22[%get3A_223] : memref<10000xf32, #tpu.memory_space<vmem>>[vector<16xi32>], vector<16xf32>,
      %mul3A_233 = arith.mulf %gather3A_231, %gather3A_232 : vector<16xf32>
      %get3A_234 = arith.index_cast %add3A_101 : i32 to index
      %get3A_235 = arith.constant 80 : index
      %get3A_236 = tpu.vector_load %arg18[%get3A_234, %get3A_235] {strides = array<i32>} : memref<80x128xf32, #tpu.memory_space<vmem>>, vector<16xf32>,
      %mul3A_237 = arith.mulf %mul3A_233, %get3A_236 : vector<16xf32>
      %max3A_238 = arith.maximumf %mul3A_230, %mul3A_237 : vector<16xf32>
      %swap3A_239 = arith.index_cast %add3A_101 : i32 to index
      %swap3A_240 = arith.constant 80 : index
      %swap3A_241 = tpu.vector_load %arg17[%swap3A_239, %swap3A_240] {strides = array<i32>} : memref<80x128xf32, #tpu.memory_space<vmem>>, vector<16xf32>,
      tpu.vector_store %arg17[%swap3A_239, %swap3A_240], %max3A_238 {strides = array<i32>} : memref<80x128xf32, #tpu.memory_space<vmem>>, vector<16xf32>,
      %get3A_242 = arith.index_cast %add3A_101 : i32 to index
      %get3A_243 = arith.constant 96 : index
      %get3A_244 = tpu.vector_load %arg15[%get3A_242, %get3A_243] {strides = array<i32>} : memref<80x128xi32, #tpu.memory_space<vmem>>, vector<16xi32>,
      %get3A_245 = arith.index_cast %add3A_101 : i32 to index
      %get3A_246 = arith.constant 96 : index
      %get3A_247 = tpu.vector_load %arg16[%get3A_245, %get3A_246] {strides = array<i32>} : memref<80x128xi32, #tpu.memory_space<vmem>>, vector<16xi32>,
      %gather3A_248 = tpu.vector_load_idx %arg19[%get3A_244] : memref<10000xf32, #tpu.memory_space<vmem>>[vector<16xi32>], vector<16xf32>,
      %gather3A_249 = tpu.vector_load_idx %arg21[%get3A_247] : memref<10000xf32, #tpu.memory_space<vmem>>[vector<16xi32>], vector<16xf32>,
      %mul3A_250 = arith.mulf %gather3A_248, %gather3A_249 : vector<16xf32>
      %get3A_251 = arith.index_cast %add3A_101 : i32 to index
      %get3A_252 = arith.constant 96 : index
      %get3A_253 = tpu.vector_load %arg17[%get3A_251, %get3A_252] {strides = array<i32>} : memref<80x128xf32, #tpu.memory_space<vmem>>, vector<16xf32>,
      %mul3A_254 = arith.mulf %mul3A_250, %get3A_253 : vector<16xf32>
      %gather3A_255 = tpu.vector_load_idx %arg20[%get3A_244] : memref<10000xf32, #tpu.memory_space<vmem>>[vector<16xi32>], vector<16xf32>,
      %gather3A_256 = tpu.vector_load_idx %arg22[%get3A_247] : memref<10000xf32, #tpu.memory_space<vmem>>[vector<16xi32>], vector<16xf32>,
      %mul3A_257 = arith.mulf %gather3A_255, %gather3A_256 : vector<16xf32>
      %get3A_258 = arith.index_cast %add3A_101 : i32 to index
      %get3A_259 = arith.constant 96 : index
      %get3A_260 = tpu.vector_load %arg18[%get3A_258, %get3A_259] {strides = array<i32>} : memref<80x128xf32, #tpu.memory_space<vmem>>, vector<16xf32>,
      %mul3A_261 = arith.mulf %mul3A_257, %get3A_260 : vector<16xf32>
      %max3A_262 = arith.maximumf %mul3A_254, %mul3A_261 : vector<16xf32>
      %swap3A_263 = arith.index_cast %add3A_101 : i32 to index
      %swap3A_264 = arith.constant 96 : index
      %swap3A_265 = tpu.vector_load %arg17[%swap3A_263, %swap3A_264] {strides = array<i32>} : memref<80x128xf32, #tpu.memory_space<vmem>>, vector<16xf32>,
      tpu.vector_store %arg17[%swap3A_263, %swap3A_264], %max3A_262 {strides = array<i32>} : memref<80x128xf32, #tpu.memory_space<vmem>>, vector<16xf32>,
      %get3A_266 = arith.index_cast %add3A_101 : i32 to index
      %get3A_267 = arith.constant 112 : index
      %get3A_268 = tpu.vector_load %arg15[%get3A_266, %get3A_267] {strides = array<i32>} : memref<80x128xi32, #tpu.memory_space<vmem>>, vector<16xi32>,
      %get3A_269 = arith.index_cast %add3A_101 : i32 to index
      %get3A_270 = arith.constant 112 : index
      %get3A_271 = tpu.vector_load %arg16[%get3A_269, %get3A_270] {strides = array<i32>} : memref<80x128xi32, #tpu.memory_space<vmem>>, vector<16xi32>,
      %gather3A_272 = tpu.vector_load_idx %arg19[%get3A_268] : memref<10000xf32, #tpu.memory_space<vmem>>[vector<16xi32>], vector<16xf32>,
      %gather3A_273 = tpu.vector_load_idx %arg21[%get3A_271] : memref<10000xf32, #tpu.memory_space<vmem>>[vector<16xi32>], vector<16xf32>,
      %mul3A_274 = arith.mulf %gather3A_272, %gather3A_273 : vector<16xf32>
      %get3A_275 = arith.index_cast %add3A_101 : i32 to index
      %get3A_276 = arith.constant 112 : index
      %get3A_277 = tpu.vector_load %arg17[%get3A_275, %get3A_276] {strides = array<i32>} : memref<80x128xf32, #tpu.memory_space<vmem>>, vector<16xf32>,
      %mul3A_278 = arith.mulf %mul3A_274, %get3A_277 : vector<16xf32>
      %gather3A_279 = tpu.vector_load_idx %arg20[%get3A_268] : memref<10000xf32, #tpu.memory_space<vmem>>[vector<16xi32>], vector<16xf32>,
      %gather3A_280 = tpu.vector_load_idx %arg22[%get3A_271] : memref<10000xf32, #tpu.memory_space<vmem>>[vector<16xi32>], vector<16xf32>,
      %mul3A_281 = arith.mulf %gather3A_279, %gather3A_280 : vector<16xf32>
      %get3A_282 = arith.index_cast %add3A_101 : i32 to index
      %get3A_283 = arith.constant 112 : index
      %get3A_284 = tpu.vector_load %arg18[%get3A_282, %get3A_283] {strides = array<i32>} : memref<80x128xf32, #tpu.memory_space<vmem>>, vector<16xf32>,
      %mul3A_285 = arith.mulf %mul3A_281, %get3A_284 : vector<16xf32>
      %max3A_286 = arith.maximumf %mul3A_278, %mul3A_285 : vector<16xf32>
      %swap3A_287 = arith.index_cast %add3A_101 : i32 to index
      %swap3A_288 = arith.constant 112 : index
      %swap3A_289 = tpu.vector_load %arg17[%swap3A_287, %swap3A_288] {strides = array<i32>} : memref<80x128xf32, #tpu.memory_space<vmem>>, vector<16xf32>,
      tpu.vector_store %arg17[%swap3A_287, %swap3A_288], %max3A_286 {strides = array<i32>} : memref<80x128xf32, #tpu.memory_space<vmem>>, vector<16xf32>,
    }
    %while3A_22 = arith.constant 1 : i32
    scf.for %while3A_99 = %while3A_20 to %while3A_16 step %while3A_22  : i32 {
      %mul3A_100 = arith.muli %while3A_99, %while3A : i32
      %add3A_101 = arith.addi %while3A_13, %mul3A_100 : i32
      %get3A = arith.index_cast %add3A_101 : i32 to index
      %get3A_102 = arith.constant 0 : index
      %get3A_103 = tpu.vector_load %arg15[%get3A, %get3A_102] {strides = array<i32>} : memref<80x128xi32, #tpu.memory_space<vmem>>, vector<16xi32>,
      %get3A_104 = arith.index_cast %add3A_101 : i32 to index
      %get3A_105 = arith.constant 0 : index
      %get3A_106 = tpu.vector_load %arg16[%get3A_104, %get3A_105] {strides = array<i32>} : memref<80x128xi32, #tpu.memory_space<vmem>>, vector<16xi32>,
      %gather3A = tpu.vector_load_idx %arg19[%get3A_103] : memref<10000xf32, #tpu.memory_space<vmem>>[vector<16xi32>], vector<16xf32>,
      %gather3A_107 = tpu.vector_load_idx %arg21[%get3A_106] : memref<10000xf32, #tpu.memory_space<vmem>>[vector<16xi32>], vector<16xf32>,
      %mul3A_108 = arith.mulf %gather3A, %gather3A_107 : vector<16xf32>
      %get3A_109 = arith.index_cast %add3A_101 : i32 to index
      %get3A_110 = arith.constant 0 : index
      %get3A_111 = tpu.vector_load %arg17[%get3A_109, %get3A_110] {strides = array<i32>} : memref<80x128xf32, #tpu.memory_space<vmem>>, vector<16xf32>,
      %mul3A_112 = arith.mulf %mul3A_108, %get3A_111 : vector<16xf32>
      %gather3A_113 = tpu.vector_load_idx %arg20[%get3A_103] : memref<10000xf32, #tpu.memory_space<vmem>>[vector<16xi32>], vector<16xf32>,
      %gather3A_114 = tpu.vector_load_idx %arg22[%get3A_106] : memref<10000xf32, #tpu.memory_space<vmem>>[vector<16xi32>], vector<16xf32>,
      %mul3A_115 = arith.mulf %gather3A_113, %gather3A_114 : vector<16xf32>
      %get3A_116 = arith.index_cast %add3A_101 : i32 to index
      %get3A_117 = arith.constant 0 : index
      %get3A_118 = tpu.vector_load %arg18[%get3A_116, %get3A_117] {strides = array<i32>} : memref<80x128xf32, #tpu.memory_space<vmem>>, vector<16xf32>,
      %mul3A_119 = arith.mulf %mul3A_115, %get3A_118 : vector<16xf32>
      %max3A = arith.maximumf %mul3A_112, %mul3A_119 : vector<16xf32>
      %swap3A = arith.index_cast %add3A_101 : i32 to index
      %swap3A_120 = arith.constant 0 : index
      %swap3A_121 = tpu.vector_load %arg17[%swap3A, %swap3A_120] {strides = array<i32>} : memref<80x128xf32, #tpu.memory_space<vmem>>, vector<16xf32>,
      tpu.vector_store %arg17[%swap3A, %swap3A_120], %max3A {strides = array<i32>} : memref<80x128xf32, #tpu.memory_space<vmem>>, vector<16xf32>,
      %get3A_122 = arith.index_cast %add3A_101 : i32 to index
      %get3A_123 = arith.constant 16 : index
      %get3A_124 = tpu.vector_load %arg15[%get3A_122, %get3A_123] {strides = array<i32>} : memref<80x128xi32, #tpu.memory_space<vmem>>, vector<16xi32>,
      %get3A_125 = arith.index_cast %add3A_101 : i32 to index
      %get3A_126 = arith.constant 16 : index
      %get3A_127 = tpu.vector_load %arg16[%get3A_125, %get3A_126] {strides = array<i32>} : memref<80x128xi32, #tpu.memory_space<vmem>>, vector<16xi32>,
      %gather3A_128 = tpu.vector_load_idx %arg19[%get3A_124] : memref<10000xf32, #tpu.memory_space<vmem>>[vector<16xi32>], vector<16xf32>,
      %gather3A_129 = tpu.vector_load_idx %arg21[%get3A_127] : memref<10000xf32, #tpu.memory_space<vmem>>[vector<16xi32>], vector<16xf32>,
      %mul3A_130 = arith.mulf %gather3A_128, %gather3A_129 : vector<16xf32>
      %get3A_131 = arith.index_cast %add3A_101 : i32 to index
      %get3A_132 = arith.constant 16 : index
      %get3A_133 = tpu.vector_load %arg17[%get3A_131, %get3A_132] {strides = array<i32>} : memref<80x128xf32, #tpu.memory_space<vmem>>, vector<16xf32>,
      %mul3A_134 = arith.mulf %mul3A_130, %get3A_133 : vector<16xf32>
      %gather3A_135 = tpu.vector_load_idx %arg20[%get3A_124] : memref<10000xf32, #tpu.memory_space<vmem>>[vector<16xi32>], vector<16xf32>,
      %gather3A_136 = tpu.vector_load_idx %arg22[%get3A_127] : memref<10000xf32, #tpu.memory_space<vmem>>[vector<16xi32>], vector<16xf32>,
      %mul3A_137 = arith.mulf %gather3A_135, %gather3A_136 : vector<16xf32>
      %get3A_138 = arith.index_cast %add3A_101 : i32 to index
      %get3A_139 = arith.constant 16 : index
      %get3A_140 = tpu.vector_load %arg18[%get3A_138, %get3A_139] {strides = array<i32>} : memref<80x128xf32, #tpu.memory_space<vmem>>, vector<16xf32>,
      %mul3A_141 = arith.mulf %mul3A_137, %get3A_140 : vector<16xf32>
      %max3A_142 = arith.maximumf %mul3A_134, %mul3A_141 : vector<16xf32>
      %swap3A_143 = arith.index_cast %add3A_101 : i32 to index
      %swap3A_144 = arith.constant 16 : index
      %swap3A_145 = tpu.vector_load %arg17[%swap3A_143, %swap3A_144] {strides = array<i32>} : memref<80x128xf32, #tpu.memory_space<vmem>>, vector<16xf32>,
      tpu.vector_store %arg17[%swap3A_143, %swap3A_144], %max3A_142 {strides = array<i32>} : memref<80x128xf32, #tpu.memory_space<vmem>>, vector<16xf32>,
      %get3A_146 = arith.index_cast %add3A_101 : i32 to index
      %get3A_147 = arith.constant 32 : index
      %get3A_148 = tpu.vector_load %arg15[%get3A_146, %get3A_147] {strides = array<i32>} : memref<80x128xi32, #tpu.memory_space<vmem>>, vector<16xi32>,
      %get3A_149 = arith.index_cast %add3A_101 : i32 to index
      %get3A_150 = arith.constant 32 : index
      %get3A_151 = tpu.vector_load %arg16[%get3A_149, %get3A_150] {strides = array<i32>} : memref<80x128xi32, #tpu.memory_space<vmem>>, vector<16xi32>,
      %gather3A_152 = tpu.vector_load_idx %arg19[%get3A_148] : memref<10000xf32, #tpu.memory_space<vmem>>[vector<16xi32>], vector<16xf32>,
      %gather3A_153 = tpu.vector_load_idx %arg21[%get3A_151] : memref<10000xf32, #tpu.memory_space<vmem>>[vector<16xi32>], vector<16xf32>,
      %mul3A_154 = arith.mulf %gather3A_152, %gather3A_153 : vector<16xf32>
      %get3A_155 = arith.index_cast %add3A_101 : i32 to index
      %get3A_156 = arith.constant 32 : index
      %get3A_157 = tpu.vector_load %arg17[%get3A_155, %get3A_156] {strides = array<i32>} : memref<80x128xf32, #tpu.memory_space<vmem>>, vector<16xf32>,
      %mul3A_158 = arith.mulf %mul3A_154, %get3A_157 : vector<16xf32>
      %gather3A_159 = tpu.vector_load_idx %arg20[%get3A_148] : memref<10000xf32, #tpu.memory_space<vmem>>[vector<16xi32>], vector<16xf32>,
      %gather3A_160 = tpu.vector_load_idx %arg22[%get3A_151] : memref<10000xf32, #tpu.memory_space<vmem>>[vector<16xi32>], vector<16xf32>,
      %mul3A_161 = arith.mulf %gather3A_159, %gather3A_160 : vector<16xf32>
      %get3A_162 = arith.index_cast %add3A_101 : i32 to index
      %get3A_163 = arith.constant 32 : index
      %get3A_164 = tpu.vector_load %arg18[%get3A_162, %get3A_163] {strides = array<i32>} : memref<80x128xf32, #tpu.memory_space<vmem>>, vector<16xf32>,
      %mul3A_165 = arith.mulf %mul3A_161, %get3A_164 : vector<16xf32>
      %max3A_166 = arith.maximumf %mul3A_158, %mul3A_165 : vector<16xf32>
      %swap3A_167 = arith.index_cast %add3A_101 : i32 to index
      %swap3A_168 = arith.constant 32 : index
      %swap3A_169 = tpu.vector_load %arg17[%swap3A_167, %swap3A_168] {strides = array<i32>} : memref<80x128xf32, #tpu.memory_space<vmem>>, vector<16xf32>,
      tpu.vector_store %arg17[%swap3A_167, %swap3A_168], %max3A_166 {strides = array<i32>} : memref<80x128xf32, #tpu.memory_space<vmem>>, vector<16xf32>,
      %get3A_170 = arith.index_cast %add3A_101 : i32 to index
      %get3A_171 = arith.constant 48 : index
      %get3A_172 = tpu.vector_load %arg15[%get3A_170, %get3A_171] {strides = array<i32>} : memref<80x128xi32, #tpu.memory_space<vmem>>, vector<16xi32>,
      %get3A_173 = arith.index_cast %add3A_101 : i32 to index
      %get3A_174 = arith.constant 48 : index
      %get3A_175 = tpu.vector_load %arg16[%get3A_173, %get3A_174] {strides = array<i32>} : memref<80x128xi32, #tpu.memory_space<vmem>>, vector<16xi32>,
      %gather3A_176 = tpu.vector_load_idx %arg19[%get3A_172] : memref<10000xf32, #tpu.memory_space<vmem>>[vector<16xi32>], vector<16xf32>,
      %gather3A_177 = tpu.vector_load_idx %arg21[%get3A_175] : memref<10000xf32, #tpu.memory_space<vmem>>[vector<16xi32>], vector<16xf32>,
      %mul3A_178 = arith.mulf %gather3A_176, %gather3A_177 : vector<16xf32>
      %get3A_179 = arith.index_cast %add3A_101 : i32 to index
      %get3A_180 = arith.constant 48 : index
      %get3A_181 = tpu.vector_load %arg17[%get3A_179, %get3A_180] {strides = array<i32>} : memref<80x128xf32, #tpu.memory_space<vmem>>, vector<16xf32>,
      %mul3A_182 = arith.mulf %mul3A_178, %get3A_181 : vector<16xf32>
      %gather3A_183 = tpu.vector_load_idx %arg20[%get3A_172] : memref<10000xf32, #tpu.memory_space<vmem>>[vector<16xi32>], vector<16xf32>,
      %gather3A_184 = tpu.vector_load_idx %arg22[%get3A_175] : memref<10000xf32, #tpu.memory_space<vmem>>[vector<16xi32>], vector<16xf32>,
      %mul3A_185 = arith.mulf %gather3A_183, %gather3A_184 : vector<16xf32>
      %get3A_186 = arith.index_cast %add3A_101 : i32 to index
      %get3A_187 = arith.constant 48 : index
      %get3A_188 = tpu.vector_load %arg18[%get3A_186, %get3A_187] {strides = array<i32>} : memref<80x128xf32, #tpu.memory_space<vmem>>, vector<16xf32>,
      %mul3A_189 = arith.mulf %mul3A_185, %get3A_188 : vector<16xf32>
      %max3A_190 = arith.maximumf %mul3A_182, %mul3A_189 : vector<16xf32>
      %swap3A_191 = arith.index_cast %add3A_101 : i32 to index
      %swap3A_192 = arith.constant 48 : index
      %swap3A_193 = tpu.vector_load %arg17[%swap3A_191, %swap3A_192] {strides = array<i32>} : memref<80x128xf32, #tpu.memory_space<vmem>>, vector<16xf32>,
      tpu.vector_store %arg17[%swap3A_191, %swap3A_192], %max3A_190 {strides = array<i32>} : memref<80x128xf32, #tpu.memory_space<vmem>>, vector<16xf32>,
      %get3A_194 = arith.index_cast %add3A_101 : i32 to index
      %get3A_195 = arith.constant 64 : index
      %get3A_196 = tpu.vector_load %arg15[%get3A_194, %get3A_195] {strides = array<i32>} : memref<80x128xi32, #tpu.memory_space<vmem>>, vector<16xi32>,
      %get3A_197 = arith.index_cast %add3A_101 : i32 to index
      %get3A_198 = arith.constant 64 : index
      %get3A_199 = tpu.vector_load %arg16[%get3A_197, %get3A_198] {strides = array<i32>} : memref<80x128xi32, #tpu.memory_space<vmem>>, vector<16xi32>,
      %gather3A_200 = tpu.vector_load_idx %arg19[%get3A_196] : memref<10000xf32, #tpu.memory_space<vmem>>[vector<16xi32>], vector<16xf32>,
      %gather3A_201 = tpu.vector_load_idx %arg21[%get3A_199] : memref<10000xf32, #tpu.memory_space<vmem>>[vector<16xi32>], vector<16xf32>,
      %mul3A_202 = arith.mulf %gather3A_200, %gather3A_201 : vector<16xf32>
      %get3A_203 = arith.index_cast %add3A_101 : i32 to index
      %get3A_204 = arith.constant 64 : index
      %get3A_205 = tpu.vector_load %arg17[%get3A_203, %get3A_204] {strides = array<i32>} : memref<80x128xf32, #tpu.memory_space<vmem>>, vector<16xf32>,
      %mul3A_206 = arith.mulf %mul3A_202, %get3A_205 : vector<16xf32>
      %gather3A_207 = tpu.vector_load_idx %arg20[%get3A_196] : memref<10000xf32, #tpu.memory_space<vmem>>[vector<16xi32>], vector<16xf32>,
      %gather3A_208 = tpu.vector_load_idx %arg22[%get3A_199] : memref<10000xf32, #tpu.memory_space<vmem>>[vector<16xi32>], vector<16xf32>,
      %mul3A_209 = arith.mulf %gather3A_207, %gather3A_208 : vector<16xf32>
      %get3A_210 = arith.index_cast %add3A_101 : i32 to index
      %get3A_211 = arith.constant 64 : index
      %get3A_212 = tpu.vector_load %arg18[%get3A_210, %get3A_211] {strides = array<i32>} : memref<80x128xf32, #tpu.memory_space<vmem>>, vector<16xf32>,
      %mul3A_213 = arith.mulf %mul3A_209, %get3A_212 : vector<16xf32>
      %max3A_214 = arith.maximumf %mul3A_206, %mul3A_213 : vector<16xf32>
      %swap3A_215 = arith.index_cast %add3A_101 : i32 to index
      %swap3A_216 = arith.constant 64 : index
      %swap3A_217 = tpu.vector_load %arg17[%swap3A_215, %swap3A_216] {strides = array<i32>} : memref<80x128xf32, #tpu.memory_space<vmem>>, vector<16xf32>,
      tpu.vector_store %arg17[%swap3A_215, %swap3A_216], %max3A_214 {strides = array<i32>} : memref<80x128xf32, #tpu.memory_space<vmem>>, vector<16xf32>,
      %get3A_218 = arith.index_cast %add3A_101 : i32 to index
      %get3A_219 = arith.constant 80 : index
      %get3A_220 = tpu.vector_load %arg15[%get3A_218, %get3A_219] {strides = array<i32>} : memref<80x128xi32, #tpu.memory_space<vmem>>, vector<16xi32>,
      %get3A_221 = arith.index_cast %add3A_101 : i32 to index
      %get3A_222 = arith.constant 80 : index
      %get3A_223 = tpu.vector_load %arg16[%get3A_221, %get3A_222] {strides = array<i32>} : memref<80x128xi32, #tpu.memory_space<vmem>>, vector<16xi32>,
      %gather3A_224 = tpu.vector_load_idx %arg19[%get3A_220] : memref<10000xf32, #tpu.memory_space<vmem>>[vector<16xi32>], vector<16xf32>,
      %gather3A_225 = tpu.vector_load_idx %arg21[%get3A_223] : memref<10000xf32, #tpu.memory_space<vmem>>[vector<16xi32>], vector<16xf32>,
      %mul3A_226 = arith.mulf %gather3A_224, %gather3A_225 : vector<16xf32>
      %get3A_227 = arith.index_cast %add3A_101 : i32 to index
      %get3A_228 = arith.constant 80 : index
      %get3A_229 = tpu.vector_load %arg17[%get3A_227, %get3A_228] {strides = array<i32>} : memref<80x128xf32, #tpu.memory_space<vmem>>, vector<16xf32>,
      %mul3A_230 = arith.mulf %mul3A_226, %get3A_229 : vector<16xf32>
      %gather3A_231 = tpu.vector_load_idx %arg20[%get3A_220] : memref<10000xf32, #tpu.memory_space<vmem>>[vector<16xi32>], vector<16xf32>,
      %gather3A_232 = tpu.vector_load_idx %arg22[%get3A_223] : memref<10000xf32, #tpu.memory_space<vmem>>[vector<16xi32>], vector<16xf32>,
      %mul3A_233 = arith.mulf %gather3A_231, %gather3A_232 : vector<16xf32>
      %get3A_234 = arith.index_cast %add3A_101 : i32 to index
      %get3A_235 = arith.constant 80 : index
      %get3A_236 = tpu.vector_load %arg18[%get3A_234, %get3A_235] {strides = array<i32>} : memref<80x128xf32, #tpu.memory_space<vmem>>, vector<16xf32>,
      %mul3A_237 = arith.mulf %mul3A_233, %get3A_236 : vector<16xf32>
      %max3A_238 = arith.maximumf %mul3A_230, %mul3A_237 : vector<16xf32>
      %swap3A_239 = arith.index_cast %add3A_101 : i32 to index
      %swap3A_240 = arith.constant 80 : index
      %swap3A_241 = tpu.vector_load %arg17[%swap3A_239, %swap3A_240] {strides = array<i32>} : memref<80x128xf32, #tpu.memory_space<vmem>>, vector<16xf32>,
      tpu.vector_store %arg17[%swap3A_239, %swap3A_240], %max3A_238 {strides = array<i32>} : memref<80x128xf32, #tpu.memory_space<vmem>>, vector<16xf32>,
      %get3A_242 = arith.index_cast %add3A_101 : i32 to index
      %get3A_243 = arith.constant 96 : index
      %get3A_244 = tpu.vector_load %arg15[%get3A_242, %get3A_243] {strides = array<i32>} : memref<80x128xi32, #tpu.memory_space<vmem>>, vector<16xi32>,
      %get3A_245 = arith.index_cast %add3A_101 : i32 to index
      %get3A_246 = arith.constant 96 : index
      %get3A_247 = tpu.vector_load %arg16[%get3A_245, %get3A_246] {strides = array<i32>} : memref<80x128xi32, #tpu.memory_space<vmem>>, vector<16xi32>,
      %gather3A_248 = tpu.vector_load_idx %arg19[%get3A_244] : memref<10000xf32, #tpu.memory_space<vmem>>[vector<16xi32>], vector<16xf32>,
      %gather3A_249 = tpu.vector_load_idx %arg21[%get3A_247] : memref<10000xf32, #tpu.memory_space<vmem>>[vector<16xi32>], vector<16xf32>,
      %mul3A_250 = arith.mulf %gather3A_248, %gather3A_249 : vector<16xf32>
      %get3A_251 = arith.index_cast %add3A_101 : i32 to index
      %get3A_252 = arith.constant 96 : index
      %get3A_253 = tpu.vector_load %arg17[%get3A_251, %get3A_252] {strides = array<i32>} : memref<80x128xf32, #tpu.memory_space<vmem>>, vector<16xf32>,
      %mul3A_254 = arith.mulf %mul3A_250, %get3A_253 : vector<16xf32>
      %gather3A_255 = tpu.vector_load_idx %arg20[%get3A_244] : memref<10000xf32, #tpu.memory_space<vmem>>[vector<16xi32>], vector<16xf32>,
      %gather3A_256 = tpu.vector_load_idx %arg22[%get3A_247] : memref<10000xf32, #tpu.memory_space<vmem>>[vector<16xi32>], vector<16xf32>,
      %mul3A_257 = arith.mulf %gather3A_255, %gather3A_256 : vector<16xf32>
      %get3A_258 = arith.index_cast %add3A_101 : i32 to index
      %get3A_259 = arith.constant 96 : index
      %get3A_260 = tpu.vector_load %arg18[%get3A_258, %get3A_259] {strides = array<i32>} : memref<80x128xf32, #tpu.memory_space<vmem>>, vector<16xf32>,
      %mul3A_261 = arith.mulf %mul3A_257, %get3A_260 : vector<16xf32>
      %max3A_262 = arith.maximumf %mul3A_254, %mul3A_261 : vector<16xf32>
      %swap3A_263 = arith.index_cast %add3A_101 : i32 to index
      %swap3A_264 = arith.constant 96 : index
      %swap3A_265 = tpu.vector_load %arg17[%swap3A_263, %swap3A_264] {strides = array<i32>} : memref<80x128xf32, #tpu.memory_space<vmem>>, vector<16xf32>,
      tpu.vector_store %arg17[%swap3A_263, %swap3A_264], %max3A_262 {strides = array<i32>} : memref<80x128xf32, #tpu.memory_space<vmem>>, vector<16xf32>,
      %get3A_266 = arith.index_cast %add3A_101 : i32 to index
      %get3A_267 = arith.constant 112 : index
      %get3A_268 = tpu.vector_load %arg15[%get3A_266, %get3A_267] {strides = array<i32>} : memref<80x128xi32, #tpu.memory_space<vmem>>, vector<16xi32>,
      %get3A_269 = arith.index_cast %add3A_101 : i32 to index
      %get3A_270 = arith.constant 112 : index
      %get3A_271 = tpu.vector_load %arg16[%get3A_269, %get3A_270] {strides = array<i32>} : memref<80x128xi32, #tpu.memory_space<vmem>>, vector<16xi32>,
      %gather3A_272 = tpu.vector_load_idx %arg19[%get3A_268] : memref<10000xf32, #tpu.memory_space<vmem>>[vector<16xi32>], vector<16xf32>,
      %gather3A_273 = tpu.vector_load_idx %arg21[%get3A_271] : memref<10000xf32, #tpu.memory_space<vmem>>[vector<16xi32>], vector<16xf32>,
      %mul3A_274 = arith.mulf %gather3A_272, %gather3A_273 : vector<16xf32>
      %get3A_275 = arith.index_cast %add3A_101 : i32 to index
      %get3A_276 = arith.constant 112 : index
      %get3A_277 = tpu.vector_load %arg17[%get3A_275, %get3A_276] {strides = array<i32>} : memref<80x128xf32, #tpu.memory_space<vmem>>, vector<16xf32>,
      %mul3A_278 = arith.mulf %mul3A_274, %get3A_277 : vector<16xf32>
      %gather3A_279 = tpu.vector_load_idx %arg20[%get3A_268] : memref<10000xf32, #tpu.memory_space<vmem>>[vector<16xi32>], vector<16xf32>,
      %gather3A_280 = tpu.vector_load_idx %arg22[%get3A_271] : memref<10000xf32, #tpu.memory_space<vmem>>[vector<16xi32>], vector<16xf32>,
      %mul3A_281 = arith.mulf %gather3A_279, %gather3A_280 : vector<16xf32>
      %get3A_282 = arith.index_cast %add3A_101 : i32 to index
      %get3A_283 = arith.constant 112 : index
      %get3A_284 = tpu.vector_load %arg18[%get3A_282, %get3A_283] {strides = array<i32>} : memref<80x128xf32, #tpu.memory_space<vmem>>, vector<16xf32>,
      %mul3A_285 = arith.mulf %mul3A_281, %get3A_284 : vector<16xf32>
      %max3A_286 = arith.maximumf %mul3A_278, %mul3A_285 : vector<16xf32>
      %swap3A_287 = arith.index_cast %add3A_101 : i32 to index
      %swap3A_288 = arith.constant 112 : index
      %swap3A_289 = tpu.vector_load %arg17[%swap3A_287, %swap3A_288] {strides = array<i32>} : memref<80x128xf32, #tpu.memory_space<vmem>>, vector<16xf32>,
      tpu.vector_store %arg17[%swap3A_287, %swap3A_288], %max3A_286 {strides = array<i32>} : memref<80x128xf32, #tpu.memory_space<vmem>>, vector<16xf32>,
    }
    %sub3A_23 = arith.constant 0 : i32
    %sub3A_24 = arith.subi %select_n3A, %sub3A_23 : i32
    %sub3A_25 = arith.constant 1 : i32
    %sub3A_26 = arith.constant 1 : i32
    %sub3A_27 = arith.subi %sub3A_25, %sub3A_26 : i32
    %add3A_28 = arith.addi %sub3A_24, %sub3A_27 : i32
    %div3A_29 = arith.constant 1 : i32
    %div3A_30 = arith.divsi %add3A_28, %div3A_29 : i32
    %while3A_31 = arith.constant 1 : i32
    %while3A_32 = arith.constant 0 : i32
    %while3A_33 = arith.constant 0 : i32
    %while3A_34 = arith.subi %div3A_30, %while3A_33 : i32
    %while3A_35 = arith.addi %while3A_33, %while3A_34 : i32
    %while3A_36 = arith.constant 1 : i32
    %while3A_37 = arith.divsi %while3A_34, %while3A_36 : i32
    %while3A_38 = arith.muli %while3A_37, %while3A_36 : i32
    %while3A_39 = arith.addi %while3A_33, %while3A_38 : i32
    %while3A_40 = arith.constant 1 : i32
    scf.for %while3A_99 = %while3A_33 to %while3A_39 step %while3A_40  : i32 {
      %mul3A_100 = arith.muli %while3A_99, %while3A_31 : i32
      %add3A_101 = arith.addi %while3A_32, %mul3A_100 : i32
      "tpu.region"() ({
        %run_scoped3A = tpu.sem_alloc : memref<!tpu.dma_semaphore, #tpu.memory_space<semaphore_mem>>
        %dma_start3A_102 = arith.constant 0 : i32
        %dma_start3A_103 = tpu.memref_slice %arg17[%add3A_101, %dma_start3A_102] : memref<80x128xf32, #tpu.memory_space<vmem>> -> memref<1x128xf32, #tpu.memory_space<vmem>>
        %dma_start3A_104 = tpu.memref_squeeze %dma_start3A_103 : memref<1x128xf32, #tpu.memory_space<vmem>> -> memref<128xf32, #tpu.memory_space<vmem>>
        %dma_start3A_105 = arith.constant 0 : i32
        %dma_start3A_106 = tpu.memref_slice %arg16[%add3A_101, %dma_start3A_105] : memref<80x128xi32, #tpu.memory_space<vmem>> -> memref<1x128xi32, #tpu.memory_space<vmem>>
        %dma_start3A_107 = tpu.memref_squeeze %dma_start3A_106 : memref<1x128xi32, #tpu.memory_space<vmem>> -> memref<128xi32, #tpu.memory_space<vmem>>
        %dma_start3A_108 = arith.constant 0 : i32
        %dma_start3A_109 = tpu.memref_slice %arg26[%dma_start3A_108] : memref<10240xf32, #tpu.memory_space<vmem_shared>> -> memref<10240xf32, #tpu.memory_space<vmem_shared>>
        tpu.enqueue_indirect_dma source(%dma_start3A_104 : memref<128xf32, #tpu.memory_space<vmem>>) target(%dma_start3A_109 : memref<10240xf32, #tpu.memory_space<vmem_shared>>) offsets(%dma_start3A_107 : memref<128xi32, #tpu.memory_space<vmem>>) semaphore(%run_scoped3A : memref<!tpu.dma_semaphore, #tpu.memory_space<semaphore_mem>>) {add = true}
        %dma_wait3A = arith.constant 0 : i32
        %dma_wait3A_110 = tpu.memref_slice %arg17[%add3A_101, %dma_wait3A] : memref<80x128xf32, #tpu.memory_space<vmem>> -> memref<1x128xf32, #tpu.memory_space<vmem>>
        %dma_wait3A_111 = tpu.memref_squeeze %dma_wait3A_110 : memref<1x128xf32, #tpu.memory_space<vmem>> -> memref<128xf32, #tpu.memory_space<vmem>>
        %dma_wait3A_112 = arith.constant 0 : i32
        %dma_wait3A_113 = tpu.memref_slice %arg16[%add3A_101, %dma_wait3A_112] : memref<80x128xi32, #tpu.memory_space<vmem>> -> memref<1x128xi32, #tpu.memory_space<vmem>>
        %dma_wait3A_114 = tpu.memref_squeeze %dma_wait3A_113 : memref<1x128xi32, #tpu.memory_space<vmem>> -> memref<128xi32, #tpu.memory_space<vmem>>
        %dma_wait3A_115 = arith.constant 0 : i32
        %dma_wait3A_116 = tpu.memref_slice %arg26[%dma_wait3A_115] : memref<10240xf32, #tpu.memory_space<vmem_shared>> -> memref<10240xf32, #tpu.memory_space<vmem_shared>>
        tpu.wait_indirect_dma semaphore(%run_scoped3A : memref<!tpu.dma_semaphore, #tpu.memory_space<semaphore_mem>>) src(%dma_wait3A_111 : memref<128xf32, #tpu.memory_space<vmem>>) dst(%dma_wait3A_116 : memref<10240xf32, #tpu.memory_space<vmem_shared>>)
        tpu.yield
      }) : () -> ()
    }
    %while3A_41 = arith.constant 1 : i32
    scf.for %while3A_99 = %while3A_39 to %while3A_35 step %while3A_41  : i32 {
      %mul3A_100 = arith.muli %while3A_99, %while3A_31 : i32
      %add3A_101 = arith.addi %while3A_32, %mul3A_100 : i32
      "tpu.region"() ({
        %run_scoped3A = tpu.sem_alloc : memref<!tpu.dma_semaphore, #tpu.memory_space<semaphore_mem>>
        %dma_start3A_102 = arith.constant 0 : i32
        %dma_start3A_103 = tpu.memref_slice %arg17[%add3A_101, %dma_start3A_102] : memref<80x128xf32, #tpu.memory_space<vmem>> -> memref<1x128xf32, #tpu.memory_space<vmem>>
        %dma_start3A_104 = tpu.memref_squeeze %dma_start3A_103 : memref<1x128xf32, #tpu.memory_space<vmem>> -> memref<128xf32, #tpu.memory_space<vmem>>
        %dma_start3A_105 = arith.constant 0 : i32
        %dma_start3A_106 = tpu.memref_slice %arg16[%add3A_101, %dma_start3A_105] : memref<80x128xi32, #tpu.memory_space<vmem>> -> memref<1x128xi32, #tpu.memory_space<vmem>>
        %dma_start3A_107 = tpu.memref_squeeze %dma_start3A_106 : memref<1x128xi32, #tpu.memory_space<vmem>> -> memref<128xi32, #tpu.memory_space<vmem>>
        %dma_start3A_108 = arith.constant 0 : i32
        %dma_start3A_109 = tpu.memref_slice %arg26[%dma_start3A_108] : memref<10240xf32, #tpu.memory_space<vmem_shared>> -> memref<10240xf32, #tpu.memory_space<vmem_shared>>
        tpu.enqueue_indirect_dma source(%dma_start3A_104 : memref<128xf32, #tpu.memory_space<vmem>>) target(%dma_start3A_109 : memref<10240xf32, #tpu.memory_space<vmem_shared>>) offsets(%dma_start3A_107 : memref<128xi32, #tpu.memory_space<vmem>>) semaphore(%run_scoped3A : memref<!tpu.dma_semaphore, #tpu.memory_space<semaphore_mem>>) {add = true}
        %dma_wait3A = arith.constant 0 : i32
        %dma_wait3A_110 = tpu.memref_slice %arg17[%add3A_101, %dma_wait3A] : memref<80x128xf32, #tpu.memory_space<vmem>> -> memref<1x128xf32, #tpu.memory_space<vmem>>
        %dma_wait3A_111 = tpu.memref_squeeze %dma_wait3A_110 : memref<1x128xf32, #tpu.memory_space<vmem>> -> memref<128xf32, #tpu.memory_space<vmem>>
        %dma_wait3A_112 = arith.constant 0 : i32
        %dma_wait3A_113 = tpu.memref_slice %arg16[%add3A_101, %dma_wait3A_112] : memref<80x128xi32, #tpu.memory_space<vmem>> -> memref<1x128xi32, #tpu.memory_space<vmem>>
        %dma_wait3A_114 = tpu.memref_squeeze %dma_wait3A_113 : memref<1x128xi32, #tpu.memory_space<vmem>> -> memref<128xi32, #tpu.memory_space<vmem>>
        %dma_wait3A_115 = arith.constant 0 : i32
        %dma_wait3A_116 = tpu.memref_slice %arg26[%dma_wait3A_115] : memref<10240xf32, #tpu.memory_space<vmem_shared>> -> memref<10240xf32, #tpu.memory_space<vmem_shared>>
        tpu.wait_indirect_dma semaphore(%run_scoped3A : memref<!tpu.dma_semaphore, #tpu.memory_space<semaphore_mem>>) src(%dma_wait3A_111 : memref<128xf32, #tpu.memory_space<vmem>>) dst(%dma_wait3A_116 : memref<10240xf32, #tpu.memory_space<vmem_shared>>)
        tpu.yield
      }) : () -> ()
    }
    %dma_start3A = arith.constant 0 : i32
    %dma_start3A_42 = arith.constant 0 : i32
    %dma_start3A_43 = tpu.memref_slice %arg15[%dma_start3A, %dma_start3A_42] : memref<80x128xi32, #tpu.memory_space<vmem>> -> memref<1x128xi32, #tpu.memory_space<vmem>>
    %dma_start3A_44 = tpu.memref_squeeze %dma_start3A_43 : memref<1x128xi32, #tpu.memory_space<vmem>> -> memref<128xi32, #tpu.memory_space<vmem>>
    %dma_start3A_45 = arith.constant 0 : i32
    %dma_start3A_46 = arith.constant 0 : i32
    %dma_start3A_47 = tpu.memref_slice %arg10[%dma_start3A_45, %dma_start3A_46] : memref<10000x32xf32, #tpu.memory_space<hbm>> -> memref<10000x32xf32, #tpu.memory_space<hbm>>
    tpu.enqueue_indirect_dma source(%dma_start3A_47 : memref<10000x32xf32, #tpu.memory_space<hbm>>) target(%arg23 : memref<128x32xf32, #tpu.memory_space<vmem>>) offsets(%dma_start3A_44 : memref<128xi32, #tpu.memory_space<vmem>>) semaphore(%arg27 : memref<!tpu.dma_semaphore, #tpu.memory_space<semaphore_mem>>)
    %dma_start3A_48 = arith.constant 1 : i32
    %dma_start3A_49 = arith.constant 0 : i32
    %dma_start3A_50 = tpu.memref_slice %arg15[%dma_start3A_48, %dma_start3A_49] : memref<80x128xi32, #tpu.memory_space<vmem>> -> memref<1x128xi32, #tpu.memory_space<vmem>>
    %dma_start3A_51 = tpu.memref_squeeze %dma_start3A_50 : memref<1x128xi32, #tpu.memory_space<vmem>> -> memref<128xi32, #tpu.memory_space<vmem>>
    %dma_start3A_52 = arith.constant 0 : i32
    %dma_start3A_53 = arith.constant 0 : i32
    %dma_start3A_54 = tpu.memref_slice %arg10[%dma_start3A_52, %dma_start3A_53] : memref<10000x32xf32, #tpu.memory_space<hbm>> -> memref<10000x32xf32, #tpu.memory_space<hbm>>
    tpu.enqueue_indirect_dma source(%dma_start3A_54 : memref<10000x32xf32, #tpu.memory_space<hbm>>) target(%arg24 : memref<128x32xf32, #tpu.memory_space<vmem>>) offsets(%dma_start3A_51 : memref<128xi32, #tpu.memory_space<vmem>>) semaphore(%arg28 : memref<!tpu.dma_semaphore, #tpu.memory_space<semaphore_mem>>)
    %jit3A_55 = arith.constant 2 : i32
    %div3A_56 = arith.divsi %select_n3A, %jit3A_55 : i32
    %sign3A = arith.constant 0 : i32
    %sign3A_57 = arith.cmpi sgt, %select_n3A, %sign3A : i32
    %sign3A_58 = arith.extui %sign3A_57 : i1 to i32
    %sign3A_59 = arith.constant 0 : i32
    %sign3A_60 = arith.cmpi slt, %select_n3A, %sign3A_59 : i32
    %sign3A_61 = arith.extui %sign3A_60 : i1 to i32
    %sign3A_62 = arith.subi %sign3A_58, %sign3A_61 : i32
    %sign3A_63 = arith.constant 0 : i32
    %sign3A_64 = arith.cmpi sgt, %jit3A_55, %sign3A_63 : i32
    %sign3A_65 = arith.extui %sign3A_64 : i1 to i32
    %sign3A_66 = arith.constant 0 : i32
    %sign3A_67 = arith.cmpi slt, %jit3A_55, %sign3A_66 : i32
    %sign3A_68 = arith.extui %sign3A_67 : i1 to i32
    %sign3A_69 = arith.subi %sign3A_65, %sign3A_68 : i32
    %ne3A = arith.cmpi ne, %sign3A_62, %sign3A_69 : i32
    %rem3A = arith.remsi %select_n3A, %jit3A_55 : i32
    %ne3A_70 = arith.constant 0 : i32
    %ne3A_71 = arith.cmpi ne, %rem3A, %ne3A_70 : i32
    %and3A = arith.andi %ne3A, %ne3A_71 : i1
    %sub3A_72 = arith.constant 1 : i32
    %sub3A_73 = arith.subi %div3A_56, %sub3A_72 : i32
    %select_n3A_74 = arith.select %and3A, %sub3A_73, %div3A_56 : i32
    %sub3A_75 = arith.constant 0 : i32
    %sub3A_76 = arith.subi %select_n3A_74, %sub3A_75 : i32
    %sub3A_77 = arith.constant 1 : i32
    %sub3A_78 = arith.constant 1 : i32
    %sub3A_79 = arith.subi %sub3A_77, %sub3A_78 : i32
    %add3A_80 = arith.addi %sub3A_76, %sub3A_79 : i32
    %div3A_81 = arith.constant 1 : i32
    %div3A_82 = arith.divsi %add3A_80, %div3A_81 : i32
    %while3A_83 = arith.constant 1 : i32
    %while3A_84 = arith.constant 0 : i32
    %while3A_85 = arith.constant 0 : i32
    %while3A_86 = arith.subi %div3A_82, %while3A_85 : i32
    %while3A_87 = arith.addi %while3A_85, %while3A_86 : i32
    %while3A_88 = arith.constant 1 : i32
    %while3A_89 = arith.divsi %while3A_86, %while3A_88 : i32
    %while3A_90 = arith.muli %while3A_89, %while3A_88 : i32
    %while3A_91 = arith.addi %while3A_85, %while3A_90 : i32
    %while3A_92 = arith.constant 1 : i32
    scf.for %while3A_99 = %while3A_85 to %while3A_91 step %while3A_92  : i32 {
      %mul3A_100 = arith.muli %while3A_99, %while3A_83 : i32
      %add3A_101 = arith.addi %while3A_84, %mul3A_100 : i32
      %mul3A_102 = arith.constant 2 : i32
      %mul3A_103 = arith.muli %add3A_101, %mul3A_102 : i32
      %add3A_104 = arith.constant 1 : i32
      %add3A_105 = arith.addi %mul3A_103, %add3A_104 : i32
      %dma_wait3A = arith.constant 0 : i32
      %dma_wait3A_106 = tpu.memref_slice %arg15[%mul3A_103, %dma_wait3A] : memref<80x128xi32, #tpu.memory_space<vmem>> -> memref<1x128xi32, #tpu.memory_space<vmem>>
      %dma_wait3A_107 = tpu.memref_squeeze %dma_wait3A_106 : memref<1x128xi32, #tpu.memory_space<vmem>> -> memref<128xi32, #tpu.memory_space<vmem>>
      %dma_wait3A_108 = arith.constant 0 : i32
      %dma_wait3A_109 = arith.constant 0 : i32
      %dma_wait3A_110 = tpu.memref_slice %arg10[%dma_wait3A_108, %dma_wait3A_109] : memref<10000x32xf32, #tpu.memory_space<hbm>> -> memref<10000x32xf32, #tpu.memory_space<hbm>>
      tpu.wait_indirect_dma semaphore(%arg27 : memref<!tpu.dma_semaphore, #tpu.memory_space<semaphore_mem>>) src(%dma_wait3A_110 : memref<10000x32xf32, #tpu.memory_space<hbm>>) dst(%arg23 : memref<128x32xf32, #tpu.memory_space<vmem>>)
      %scan3A = arith.constant 0 : i32
      %scan3A_111 = arith.constant 16 : i32
      %scan3A_112 = arith.addi %scan3A, %scan3A_111 : i32
      %scan3A_113 = arith.constant 1 : i32
      scf.for %scan3A_135 = %scan3A to %scan3A_112 step %scan3A_113  : i32 {
        %mul3A_136 = arith.constant 1 : i32
        %mul3A_137 = arith.muli %scan3A_135, %mul3A_136 : i32
        %add3A_138 = arith.constant 0 : i32
        %add3A_139 = arith.addi %add3A_138, %mul3A_137 : i32
        %mul3A_140 = arith.constant 8 : i32
        %mul3A_141 = arith.muli %add3A_139, %mul3A_140 : i32
        %add3A_142 = arith.constant 0 : i32
        %add3A_143 = arith.addi %mul3A_141, %add3A_142 : i32
        %broadcast_in_dim3A = vector.broadcast %mul3A_103 : i32 to vector<16xi32>
        %broadcast_in_dim3A_144 = vector.broadcast %add3A_143 : i32 to vector<16xi32>
        %gather3A = tpu.vector_load_idx %arg17[%broadcast_in_dim3A, %broadcast_in_dim3A_144] : memref<80x128xf32, #tpu.memory_space<vmem>>[vector<16xi32>, vector<16xi32>], vector<16xf32>,
        %get3A = arith.index_cast %add3A_143 : i32 to index
        %get3A_145 = arith.constant 0 : index
        %get3A_146 = tpu.vector_load %arg23[%get3A, %get3A_145] {strides = array<i32>} : memref<128x32xf32, #tpu.memory_space<vmem>>, vector<16xf32>,
        %mul3A_147 = arith.mulf %get3A_146, %gather3A : vector<16xf32>
        %swap3A = arith.index_cast %add3A_143 : i32 to index
        %swap3A_148 = arith.constant 0 : index
        %swap3A_149 = tpu.vector_load %arg23[%swap3A, %swap3A_148] {strides = array<i32>} : memref<128x32xf32, #tpu.memory_space<vmem>>, vector<16xf32>,
        tpu.vector_store %arg23[%swap3A, %swap3A_148], %mul3A_147 {strides = array<i32>} : memref<128x32xf32, #tpu.memory_space<vmem>>, vector<16xf32>,
        %get3A_150 = arith.index_cast %add3A_143 : i32 to index
        %get3A_151 = arith.constant 16 : index
        %get3A_152 = tpu.vector_load %arg23[%get3A_150, %get3A_151] {strides = array<i32>} : memref<128x32xf32, #tpu.memory_space<vmem>>, vector<16xf32>,
        %mul3A_153 = arith.mulf %get3A_152, %gather3A : vector<16xf32>
        %swap3A_154 = arith.index_cast %add3A_143 : i32 to index
        %swap3A_155 = arith.constant 16 : index
        %swap3A_156 = tpu.vector_load %arg23[%swap3A_154, %swap3A_155] {strides = array<i32>} : memref<128x32xf32, #tpu.memory_space<vmem>>, vector<16xf32>,
        tpu.vector_store %arg23[%swap3A_154, %swap3A_155], %mul3A_153 {strides = array<i32>} : memref<128x32xf32, #tpu.memory_space<vmem>>, vector<16xf32>,
        %mul3A_157 = arith.constant 8 : i32
        %mul3A_158 = arith.muli %add3A_139, %mul3A_157 : i32
        %add3A_159 = arith.constant 1 : i32
        %add3A_160 = arith.addi %mul3A_158, %add3A_159 : i32
        %broadcast_in_dim3A_161 = vector.broadcast %mul3A_103 : i32 to vector<16xi32>
        %broadcast_in_dim3A_162 = vector.broadcast %add3A_160 : i32 to vector<16xi32>
        %gather3A_163 = tpu.vector_load_idx %arg17[%broadcast_in_dim3A_161, %broadcast_in_dim3A_162] : memref<80x128xf32, #tpu.memory_space<vmem>>[vector<16xi32>, vector<16xi32>], vector<16xf32>,
        %get3A_164 = arith.index_cast %add3A_160 : i32 to index
        %get3A_165 = arith.constant 0 : index
        %get3A_166 = tpu.vector_load %arg23[%get3A_164, %get3A_165] {strides = array<i32>} : memref<128x32xf32, #tpu.memory_space<vmem>>, vector<16xf32>,
        %mul3A_167 = arith.mulf %get3A_166, %gather3A_163 : vector<16xf32>
        %swap3A_168 = arith.index_cast %add3A_160 : i32 to index
        %swap3A_169 = arith.constant 0 : index
        %swap3A_170 = tpu.vector_load %arg23[%swap3A_168, %swap3A_169] {strides = array<i32>} : memref<128x32xf32, #tpu.memory_space<vmem>>, vector<16xf32>,
        tpu.vector_store %arg23[%swap3A_168, %swap3A_169], %mul3A_167 {strides = array<i32>} : memref<128x32xf32, #tpu.memory_space<vmem>>, vector<16xf32>,
        %get3A_171 = arith.index_cast %add3A_160 : i32 to index
        %get3A_172 = arith.constant 16 : index
        %get3A_173 = tpu.vector_load %arg23[%get3A_171, %get3A_172] {strides = array<i32>} : memref<128x32xf32, #tpu.memory_space<vmem>>, vector<16xf32>,
        %mul3A_174 = arith.mulf %get3A_173, %gather3A_163 : vector<16xf32>
        %swap3A_175 = arith.index_cast %add3A_160 : i32 to index
        %swap3A_176 = arith.constant 16 : index
        %swap3A_177 = tpu.vector_load %arg23[%swap3A_175, %swap3A_176] {strides = array<i32>} : memref<128x32xf32, #tpu.memory_space<vmem>>, vector<16xf32>,
        tpu.vector_store %arg23[%swap3A_175, %swap3A_176], %mul3A_174 {strides = array<i32>} : memref<128x32xf32, #tpu.memory_space<vmem>>, vector<16xf32>,
        %mul3A_178 = arith.constant 8 : i32
        %mul3A_179 = arith.muli %add3A_139, %mul3A_178 : i32
        %add3A_180 = arith.constant 2 : i32
        %add3A_181 = arith.addi %mul3A_179, %add3A_180 : i32
        %broadcast_in_dim3A_182 = vector.broadcast %mul3A_103 : i32 to vector<16xi32>
        %broadcast_in_dim3A_183 = vector.broadcast %add3A_181 : i32 to vector<16xi32>
        %gather3A_184 = tpu.vector_load_idx %arg17[%broadcast_in_dim3A_182, %broadcast_in_dim3A_183] : memref<80x128xf32, #tpu.memory_space<vmem>>[vector<16xi32>, vector<16xi32>], vector<16xf32>,
        %get3A_185 = arith.index_cast %add3A_181 : i32 to index
        %get3A_186 = arith.constant 0 : index
        %get3A_187 = tpu.vector_load %arg23[%get3A_185, %get3A_186] {strides = array<i32>} : memref<128x32xf32, #tpu.memory_space<vmem>>, vector<16xf32>,
        %mul3A_188 = arith.mulf %get3A_187, %gather3A_184 : vector<16xf32>
        %swap3A_189 = arith.index_cast %add3A_181 : i32 to index
        %swap3A_190 = arith.constant 0 : index
        %swap3A_191 = tpu.vector_load %arg23[%swap3A_189, %swap3A_190] {strides = array<i32>} : memref<128x32xf32, #tpu.memory_space<vmem>>, vector<16xf32>,
        tpu.vector_store %arg23[%swap3A_189, %swap3A_190], %mul3A_188 {strides = array<i32>} : memref<128x32xf32, #tpu.memory_space<vmem>>, vector<16xf32>,
        %get3A_192 = arith.index_cast %add3A_181 : i32 to index
        %get3A_193 = arith.constant 16 : index
        %get3A_194 = tpu.vector_load %arg23[%get3A_192, %get3A_193] {strides = array<i32>} : memref<128x32xf32, #tpu.memory_space<vmem>>, vector<16xf32>,
        %mul3A_195 = arith.mulf %get3A_194, %gather3A_184 : vector<16xf32>
        %swap3A_196 = arith.index_cast %add3A_181 : i32 to index
        %swap3A_197 = arith.constant 16 : index
        %swap3A_198 = tpu.vector_load %arg23[%swap3A_196, %swap3A_197] {strides = array<i32>} : memref<128x32xf32, #tpu.memory_space<vmem>>, vector<16xf32>,
        tpu.vector_store %arg23[%swap3A_196, %swap3A_197], %mul3A_195 {strides = array<i32>} : memref<128x32xf32, #tpu.memory_space<vmem>>, vector<16xf32>,
        %mul3A_199 = arith.constant 8 : i32
        %mul3A_200 = arith.muli %add3A_139, %mul3A_199 : i32
        %add3A_201 = arith.constant 3 : i32
        %add3A_202 = arith.addi %mul3A_200, %add3A_201 : i32
        %broadcast_in_dim3A_203 = vector.broadcast %mul3A_103 : i32 to vector<16xi32>
        %broadcast_in_dim3A_204 = vector.broadcast %add3A_202 : i32 to vector<16xi32>
        %gather3A_205 = tpu.vector_load_idx %arg17[%broadcast_in_dim3A_203, %broadcast_in_dim3A_204] : memref<80x128xf32, #tpu.memory_space<vmem>>[vector<16xi32>, vector<16xi32>], vector<16xf32>,
        %get3A_206 = arith.index_cast %add3A_202 : i32 to index
        %get3A_207 = arith.constant 0 : index
        %get3A_208 = tpu.vector_load %arg23[%get3A_206, %get3A_207] {strides = array<i32>} : memref<128x32xf32, #tpu.memory_space<vmem>>, vector<16xf32>,
        %mul3A_209 = arith.mulf %get3A_208, %gather3A_205 : vector<16xf32>
        %swap3A_210 = arith.index_cast %add3A_202 : i32 to index
        %swap3A_211 = arith.constant 0 : index
        %swap3A_212 = tpu.vector_load %arg23[%swap3A_210, %swap3A_211] {strides = array<i32>} : memref<128x32xf32, #tpu.memory_space<vmem>>, vector<16xf32>,
        tpu.vector_store %arg23[%swap3A_210, %swap3A_211], %mul3A_209 {strides = array<i32>} : memref<128x32xf32, #tpu.memory_space<vmem>>, vector<16xf32>,
        %get3A_213 = arith.index_cast %add3A_202 : i32 to index
        %get3A_214 = arith.constant 16 : index
        %get3A_215 = tpu.vector_load %arg23[%get3A_213, %get3A_214] {strides = array<i32>} : memref<128x32xf32, #tpu.memory_space<vmem>>, vector<16xf32>,
        %mul3A_216 = arith.mulf %get3A_215, %gather3A_205 : vector<16xf32>
        %swap3A_217 = arith.index_cast %add3A_202 : i32 to index
        %swap3A_218 = arith.constant 16 : index
        %swap3A_219 = tpu.vector_load %arg23[%swap3A_217, %swap3A_218] {strides = array<i32>} : memref<128x32xf32, #tpu.memory_space<vmem>>, vector<16xf32>,
        tpu.vector_store %arg23[%swap3A_217, %swap3A_218], %mul3A_216 {strides = array<i32>} : memref<128x32xf32, #tpu.memory_space<vmem>>, vector<16xf32>,
        %mul3A_220 = arith.constant 8 : i32
        %mul3A_221 = arith.muli %add3A_139, %mul3A_220 : i32
        %add3A_222 = arith.constant 4 : i32
        %add3A_223 = arith.addi %mul3A_221, %add3A_222 : i32
        %broadcast_in_dim3A_224 = vector.broadcast %mul3A_103 : i32 to vector<16xi32>
        %broadcast_in_dim3A_225 = vector.broadcast %add3A_223 : i32 to vector<16xi32>
        %gather3A_226 = tpu.vector_load_idx %arg17[%broadcast_in_dim3A_224, %broadcast_in_dim3A_225] : memref<80x128xf32, #tpu.memory_space<vmem>>[vector<16xi32>, vector<16xi32>], vector<16xf32>,
        %get3A_227 = arith.index_cast %add3A_223 : i32 to index
        %get3A_228 = arith.constant 0 : index
        %get3A_229 = tpu.vector_load %arg23[%get3A_227, %get3A_228] {strides = array<i32>} : memref<128x32xf32, #tpu.memory_space<vmem>>, vector<16xf32>,
        %mul3A_230 = arith.mulf %get3A_229, %gather3A_226 : vector<16xf32>
        %swap3A_231 = arith.index_cast %add3A_223 : i32 to index
        %swap3A_232 = arith.constant 0 : index
        %swap3A_233 = tpu.vector_load %arg23[%swap3A_231, %swap3A_232] {strides = array<i32>} : memref<128x32xf32, #tpu.memory_space<vmem>>, vector<16xf32>,
        tpu.vector_store %arg23[%swap3A_231, %swap3A_232], %mul3A_230 {strides = array<i32>} : memref<128x32xf32, #tpu.memory_space<vmem>>, vector<16xf32>,
        %get3A_234 = arith.index_cast %add3A_223 : i32 to index
        %get3A_235 = arith.constant 16 : index
        %get3A_236 = tpu.vector_load %arg23[%get3A_234, %get3A_235] {strides = array<i32>} : memref<128x32xf32, #tpu.memory_space<vmem>>, vector<16xf32>,
        %mul3A_237 = arith.mulf %get3A_236, %gather3A_226 : vector<16xf32>
        %swap3A_238 = arith.index_cast %add3A_223 : i32 to index
        %swap3A_239 = arith.constant 16 : index
        %swap3A_240 = tpu.vector_load %arg23[%swap3A_238, %swap3A_239] {strides = array<i32>} : memref<128x32xf32, #tpu.memory_space<vmem>>, vector<16xf32>,
        tpu.vector_store %arg23[%swap3A_238, %swap3A_239], %mul3A_237 {strides = array<i32>} : memref<128x32xf32, #tpu.memory_space<vmem>>, vector<16xf32>,
        %mul3A_241 = arith.constant 8 : i32
        %mul3A_242 = arith.muli %add3A_139, %mul3A_241 : i32
        %add3A_243 = arith.constant 5 : i32
        %add3A_244 = arith.addi %mul3A_242, %add3A_243 : i32
        %broadcast_in_dim3A_245 = vector.broadcast %mul3A_103 : i32 to vector<16xi32>
        %broadcast_in_dim3A_246 = vector.broadcast %add3A_244 : i32 to vector<16xi32>
        %gather3A_247 = tpu.vector_load_idx %arg17[%broadcast_in_dim3A_245, %broadcast_in_dim3A_246] : memref<80x128xf32, #tpu.memory_space<vmem>>[vector<16xi32>, vector<16xi32>], vector<16xf32>,
        %get3A_248 = arith.index_cast %add3A_244 : i32 to index
        %get3A_249 = arith.constant 0 : index
        %get3A_250 = tpu.vector_load %arg23[%get3A_248, %get3A_249] {strides = array<i32>} : memref<128x32xf32, #tpu.memory_space<vmem>>, vector<16xf32>,
        %mul3A_251 = arith.mulf %get3A_250, %gather3A_247 : vector<16xf32>
        %swap3A_252 = arith.index_cast %add3A_244 : i32 to index
        %swap3A_253 = arith.constant 0 : index
        %swap3A_254 = tpu.vector_load %arg23[%swap3A_252, %swap3A_253] {strides = array<i32>} : memref<128x32xf32, #tpu.memory_space<vmem>>, vector<16xf32>,
        tpu.vector_store %arg23[%swap3A_252, %swap3A_253], %mul3A_251 {strides = array<i32>} : memref<128x32xf32, #tpu.memory_space<vmem>>, vector<16xf32>,
        %get3A_255 = arith.index_cast %add3A_244 : i32 to index
        %get3A_256 = arith.constant 16 : index
        %get3A_257 = tpu.vector_load %arg23[%get3A_255, %get3A_256] {strides = array<i32>} : memref<128x32xf32, #tpu.memory_space<vmem>>, vector<16xf32>,
        %mul3A_258 = arith.mulf %get3A_257, %gather3A_247 : vector<16xf32>
        %swap3A_259 = arith.index_cast %add3A_244 : i32 to index
        %swap3A_260 = arith.constant 16 : index
        %swap3A_261 = tpu.vector_load %arg23[%swap3A_259, %swap3A_260] {strides = array<i32>} : memref<128x32xf32, #tpu.memory_space<vmem>>, vector<16xf32>,
        tpu.vector_store %arg23[%swap3A_259, %swap3A_260], %mul3A_258 {strides = array<i32>} : memref<128x32xf32, #tpu.memory_space<vmem>>, vector<16xf32>,
        %mul3A_262 = arith.constant 8 : i32
        %mul3A_263 = arith.muli %add3A_139, %mul3A_262 : i32
        %add3A_264 = arith.constant 6 : i32
        %add3A_265 = arith.addi %mul3A_263, %add3A_264 : i32
        %broadcast_in_dim3A_266 = vector.broadcast %mul3A_103 : i32 to vector<16xi32>
        %broadcast_in_dim3A_267 = vector.broadcast %add3A_265 : i32 to vector<16xi32>
        %gather3A_268 = tpu.vector_load_idx %arg17[%broadcast_in_dim3A_266, %broadcast_in_dim3A_267] : memref<80x128xf32, #tpu.memory_space<vmem>>[vector<16xi32>, vector<16xi32>], vector<16xf32>,
        %get3A_269 = arith.index_cast %add3A_265 : i32 to index
        %get3A_270 = arith.constant 0 : index
        %get3A_271 = tpu.vector_load %arg23[%get3A_269, %get3A_270] {strides = array<i32>} : memref<128x32xf32, #tpu.memory_space<vmem>>, vector<16xf32>,
        %mul3A_272 = arith.mulf %get3A_271, %gather3A_268 : vector<16xf32>
        %swap3A_273 = arith.index_cast %add3A_265 : i32 to index
        %swap3A_274 = arith.constant 0 : index
        %swap3A_275 = tpu.vector_load %arg23[%swap3A_273, %swap3A_274] {strides = array<i32>} : memref<128x32xf32, #tpu.memory_space<vmem>>, vector<16xf32>,
        tpu.vector_store %arg23[%swap3A_273, %swap3A_274], %mul3A_272 {strides = array<i32>} : memref<128x32xf32, #tpu.memory_space<vmem>>, vector<16xf32>,
        %get3A_276 = arith.index_cast %add3A_265 : i32 to index
        %get3A_277 = arith.constant 16 : index
        %get3A_278 = tpu.vector_load %arg23[%get3A_276, %get3A_277] {strides = array<i32>} : memref<128x32xf32, #tpu.memory_space<vmem>>, vector<16xf32>,
        %mul3A_279 = arith.mulf %get3A_278, %gather3A_268 : vector<16xf32>
        %swap3A_280 = arith.index_cast %add3A_265 : i32 to index
        %swap3A_281 = arith.constant 16 : index
        %swap3A_282 = tpu.vector_load %arg23[%swap3A_280, %swap3A_281] {strides = array<i32>} : memref<128x32xf32, #tpu.memory_space<vmem>>, vector<16xf32>,
        tpu.vector_store %arg23[%swap3A_280, %swap3A_281], %mul3A_279 {strides = array<i32>} : memref<128x32xf32, #tpu.memory_space<vmem>>, vector<16xf32>,
        %mul3A_283 = arith.constant 8 : i32
        %mul3A_284 = arith.muli %add3A_139, %mul3A_283 : i32
        %add3A_285 = arith.constant 7 : i32
        %add3A_286 = arith.addi %mul3A_284, %add3A_285 : i32
        %broadcast_in_dim3A_287 = vector.broadcast %mul3A_103 : i32 to vector<16xi32>
        %broadcast_in_dim3A_288 = vector.broadcast %add3A_286 : i32 to vector<16xi32>
        %gather3A_289 = tpu.vector_load_idx %arg17[%broadcast_in_dim3A_287, %broadcast_in_dim3A_288] : memref<80x128xf32, #tpu.memory_space<vmem>>[vector<16xi32>, vector<16xi32>], vector<16xf32>,
        %get3A_290 = arith.index_cast %add3A_286 : i32 to index
        %get3A_291 = arith.constant 0 : index
        %get3A_292 = tpu.vector_load %arg23[%get3A_290, %get3A_291] {strides = array<i32>} : memref<128x32xf32, #tpu.memory_space<vmem>>, vector<16xf32>,
        %mul3A_293 = arith.mulf %get3A_292, %gather3A_289 : vector<16xf32>
        %swap3A_294 = arith.index_cast %add3A_286 : i32 to index
        %swap3A_295 = arith.constant 0 : index
        %swap3A_296 = tpu.vector_load %arg23[%swap3A_294, %swap3A_295] {strides = array<i32>} : memref<128x32xf32, #tpu.memory_space<vmem>>, vector<16xf32>,
        tpu.vector_store %arg23[%swap3A_294, %swap3A_295], %mul3A_293 {strides = array<i32>} : memref<128x32xf32, #tpu.memory_space<vmem>>, vector<16xf32>,
        %get3A_297 = arith.index_cast %add3A_286 : i32 to index
        %get3A_298 = arith.constant 16 : index
        %get3A_299 = tpu.vector_load %arg23[%get3A_297, %get3A_298] {strides = array<i32>} : memref<128x32xf32, #tpu.memory_space<vmem>>, vector<16xf32>,
        %mul3A_300 = arith.mulf %get3A_299, %gather3A_289 : vector<16xf32>
        %swap3A_301 = arith.index_cast %add3A_286 : i32 to index
        %swap3A_302 = arith.constant 16 : index
        %swap3A_303 = tpu.vector_load %arg23[%swap3A_301, %swap3A_302] {strides = array<i32>} : memref<128x32xf32, #tpu.memory_space<vmem>>, vector<16xf32>,
        tpu.vector_store %arg23[%swap3A_301, %swap3A_302], %mul3A_300 {strides = array<i32>} : memref<128x32xf32, #tpu.memory_space<vmem>>, vector<16xf32>,
      }
      %scan3A_114 = arith.constant 16 : i32
      "tpu.region"() ({
        %run_scoped3A = tpu.sem_alloc : memref<!tpu.dma_semaphore, #tpu.memory_space<semaphore_mem>>
        %dma_start3A_135 = arith.constant 0 : i32
        %dma_start3A_136 = tpu.memref_slice %arg16[%mul3A_103, %dma_start3A_135] : memref<80x128xi32, #tpu.memory_space<vmem>> -> memref<1x128xi32, #tpu.memory_space<vmem>>
        %dma_start3A_137 = tpu.memref_squeeze %dma_start3A_136 : memref<1x128xi32, #tpu.memory_space<vmem>> -> memref<128xi32, #tpu.memory_space<vmem>>
        %dma_start3A_138 = arith.constant 0 : i32
        %dma_start3A_139 = arith.constant 0 : i32
        %dma_start3A_140 = tpu.memref_slice %arg25[%dma_start3A_138, %dma_start3A_139] : memref<10000x32xf32, #tpu.memory_space<vmem_shared>> -> memref<10000x32xf32, #tpu.memory_space<vmem_shared>>
        tpu.enqueue_indirect_dma source(%arg23 : memref<128x32xf32, #tpu.memory_space<vmem>>) target(%dma_start3A_140 : memref<10000x32xf32, #tpu.memory_space<vmem_shared>>) offsets(%dma_start3A_137 : memref<128xi32, #tpu.memory_space<vmem>>) semaphore(%run_scoped3A : memref<!tpu.dma_semaphore, #tpu.memory_space<semaphore_mem>>) {add = true}
        %dma_wait3A_141 = arith.constant 0 : i32
        %dma_wait3A_142 = tpu.memref_slice %arg16[%mul3A_103, %dma_wait3A_141] : memref<80x128xi32, #tpu.memory_space<vmem>> -> memref<1x128xi32, #tpu.memory_space<vmem>>
        %dma_wait3A_143 = tpu.memref_squeeze %dma_wait3A_142 : memref<1x128xi32, #tpu.memory_space<vmem>> -> memref<128xi32, #tpu.memory_space<vmem>>
        %dma_wait3A_144 = arith.constant 0 : i32
        %dma_wait3A_145 = arith.constant 0 : i32
        %dma_wait3A_146 = tpu.memref_slice %arg25[%dma_wait3A_144, %dma_wait3A_145] : memref<10000x32xf32, #tpu.memory_space<vmem_shared>> -> memref<10000x32xf32, #tpu.memory_space<vmem_shared>>
        tpu.wait_indirect_dma semaphore(%run_scoped3A : memref<!tpu.dma_semaphore, #tpu.memory_space<semaphore_mem>>) src(%arg23 : memref<128x32xf32, #tpu.memory_space<vmem>>) dst(%dma_wait3A_146 : memref<10000x32xf32, #tpu.memory_space<vmem_shared>>)
        tpu.yield
      }) : () -> ()
      %add3A_115 = arith.constant 2 : i32
      %add3A_116 = arith.addi %mul3A_103, %add3A_115 : i32
      %lt3A = arith.cmpi slt, %add3A_116, %select_n3A : i32
      %convert_element_type3A = arith.extui %lt3A : i1 to i32
      %cond3A = arith.constant 0 : i32
      %cond3A_117 = arith.cmpi ne, %convert_element_type3A, %cond3A : i32
      scf.if %cond3A_117 {
        %add3A_135 = arith.constant 2 : i32
        %add3A_136 = arith.addi %mul3A_103, %add3A_135 : i32
        %dma_start3A_137 = arith.constant 0 : i32
        %dma_start3A_138 = tpu.memref_slice %arg15[%add3A_136, %dma_start3A_137] : memref<80x128xi32, #tpu.memory_space<vmem>> -> memref<1x128xi32, #tpu.memory_space<vmem>>
        %dma_start3A_139 = tpu.memref_squeeze %dma_start3A_138 : memref<1x128xi32, #tpu.memory_space<vmem>> -> memref<128xi32, #tpu.memory_space<vmem>>
        %dma_start3A_140 = arith.constant 0 : i32
        %dma_start3A_141 = arith.constant 0 : i32
        %dma_start3A_142 = tpu.memref_slice %arg10[%dma_start3A_140, %dma_start3A_141] : memref<10000x32xf32, #tpu.memory_space<hbm>> -> memref<10000x32xf32, #tpu.memory_space<hbm>>
        tpu.enqueue_indirect_dma source(%dma_start3A_142 : memref<10000x32xf32, #tpu.memory_space<hbm>>) target(%arg23 : memref<128x32xf32, #tpu.memory_space<vmem>>) offsets(%dma_start3A_139 : memref<128xi32, #tpu.memory_space<vmem>>) semaphore(%arg27 : memref<!tpu.dma_semaphore, #tpu.memory_space<semaphore_mem>>)
      } else {
      }
      %dma_wait3A_118 = arith.constant 0 : i32
      %dma_wait3A_119 = tpu.memref_slice %arg15[%add3A_105, %dma_wait3A_118] : memref<80x128xi32, #tpu.memory_space<vmem>> -> memref<1x128xi32, #tpu.memory_space<vmem>>
      %dma_wait3A_120 = tpu.memref_squeeze %dma_wait3A_119 : memref<1x128xi32, #tpu.memory_space<vmem>> -> memref<128xi32, #tpu.memory_space<vmem>>
      %dma_wait3A_121 = arith.constant 0 : i32
      %dma_wait3A_122 = arith.constant 0 : i32
      %dma_wait3A_123 = tpu.memref_slice %arg10[%dma_wait3A_121, %dma_wait3A_122] : memref<10000x32xf32, #tpu.memory_space<hbm>> -> memref<10000x32xf32, #tpu.memory_space<hbm>>
      tpu.wait_indirect_dma semaphore(%arg28 : memref<!tpu.dma_semaphore, #tpu.memory_space<semaphore_mem>>) src(%dma_wait3A_123 : memref<10000x32xf32, #tpu.memory_space<hbm>>) dst(%arg24 : memref<128x32xf32, #tpu.memory_space<vmem>>)
      %scan3A_124 = arith.constant 0 : i32
      %scan3A_125 = arith.constant 16 : i32
      %scan3A_126 = arith.addi %scan3A_124, %scan3A_125 : i32
      %scan3A_127 = arith.constant 1 : i32
      scf.for %scan3A_135 = %scan3A_124 to %scan3A_126 step %scan3A_127  : i32 {
        %mul3A_136 = arith.constant 1 : i32
        %mul3A_137 = arith.muli %scan3A_135, %mul3A_136 : i32
        %add3A_138 = arith.constant 0 : i32
        %add3A_139 = arith.addi %add3A_138, %mul3A_137 : i32
        %mul3A_140 = arith.constant 8 : i32
        %mul3A_141 = arith.muli %add3A_139, %mul3A_140 : i32
        %add3A_142 = arith.constant 0 : i32
        %add3A_143 = arith.addi %mul3A_141, %add3A_142 : i32
        %broadcast_in_dim3A = vector.broadcast %add3A_105 : i32 to vector<16xi32>
        %broadcast_in_dim3A_144 = vector.broadcast %add3A_143 : i32 to vector<16xi32>
        %gather3A = tpu.vector_load_idx %arg17[%broadcast_in_dim3A, %broadcast_in_dim3A_144] : memref<80x128xf32, #tpu.memory_space<vmem>>[vector<16xi32>, vector<16xi32>], vector<16xf32>,
        %get3A = arith.index_cast %add3A_143 : i32 to index
        %get3A_145 = arith.constant 0 : index
        %get3A_146 = tpu.vector_load %arg24[%get3A, %get3A_145] {strides = array<i32>} : memref<128x32xf32, #tpu.memory_space<vmem>>, vector<16xf32>,
        %mul3A_147 = arith.mulf %get3A_146, %gather3A : vector<16xf32>
        %swap3A = arith.index_cast %add3A_143 : i32 to index
        %swap3A_148 = arith.constant 0 : index
        %swap3A_149 = tpu.vector_load %arg24[%swap3A, %swap3A_148] {strides = array<i32>} : memref<128x32xf32, #tpu.memory_space<vmem>>, vector<16xf32>,
        tpu.vector_store %arg24[%swap3A, %swap3A_148], %mul3A_147 {strides = array<i32>} : memref<128x32xf32, #tpu.memory_space<vmem>>, vector<16xf32>,
        %get3A_150 = arith.index_cast %add3A_143 : i32 to index
        %get3A_151 = arith.constant 16 : index
        %get3A_152 = tpu.vector_load %arg24[%get3A_150, %get3A_151] {strides = array<i32>} : memref<128x32xf32, #tpu.memory_space<vmem>>, vector<16xf32>,
        %mul3A_153 = arith.mulf %get3A_152, %gather3A : vector<16xf32>
        %swap3A_154 = arith.index_cast %add3A_143 : i32 to index
        %swap3A_155 = arith.constant 16 : index
        %swap3A_156 = tpu.vector_load %arg24[%swap3A_154, %swap3A_155] {strides = array<i32>} : memref<128x32xf32, #tpu.memory_space<vmem>>, vector<16xf32>,
        tpu.vector_store %arg24[%swap3A_154, %swap3A_155], %mul3A_153 {strides = array<i32>} : memref<128x32xf32, #tpu.memory_space<vmem>>, vector<16xf32>,
        %mul3A_157 = arith.constant 8 : i32
        %mul3A_158 = arith.muli %add3A_139, %mul3A_157 : i32
        %add3A_159 = arith.constant 1 : i32
        %add3A_160 = arith.addi %mul3A_158, %add3A_159 : i32
        %broadcast_in_dim3A_161 = vector.broadcast %add3A_105 : i32 to vector<16xi32>
        %broadcast_in_dim3A_162 = vector.broadcast %add3A_160 : i32 to vector<16xi32>
        %gather3A_163 = tpu.vector_load_idx %arg17[%broadcast_in_dim3A_161, %broadcast_in_dim3A_162] : memref<80x128xf32, #tpu.memory_space<vmem>>[vector<16xi32>, vector<16xi32>], vector<16xf32>,
        %get3A_164 = arith.index_cast %add3A_160 : i32 to index
        %get3A_165 = arith.constant 0 : index
        %get3A_166 = tpu.vector_load %arg24[%get3A_164, %get3A_165] {strides = array<i32>} : memref<128x32xf32, #tpu.memory_space<vmem>>, vector<16xf32>,
        %mul3A_167 = arith.mulf %get3A_166, %gather3A_163 : vector<16xf32>
        %swap3A_168 = arith.index_cast %add3A_160 : i32 to index
        %swap3A_169 = arith.constant 0 : index
        %swap3A_170 = tpu.vector_load %arg24[%swap3A_168, %swap3A_169] {strides = array<i32>} : memref<128x32xf32, #tpu.memory_space<vmem>>, vector<16xf32>,
        tpu.vector_store %arg24[%swap3A_168, %swap3A_169], %mul3A_167 {strides = array<i32>} : memref<128x32xf32, #tpu.memory_space<vmem>>, vector<16xf32>,
        %get3A_171 = arith.index_cast %add3A_160 : i32 to index
        %get3A_172 = arith.constant 16 : index
        %get3A_173 = tpu.vector_load %arg24[%get3A_171, %get3A_172] {strides = array<i32>} : memref<128x32xf32, #tpu.memory_space<vmem>>, vector<16xf32>,
        %mul3A_174 = arith.mulf %get3A_173, %gather3A_163 : vector<16xf32>
        %swap3A_175 = arith.index_cast %add3A_160 : i32 to index
        %swap3A_176 = arith.constant 16 : index
        %swap3A_177 = tpu.vector_load %arg24[%swap3A_175, %swap3A_176] {strides = array<i32>} : memref<128x32xf32, #tpu.memory_space<vmem>>, vector<16xf32>,
        tpu.vector_store %arg24[%swap3A_175, %swap3A_176], %mul3A_174 {strides = array<i32>} : memref<128x32xf32, #tpu.memory_space<vmem>>, vector<16xf32>,
        %mul3A_178 = arith.constant 8 : i32
        %mul3A_179 = arith.muli %add3A_139, %mul3A_178 : i32
        %add3A_180 = arith.constant 2 : i32
        %add3A_181 = arith.addi %mul3A_179, %add3A_180 : i32
        %broadcast_in_dim3A_182 = vector.broadcast %add3A_105 : i32 to vector<16xi32>
        %broadcast_in_dim3A_183 = vector.broadcast %add3A_181 : i32 to vector<16xi32>
        %gather3A_184 = tpu.vector_load_idx %arg17[%broadcast_in_dim3A_182, %broadcast_in_dim3A_183] : memref<80x128xf32, #tpu.memory_space<vmem>>[vector<16xi32>, vector<16xi32>], vector<16xf32>,
        %get3A_185 = arith.index_cast %add3A_181 : i32 to index
        %get3A_186 = arith.constant 0 : index
        %get3A_187 = tpu.vector_load %arg24[%get3A_185, %get3A_186] {strides = array<i32>} : memref<128x32xf32, #tpu.memory_space<vmem>>, vector<16xf32>,
        %mul3A_188 = arith.mulf %get3A_187, %gather3A_184 : vector<16xf32>
        %swap3A_189 = arith.index_cast %add3A_181 : i32 to index
        %swap3A_190 = arith.constant 0 : index
        %swap3A_191 = tpu.vector_load %arg24[%swap3A_189, %swap3A_190] {strides = array<i32>} : memref<128x32xf32, #tpu.memory_space<vmem>>, vector<16xf32>,
        tpu.vector_store %arg24[%swap3A_189, %swap3A_190], %mul3A_188 {strides = array<i32>} : memref<128x32xf32, #tpu.memory_space<vmem>>, vector<16xf32>,
        %get3A_192 = arith.index_cast %add3A_181 : i32 to index
        %get3A_193 = arith.constant 16 : index
        %get3A_194 = tpu.vector_load %arg24[%get3A_192, %get3A_193] {strides = array<i32>} : memref<128x32xf32, #tpu.memory_space<vmem>>, vector<16xf32>,
        %mul3A_195 = arith.mulf %get3A_194, %gather3A_184 : vector<16xf32>
        %swap3A_196 = arith.index_cast %add3A_181 : i32 to index
        %swap3A_197 = arith.constant 16 : index
        %swap3A_198 = tpu.vector_load %arg24[%swap3A_196, %swap3A_197] {strides = array<i32>} : memref<128x32xf32, #tpu.memory_space<vmem>>, vector<16xf32>,
        tpu.vector_store %arg24[%swap3A_196, %swap3A_197], %mul3A_195 {strides = array<i32>} : memref<128x32xf32, #tpu.memory_space<vmem>>, vector<16xf32>,
        %mul3A_199 = arith.constant 8 : i32
        %mul3A_200 = arith.muli %add3A_139, %mul3A_199 : i32
        %add3A_201 = arith.constant 3 : i32
        %add3A_202 = arith.addi %mul3A_200, %add3A_201 : i32
        %broadcast_in_dim3A_203 = vector.broadcast %add3A_105 : i32 to vector<16xi32>
        %broadcast_in_dim3A_204 = vector.broadcast %add3A_202 : i32 to vector<16xi32>
        %gather3A_205 = tpu.vector_load_idx %arg17[%broadcast_in_dim3A_203, %broadcast_in_dim3A_204] : memref<80x128xf32, #tpu.memory_space<vmem>>[vector<16xi32>, vector<16xi32>], vector<16xf32>,
        %get3A_206 = arith.index_cast %add3A_202 : i32 to index
        %get3A_207 = arith.constant 0 : index
        %get3A_208 = tpu.vector_load %arg24[%get3A_206, %get3A_207] {strides = array<i32>} : memref<128x32xf32, #tpu.memory_space<vmem>>, vector<16xf32>,
        %mul3A_209 = arith.mulf %get3A_208, %gather3A_205 : vector<16xf32>
        %swap3A_210 = arith.index_cast %add3A_202 : i32 to index
        %swap3A_211 = arith.constant 0 : index
        %swap3A_212 = tpu.vector_load %arg24[%swap3A_210, %swap3A_211] {strides = array<i32>} : memref<128x32xf32, #tpu.memory_space<vmem>>, vector<16xf32>,
        tpu.vector_store %arg24[%swap3A_210, %swap3A_211], %mul3A_209 {strides = array<i32>} : memref<128x32xf32, #tpu.memory_space<vmem>>, vector<16xf32>,
        %get3A_213 = arith.index_cast %add3A_202 : i32 to index
        %get3A_214 = arith.constant 16 : index
        %get3A_215 = tpu.vector_load %arg24[%get3A_213, %get3A_214] {strides = array<i32>} : memref<128x32xf32, #tpu.memory_space<vmem>>, vector<16xf32>,
        %mul3A_216 = arith.mulf %get3A_215, %gather3A_205 : vector<16xf32>
        %swap3A_217 = arith.index_cast %add3A_202 : i32 to index
        %swap3A_218 = arith.constant 16 : index
        %swap3A_219 = tpu.vector_load %arg24[%swap3A_217, %swap3A_218] {strides = array<i32>} : memref<128x32xf32, #tpu.memory_space<vmem>>, vector<16xf32>,
        tpu.vector_store %arg24[%swap3A_217, %swap3A_218], %mul3A_216 {strides = array<i32>} : memref<128x32xf32, #tpu.memory_space<vmem>>, vector<16xf32>,
        %mul3A_220 = arith.constant 8 : i32
        %mul3A_221 = arith.muli %add3A_139, %mul3A_220 : i32
        %add3A_222 = arith.constant 4 : i32
        %add3A_223 = arith.addi %mul3A_221, %add3A_222 : i32
        %broadcast_in_dim3A_224 = vector.broadcast %add3A_105 : i32 to vector<16xi32>
        %broadcast_in_dim3A_225 = vector.broadcast %add3A_223 : i32 to vector<16xi32>
        %gather3A_226 = tpu.vector_load_idx %arg17[%broadcast_in_dim3A_224, %broadcast_in_dim3A_225] : memref<80x128xf32, #tpu.memory_space<vmem>>[vector<16xi32>, vector<16xi32>], vector<16xf32>,
        %get3A_227 = arith.index_cast %add3A_223 : i32 to index
        %get3A_228 = arith.constant 0 : index
        %get3A_229 = tpu.vector_load %arg24[%get3A_227, %get3A_228] {strides = array<i32>} : memref<128x32xf32, #tpu.memory_space<vmem>>, vector<16xf32>,
        %mul3A_230 = arith.mulf %get3A_229, %gather3A_226 : vector<16xf32>
        %swap3A_231 = arith.index_cast %add3A_223 : i32 to index
        %swap3A_232 = arith.constant 0 : index
        %swap3A_233 = tpu.vector_load %arg24[%swap3A_231, %swap3A_232] {strides = array<i32>} : memref<128x32xf32, #tpu.memory_space<vmem>>, vector<16xf32>,
        tpu.vector_store %arg24[%swap3A_231, %swap3A_232], %mul3A_230 {strides = array<i32>} : memref<128x32xf32, #tpu.memory_space<vmem>>, vector<16xf32>,
        %get3A_234 = arith.index_cast %add3A_223 : i32 to index
        %get3A_235 = arith.constant 16 : index
        %get3A_236 = tpu.vector_load %arg24[%get3A_234, %get3A_235] {strides = array<i32>} : memref<128x32xf32, #tpu.memory_space<vmem>>, vector<16xf32>,
        %mul3A_237 = arith.mulf %get3A_236, %gather3A_226 : vector<16xf32>
        %swap3A_238 = arith.index_cast %add3A_223 : i32 to index
        %swap3A_239 = arith.constant 16 : index
        %swap3A_240 = tpu.vector_load %arg24[%swap3A_238, %swap3A_239] {strides = array<i32>} : memref<128x32xf32, #tpu.memory_space<vmem>>, vector<16xf32>,
        tpu.vector_store %arg24[%swap3A_238, %swap3A_239], %mul3A_237 {strides = array<i32>} : memref<128x32xf32, #tpu.memory_space<vmem>>, vector<16xf32>,
        %mul3A_241 = arith.constant 8 : i32
        %mul3A_242 = arith.muli %add3A_139, %mul3A_241 : i32
        %add3A_243 = arith.constant 5 : i32
        %add3A_244 = arith.addi %mul3A_242, %add3A_243 : i32
        %broadcast_in_dim3A_245 = vector.broadcast %add3A_105 : i32 to vector<16xi32>
        %broadcast_in_dim3A_246 = vector.broadcast %add3A_244 : i32 to vector<16xi32>
        %gather3A_247 = tpu.vector_load_idx %arg17[%broadcast_in_dim3A_245, %broadcast_in_dim3A_246] : memref<80x128xf32, #tpu.memory_space<vmem>>[vector<16xi32>, vector<16xi32>], vector<16xf32>,
        %get3A_248 = arith.index_cast %add3A_244 : i32 to index
        %get3A_249 = arith.constant 0 : index
        %get3A_250 = tpu.vector_load %arg24[%get3A_248, %get3A_249] {strides = array<i32>} : memref<128x32xf32, #tpu.memory_space<vmem>>, vector<16xf32>,
        %mul3A_251 = arith.mulf %get3A_250, %gather3A_247 : vector<16xf32>
        %swap3A_252 = arith.index_cast %add3A_244 : i32 to index
        %swap3A_253 = arith.constant 0 : index
        %swap3A_254 = tpu.vector_load %arg24[%swap3A_252, %swap3A_253] {strides = array<i32>} : memref<128x32xf32, #tpu.memory_space<vmem>>, vector<16xf32>,
        tpu.vector_store %arg24[%swap3A_252, %swap3A_253], %mul3A_251 {strides = array<i32>} : memref<128x32xf32, #tpu.memory_space<vmem>>, vector<16xf32>,
        %get3A_255 = arith.index_cast %add3A_244 : i32 to index
        %get3A_256 = arith.constant 16 : index
        %get3A_257 = tpu.vector_load %arg24[%get3A_255, %get3A_256] {strides = array<i32>} : memref<128x32xf32, #tpu.memory_space<vmem>>, vector<16xf32>,
        %mul3A_258 = arith.mulf %get3A_257, %gather3A_247 : vector<16xf32>
        %swap3A_259 = arith.index_cast %add3A_244 : i32 to index
        %swap3A_260 = arith.constant 16 : index
        %swap3A_261 = tpu.vector_load %arg24[%swap3A_259, %swap3A_260] {strides = array<i32>} : memref<128x32xf32, #tpu.memory_space<vmem>>, vector<16xf32>,
        tpu.vector_store %arg24[%swap3A_259, %swap3A_260], %mul3A_258 {strides = array<i32>} : memref<128x32xf32, #tpu.memory_space<vmem>>, vector<16xf32>,
        %mul3A_262 = arith.constant 8 : i32
        %mul3A_263 = arith.muli %add3A_139, %mul3A_262 : i32
        %add3A_264 = arith.constant 6 : i32
        %add3A_265 = arith.addi %mul3A_263, %add3A_264 : i32
        %broadcast_in_dim3A_266 = vector.broadcast %add3A_105 : i32 to vector<16xi32>
        %broadcast_in_dim3A_267 = vector.broadcast %add3A_265 : i32 to vector<16xi32>
        %gather3A_268 = tpu.vector_load_idx %arg17[%broadcast_in_dim3A_266, %broadcast_in_dim3A_267] : memref<80x128xf32, #tpu.memory_space<vmem>>[vector<16xi32>, vector<16xi32>], vector<16xf32>,
        %get3A_269 = arith.index_cast %add3A_265 : i32 to index
        %get3A_270 = arith.constant 0 : index
        %get3A_271 = tpu.vector_load %arg24[%get3A_269, %get3A_270] {strides = array<i32>} : memref<128x32xf32, #tpu.memory_space<vmem>>, vector<16xf32>,
        %mul3A_272 = arith.mulf %get3A_271, %gather3A_268 : vector<16xf32>
        %swap3A_273 = arith.index_cast %add3A_265 : i32 to index
        %swap3A_274 = arith.constant 0 : index
        %swap3A_275 = tpu.vector_load %arg24[%swap3A_273, %swap3A_274] {strides = array<i32>} : memref<128x32xf32, #tpu.memory_space<vmem>>, vector<16xf32>,
        tpu.vector_store %arg24[%swap3A_273, %swap3A_274], %mul3A_272 {strides = array<i32>} : memref<128x32xf32, #tpu.memory_space<vmem>>, vector<16xf32>,
        %get3A_276 = arith.index_cast %add3A_265 : i32 to index
        %get3A_277 = arith.constant 16 : index
        %get3A_278 = tpu.vector_load %arg24[%get3A_276, %get3A_277] {strides = array<i32>} : memref<128x32xf32, #tpu.memory_space<vmem>>, vector<16xf32>,
        %mul3A_279 = arith.mulf %get3A_278, %gather3A_268 : vector<16xf32>
        %swap3A_280 = arith.index_cast %add3A_265 : i32 to index
        %swap3A_281 = arith.constant 16 : index
        %swap3A_282 = tpu.vector_load %arg24[%swap3A_280, %swap3A_281] {strides = array<i32>} : memref<128x32xf32, #tpu.memory_space<vmem>>, vector<16xf32>,
        tpu.vector_store %arg24[%swap3A_280, %swap3A_281], %mul3A_279 {strides = array<i32>} : memref<128x32xf32, #tpu.memory_space<vmem>>, vector<16xf32>,
        %mul3A_283 = arith.constant 8 : i32
        %mul3A_284 = arith.muli %add3A_139, %mul3A_283 : i32
        %add3A_285 = arith.constant 7 : i32
        %add3A_286 = arith.addi %mul3A_284, %add3A_285 : i32
        %broadcast_in_dim3A_287 = vector.broadcast %add3A_105 : i32 to vector<16xi32>
        %broadcast_in_dim3A_288 = vector.broadcast %add3A_286 : i32 to vector<16xi32>
        %gather3A_289 = tpu.vector_load_idx %arg17[%broadcast_in_dim3A_287, %broadcast_in_dim3A_288] : memref<80x128xf32, #tpu.memory_space<vmem>>[vector<16xi32>, vector<16xi32>], vector<16xf32>,
        %get3A_290 = arith.index_cast %add3A_286 : i32 to index
        %get3A_291 = arith.constant 0 : index
        %get3A_292 = tpu.vector_load %arg24[%get3A_290, %get3A_291] {strides = array<i32>} : memref<128x32xf32, #tpu.memory_space<vmem>>, vector<16xf32>,
        %mul3A_293 = arith.mulf %get3A_292, %gather3A_289 : vector<16xf32>
        %swap3A_294 = arith.index_cast %add3A_286 : i32 to index
        %swap3A_295 = arith.constant 0 : index
        %swap3A_296 = tpu.vector_load %arg24[%swap3A_294, %swap3A_295] {strides = array<i32>} : memref<128x32xf32, #tpu.memory_space<vmem>>, vector<16xf32>,
        tpu.vector_store %arg24[%swap3A_294, %swap3A_295], %mul3A_293 {strides = array<i32>} : memref<128x32xf32, #tpu.memory_space<vmem>>, vector<16xf32>,
        %get3A_297 = arith.index_cast %add3A_286 : i32 to index
        %get3A_298 = arith.constant 16 : index
        %get3A_299 = tpu.vector_load %arg24[%get3A_297, %get3A_298] {strides = array<i32>} : memref<128x32xf32, #tpu.memory_space<vmem>>, vector<16xf32>,
        %mul3A_300 = arith.mulf %get3A_299, %gather3A_289 : vector<16xf32>
        %swap3A_301 = arith.index_cast %add3A_286 : i32 to index
        %swap3A_302 = arith.constant 16 : index
        %swap3A_303 = tpu.vector_load %arg24[%swap3A_301, %swap3A_302] {strides = array<i32>} : memref<128x32xf32, #tpu.memory_space<vmem>>, vector<16xf32>,
        tpu.vector_store %arg24[%swap3A_301, %swap3A_302], %mul3A_300 {strides = array<i32>} : memref<128x32xf32, #tpu.memory_space<vmem>>, vector<16xf32>,
      }
      %scan3A_128 = arith.constant 16 : i32
      "tpu.region"() ({
        %run_scoped3A = tpu.sem_alloc : memref<!tpu.dma_semaphore, #tpu.memory_space<semaphore_mem>>
        %dma_start3A_135 = arith.constant 0 : i32
        %dma_start3A_136 = tpu.memref_slice %arg16[%add3A_105, %dma_start3A_135] : memref<80x128xi32, #tpu.memory_space<vmem>> -> memref<1x128xi32, #tpu.memory_space<vmem>>
        %dma_start3A_137 = tpu.memref_squeeze %dma_start3A_136 : memref<1x128xi32, #tpu.memory_space<vmem>> -> memref<128xi32, #tpu.memory_space<vmem>>
        %dma_start3A_138 = arith.constant 0 : i32
        %dma_start3A_139 = arith.constant 0 : i32
        %dma_start3A_140 = tpu.memref_slice %arg25[%dma_start3A_138, %dma_start3A_139] : memref<10000x32xf32, #tpu.memory_space<vmem_shared>> -> memref<10000x32xf32, #tpu.memory_space<vmem_shared>>
        tpu.enqueue_indirect_dma source(%arg24 : memref<128x32xf32, #tpu.memory_space<vmem>>) target(%dma_start3A_140 : memref<10000x32xf32, #tpu.memory_space<vmem_shared>>) offsets(%dma_start3A_137 : memref<128xi32, #tpu.memory_space<vmem>>) semaphore(%run_scoped3A : memref<!tpu.dma_semaphore, #tpu.memory_space<semaphore_mem>>) {add = true}
        %dma_wait3A_141 = arith.constant 0 : i32
        %dma_wait3A_142 = tpu.memref_slice %arg16[%add3A_105, %dma_wait3A_141] : memref<80x128xi32, #tpu.memory_space<vmem>> -> memref<1x128xi32, #tpu.memory_space<vmem>>
        %dma_wait3A_143 = tpu.memref_squeeze %dma_wait3A_142 : memref<1x128xi32, #tpu.memory_space<vmem>> -> memref<128xi32, #tpu.memory_space<vmem>>
        %dma_wait3A_144 = arith.constant 0 : i32
        %dma_wait3A_145 = arith.constant 0 : i32
        %dma_wait3A_146 = tpu.memref_slice %arg25[%dma_wait3A_144, %dma_wait3A_145] : memref<10000x32xf32, #tpu.memory_space<vmem_shared>> -> memref<10000x32xf32, #tpu.memory_space<vmem_shared>>
        tpu.wait_indirect_dma semaphore(%run_scoped3A : memref<!tpu.dma_semaphore, #tpu.memory_space<semaphore_mem>>) src(%arg24 : memref<128x32xf32, #tpu.memory_space<vmem>>) dst(%dma_wait3A_146 : memref<10000x32xf32, #tpu.memory_space<vmem_shared>>)
        tpu.yield
      }) : () -> ()
      %add3A_129 = arith.constant 2 : i32
      %add3A_130 = arith.addi %add3A_105, %add3A_129 : i32
      %lt3A_131 = arith.cmpi slt, %add3A_130, %select_n3A : i32
      %convert_element_type3A_132 = arith.extui %lt3A_131 : i1 to i32
      %cond3A_133 = arith.constant 0 : i32
      %cond3A_134 = arith.cmpi ne, %convert_element_type3A_132, %cond3A_133 : i32
      scf.if %cond3A_134 {
        %add3A_135 = arith.constant 2 : i32
        %add3A_136 = arith.addi %add3A_105, %add3A_135 : i32
        %dma_start3A_137 = arith.constant 0 : i32
        %dma_start3A_138 = tpu.memref_slice %arg15[%add3A_136, %dma_start3A_137] : memref<80x128xi32, #tpu.memory_space<vmem>> -> memref<1x128xi32, #tpu.memory_space<vmem>>
        %dma_start3A_139 = tpu.memref_squeeze %dma_start3A_138 : memref<1x128xi32, #tpu.memory_space<vmem>> -> memref<128xi32, #tpu.memory_space<vmem>>
        %dma_start3A_140 = arith.constant 0 : i32
        %dma_start3A_141 = arith.constant 0 : i32
        %dma_start3A_142 = tpu.memref_slice %arg10[%dma_start3A_140, %dma_start3A_141] : memref<10000x32xf32, #tpu.memory_space<hbm>> -> memref<10000x32xf32, #tpu.memory_space<hbm>>
        tpu.enqueue_indirect_dma source(%dma_start3A_142 : memref<10000x32xf32, #tpu.memory_space<hbm>>) target(%arg24 : memref<128x32xf32, #tpu.memory_space<vmem>>) offsets(%dma_start3A_139 : memref<128xi32, #tpu.memory_space<vmem>>) semaphore(%arg28 : memref<!tpu.dma_semaphore, #tpu.memory_space<semaphore_mem>>)
      } else {
      }
    }
    %while3A_93 = arith.constant 1 : i32
    scf.for %while3A_99 = %while3A_91 to %while3A_87 step %while3A_93  : i32 {
      %mul3A_100 = arith.muli %while3A_99, %while3A_83 : i32
      %add3A_101 = arith.addi %while3A_84, %mul3A_100 : i32
      %mul3A_102 = arith.constant 2 : i32
      %mul3A_103 = arith.muli %add3A_101, %mul3A_102 : i32
      %add3A_104 = arith.constant 1 : i32
      %add3A_105 = arith.addi %mul3A_103, %add3A_104 : i32
      %dma_wait3A = arith.constant 0 : i32
      %dma_wait3A_106 = tpu.memref_slice %arg15[%mul3A_103, %dma_wait3A] : memref<80x128xi32, #tpu.memory_space<vmem>> -> memref<1x128xi32, #tpu.memory_space<vmem>>
      %dma_wait3A_107 = tpu.memref_squeeze %dma_wait3A_106 : memref<1x128xi32, #tpu.memory_space<vmem>> -> memref<128xi32, #tpu.memory_space<vmem>>
      %dma_wait3A_108 = arith.constant 0 : i32
      %dma_wait3A_109 = arith.constant 0 : i32
      %dma_wait3A_110 = tpu.memref_slice %arg10[%dma_wait3A_108, %dma_wait3A_109] : memref<10000x32xf32, #tpu.memory_space<hbm>> -> memref<10000x32xf32, #tpu.memory_space<hbm>>
      tpu.wait_indirect_dma semaphore(%arg27 : memref<!tpu.dma_semaphore, #tpu.memory_space<semaphore_mem>>) src(%dma_wait3A_110 : memref<10000x32xf32, #tpu.memory_space<hbm>>) dst(%arg23 : memref<128x32xf32, #tpu.memory_space<vmem>>)
      %scan3A = arith.constant 0 : i32
      %scan3A_111 = arith.constant 16 : i32
      %scan3A_112 = arith.addi %scan3A, %scan3A_111 : i32
      %scan3A_113 = arith.constant 1 : i32
      scf.for %scan3A_135 = %scan3A to %scan3A_112 step %scan3A_113  : i32 {
        %mul3A_136 = arith.constant 1 : i32
        %mul3A_137 = arith.muli %scan3A_135, %mul3A_136 : i32
        %add3A_138 = arith.constant 0 : i32
        %add3A_139 = arith.addi %add3A_138, %mul3A_137 : i32
        %mul3A_140 = arith.constant 8 : i32
        %mul3A_141 = arith.muli %add3A_139, %mul3A_140 : i32
        %add3A_142 = arith.constant 0 : i32
        %add3A_143 = arith.addi %mul3A_141, %add3A_142 : i32
        %broadcast_in_dim3A = vector.broadcast %mul3A_103 : i32 to vector<16xi32>
        %broadcast_in_dim3A_144 = vector.broadcast %add3A_143 : i32 to vector<16xi32>
        %gather3A = tpu.vector_load_idx %arg17[%broadcast_in_dim3A, %broadcast_in_dim3A_144] : memref<80x128xf32, #tpu.memory_space<vmem>>[vector<16xi32>, vector<16xi32>], vector<16xf32>,
        %get3A = arith.index_cast %add3A_143 : i32 to index
        %get3A_145 = arith.constant 0 : index
        %get3A_146 = tpu.vector_load %arg23[%get3A, %get3A_145] {strides = array<i32>} : memref<128x32xf32, #tpu.memory_space<vmem>>, vector<16xf32>,
        %mul3A_147 = arith.mulf %get3A_146, %gather3A : vector<16xf32>
        %swap3A = arith.index_cast %add3A_143 : i32 to index
        %swap3A_148 = arith.constant 0 : index
        %swap3A_149 = tpu.vector_load %arg23[%swap3A, %swap3A_148] {strides = array<i32>} : memref<128x32xf32, #tpu.memory_space<vmem>>, vector<16xf32>,
        tpu.vector_store %arg23[%swap3A, %swap3A_148], %mul3A_147 {strides = array<i32>} : memref<128x32xf32, #tpu.memory_space<vmem>>, vector<16xf32>,
        %get3A_150 = arith.index_cast %add3A_143 : i32 to index
        %get3A_151 = arith.constant 16 : index
        %get3A_152 = tpu.vector_load %arg23[%get3A_150, %get3A_151] {strides = array<i32>} : memref<128x32xf32, #tpu.memory_space<vmem>>, vector<16xf32>,
        %mul3A_153 = arith.mulf %get3A_152, %gather3A : vector<16xf32>
        %swap3A_154 = arith.index_cast %add3A_143 : i32 to index
        %swap3A_155 = arith.constant 16 : index
        %swap3A_156 = tpu.vector_load %arg23[%swap3A_154, %swap3A_155] {strides = array<i32>} : memref<128x32xf32, #tpu.memory_space<vmem>>, vector<16xf32>,
        tpu.vector_store %arg23[%swap3A_154, %swap3A_155], %mul3A_153 {strides = array<i32>} : memref<128x32xf32, #tpu.memory_space<vmem>>, vector<16xf32>,
        %mul3A_157 = arith.constant 8 : i32
        %mul3A_158 = arith.muli %add3A_139, %mul3A_157 : i32
        %add3A_159 = arith.constant 1 : i32
        %add3A_160 = arith.addi %mul3A_158, %add3A_159 : i32
        %broadcast_in_dim3A_161 = vector.broadcast %mul3A_103 : i32 to vector<16xi32>
        %broadcast_in_dim3A_162 = vector.broadcast %add3A_160 : i32 to vector<16xi32>
        %gather3A_163 = tpu.vector_load_idx %arg17[%broadcast_in_dim3A_161, %broadcast_in_dim3A_162] : memref<80x128xf32, #tpu.memory_space<vmem>>[vector<16xi32>, vector<16xi32>], vector<16xf32>,
        %get3A_164 = arith.index_cast %add3A_160 : i32 to index
        %get3A_165 = arith.constant 0 : index
        %get3A_166 = tpu.vector_load %arg23[%get3A_164, %get3A_165] {strides = array<i32>} : memref<128x32xf32, #tpu.memory_space<vmem>>, vector<16xf32>,
        %mul3A_167 = arith.mulf %get3A_166, %gather3A_163 : vector<16xf32>
        %swap3A_168 = arith.index_cast %add3A_160 : i32 to index
        %swap3A_169 = arith.constant 0 : index
        %swap3A_170 = tpu.vector_load %arg23[%swap3A_168, %swap3A_169] {strides = array<i32>} : memref<128x32xf32, #tpu.memory_space<vmem>>, vector<16xf32>,
        tpu.vector_store %arg23[%swap3A_168, %swap3A_169], %mul3A_167 {strides = array<i32>} : memref<128x32xf32, #tpu.memory_space<vmem>>, vector<16xf32>,
        %get3A_171 = arith.index_cast %add3A_160 : i32 to index
        %get3A_172 = arith.constant 16 : index
        %get3A_173 = tpu.vector_load %arg23[%get3A_171, %get3A_172] {strides = array<i32>} : memref<128x32xf32, #tpu.memory_space<vmem>>, vector<16xf32>,
        %mul3A_174 = arith.mulf %get3A_173, %gather3A_163 : vector<16xf32>
        %swap3A_175 = arith.index_cast %add3A_160 : i32 to index
        %swap3A_176 = arith.constant 16 : index
        %swap3A_177 = tpu.vector_load %arg23[%swap3A_175, %swap3A_176] {strides = array<i32>} : memref<128x32xf32, #tpu.memory_space<vmem>>, vector<16xf32>,
        tpu.vector_store %arg23[%swap3A_175, %swap3A_176], %mul3A_174 {strides = array<i32>} : memref<128x32xf32, #tpu.memory_space<vmem>>, vector<16xf32>,
        %mul3A_178 = arith.constant 8 : i32
        %mul3A_179 = arith.muli %add3A_139, %mul3A_178 : i32
        %add3A_180 = arith.constant 2 : i32
        %add3A_181 = arith.addi %mul3A_179, %add3A_180 : i32
        %broadcast_in_dim3A_182 = vector.broadcast %mul3A_103 : i32 to vector<16xi32>
        %broadcast_in_dim3A_183 = vector.broadcast %add3A_181 : i32 to vector<16xi32>
        %gather3A_184 = tpu.vector_load_idx %arg17[%broadcast_in_dim3A_182, %broadcast_in_dim3A_183] : memref<80x128xf32, #tpu.memory_space<vmem>>[vector<16xi32>, vector<16xi32>], vector<16xf32>,
        %get3A_185 = arith.index_cast %add3A_181 : i32 to index
        %get3A_186 = arith.constant 0 : index
        %get3A_187 = tpu.vector_load %arg23[%get3A_185, %get3A_186] {strides = array<i32>} : memref<128x32xf32, #tpu.memory_space<vmem>>, vector<16xf32>,
        %mul3A_188 = arith.mulf %get3A_187, %gather3A_184 : vector<16xf32>
        %swap3A_189 = arith.index_cast %add3A_181 : i32 to index
        %swap3A_190 = arith.constant 0 : index
        %swap3A_191 = tpu.vector_load %arg23[%swap3A_189, %swap3A_190] {strides = array<i32>} : memref<128x32xf32, #tpu.memory_space<vmem>>, vector<16xf32>,
        tpu.vector_store %arg23[%swap3A_189, %swap3A_190], %mul3A_188 {strides = array<i32>} : memref<128x32xf32, #tpu.memory_space<vmem>>, vector<16xf32>,
        %get3A_192 = arith.index_cast %add3A_181 : i32 to index
        %get3A_193 = arith.constant 16 : index
        %get3A_194 = tpu.vector_load %arg23[%get3A_192, %get3A_193] {strides = array<i32>} : memref<128x32xf32, #tpu.memory_space<vmem>>, vector<16xf32>,
        %mul3A_195 = arith.mulf %get3A_194, %gather3A_184 : vector<16xf32>
        %swap3A_196 = arith.index_cast %add3A_181 : i32 to index
        %swap3A_197 = arith.constant 16 : index
        %swap3A_198 = tpu.vector_load %arg23[%swap3A_196, %swap3A_197] {strides = array<i32>} : memref<128x32xf32, #tpu.memory_space<vmem>>, vector<16xf32>,
        tpu.vector_store %arg23[%swap3A_196, %swap3A_197], %mul3A_195 {strides = array<i32>} : memref<128x32xf32, #tpu.memory_space<vmem>>, vector<16xf32>,
        %mul3A_199 = arith.constant 8 : i32
        %mul3A_200 = arith.muli %add3A_139, %mul3A_199 : i32
        %add3A_201 = arith.constant 3 : i32
        %add3A_202 = arith.addi %mul3A_200, %add3A_201 : i32
        %broadcast_in_dim3A_203 = vector.broadcast %mul3A_103 : i32 to vector<16xi32>
        %broadcast_in_dim3A_204 = vector.broadcast %add3A_202 : i32 to vector<16xi32>
        %gather3A_205 = tpu.vector_load_idx %arg17[%broadcast_in_dim3A_203, %broadcast_in_dim3A_204] : memref<80x128xf32, #tpu.memory_space<vmem>>[vector<16xi32>, vector<16xi32>], vector<16xf32>,
        %get3A_206 = arith.index_cast %add3A_202 : i32 to index
        %get3A_207 = arith.constant 0 : index
        %get3A_208 = tpu.vector_load %arg23[%get3A_206, %get3A_207] {strides = array<i32>} : memref<128x32xf32, #tpu.memory_space<vmem>>, vector<16xf32>,
        %mul3A_209 = arith.mulf %get3A_208, %gather3A_205 : vector<16xf32>
        %swap3A_210 = arith.index_cast %add3A_202 : i32 to index
        %swap3A_211 = arith.constant 0 : index
        %swap3A_212 = tpu.vector_load %arg23[%swap3A_210, %swap3A_211] {strides = array<i32>} : memref<128x32xf32, #tpu.memory_space<vmem>>, vector<16xf32>,
        tpu.vector_store %arg23[%swap3A_210, %swap3A_211], %mul3A_209 {strides = array<i32>} : memref<128x32xf32, #tpu.memory_space<vmem>>, vector<16xf32>,
        %get3A_213 = arith.index_cast %add3A_202 : i32 to index
        %get3A_214 = arith.constant 16 : index
        %get3A_215 = tpu.vector_load %arg23[%get3A_213, %get3A_214] {strides = array<i32>} : memref<128x32xf32, #tpu.memory_space<vmem>>, vector<16xf32>,
        %mul3A_216 = arith.mulf %get3A_215, %gather3A_205 : vector<16xf32>
        %swap3A_217 = arith.index_cast %add3A_202 : i32 to index
        %swap3A_218 = arith.constant 16 : index
        %swap3A_219 = tpu.vector_load %arg23[%swap3A_217, %swap3A_218] {strides = array<i32>} : memref<128x32xf32, #tpu.memory_space<vmem>>, vector<16xf32>,
        tpu.vector_store %arg23[%swap3A_217, %swap3A_218], %mul3A_216 {strides = array<i32>} : memref<128x32xf32, #tpu.memory_space<vmem>>, vector<16xf32>,
        %mul3A_220 = arith.constant 8 : i32
        %mul3A_221 = arith.muli %add3A_139, %mul3A_220 : i32
        %add3A_222 = arith.constant 4 : i32
        %add3A_223 = arith.addi %mul3A_221, %add3A_222 : i32
        %broadcast_in_dim3A_224 = vector.broadcast %mul3A_103 : i32 to vector<16xi32>
        %broadcast_in_dim3A_225 = vector.broadcast %add3A_223 : i32 to vector<16xi32>
        %gather3A_226 = tpu.vector_load_idx %arg17[%broadcast_in_dim3A_224, %broadcast_in_dim3A_225] : memref<80x128xf32, #tpu.memory_space<vmem>>[vector<16xi32>, vector<16xi32>], vector<16xf32>,
        %get3A_227 = arith.index_cast %add3A_223 : i32 to index
        %get3A_228 = arith.constant 0 : index
        %get3A_229 = tpu.vector_load %arg23[%get3A_227, %get3A_228] {strides = array<i32>} : memref<128x32xf32, #tpu.memory_space<vmem>>, vector<16xf32>,
        %mul3A_230 = arith.mulf %get3A_229, %gather3A_226 : vector<16xf32>
        %swap3A_231 = arith.index_cast %add3A_223 : i32 to index
        %swap3A_232 = arith.constant 0 : index
        %swap3A_233 = tpu.vector_load %arg23[%swap3A_231, %swap3A_232] {strides = array<i32>} : memref<128x32xf32, #tpu.memory_space<vmem>>, vector<16xf32>,
        tpu.vector_store %arg23[%swap3A_231, %swap3A_232], %mul3A_230 {strides = array<i32>} : memref<128x32xf32, #tpu.memory_space<vmem>>, vector<16xf32>,
        %get3A_234 = arith.index_cast %add3A_223 : i32 to index
        %get3A_235 = arith.constant 16 : index
        %get3A_236 = tpu.vector_load %arg23[%get3A_234, %get3A_235] {strides = array<i32>} : memref<128x32xf32, #tpu.memory_space<vmem>>, vector<16xf32>,
        %mul3A_237 = arith.mulf %get3A_236, %gather3A_226 : vector<16xf32>
        %swap3A_238 = arith.index_cast %add3A_223 : i32 to index
        %swap3A_239 = arith.constant 16 : index
        %swap3A_240 = tpu.vector_load %arg23[%swap3A_238, %swap3A_239] {strides = array<i32>} : memref<128x32xf32, #tpu.memory_space<vmem>>, vector<16xf32>,
        tpu.vector_store %arg23[%swap3A_238, %swap3A_239], %mul3A_237 {strides = array<i32>} : memref<128x32xf32, #tpu.memory_space<vmem>>, vector<16xf32>,
        %mul3A_241 = arith.constant 8 : i32
        %mul3A_242 = arith.muli %add3A_139, %mul3A_241 : i32
        %add3A_243 = arith.constant 5 : i32
        %add3A_244 = arith.addi %mul3A_242, %add3A_243 : i32
        %broadcast_in_dim3A_245 = vector.broadcast %mul3A_103 : i32 to vector<16xi32>
        %broadcast_in_dim3A_246 = vector.broadcast %add3A_244 : i32 to vector<16xi32>
        %gather3A_247 = tpu.vector_load_idx %arg17[%broadcast_in_dim3A_245, %broadcast_in_dim3A_246] : memref<80x128xf32, #tpu.memory_space<vmem>>[vector<16xi32>, vector<16xi32>], vector<16xf32>,
        %get3A_248 = arith.index_cast %add3A_244 : i32 to index
        %get3A_249 = arith.constant 0 : index
        %get3A_250 = tpu.vector_load %arg23[%get3A_248, %get3A_249] {strides = array<i32>} : memref<128x32xf32, #tpu.memory_space<vmem>>, vector<16xf32>,
        %mul3A_251 = arith.mulf %get3A_250, %gather3A_247 : vector<16xf32>
        %swap3A_252 = arith.index_cast %add3A_244 : i32 to index
        %swap3A_253 = arith.constant 0 : index
        %swap3A_254 = tpu.vector_load %arg23[%swap3A_252, %swap3A_253] {strides = array<i32>} : memref<128x32xf32, #tpu.memory_space<vmem>>, vector<16xf32>,
        tpu.vector_store %arg23[%swap3A_252, %swap3A_253], %mul3A_251 {strides = array<i32>} : memref<128x32xf32, #tpu.memory_space<vmem>>, vector<16xf32>,
        %get3A_255 = arith.index_cast %add3A_244 : i32 to index
        %get3A_256 = arith.constant 16 : index
        %get3A_257 = tpu.vector_load %arg23[%get3A_255, %get3A_256] {strides = array<i32>} : memref<128x32xf32, #tpu.memory_space<vmem>>, vector<16xf32>,
        %mul3A_258 = arith.mulf %get3A_257, %gather3A_247 : vector<16xf32>
        %swap3A_259 = arith.index_cast %add3A_244 : i32 to index
        %swap3A_260 = arith.constant 16 : index
        %swap3A_261 = tpu.vector_load %arg23[%swap3A_259, %swap3A_260] {strides = array<i32>} : memref<128x32xf32, #tpu.memory_space<vmem>>, vector<16xf32>,
        tpu.vector_store %arg23[%swap3A_259, %swap3A_260], %mul3A_258 {strides = array<i32>} : memref<128x32xf32, #tpu.memory_space<vmem>>, vector<16xf32>,
        %mul3A_262 = arith.constant 8 : i32
        %mul3A_263 = arith.muli %add3A_139, %mul3A_262 : i32
        %add3A_264 = arith.constant 6 : i32
        %add3A_265 = arith.addi %mul3A_263, %add3A_264 : i32
        %broadcast_in_dim3A_266 = vector.broadcast %mul3A_103 : i32 to vector<16xi32>
        %broadcast_in_dim3A_267 = vector.broadcast %add3A_265 : i32 to vector<16xi32>
        %gather3A_268 = tpu.vector_load_idx %arg17[%broadcast_in_dim3A_266, %broadcast_in_dim3A_267] : memref<80x128xf32, #tpu.memory_space<vmem>>[vector<16xi32>, vector<16xi32>], vector<16xf32>,
        %get3A_269 = arith.index_cast %add3A_265 : i32 to index
        %get3A_270 = arith.constant 0 : index
        %get3A_271 = tpu.vector_load %arg23[%get3A_269, %get3A_270] {strides = array<i32>} : memref<128x32xf32, #tpu.memory_space<vmem>>, vector<16xf32>,
        %mul3A_272 = arith.mulf %get3A_271, %gather3A_268 : vector<16xf32>
        %swap3A_273 = arith.index_cast %add3A_265 : i32 to index
        %swap3A_274 = arith.constant 0 : index
        %swap3A_275 = tpu.vector_load %arg23[%swap3A_273, %swap3A_274] {strides = array<i32>} : memref<128x32xf32, #tpu.memory_space<vmem>>, vector<16xf32>,
        tpu.vector_store %arg23[%swap3A_273, %swap3A_274], %mul3A_272 {strides = array<i32>} : memref<128x32xf32, #tpu.memory_space<vmem>>, vector<16xf32>,
        %get3A_276 = arith.index_cast %add3A_265 : i32 to index
        %get3A_277 = arith.constant 16 : index
        %get3A_278 = tpu.vector_load %arg23[%get3A_276, %get3A_277] {strides = array<i32>} : memref<128x32xf32, #tpu.memory_space<vmem>>, vector<16xf32>,
        %mul3A_279 = arith.mulf %get3A_278, %gather3A_268 : vector<16xf32>
        %swap3A_280 = arith.index_cast %add3A_265 : i32 to index
        %swap3A_281 = arith.constant 16 : index
        %swap3A_282 = tpu.vector_load %arg23[%swap3A_280, %swap3A_281] {strides = array<i32>} : memref<128x32xf32, #tpu.memory_space<vmem>>, vector<16xf32>,
        tpu.vector_store %arg23[%swap3A_280, %swap3A_281], %mul3A_279 {strides = array<i32>} : memref<128x32xf32, #tpu.memory_space<vmem>>, vector<16xf32>,
        %mul3A_283 = arith.constant 8 : i32
        %mul3A_284 = arith.muli %add3A_139, %mul3A_283 : i32
        %add3A_285 = arith.constant 7 : i32
        %add3A_286 = arith.addi %mul3A_284, %add3A_285 : i32
        %broadcast_in_dim3A_287 = vector.broadcast %mul3A_103 : i32 to vector<16xi32>
        %broadcast_in_dim3A_288 = vector.broadcast %add3A_286 : i32 to vector<16xi32>
        %gather3A_289 = tpu.vector_load_idx %arg17[%broadcast_in_dim3A_287, %broadcast_in_dim3A_288] : memref<80x128xf32, #tpu.memory_space<vmem>>[vector<16xi32>, vector<16xi32>], vector<16xf32>,
        %get3A_290 = arith.index_cast %add3A_286 : i32 to index
        %get3A_291 = arith.constant 0 : index
        %get3A_292 = tpu.vector_load %arg23[%get3A_290, %get3A_291] {strides = array<i32>} : memref<128x32xf32, #tpu.memory_space<vmem>>, vector<16xf32>,
        %mul3A_293 = arith.mulf %get3A_292, %gather3A_289 : vector<16xf32>
        %swap3A_294 = arith.index_cast %add3A_286 : i32 to index
        %swap3A_295 = arith.constant 0 : index
        %swap3A_296 = tpu.vector_load %arg23[%swap3A_294, %swap3A_295] {strides = array<i32>} : memref<128x32xf32, #tpu.memory_space<vmem>>, vector<16xf32>,
        tpu.vector_store %arg23[%swap3A_294, %swap3A_295], %mul3A_293 {strides = array<i32>} : memref<128x32xf32, #tpu.memory_space<vmem>>, vector<16xf32>,
        %get3A_297 = arith.index_cast %add3A_286 : i32 to index
        %get3A_298 = arith.constant 16 : index
        %get3A_299 = tpu.vector_load %arg23[%get3A_297, %get3A_298] {strides = array<i32>} : memref<128x32xf32, #tpu.memory_space<vmem>>, vector<16xf32>,
        %mul3A_300 = arith.mulf %get3A_299, %gather3A_289 : vector<16xf32>
        %swap3A_301 = arith.index_cast %add3A_286 : i32 to index
        %swap3A_302 = arith.constant 16 : index
        %swap3A_303 = tpu.vector_load %arg23[%swap3A_301, %swap3A_302] {strides = array<i32>} : memref<128x32xf32, #tpu.memory_space<vmem>>, vector<16xf32>,
        tpu.vector_store %arg23[%swap3A_301, %swap3A_302], %mul3A_300 {strides = array<i32>} : memref<128x32xf32, #tpu.memory_space<vmem>>, vector<16xf32>,
      }
      %scan3A_114 = arith.constant 16 : i32
      "tpu.region"() ({
        %run_scoped3A = tpu.sem_alloc : memref<!tpu.dma_semaphore, #tpu.memory_space<semaphore_mem>>
        %dma_start3A_135 = arith.constant 0 : i32
        %dma_start3A_136 = tpu.memref_slice %arg16[%mul3A_103, %dma_start3A_135] : memref<80x128xi32, #tpu.memory_space<vmem>> -> memref<1x128xi32, #tpu.memory_space<vmem>>
        %dma_start3A_137 = tpu.memref_squeeze %dma_start3A_136 : memref<1x128xi32, #tpu.memory_space<vmem>> -> memref<128xi32, #tpu.memory_space<vmem>>
        %dma_start3A_138 = arith.constant 0 : i32
        %dma_start3A_139 = arith.constant 0 : i32
        %dma_start3A_140 = tpu.memref_slice %arg25[%dma_start3A_138, %dma_start3A_139] : memref<10000x32xf32, #tpu.memory_space<vmem_shared>> -> memref<10000x32xf32, #tpu.memory_space<vmem_shared>>
        tpu.enqueue_indirect_dma source(%arg23 : memref<128x32xf32, #tpu.memory_space<vmem>>) target(%dma_start3A_140 : memref<10000x32xf32, #tpu.memory_space<vmem_shared>>) offsets(%dma_start3A_137 : memref<128xi32, #tpu.memory_space<vmem>>) semaphore(%run_scoped3A : memref<!tpu.dma_semaphore, #tpu.memory_space<semaphore_mem>>) {add = true}
        %dma_wait3A_141 = arith.constant 0 : i32
        %dma_wait3A_142 = tpu.memref_slice %arg16[%mul3A_103, %dma_wait3A_141] : memref<80x128xi32, #tpu.memory_space<vmem>> -> memref<1x128xi32, #tpu.memory_space<vmem>>
        %dma_wait3A_143 = tpu.memref_squeeze %dma_wait3A_142 : memref<1x128xi32, #tpu.memory_space<vmem>> -> memref<128xi32, #tpu.memory_space<vmem>>
        %dma_wait3A_144 = arith.constant 0 : i32
        %dma_wait3A_145 = arith.constant 0 : i32
        %dma_wait3A_146 = tpu.memref_slice %arg25[%dma_wait3A_144, %dma_wait3A_145] : memref<10000x32xf32, #tpu.memory_space<vmem_shared>> -> memref<10000x32xf32, #tpu.memory_space<vmem_shared>>
        tpu.wait_indirect_dma semaphore(%run_scoped3A : memref<!tpu.dma_semaphore, #tpu.memory_space<semaphore_mem>>) src(%arg23 : memref<128x32xf32, #tpu.memory_space<vmem>>) dst(%dma_wait3A_146 : memref<10000x32xf32, #tpu.memory_space<vmem_shared>>)
        tpu.yield
      }) : () -> ()
      %add3A_115 = arith.constant 2 : i32
      %add3A_116 = arith.addi %mul3A_103, %add3A_115 : i32
      %lt3A = arith.cmpi slt, %add3A_116, %select_n3A : i32
      %convert_element_type3A = arith.extui %lt3A : i1 to i32
      %cond3A = arith.constant 0 : i32
      %cond3A_117 = arith.cmpi ne, %convert_element_type3A, %cond3A : i32
      scf.if %cond3A_117 {
        %add3A_135 = arith.constant 2 : i32
        %add3A_136 = arith.addi %mul3A_103, %add3A_135 : i32
        %dma_start3A_137 = arith.constant 0 : i32
        %dma_start3A_138 = tpu.memref_slice %arg15[%add3A_136, %dma_start3A_137] : memref<80x128xi32, #tpu.memory_space<vmem>> -> memref<1x128xi32, #tpu.memory_space<vmem>>
        %dma_start3A_139 = tpu.memref_squeeze %dma_start3A_138 : memref<1x128xi32, #tpu.memory_space<vmem>> -> memref<128xi32, #tpu.memory_space<vmem>>
        %dma_start3A_140 = arith.constant 0 : i32
        %dma_start3A_141 = arith.constant 0 : i32
        %dma_start3A_142 = tpu.memref_slice %arg10[%dma_start3A_140, %dma_start3A_141] : memref<10000x32xf32, #tpu.memory_space<hbm>> -> memref<10000x32xf32, #tpu.memory_space<hbm>>
        tpu.enqueue_indirect_dma source(%dma_start3A_142 : memref<10000x32xf32, #tpu.memory_space<hbm>>) target(%arg23 : memref<128x32xf32, #tpu.memory_space<vmem>>) offsets(%dma_start3A_139 : memref<128xi32, #tpu.memory_space<vmem>>) semaphore(%arg27 : memref<!tpu.dma_semaphore, #tpu.memory_space<semaphore_mem>>)
      } else {
      }
      %dma_wait3A_118 = arith.constant 0 : i32
      %dma_wait3A_119 = tpu.memref_slice %arg15[%add3A_105, %dma_wait3A_118] : memref<80x128xi32, #tpu.memory_space<vmem>> -> memref<1x128xi32, #tpu.memory_space<vmem>>
      %dma_wait3A_120 = tpu.memref_squeeze %dma_wait3A_119 : memref<1x128xi32, #tpu.memory_space<vmem>> -> memref<128xi32, #tpu.memory_space<vmem>>
      %dma_wait3A_121 = arith.constant 0 : i32
      %dma_wait3A_122 = arith.constant 0 : i32
      %dma_wait3A_123 = tpu.memref_slice %arg10[%dma_wait3A_121, %dma_wait3A_122] : memref<10000x32xf32, #tpu.memory_space<hbm>> -> memref<10000x32xf32, #tpu.memory_space<hbm>>
      tpu.wait_indirect_dma semaphore(%arg28 : memref<!tpu.dma_semaphore, #tpu.memory_space<semaphore_mem>>) src(%dma_wait3A_123 : memref<10000x32xf32, #tpu.memory_space<hbm>>) dst(%arg24 : memref<128x32xf32, #tpu.memory_space<vmem>>)
      %scan3A_124 = arith.constant 0 : i32
      %scan3A_125 = arith.constant 16 : i32
      %scan3A_126 = arith.addi %scan3A_124, %scan3A_125 : i32
      %scan3A_127 = arith.constant 1 : i32
      scf.for %scan3A_135 = %scan3A_124 to %scan3A_126 step %scan3A_127  : i32 {
        %mul3A_136 = arith.constant 1 : i32
        %mul3A_137 = arith.muli %scan3A_135, %mul3A_136 : i32
        %add3A_138 = arith.constant 0 : i32
        %add3A_139 = arith.addi %add3A_138, %mul3A_137 : i32
        %mul3A_140 = arith.constant 8 : i32
        %mul3A_141 = arith.muli %add3A_139, %mul3A_140 : i32
        %add3A_142 = arith.constant 0 : i32
        %add3A_143 = arith.addi %mul3A_141, %add3A_142 : i32
        %broadcast_in_dim3A = vector.broadcast %add3A_105 : i32 to vector<16xi32>
        %broadcast_in_dim3A_144 = vector.broadcast %add3A_143 : i32 to vector<16xi32>
        %gather3A = tpu.vector_load_idx %arg17[%broadcast_in_dim3A, %broadcast_in_dim3A_144] : memref<80x128xf32, #tpu.memory_space<vmem>>[vector<16xi32>, vector<16xi32>], vector<16xf32>,
        %get3A = arith.index_cast %add3A_143 : i32 to index
        %get3A_145 = arith.constant 0 : index
        %get3A_146 = tpu.vector_load %arg24[%get3A, %get3A_145] {strides = array<i32>} : memref<128x32xf32, #tpu.memory_space<vmem>>, vector<16xf32>,
        %mul3A_147 = arith.mulf %get3A_146, %gather3A : vector<16xf32>
        %swap3A = arith.index_cast %add3A_143 : i32 to index
        %swap3A_148 = arith.constant 0 : index
        %swap3A_149 = tpu.vector_load %arg24[%swap3A, %swap3A_148] {strides = array<i32>} : memref<128x32xf32, #tpu.memory_space<vmem>>, vector<16xf32>,
        tpu.vector_store %arg24[%swap3A, %swap3A_148], %mul3A_147 {strides = array<i32>} : memref<128x32xf32, #tpu.memory_space<vmem>>, vector<16xf32>,
        %get3A_150 = arith.index_cast %add3A_143 : i32 to index
        %get3A_151 = arith.constant 16 : index
        %get3A_152 = tpu.vector_load %arg24[%get3A_150, %get3A_151] {strides = array<i32>} : memref<128x32xf32, #tpu.memory_space<vmem>>, vector<16xf32>,
        %mul3A_153 = arith.mulf %get3A_152, %gather3A : vector<16xf32>
        %swap3A_154 = arith.index_cast %add3A_143 : i32 to index
        %swap3A_155 = arith.constant 16 : index
        %swap3A_156 = tpu.vector_load %arg24[%swap3A_154, %swap3A_155] {strides = array<i32>} : memref<128x32xf32, #tpu.memory_space<vmem>>, vector<16xf32>,
        tpu.vector_store %arg24[%swap3A_154, %swap3A_155], %mul3A_153 {strides = array<i32>} : memref<128x32xf32, #tpu.memory_space<vmem>>, vector<16xf32>,
        %mul3A_157 = arith.constant 8 : i32
        %mul3A_158 = arith.muli %add3A_139, %mul3A_157 : i32
        %add3A_159 = arith.constant 1 : i32
        %add3A_160 = arith.addi %mul3A_158, %add3A_159 : i32
        %broadcast_in_dim3A_161 = vector.broadcast %add3A_105 : i32 to vector<16xi32>
        %broadcast_in_dim3A_162 = vector.broadcast %add3A_160 : i32 to vector<16xi32>
        %gather3A_163 = tpu.vector_load_idx %arg17[%broadcast_in_dim3A_161, %broadcast_in_dim3A_162] : memref<80x128xf32, #tpu.memory_space<vmem>>[vector<16xi32>, vector<16xi32>], vector<16xf32>,
        %get3A_164 = arith.index_cast %add3A_160 : i32 to index
        %get3A_165 = arith.constant 0 : index
        %get3A_166 = tpu.vector_load %arg24[%get3A_164, %get3A_165] {strides = array<i32>} : memref<128x32xf32, #tpu.memory_space<vmem>>, vector<16xf32>,
        %mul3A_167 = arith.mulf %get3A_166, %gather3A_163 : vector<16xf32>
        %swap3A_168 = arith.index_cast %add3A_160 : i32 to index
        %swap3A_169 = arith.constant 0 : index
        %swap3A_170 = tpu.vector_load %arg24[%swap3A_168, %swap3A_169] {strides = array<i32>} : memref<128x32xf32, #tpu.memory_space<vmem>>, vector<16xf32>,
        tpu.vector_store %arg24[%swap3A_168, %swap3A_169], %mul3A_167 {strides = array<i32>} : memref<128x32xf32, #tpu.memory_space<vmem>>, vector<16xf32>,
        %get3A_171 = arith.index_cast %add3A_160 : i32 to index
        %get3A_172 = arith.constant 16 : index
        %get3A_173 = tpu.vector_load %arg24[%get3A_171, %get3A_172] {strides = array<i32>} : memref<128x32xf32, #tpu.memory_space<vmem>>, vector<16xf32>,
        %mul3A_174 = arith.mulf %get3A_173, %gather3A_163 : vector<16xf32>
        %swap3A_175 = arith.index_cast %add3A_160 : i32 to index
        %swap3A_176 = arith.constant 16 : index
        %swap3A_177 = tpu.vector_load %arg24[%swap3A_175, %swap3A_176] {strides = array<i32>} : memref<128x32xf32, #tpu.memory_space<vmem>>, vector<16xf32>,
        tpu.vector_store %arg24[%swap3A_175, %swap3A_176], %mul3A_174 {strides = array<i32>} : memref<128x32xf32, #tpu.memory_space<vmem>>, vector<16xf32>,
        %mul3A_178 = arith.constant 8 : i32
        %mul3A_179 = arith.muli %add3A_139, %mul3A_178 : i32
        %add3A_180 = arith.constant 2 : i32
        %add3A_181 = arith.addi %mul3A_179, %add3A_180 : i32
        %broadcast_in_dim3A_182 = vector.broadcast %add3A_105 : i32 to vector<16xi32>
        %broadcast_in_dim3A_183 = vector.broadcast %add3A_181 : i32 to vector<16xi32>
        %gather3A_184 = tpu.vector_load_idx %arg17[%broadcast_in_dim3A_182, %broadcast_in_dim3A_183] : memref<80x128xf32, #tpu.memory_space<vmem>>[vector<16xi32>, vector<16xi32>], vector<16xf32>,
        %get3A_185 = arith.index_cast %add3A_181 : i32 to index
        %get3A_186 = arith.constant 0 : index
        %get3A_187 = tpu.vector_load %arg24[%get3A_185, %get3A_186] {strides = array<i32>} : memref<128x32xf32, #tpu.memory_space<vmem>>, vector<16xf32>,
        %mul3A_188 = arith.mulf %get3A_187, %gather3A_184 : vector<16xf32>
        %swap3A_189 = arith.index_cast %add3A_181 : i32 to index
        %swap3A_190 = arith.constant 0 : index
        %swap3A_191 = tpu.vector_load %arg24[%swap3A_189, %swap3A_190] {strides = array<i32>} : memref<128x32xf32, #tpu.memory_space<vmem>>, vector<16xf32>,
        tpu.vector_store %arg24[%swap3A_189, %swap3A_190], %mul3A_188 {strides = array<i32>} : memref<128x32xf32, #tpu.memory_space<vmem>>, vector<16xf32>,
        %get3A_192 = arith.index_cast %add3A_181 : i32 to index
        %get3A_193 = arith.constant 16 : index
        %get3A_194 = tpu.vector_load %arg24[%get3A_192, %get3A_193] {strides = array<i32>} : memref<128x32xf32, #tpu.memory_space<vmem>>, vector<16xf32>,
        %mul3A_195 = arith.mulf %get3A_194, %gather3A_184 : vector<16xf32>
        %swap3A_196 = arith.index_cast %add3A_181 : i32 to index
        %swap3A_197 = arith.constant 16 : index
        %swap3A_198 = tpu.vector_load %arg24[%swap3A_196, %swap3A_197] {strides = array<i32>} : memref<128x32xf32, #tpu.memory_space<vmem>>, vector<16xf32>,
        tpu.vector_store %arg24[%swap3A_196, %swap3A_197], %mul3A_195 {strides = array<i32>} : memref<128x32xf32, #tpu.memory_space<vmem>>, vector<16xf32>,
        %mul3A_199 = arith.constant 8 : i32
        %mul3A_200 = arith.muli %add3A_139, %mul3A_199 : i32
        %add3A_201 = arith.constant 3 : i32
        %add3A_202 = arith.addi %mul3A_200, %add3A_201 : i32
        %broadcast_in_dim3A_203 = vector.broadcast %add3A_105 : i32 to vector<16xi32>
        %broadcast_in_dim3A_204 = vector.broadcast %add3A_202 : i32 to vector<16xi32>
        %gather3A_205 = tpu.vector_load_idx %arg17[%broadcast_in_dim3A_203, %broadcast_in_dim3A_204] : memref<80x128xf32, #tpu.memory_space<vmem>>[vector<16xi32>, vector<16xi32>], vector<16xf32>,
        %get3A_206 = arith.index_cast %add3A_202 : i32 to index
        %get3A_207 = arith.constant 0 : index
        %get3A_208 = tpu.vector_load %arg24[%get3A_206, %get3A_207] {strides = array<i32>} : memref<128x32xf32, #tpu.memory_space<vmem>>, vector<16xf32>,
        %mul3A_209 = arith.mulf %get3A_208, %gather3A_205 : vector<16xf32>
        %swap3A_210 = arith.index_cast %add3A_202 : i32 to index
        %swap3A_211 = arith.constant 0 : index
        %swap3A_212 = tpu.vector_load %arg24[%swap3A_210, %swap3A_211] {strides = array<i32>} : memref<128x32xf32, #tpu.memory_space<vmem>>, vector<16xf32>,
        tpu.vector_store %arg24[%swap3A_210, %swap3A_211], %mul3A_209 {strides = array<i32>} : memref<128x32xf32, #tpu.memory_space<vmem>>, vector<16xf32>,
        %get3A_213 = arith.index_cast %add3A_202 : i32 to index
        %get3A_214 = arith.constant 16 : index
        %get3A_215 = tpu.vector_load %arg24[%get3A_213, %get3A_214] {strides = array<i32>} : memref<128x32xf32, #tpu.memory_space<vmem>>, vector<16xf32>,
        %mul3A_216 = arith.mulf %get3A_215, %gather3A_205 : vector<16xf32>
        %swap3A_217 = arith.index_cast %add3A_202 : i32 to index
        %swap3A_218 = arith.constant 16 : index
        %swap3A_219 = tpu.vector_load %arg24[%swap3A_217, %swap3A_218] {strides = array<i32>} : memref<128x32xf32, #tpu.memory_space<vmem>>, vector<16xf32>,
        tpu.vector_store %arg24[%swap3A_217, %swap3A_218], %mul3A_216 {strides = array<i32>} : memref<128x32xf32, #tpu.memory_space<vmem>>, vector<16xf32>,
        %mul3A_220 = arith.constant 8 : i32
        %mul3A_221 = arith.muli %add3A_139, %mul3A_220 : i32
        %add3A_222 = arith.constant 4 : i32
        %add3A_223 = arith.addi %mul3A_221, %add3A_222 : i32
        %broadcast_in_dim3A_224 = vector.broadcast %add3A_105 : i32 to vector<16xi32>
        %broadcast_in_dim3A_225 = vector.broadcast %add3A_223 : i32 to vector<16xi32>
        %gather3A_226 = tpu.vector_load_idx %arg17[%broadcast_in_dim3A_224, %broadcast_in_dim3A_225] : memref<80x128xf32, #tpu.memory_space<vmem>>[vector<16xi32>, vector<16xi32>], vector<16xf32>,
        %get3A_227 = arith.index_cast %add3A_223 : i32 to index
        %get3A_228 = arith.constant 0 : index
        %get3A_229 = tpu.vector_load %arg24[%get3A_227, %get3A_228] {strides = array<i32>} : memref<128x32xf32, #tpu.memory_space<vmem>>, vector<16xf32>,
        %mul3A_230 = arith.mulf %get3A_229, %gather3A_226 : vector<16xf32>
        %swap3A_231 = arith.index_cast %add3A_223 : i32 to index
        %swap3A_232 = arith.constant 0 : index
        %swap3A_233 = tpu.vector_load %arg24[%swap3A_231, %swap3A_232] {strides = array<i32>} : memref<128x32xf32, #tpu.memory_space<vmem>>, vector<16xf32>,
        tpu.vector_store %arg24[%swap3A_231, %swap3A_232], %mul3A_230 {strides = array<i32>} : memref<128x32xf32, #tpu.memory_space<vmem>>, vector<16xf32>,
        %get3A_234 = arith.index_cast %add3A_223 : i32 to index
        %get3A_235 = arith.constant 16 : index
        %get3A_236 = tpu.vector_load %arg24[%get3A_234, %get3A_235] {strides = array<i32>} : memref<128x32xf32, #tpu.memory_space<vmem>>, vector<16xf32>,
        %mul3A_237 = arith.mulf %get3A_236, %gather3A_226 : vector<16xf32>
        %swap3A_238 = arith.index_cast %add3A_223 : i32 to index
        %swap3A_239 = arith.constant 16 : index
        %swap3A_240 = tpu.vector_load %arg24[%swap3A_238, %swap3A_239] {strides = array<i32>} : memref<128x32xf32, #tpu.memory_space<vmem>>, vector<16xf32>,
        tpu.vector_store %arg24[%swap3A_238, %swap3A_239], %mul3A_237 {strides = array<i32>} : memref<128x32xf32, #tpu.memory_space<vmem>>, vector<16xf32>,
        %mul3A_241 = arith.constant 8 : i32
        %mul3A_242 = arith.muli %add3A_139, %mul3A_241 : i32
        %add3A_243 = arith.constant 5 : i32
        %add3A_244 = arith.addi %mul3A_242, %add3A_243 : i32
        %broadcast_in_dim3A_245 = vector.broadcast %add3A_105 : i32 to vector<16xi32>
        %broadcast_in_dim3A_246 = vector.broadcast %add3A_244 : i32 to vector<16xi32>
        %gather3A_247 = tpu.vector_load_idx %arg17[%broadcast_in_dim3A_245, %broadcast_in_dim3A_246] : memref<80x128xf32, #tpu.memory_space<vmem>>[vector<16xi32>, vector<16xi32>], vector<16xf32>,
        %get3A_248 = arith.index_cast %add3A_244 : i32 to index
        %get3A_249 = arith.constant 0 : index
        %get3A_250 = tpu.vector_load %arg24[%get3A_248, %get3A_249] {strides = array<i32>} : memref<128x32xf32, #tpu.memory_space<vmem>>, vector<16xf32>,
        %mul3A_251 = arith.mulf %get3A_250, %gather3A_247 : vector<16xf32>
        %swap3A_252 = arith.index_cast %add3A_244 : i32 to index
        %swap3A_253 = arith.constant 0 : index
        %swap3A_254 = tpu.vector_load %arg24[%swap3A_252, %swap3A_253] {strides = array<i32>} : memref<128x32xf32, #tpu.memory_space<vmem>>, vector<16xf32>,
        tpu.vector_store %arg24[%swap3A_252, %swap3A_253], %mul3A_251 {strides = array<i32>} : memref<128x32xf32, #tpu.memory_space<vmem>>, vector<16xf32>,
        %get3A_255 = arith.index_cast %add3A_244 : i32 to index
        %get3A_256 = arith.constant 16 : index
        %get3A_257 = tpu.vector_load %arg24[%get3A_255, %get3A_256] {strides = array<i32>} : memref<128x32xf32, #tpu.memory_space<vmem>>, vector<16xf32>,
        %mul3A_258 = arith.mulf %get3A_257, %gather3A_247 : vector<16xf32>
        %swap3A_259 = arith.index_cast %add3A_244 : i32 to index
        %swap3A_260 = arith.constant 16 : index
        %swap3A_261 = tpu.vector_load %arg24[%swap3A_259, %swap3A_260] {strides = array<i32>} : memref<128x32xf32, #tpu.memory_space<vmem>>, vector<16xf32>,
        tpu.vector_store %arg24[%swap3A_259, %swap3A_260], %mul3A_258 {strides = array<i32>} : memref<128x32xf32, #tpu.memory_space<vmem>>, vector<16xf32>,
        %mul3A_262 = arith.constant 8 : i32
        %mul3A_263 = arith.muli %add3A_139, %mul3A_262 : i32
        %add3A_264 = arith.constant 6 : i32
        %add3A_265 = arith.addi %mul3A_263, %add3A_264 : i32
        %broadcast_in_dim3A_266 = vector.broadcast %add3A_105 : i32 to vector<16xi32>
        %broadcast_in_dim3A_267 = vector.broadcast %add3A_265 : i32 to vector<16xi32>
        %gather3A_268 = tpu.vector_load_idx %arg17[%broadcast_in_dim3A_266, %broadcast_in_dim3A_267] : memref<80x128xf32, #tpu.memory_space<vmem>>[vector<16xi32>, vector<16xi32>], vector<16xf32>,
        %get3A_269 = arith.index_cast %add3A_265 : i32 to index
        %get3A_270 = arith.constant 0 : index
        %get3A_271 = tpu.vector_load %arg24[%get3A_269, %get3A_270] {strides = array<i32>} : memref<128x32xf32, #tpu.memory_space<vmem>>, vector<16xf32>,
        %mul3A_272 = arith.mulf %get3A_271, %gather3A_268 : vector<16xf32>
        %swap3A_273 = arith.index_cast %add3A_265 : i32 to index
        %swap3A_274 = arith.constant 0 : index
        %swap3A_275 = tpu.vector_load %arg24[%swap3A_273, %swap3A_274] {strides = array<i32>} : memref<128x32xf32, #tpu.memory_space<vmem>>, vector<16xf32>,
        tpu.vector_store %arg24[%swap3A_273, %swap3A_274], %mul3A_272 {strides = array<i32>} : memref<128x32xf32, #tpu.memory_space<vmem>>, vector<16xf32>,
        %get3A_276 = arith.index_cast %add3A_265 : i32 to index
        %get3A_277 = arith.constant 16 : index
        %get3A_278 = tpu.vector_load %arg24[%get3A_276, %get3A_277] {strides = array<i32>} : memref<128x32xf32, #tpu.memory_space<vmem>>, vector<16xf32>,
        %mul3A_279 = arith.mulf %get3A_278, %gather3A_268 : vector<16xf32>
        %swap3A_280 = arith.index_cast %add3A_265 : i32 to index
        %swap3A_281 = arith.constant 16 : index
        %swap3A_282 = tpu.vector_load %arg24[%swap3A_280, %swap3A_281] {strides = array<i32>} : memref<128x32xf32, #tpu.memory_space<vmem>>, vector<16xf32>,
        tpu.vector_store %arg24[%swap3A_280, %swap3A_281], %mul3A_279 {strides = array<i32>} : memref<128x32xf32, #tpu.memory_space<vmem>>, vector<16xf32>,
        %mul3A_283 = arith.constant 8 : i32
        %mul3A_284 = arith.muli %add3A_139, %mul3A_283 : i32
        %add3A_285 = arith.constant 7 : i32
        %add3A_286 = arith.addi %mul3A_284, %add3A_285 : i32
        %broadcast_in_dim3A_287 = vector.broadcast %add3A_105 : i32 to vector<16xi32>
        %broadcast_in_dim3A_288 = vector.broadcast %add3A_286 : i32 to vector<16xi32>
        %gather3A_289 = tpu.vector_load_idx %arg17[%broadcast_in_dim3A_287, %broadcast_in_dim3A_288] : memref<80x128xf32, #tpu.memory_space<vmem>>[vector<16xi32>, vector<16xi32>], vector<16xf32>,
        %get3A_290 = arith.index_cast %add3A_286 : i32 to index
        %get3A_291 = arith.constant 0 : index
        %get3A_292 = tpu.vector_load %arg24[%get3A_290, %get3A_291] {strides = array<i32>} : memref<128x32xf32, #tpu.memory_space<vmem>>, vector<16xf32>,
        %mul3A_293 = arith.mulf %get3A_292, %gather3A_289 : vector<16xf32>
        %swap3A_294 = arith.index_cast %add3A_286 : i32 to index
        %swap3A_295 = arith.constant 0 : index
        %swap3A_296 = tpu.vector_load %arg24[%swap3A_294, %swap3A_295] {strides = array<i32>} : memref<128x32xf32, #tpu.memory_space<vmem>>, vector<16xf32>,
        tpu.vector_store %arg24[%swap3A_294, %swap3A_295], %mul3A_293 {strides = array<i32>} : memref<128x32xf32, #tpu.memory_space<vmem>>, vector<16xf32>,
        %get3A_297 = arith.index_cast %add3A_286 : i32 to index
        %get3A_298 = arith.constant 16 : index
        %get3A_299 = tpu.vector_load %arg24[%get3A_297, %get3A_298] {strides = array<i32>} : memref<128x32xf32, #tpu.memory_space<vmem>>, vector<16xf32>,
        %mul3A_300 = arith.mulf %get3A_299, %gather3A_289 : vector<16xf32>
        %swap3A_301 = arith.index_cast %add3A_286 : i32 to index
        %swap3A_302 = arith.constant 16 : index
        %swap3A_303 = tpu.vector_load %arg24[%swap3A_301, %swap3A_302] {strides = array<i32>} : memref<128x32xf32, #tpu.memory_space<vmem>>, vector<16xf32>,
        tpu.vector_store %arg24[%swap3A_301, %swap3A_302], %mul3A_300 {strides = array<i32>} : memref<128x32xf32, #tpu.memory_space<vmem>>, vector<16xf32>,
      }
      %scan3A_128 = arith.constant 16 : i32
      "tpu.region"() ({
        %run_scoped3A = tpu.sem_alloc : memref<!tpu.dma_semaphore, #tpu.memory_space<semaphore_mem>>
        %dma_start3A_135 = arith.constant 0 : i32
        %dma_start3A_136 = tpu.memref_slice %arg16[%add3A_105, %dma_start3A_135] : memref<80x128xi32, #tpu.memory_space<vmem>> -> memref<1x128xi32, #tpu.memory_space<vmem>>
        %dma_start3A_137 = tpu.memref_squeeze %dma_start3A_136 : memref<1x128xi32, #tpu.memory_space<vmem>> -> memref<128xi32, #tpu.memory_space<vmem>>
        %dma_start3A_138 = arith.constant 0 : i32
        %dma_start3A_139 = arith.constant 0 : i32
        %dma_start3A_140 = tpu.memref_slice %arg25[%dma_start3A_138, %dma_start3A_139] : memref<10000x32xf32, #tpu.memory_space<vmem_shared>> -> memref<10000x32xf32, #tpu.memory_space<vmem_shared>>
        tpu.enqueue_indirect_dma source(%arg24 : memref<128x32xf32, #tpu.memory_space<vmem>>) target(%dma_start3A_140 : memref<10000x32xf32, #tpu.memory_space<vmem_shared>>) offsets(%dma_start3A_137 : memref<128xi32, #tpu.memory_space<vmem>>) semaphore(%run_scoped3A : memref<!tpu.dma_semaphore, #tpu.memory_space<semaphore_mem>>) {add = true}
        %dma_wait3A_141 = arith.constant 0 : i32
        %dma_wait3A_142 = tpu.memref_slice %arg16[%add3A_105, %dma_wait3A_141] : memref<80x128xi32, #tpu.memory_space<vmem>> -> memref<1x128xi32, #tpu.memory_space<vmem>>
        %dma_wait3A_143 = tpu.memref_squeeze %dma_wait3A_142 : memref<1x128xi32, #tpu.memory_space<vmem>> -> memref<128xi32, #tpu.memory_space<vmem>>
        %dma_wait3A_144 = arith.constant 0 : i32
        %dma_wait3A_145 = arith.constant 0 : i32
        %dma_wait3A_146 = tpu.memref_slice %arg25[%dma_wait3A_144, %dma_wait3A_145] : memref<10000x32xf32, #tpu.memory_space<vmem_shared>> -> memref<10000x32xf32, #tpu.memory_space<vmem_shared>>
        tpu.wait_indirect_dma semaphore(%run_scoped3A : memref<!tpu.dma_semaphore, #tpu.memory_space<semaphore_mem>>) src(%arg24 : memref<128x32xf32, #tpu.memory_space<vmem>>) dst(%dma_wait3A_146 : memref<10000x32xf32, #tpu.memory_space<vmem_shared>>)
        tpu.yield
      }) : () -> ()
      %add3A_129 = arith.constant 2 : i32
      %add3A_130 = arith.addi %add3A_105, %add3A_129 : i32
      %lt3A_131 = arith.cmpi slt, %add3A_130, %select_n3A : i32
      %convert_element_type3A_132 = arith.extui %lt3A_131 : i1 to i32
      %cond3A_133 = arith.constant 0 : i32
      %cond3A_134 = arith.cmpi ne, %convert_element_type3A_132, %cond3A_133 : i32
      scf.if %cond3A_134 {
        %add3A_135 = arith.constant 2 : i32
        %add3A_136 = arith.addi %add3A_105, %add3A_135 : i32
        %dma_start3A_137 = arith.constant 0 : i32
        %dma_start3A_138 = tpu.memref_slice %arg15[%add3A_136, %dma_start3A_137] : memref<80x128xi32, #tpu.memory_space<vmem>> -> memref<1x128xi32, #tpu.memory_space<vmem>>
        %dma_start3A_139 = tpu.memref_squeeze %dma_start3A_138 : memref<1x128xi32, #tpu.memory_space<vmem>> -> memref<128xi32, #tpu.memory_space<vmem>>
        %dma_start3A_140 = arith.constant 0 : i32
        %dma_start3A_141 = arith.constant 0 : i32
        %dma_start3A_142 = tpu.memref_slice %arg10[%dma_start3A_140, %dma_start3A_141] : memref<10000x32xf32, #tpu.memory_space<hbm>> -> memref<10000x32xf32, #tpu.memory_space<hbm>>
        tpu.enqueue_indirect_dma source(%dma_start3A_142 : memref<10000x32xf32, #tpu.memory_space<hbm>>) target(%arg24 : memref<128x32xf32, #tpu.memory_space<vmem>>) offsets(%dma_start3A_139 : memref<128xi32, #tpu.memory_space<vmem>>) semaphore(%arg28 : memref<!tpu.dma_semaphore, #tpu.memory_space<semaphore_mem>>)
      } else {
      }
    }
    %barrier3A_94 = arith.constant 0 : index
    tpu.barrier barrier_id(%barrier3A_94)
    %mul3A_95 = arith.constant 640 : i32
    %mul3A_96 = arith.muli %arg1, %mul3A_95 : i32
    %mul3A_97 = arith.constant 625 : i32
    %mul3A_98 = arith.muli %arg1, %mul3A_97 : i32
    "tpu.region"() ({
      %run_scoped3A = tpu.sem_alloc : memref<!tpu.dma_semaphore, #tpu.memory_space<semaphore_mem>>
      %dma_start3A_99 = arith.constant 0 : i32
      %dma_start3A_100 = tpu.memref_slice %arg13[%arg0, %mul3A_98, %dma_start3A_99] : memref<2x10000x32xf32, #tpu.memory_space<hbm>> -> memref<1x625x32xf32, #tpu.memory_space<hbm>>
      %dma_start3A_101 = tpu.memref_squeeze %dma_start3A_100 : memref<1x625x32xf32, #tpu.memory_space<hbm>> -> memref<625x32xf32, #tpu.memory_space<hbm>>
      %dma_start3A_102 = arith.constant 0 : i32
      %dma_start3A_103 = tpu.memref_slice %arg25[%mul3A_98, %dma_start3A_102] : memref<10000x32xf32, #tpu.memory_space<vmem_shared>> -> memref<625x32xf32, #tpu.memory_space<vmem_shared>>
      tpu.enqueue_dma source(%dma_start3A_103 : memref<625x32xf32, #tpu.memory_space<vmem_shared>>) target(%dma_start3A_101 : memref<625x32xf32, #tpu.memory_space<hbm>>) target_semaphore(%run_scoped3A : memref<!tpu.dma_semaphore, #tpu.memory_space<semaphore_mem>>)
      %dma_wait3A = arith.constant 0 : i32
      %dma_wait3A_104 = tpu.memref_slice %arg13[%arg0, %mul3A_98, %dma_wait3A] : memref<2x10000x32xf32, #tpu.memory_space<hbm>> -> memref<1x625x32xf32, #tpu.memory_space<hbm>>
      %dma_wait3A_105 = tpu.memref_squeeze %dma_wait3A_104 : memref<1x625x32xf32, #tpu.memory_space<hbm>> -> memref<625x32xf32, #tpu.memory_space<hbm>>
      %dma_wait3A_106 = arith.constant 0 : i32
      %dma_wait3A_107 = tpu.memref_slice %arg25[%mul3A_98, %dma_wait3A_106] : memref<10000x32xf32, #tpu.memory_space<vmem_shared>> -> memref<625x32xf32, #tpu.memory_space<vmem_shared>>
      tpu.wait_dma2 semaphore(%run_scoped3A : memref<!tpu.dma_semaphore, #tpu.memory_space<semaphore_mem>>) src(%dma_wait3A_107 : memref<625x32xf32, #tpu.memory_space<vmem_shared>>) dst(%dma_wait3A_105 : memref<625x32xf32, #tpu.memory_space<hbm>>)
      tpu.yield
    }) : () -> ()
    "tpu.region"() ({
      %run_scoped3A = tpu.sem_alloc : memref<!tpu.dma_semaphore, #tpu.memory_space<semaphore_mem>>
      %dma_start3A_99 = tpu.memref_slice %arg14[%arg0, %mul3A_96] : memref<2x10240xf32, #tpu.memory_space<hbm>> -> memref<1x640xf32, #tpu.memory_space<hbm>>
      %dma_start3A_100 = tpu.memref_squeeze %dma_start3A_99 : memref<1x640xf32, #tpu.memory_space<hbm>> -> memref<640xf32, #tpu.memory_space<hbm>>
      %dma_start3A_101 = tpu.memref_slice %arg26[%mul3A_96] : memref<10240xf32, #tpu.memory_space<vmem_shared>> -> memref<640xf32, #tpu.memory_space<vmem_shared>>
      tpu.enqueue_dma source(%dma_start3A_101 : memref<640xf32, #tpu.memory_space<vmem_shared>>) target(%dma_start3A_100 : memref<640xf32, #tpu.memory_space<hbm>>) target_semaphore(%run_scoped3A : memref<!tpu.dma_semaphore, #tpu.memory_space<semaphore_mem>>)
      %dma_wait3A = tpu.memref_slice %arg14[%arg0, %mul3A_96] : memref<2x10240xf32, #tpu.memory_space<hbm>> -> memref<1x640xf32, #tpu.memory_space<hbm>>
      %dma_wait3A_102 = tpu.memref_squeeze %dma_wait3A : memref<1x640xf32, #tpu.memory_space<hbm>> -> memref<640xf32, #tpu.memory_space<hbm>>
      %dma_wait3A_103 = tpu.memref_slice %arg26[%mul3A_96] : memref<10240xf32, #tpu.memory_space<vmem_shared>> -> memref<640xf32, #tpu.memory_space<vmem_shared>>
      tpu.wait_dma2 semaphore(%run_scoped3A : memref<!tpu.dma_semaphore, #tpu.memory_space<semaphore_mem>>) src(%dma_wait3A_103 : memref<640xf32, #tpu.memory_space<vmem_shared>>) dst(%dma_wait3A_102 : memref<640xf32, #tpu.memory_space<hbm>>)
      tpu.yield
    }) : () -> ()
    return
  }
}

#map = affine_map<(d0, d1) -> (0, 0, 0)>
#map1 = affine_map<(d0, d1) -> (0)>
#map2 = affine_map<(d0, d1) -> (0, 0)>
module attributes {stable_mosaic.version = 14 : i64} {
  func.func @body(%arg0: i32, %arg1: i32, %arg2: memref<32x80x128xi32, #tpu.memory_space<hbm>>, %arg3: memref<32x80x128xi32, #tpu.memory_space<hbm>>, %arg4: memref<32x80x128xf32, #tpu.memory_space<hbm>>, %arg5: memref<32x80x128xf32, #tpu.memory_space<hbm>>, %arg6: memref<10000xf32, #tpu.memory_space<hbm>>, %arg7: memref<10000xf32, #tpu.memory_space<hbm>>, %arg8: memref<10000xf32, #tpu.memory_space<hbm>>, %arg9: memref<10000xf32, #tpu.memory_space<hbm>>, %arg10: memref<10000x32xf32, #tpu.memory_space<hbm>>, %arg11: memref<625x32xf32, #tpu.memory_space<hbm>>, %arg12: memref<640xf32, #tpu.memory_space<hbm>>, %arg13: memref<2x10000x32xf32, #tpu.memory_space<hbm>>, %arg14: memref<2x10240xf32, #tpu.memory_space<hbm>>, %arg15: memref<80x128xi32, #tpu.memory_space<vmem>>, %arg16: memref<80x128xi32, #tpu.memory_space<vmem>>, %arg17: memref<80x128xf32, #tpu.memory_space<vmem>>, %arg18: memref<80x128xf32, #tpu.memory_space<vmem>>, %arg19: memref<10000xf32, #tpu.memory_space<vmem>>, %arg20: memref<10000xf32, #tpu.memory_space<vmem>>, %arg21: memref<10000xf32, #tpu.memory_space<vmem>>, %arg22: memref<10000xf32, #tpu.memory_space<vmem>>, %arg23: memref<128x32xf32, #tpu.memory_space<vmem>>, %arg24: memref<128x32xf32, #tpu.memory_space<vmem>>, %arg25: memref<10000x32xf32, #tpu.memory_space<vmem_shared>>, %arg26: memref<10240xf32, #tpu.memory_space<vmem_shared>>, %arg27: memref<!tpu.dma_semaphore, #tpu.memory_space<semaphore_mem>>, %arg28: memref<!tpu.dma_semaphore, #tpu.memory_space<semaphore_mem>>) attributes {dimension_semantics = [#tpu.dimension_semantics<core_parallel>, #tpu.dimension_semantics<subcore_parallel>], iteration_bounds = array<i64: 2, 16>, scalar_prefetch = 0 : i64, scratch_operands = 14 : i64, tpu.core_type = #tpu.core_type<sc_vector_subcore>, window_params = [{transform_indices = #map}, {transform_indices = #map}, {transform_indices = #map}, {transform_indices = #map}, {transform_indices = #map1}, {transform_indices = #map1}, {transform_indices = #map1}, {transform_indices = #map1}, {transform_indices = #map2}, {transform_indices = #map2}, {transform_indices = #map1}, {transform_indices = #map}, {transform_indices = #map2}]} {
    %mul3A = arith.constant 16 : i32
    %mul3A_0 = arith.muli %arg0, %mul3A : i32
    %add3A = arith.addi %mul3A_0, %arg1 : i32
    %eq3A = arith.constant 31 : i32
    %eq3A_1 = arith.cmpi eq, %add3A, %eq3A : i32
    %jit3A = arith.constant 20 : i32
    %jit3A_2 = arith.constant 80 : i32
    %select_n3A = arith.select %eq3A_1, %jit3A, %jit3A_2 : i32
    %mul3A_3 = arith.constant 625 : i32
    %mul3A_4 = arith.muli %arg1, %mul3A_3 : i32
    "tpu.region"() ({
      %run_scoped3A = tpu.sem_alloc : memref<!tpu.dma_semaphore, #tpu.memory_space<semaphore_mem>>
      %dma_start3A_99 = arith.constant 0 : i32
      %dma_start3A_100 = tpu.memref_slice %arg25[%mul3A_4, %dma_start3A_99] : memref<10000x32xf32, #tpu.memory_space<vmem_shared>> -> memref<625x32xf32, #tpu.memory_space<vmem_shared>>
      tpu.enqueue_dma source(%arg11 : memref<625x32xf32, #tpu.memory_space<hbm>>) target(%dma_start3A_100 : memref<625x32xf32, #tpu.memory_space<vmem_shared>>) target_semaphore(%run_scoped3A : memref<!tpu.dma_semaphore, #tpu.memory_space<semaphore_mem>>)
      %dma_wait3A = arith.constant 0 : i32
      %dma_wait3A_101 = tpu.memref_slice %arg25[%mul3A_4, %dma_wait3A] : memref<10000x32xf32, #tpu.memory_space<vmem_shared>> -> memref<625x32xf32, #tpu.memory_space<vmem_shared>>
      tpu.wait_dma2 semaphore(%run_scoped3A : memref<!tpu.dma_semaphore, #tpu.memory_space<semaphore_mem>>) src(%arg11 : memref<625x32xf32, #tpu.memory_space<hbm>>) dst(%dma_wait3A_101 : memref<625x32xf32, #tpu.memory_space<vmem_shared>>)
      tpu.yield
    }) : () -> ()
    %mul3A_5 = arith.constant 640 : i32
    %mul3A_6 = arith.muli %arg1, %mul3A_5 : i32
    "tpu.region"() ({
      %run_scoped3A = tpu.sem_alloc : memref<!tpu.dma_semaphore, #tpu.memory_space<semaphore_mem>>
      %dma_start3A_99 = tpu.memref_slice %arg26[%mul3A_6] : memref<10240xf32, #tpu.memory_space<vmem_shared>> -> memref<640xf32, #tpu.memory_space<vmem_shared>>
      tpu.enqueue_dma source(%arg12 : memref<640xf32, #tpu.memory_space<hbm>>) target(%dma_start3A_99 : memref<640xf32, #tpu.memory_space<vmem_shared>>) target_semaphore(%run_scoped3A : memref<!tpu.dma_semaphore, #tpu.memory_space<semaphore_mem>>)
      %dma_wait3A = tpu.memref_slice %arg26[%mul3A_6] : memref<10240xf32, #tpu.memory_space<vmem_shared>> -> memref<640xf32, #tpu.memory_space<vmem_shared>>
      tpu.wait_dma2 semaphore(%run_scoped3A : memref<!tpu.dma_semaphore, #tpu.memory_space<semaphore_mem>>) src(%arg12 : memref<640xf32, #tpu.memory_space<hbm>>) dst(%dma_wait3A : memref<640xf32, #tpu.memory_space<vmem_shared>>)
      tpu.yield
    }) : () -> ()
    "tpu.region"() ({
      %run_scoped3A = tpu.sem_alloc : memref<!tpu.dma_semaphore, #tpu.memory_space<semaphore_mem>>
      %dma_start3A_99 = arith.constant 0 : i32
      %dma_start3A_100 = arith.constant 0 : i32
      %dma_start3A_101 = tpu.memref_slice %arg2[%add3A, %dma_start3A_99, %dma_start3A_100] : memref<32x80x128xi32, #tpu.memory_space<hbm>> -> memref<1x80x128xi32, #tpu.memory_space<hbm>>
      %dma_start3A_102 = tpu.memref_squeeze %dma_start3A_101 : memref<1x80x128xi32, #tpu.memory_space<hbm>> -> memref<80x128xi32, #tpu.memory_space<hbm>>
      %dma_start3A_103 = arith.constant 0 : i32
      %dma_start3A_104 = arith.constant 0 : i32
      %dma_start3A_105 = tpu.memref_slice %arg2[%add3A, %dma_start3A_103, %dma_start3A_104] : memref<32x80x128xi32, #tpu.memory_space<hbm>> -> memref<1x80x128xi32, #tpu.memory_space<hbm>>
      %dma_start3A_106 = tpu.memref_squeeze %dma_start3A_105 : memref<1x80x128xi32, #tpu.memory_space<hbm>> -> memref<80x128xi32, #tpu.memory_space<hbm>>
      tpu.enqueue_dma source(%dma_start3A_106 : memref<80x128xi32, #tpu.memory_space<hbm>>) target(%arg15 : memref<80x128xi32, #tpu.memory_space<vmem>>) target_semaphore(%run_scoped3A : memref<!tpu.dma_semaphore, #tpu.memory_space<semaphore_mem>>)
      %dma_wait3A = arith.constant 0 : i32
      %dma_wait3A_107 = arith.constant 0 : i32
      %dma_wait3A_108 = tpu.memref_slice %arg2[%add3A, %dma_wait3A, %dma_wait3A_107] : memref<32x80x128xi32, #tpu.memory_space<hbm>> -> memref<1x80x128xi32, #tpu.memory_space<hbm>>
      %dma_wait3A_109 = tpu.memref_squeeze %dma_wait3A_108 : memref<1x80x128xi32, #tpu.memory_space<hbm>> -> memref<80x128xi32, #tpu.memory_space<hbm>>
      %dma_wait3A_110 = arith.constant 0 : i32
      %dma_wait3A_111 = arith.constant 0 : i32
      %dma_wait3A_112 = tpu.memref_slice %arg2[%add3A, %dma_wait3A_110, %dma_wait3A_111] : memref<32x80x128xi32, #tpu.memory_space<hbm>> -> memref<1x80x128xi32, #tpu.memory_space<hbm>>
      %dma_wait3A_113 = tpu.memref_squeeze %dma_wait3A_112 : memref<1x80x128xi32, #tpu.memory_space<hbm>> -> memref<80x128xi32, #tpu.memory_space<hbm>>
      tpu.wait_dma2 semaphore(%run_scoped3A : memref<!tpu.dma_semaphore, #tpu.memory_space<semaphore_mem>>) src(%dma_wait3A_113 : memref<80x128xi32, #tpu.memory_space<hbm>>) dst(%arg15 : memref<80x128xi32, #tpu.memory_space<vmem>>)
      tpu.yield
    }) : () -> ()
    "tpu.region"() ({
      %run_scoped3A = tpu.sem_alloc : memref<!tpu.dma_semaphore, #tpu.memory_space<semaphore_mem>>
      %dma_start3A_99 = arith.constant 0 : i32
      %dma_start3A_100 = arith.constant 0 : i32
      %dma_start3A_101 = tpu.memref_slice %arg3[%add3A, %dma_start3A_99, %dma_start3A_100] : memref<32x80x128xi32, #tpu.memory_space<hbm>> -> memref<1x80x128xi32, #tpu.memory_space<hbm>>
      %dma_start3A_102 = tpu.memref_squeeze %dma_start3A_101 : memref<1x80x128xi32, #tpu.memory_space<hbm>> -> memref<80x128xi32, #tpu.memory_space<hbm>>
      %dma_start3A_103 = arith.constant 0 : i32
      %dma_start3A_104 = arith.constant 0 : i32
      %dma_start3A_105 = tpu.memref_slice %arg3[%add3A, %dma_start3A_103, %dma_start3A_104] : memref<32x80x128xi32, #tpu.memory_space<hbm>> -> memref<1x80x128xi32, #tpu.memory_space<hbm>>
      %dma_start3A_106 = tpu.memref_squeeze %dma_start3A_105 : memref<1x80x128xi32, #tpu.memory_space<hbm>> -> memref<80x128xi32, #tpu.memory_space<hbm>>
      tpu.enqueue_dma source(%dma_start3A_106 : memref<80x128xi32, #tpu.memory_space<hbm>>) target(%arg16 : memref<80x128xi32, #tpu.memory_space<vmem>>) target_semaphore(%run_scoped3A : memref<!tpu.dma_semaphore, #tpu.memory_space<semaphore_mem>>)
      %dma_wait3A = arith.constant 0 : i32
      %dma_wait3A_107 = arith.constant 0 : i32
      %dma_wait3A_108 = tpu.memref_slice %arg3[%add3A, %dma_wait3A, %dma_wait3A_107] : memref<32x80x128xi32, #tpu.memory_space<hbm>> -> memref<1x80x128xi32, #tpu.memory_space<hbm>>
      %dma_wait3A_109 = tpu.memref_squeeze %dma_wait3A_108 : memref<1x80x128xi32, #tpu.memory_space<hbm>> -> memref<80x128xi32, #tpu.memory_space<hbm>>
      %dma_wait3A_110 = arith.constant 0 : i32
      %dma_wait3A_111 = arith.constant 0 : i32
      %dma_wait3A_112 = tpu.memref_slice %arg3[%add3A, %dma_wait3A_110, %dma_wait3A_111] : memref<32x80x128xi32, #tpu.memory_space<hbm>> -> memref<1x80x128xi32, #tpu.memory_space<hbm>>
      %dma_wait3A_113 = tpu.memref_squeeze %dma_wait3A_112 : memref<1x80x128xi32, #tpu.memory_space<hbm>> -> memref<80x128xi32, #tpu.memory_space<hbm>>
      tpu.wait_dma2 semaphore(%run_scoped3A : memref<!tpu.dma_semaphore, #tpu.memory_space<semaphore_mem>>) src(%dma_wait3A_113 : memref<80x128xi32, #tpu.memory_space<hbm>>) dst(%arg16 : memref<80x128xi32, #tpu.memory_space<vmem>>)
      tpu.yield
    }) : () -> ()
    "tpu.region"() ({
      %run_scoped3A = tpu.sem_alloc : memref<!tpu.dma_semaphore, #tpu.memory_space<semaphore_mem>>
      %dma_start3A_99 = arith.constant 0 : i32
      %dma_start3A_100 = arith.constant 0 : i32
      %dma_start3A_101 = tpu.memref_slice %arg4[%add3A, %dma_start3A_99, %dma_start3A_100] : memref<32x80x128xf32, #tpu.memory_space<hbm>> -> memref<1x80x128xf32, #tpu.memory_space<hbm>>
      %dma_start3A_102 = tpu.memref_squeeze %dma_start3A_101 : memref<1x80x128xf32, #tpu.memory_space<hbm>> -> memref<80x128xf32, #tpu.memory_space<hbm>>
      %dma_start3A_103 = arith.constant 0 : i32
      %dma_start3A_104 = arith.constant 0 : i32
      %dma_start3A_105 = tpu.memref_slice %arg4[%add3A, %dma_start3A_103, %dma_start3A_104] : memref<32x80x128xf32, #tpu.memory_space<hbm>> -> memref<1x80x128xf32, #tpu.memory_space<hbm>>
      %dma_start3A_106 = tpu.memref_squeeze %dma_start3A_105 : memref<1x80x128xf32, #tpu.memory_space<hbm>> -> memref<80x128xf32, #tpu.memory_space<hbm>>
      tpu.enqueue_dma source(%dma_start3A_106 : memref<80x128xf32, #tpu.memory_space<hbm>>) target(%arg17 : memref<80x128xf32, #tpu.memory_space<vmem>>) target_semaphore(%run_scoped3A : memref<!tpu.dma_semaphore, #tpu.memory_space<semaphore_mem>>)
      %dma_wait3A = arith.constant 0 : i32
      %dma_wait3A_107 = arith.constant 0 : i32
      %dma_wait3A_108 = tpu.memref_slice %arg4[%add3A, %dma_wait3A, %dma_wait3A_107] : memref<32x80x128xf32, #tpu.memory_space<hbm>> -> memref<1x80x128xf32, #tpu.memory_space<hbm>>
      %dma_wait3A_109 = tpu.memref_squeeze %dma_wait3A_108 : memref<1x80x128xf32, #tpu.memory_space<hbm>> -> memref<80x128xf32, #tpu.memory_space<hbm>>
      %dma_wait3A_110 = arith.constant 0 : i32
      %dma_wait3A_111 = arith.constant 0 : i32
      %dma_wait3A_112 = tpu.memref_slice %arg4[%add3A, %dma_wait3A_110, %dma_wait3A_111] : memref<32x80x128xf32, #tpu.memory_space<hbm>> -> memref<1x80x128xf32, #tpu.memory_space<hbm>>
      %dma_wait3A_113 = tpu.memref_squeeze %dma_wait3A_112 : memref<1x80x128xf32, #tpu.memory_space<hbm>> -> memref<80x128xf32, #tpu.memory_space<hbm>>
      tpu.wait_dma2 semaphore(%run_scoped3A : memref<!tpu.dma_semaphore, #tpu.memory_space<semaphore_mem>>) src(%dma_wait3A_113 : memref<80x128xf32, #tpu.memory_space<hbm>>) dst(%arg17 : memref<80x128xf32, #tpu.memory_space<vmem>>)
      tpu.yield
    }) : () -> ()
    "tpu.region"() ({
      %run_scoped3A = tpu.sem_alloc : memref<!tpu.dma_semaphore, #tpu.memory_space<semaphore_mem>>
      %dma_start3A_99 = arith.constant 0 : i32
      %dma_start3A_100 = arith.constant 0 : i32
      %dma_start3A_101 = tpu.memref_slice %arg5[%add3A, %dma_start3A_99, %dma_start3A_100] : memref<32x80x128xf32, #tpu.memory_space<hbm>> -> memref<1x80x128xf32, #tpu.memory_space<hbm>>
      %dma_start3A_102 = tpu.memref_squeeze %dma_start3A_101 : memref<1x80x128xf32, #tpu.memory_space<hbm>> -> memref<80x128xf32, #tpu.memory_space<hbm>>
      %dma_start3A_103 = arith.constant 0 : i32
      %dma_start3A_104 = arith.constant 0 : i32
      %dma_start3A_105 = tpu.memref_slice %arg5[%add3A, %dma_start3A_103, %dma_start3A_104] : memref<32x80x128xf32, #tpu.memory_space<hbm>> -> memref<1x80x128xf32, #tpu.memory_space<hbm>>
      %dma_start3A_106 = tpu.memref_squeeze %dma_start3A_105 : memref<1x80x128xf32, #tpu.memory_space<hbm>> -> memref<80x128xf32, #tpu.memory_space<hbm>>
      tpu.enqueue_dma source(%dma_start3A_106 : memref<80x128xf32, #tpu.memory_space<hbm>>) target(%arg18 : memref<80x128xf32, #tpu.memory_space<vmem>>) target_semaphore(%run_scoped3A : memref<!tpu.dma_semaphore, #tpu.memory_space<semaphore_mem>>)
      %dma_wait3A = arith.constant 0 : i32
      %dma_wait3A_107 = arith.constant 0 : i32
      %dma_wait3A_108 = tpu.memref_slice %arg5[%add3A, %dma_wait3A, %dma_wait3A_107] : memref<32x80x128xf32, #tpu.memory_space<hbm>> -> memref<1x80x128xf32, #tpu.memory_space<hbm>>
      %dma_wait3A_109 = tpu.memref_squeeze %dma_wait3A_108 : memref<1x80x128xf32, #tpu.memory_space<hbm>> -> memref<80x128xf32, #tpu.memory_space<hbm>>
      %dma_wait3A_110 = arith.constant 0 : i32
      %dma_wait3A_111 = arith.constant 0 : i32
      %dma_wait3A_112 = tpu.memref_slice %arg5[%add3A, %dma_wait3A_110, %dma_wait3A_111] : memref<32x80x128xf32, #tpu.memory_space<hbm>> -> memref<1x80x128xf32, #tpu.memory_space<hbm>>
      %dma_wait3A_113 = tpu.memref_squeeze %dma_wait3A_112 : memref<1x80x128xf32, #tpu.memory_space<hbm>> -> memref<80x128xf32, #tpu.memory_space<hbm>>
      tpu.wait_dma2 semaphore(%run_scoped3A : memref<!tpu.dma_semaphore, #tpu.memory_space<semaphore_mem>>) src(%dma_wait3A_113 : memref<80x128xf32, #tpu.memory_space<hbm>>) dst(%arg18 : memref<80x128xf32, #tpu.memory_space<vmem>>)
      tpu.yield
    }) : () -> ()
    "tpu.region"() ({
      %run_scoped3A = tpu.sem_alloc : memref<!tpu.dma_semaphore, #tpu.memory_space<semaphore_mem>>
      tpu.enqueue_dma source(%arg6 : memref<10000xf32, #tpu.memory_space<hbm>>) target(%arg19 : memref<10000xf32, #tpu.memory_space<vmem>>) target_semaphore(%run_scoped3A : memref<!tpu.dma_semaphore, #tpu.memory_space<semaphore_mem>>)
      tpu.wait_dma2 semaphore(%run_scoped3A : memref<!tpu.dma_semaphore, #tpu.memory_space<semaphore_mem>>) src(%arg6 : memref<10000xf32, #tpu.memory_space<hbm>>) dst(%arg19 : memref<10000xf32, #tpu.memory_space<vmem>>)
      tpu.yield
    }) : () -> ()
    "tpu.region"() ({
      %run_scoped3A = tpu.sem_alloc : memref<!tpu.dma_semaphore, #tpu.memory_space<semaphore_mem>>
      tpu.enqueue_dma source(%arg7 : memref<10000xf32, #tpu.memory_space<hbm>>) target(%arg20 : memref<10000xf32, #tpu.memory_space<vmem>>) target_semaphore(%run_scoped3A : memref<!tpu.dma_semaphore, #tpu.memory_space<semaphore_mem>>)
      tpu.wait_dma2 semaphore(%run_scoped3A : memref<!tpu.dma_semaphore, #tpu.memory_space<semaphore_mem>>) src(%arg7 : memref<10000xf32, #tpu.memory_space<hbm>>) dst(%arg20 : memref<10000xf32, #tpu.memory_space<vmem>>)
      tpu.yield
    }) : () -> ()
    "tpu.region"() ({
      %run_scoped3A = tpu.sem_alloc : memref<!tpu.dma_semaphore, #tpu.memory_space<semaphore_mem>>
      tpu.enqueue_dma source(%arg8 : memref<10000xf32, #tpu.memory_space<hbm>>) target(%arg21 : memref<10000xf32, #tpu.memory_space<vmem>>) target_semaphore(%run_scoped3A : memref<!tpu.dma_semaphore, #tpu.memory_space<semaphore_mem>>)
      tpu.wait_dma2 semaphore(%run_scoped3A : memref<!tpu.dma_semaphore, #tpu.memory_space<semaphore_mem>>) src(%arg8 : memref<10000xf32, #tpu.memory_space<hbm>>) dst(%arg21 : memref<10000xf32, #tpu.memory_space<vmem>>)
      tpu.yield
    }) : () -> ()
    "tpu.region"() ({
      %run_scoped3A = tpu.sem_alloc : memref<!tpu.dma_semaphore, #tpu.memory_space<semaphore_mem>>
      tpu.enqueue_dma source(%arg9 : memref<10000xf32, #tpu.memory_space<hbm>>) target(%arg22 : memref<10000xf32, #tpu.memory_space<vmem>>) target_semaphore(%run_scoped3A : memref<!tpu.dma_semaphore, #tpu.memory_space<semaphore_mem>>)
      tpu.wait_dma2 semaphore(%run_scoped3A : memref<!tpu.dma_semaphore, #tpu.memory_space<semaphore_mem>>) src(%arg9 : memref<10000xf32, #tpu.memory_space<hbm>>) dst(%arg22 : memref<10000xf32, #tpu.memory_space<vmem>>)
      tpu.yield
    }) : () -> ()
    %barrier3A = arith.constant 0 : index
    tpu.barrier barrier_id(%barrier3A)
    %sub3A = arith.constant 0 : i32
    %sub3A_7 = arith.subi %select_n3A, %sub3A : i32
    %sub3A_8 = arith.constant 1 : i32
    %sub3A_9 = arith.constant 1 : i32
    %sub3A_10 = arith.subi %sub3A_8, %sub3A_9 : i32
    %add3A_11 = arith.addi %sub3A_7, %sub3A_10 : i32
    %div3A = arith.constant 1 : i32
    %div3A_12 = arith.divsi %add3A_11, %div3A : i32
    %while3A = arith.constant 1 : i32
    %while3A_13 = arith.constant 0 : i32
    %while3A_14 = arith.constant 0 : i32
    %while3A_15 = arith.subi %div3A_12, %while3A_14 : i32
    %while3A_16 = arith.addi %while3A_14, %while3A_15 : i32
    %while3A_17 = arith.constant 1 : i32
    %while3A_18 = arith.divsi %while3A_15, %while3A_17 : i32
    %while3A_19 = arith.muli %while3A_18, %while3A_17 : i32
    %while3A_20 = arith.addi %while3A_14, %while3A_19 : i32
    %while3A_21 = arith.constant 1 : i32
    scf.for %while3A_99 = %while3A_14 to %while3A_20 step %while3A_21  : i32 {
      %mul3A_100 = arith.muli %while3A_99, %while3A : i32
      %add3A_101 = arith.addi %while3A_13, %mul3A_100 : i32
      %get3A = arith.index_cast %add3A_101 : i32 to index
      %get3A_102 = arith.constant 0 : index
      %get3A_103 = tpu.vector_load %arg15[%get3A, %get3A_102] {strides = array<i32>} : memref<80x128xi32, #tpu.memory_space<vmem>>, vector<16xi32>,
      %get3A_104 = arith.index_cast %add3A_101 : i32 to index
      %get3A_105 = arith.constant 0 : index
      %get3A_106 = tpu.vector_load %arg16[%get3A_104, %get3A_105] {strides = array<i32>} : memref<80x128xi32, #tpu.memory_space<vmem>>, vector<16xi32>,
      %gather3A = tpu.vector_load_idx %arg19[%get3A_103] : memref<10000xf32, #tpu.memory_space<vmem>>[vector<16xi32>], vector<16xf32>,
      %gather3A_107 = tpu.vector_load_idx %arg21[%get3A_106] : memref<10000xf32, #tpu.memory_space<vmem>>[vector<16xi32>], vector<16xf32>,
      %mul3A_108 = arith.mulf %gather3A, %gather3A_107 : vector<16xf32>
      %get3A_109 = arith.index_cast %add3A_101 : i32 to index
      %get3A_110 = arith.constant 0 : index
      %get3A_111 = tpu.vector_load %arg17[%get3A_109, %get3A_110] {strides = array<i32>} : memref<80x128xf32, #tpu.memory_space<vmem>>, vector<16xf32>,
      %mul3A_112 = arith.mulf %mul3A_108, %get3A_111 : vector<16xf32>
      %gather3A_113 = tpu.vector_load_idx %arg20[%get3A_103] : memref<10000xf32, #tpu.memory_space<vmem>>[vector<16xi32>], vector<16xf32>,
      %gather3A_114 = tpu.vector_load_idx %arg22[%get3A_106] : memref<10000xf32, #tpu.memory_space<vmem>>[vector<16xi32>], vector<16xf32>,
      %mul3A_115 = arith.mulf %gather3A_113, %gather3A_114 : vector<16xf32>
      %get3A_116 = arith.index_cast %add3A_101 : i32 to index
      %get3A_117 = arith.constant 0 : index
      %get3A_118 = tpu.vector_load %arg18[%get3A_116, %get3A_117] {strides = array<i32>} : memref<80x128xf32, #tpu.memory_space<vmem>>, vector<16xf32>,
      %mul3A_119 = arith.mulf %mul3A_115, %get3A_118 : vector<16xf32>
      %max3A = arith.maximumf %mul3A_112, %mul3A_119 : vector<16xf32>
      %swap3A = arith.index_cast %add3A_101 : i32 to index
      %swap3A_120 = arith.constant 0 : index
      %swap3A_121 = tpu.vector_load %arg17[%swap3A, %swap3A_120] {strides = array<i32>} : memref<80x128xf32, #tpu.memory_space<vmem>>, vector<16xf32>,
      tpu.vector_store %arg17[%swap3A, %swap3A_120], %max3A {strides = array<i32>} : memref<80x128xf32, #tpu.memory_space<vmem>>, vector<16xf32>,
      %get3A_122 = arith.index_cast %add3A_101 : i32 to index
      %get3A_123 = arith.constant 16 : index
      %get3A_124 = tpu.vector_load %arg15[%get3A_122, %get3A_123] {strides = array<i32>} : memref<80x128xi32, #tpu.memory_space<vmem>>, vector<16xi32>,
      %get3A_125 = arith.index_cast %add3A_101 : i32 to index
      %get3A_126 = arith.constant 16 : index
      %get3A_127 = tpu.vector_load %arg16[%get3A_125, %get3A_126] {strides = array<i32>} : memref<80x128xi32, #tpu.memory_space<vmem>>, vector<16xi32>,
      %gather3A_128 = tpu.vector_load_idx %arg19[%get3A_124] : memref<10000xf32, #tpu.memory_space<vmem>>[vector<16xi32>], vector<16xf32>,
      %gather3A_129 = tpu.vector_load_idx %arg21[%get3A_127] : memref<10000xf32, #tpu.memory_space<vmem>>[vector<16xi32>], vector<16xf32>,
      %mul3A_130 = arith.mulf %gather3A_128, %gather3A_129 : vector<16xf32>
      %get3A_131 = arith.index_cast %add3A_101 : i32 to index
      %get3A_132 = arith.constant 16 : index
      %get3A_133 = tpu.vector_load %arg17[%get3A_131, %get3A_132] {strides = array<i32>} : memref<80x128xf32, #tpu.memory_space<vmem>>, vector<16xf32>,
      %mul3A_134 = arith.mulf %mul3A_130, %get3A_133 : vector<16xf32>
      %gather3A_135 = tpu.vector_load_idx %arg20[%get3A_124] : memref<10000xf32, #tpu.memory_space<vmem>>[vector<16xi32>], vector<16xf32>,
      %gather3A_136 = tpu.vector_load_idx %arg22[%get3A_127] : memref<10000xf32, #tpu.memory_space<vmem>>[vector<16xi32>], vector<16xf32>,
      %mul3A_137 = arith.mulf %gather3A_135, %gather3A_136 : vector<16xf32>
      %get3A_138 = arith.index_cast %add3A_101 : i32 to index
      %get3A_139 = arith.constant 16 : index
      %get3A_140 = tpu.vector_load %arg18[%get3A_138, %get3A_139] {strides = array<i32>} : memref<80x128xf32, #tpu.memory_space<vmem>>, vector<16xf32>,
      %mul3A_141 = arith.mulf %mul3A_137, %get3A_140 : vector<16xf32>
      %max3A_142 = arith.maximumf %mul3A_134, %mul3A_141 : vector<16xf32>
      %swap3A_143 = arith.index_cast %add3A_101 : i32 to index
      %swap3A_144 = arith.constant 16 : index
      %swap3A_145 = tpu.vector_load %arg17[%swap3A_143, %swap3A_144] {strides = array<i32>} : memref<80x128xf32, #tpu.memory_space<vmem>>, vector<16xf32>,
      tpu.vector_store %arg17[%swap3A_143, %swap3A_144], %max3A_142 {strides = array<i32>} : memref<80x128xf32, #tpu.memory_space<vmem>>, vector<16xf32>,
      %get3A_146 = arith.index_cast %add3A_101 : i32 to index
      %get3A_147 = arith.constant 32 : index
      %get3A_148 = tpu.vector_load %arg15[%get3A_146, %get3A_147] {strides = array<i32>} : memref<80x128xi32, #tpu.memory_space<vmem>>, vector<16xi32>,
      %get3A_149 = arith.index_cast %add3A_101 : i32 to index
      %get3A_150 = arith.constant 32 : index
      %get3A_151 = tpu.vector_load %arg16[%get3A_149, %get3A_150] {strides = array<i32>} : memref<80x128xi32, #tpu.memory_space<vmem>>, vector<16xi32>,
      %gather3A_152 = tpu.vector_load_idx %arg19[%get3A_148] : memref<10000xf32, #tpu.memory_space<vmem>>[vector<16xi32>], vector<16xf32>,
      %gather3A_153 = tpu.vector_load_idx %arg21[%get3A_151] : memref<10000xf32, #tpu.memory_space<vmem>>[vector<16xi32>], vector<16xf32>,
      %mul3A_154 = arith.mulf %gather3A_152, %gather3A_153 : vector<16xf32>
      %get3A_155 = arith.index_cast %add3A_101 : i32 to index
      %get3A_156 = arith.constant 32 : index
      %get3A_157 = tpu.vector_load %arg17[%get3A_155, %get3A_156] {strides = array<i32>} : memref<80x128xf32, #tpu.memory_space<vmem>>, vector<16xf32>,
      %mul3A_158 = arith.mulf %mul3A_154, %get3A_157 : vector<16xf32>
      %gather3A_159 = tpu.vector_load_idx %arg20[%get3A_148] : memref<10000xf32, #tpu.memory_space<vmem>>[vector<16xi32>], vector<16xf32>,
      %gather3A_160 = tpu.vector_load_idx %arg22[%get3A_151] : memref<10000xf32, #tpu.memory_space<vmem>>[vector<16xi32>], vector<16xf32>,
      %mul3A_161 = arith.mulf %gather3A_159, %gather3A_160 : vector<16xf32>
      %get3A_162 = arith.index_cast %add3A_101 : i32 to index
      %get3A_163 = arith.constant 32 : index
      %get3A_164 = tpu.vector_load %arg18[%get3A_162, %get3A_163] {strides = array<i32>} : memref<80x128xf32, #tpu.memory_space<vmem>>, vector<16xf32>,
      %mul3A_165 = arith.mulf %mul3A_161, %get3A_164 : vector<16xf32>
      %max3A_166 = arith.maximumf %mul3A_158, %mul3A_165 : vector<16xf32>
      %swap3A_167 = arith.index_cast %add3A_101 : i32 to index
      %swap3A_168 = arith.constant 32 : index
      %swap3A_169 = tpu.vector_load %arg17[%swap3A_167, %swap3A_168] {strides = array<i32>} : memref<80x128xf32, #tpu.memory_space<vmem>>, vector<16xf32>,
      tpu.vector_store %arg17[%swap3A_167, %swap3A_168], %max3A_166 {strides = array<i32>} : memref<80x128xf32, #tpu.memory_space<vmem>>, vector<16xf32>,
      %get3A_170 = arith.index_cast %add3A_101 : i32 to index
      %get3A_171 = arith.constant 48 : index
      %get3A_172 = tpu.vector_load %arg15[%get3A_170, %get3A_171] {strides = array<i32>} : memref<80x128xi32, #tpu.memory_space<vmem>>, vector<16xi32>,
      %get3A_173 = arith.index_cast %add3A_101 : i32 to index
      %get3A_174 = arith.constant 48 : index
      %get3A_175 = tpu.vector_load %arg16[%get3A_173, %get3A_174] {strides = array<i32>} : memref<80x128xi32, #tpu.memory_space<vmem>>, vector<16xi32>,
      %gather3A_176 = tpu.vector_load_idx %arg19[%get3A_172] : memref<10000xf32, #tpu.memory_space<vmem>>[vector<16xi32>], vector<16xf32>,
      %gather3A_177 = tpu.vector_load_idx %arg21[%get3A_175] : memref<10000xf32, #tpu.memory_space<vmem>>[vector<16xi32>], vector<16xf32>,
      %mul3A_178 = arith.mulf %gather3A_176, %gather3A_177 : vector<16xf32>
      %get3A_179 = arith.index_cast %add3A_101 : i32 to index
      %get3A_180 = arith.constant 48 : index
      %get3A_181 = tpu.vector_load %arg17[%get3A_179, %get3A_180] {strides = array<i32>} : memref<80x128xf32, #tpu.memory_space<vmem>>, vector<16xf32>,
      %mul3A_182 = arith.mulf %mul3A_178, %get3A_181 : vector<16xf32>
      %gather3A_183 = tpu.vector_load_idx %arg20[%get3A_172] : memref<10000xf32, #tpu.memory_space<vmem>>[vector<16xi32>], vector<16xf32>,
      %gather3A_184 = tpu.vector_load_idx %arg22[%get3A_175] : memref<10000xf32, #tpu.memory_space<vmem>>[vector<16xi32>], vector<16xf32>,
      %mul3A_185 = arith.mulf %gather3A_183, %gather3A_184 : vector<16xf32>
      %get3A_186 = arith.index_cast %add3A_101 : i32 to index
      %get3A_187 = arith.constant 48 : index
      %get3A_188 = tpu.vector_load %arg18[%get3A_186, %get3A_187] {strides = array<i32>} : memref<80x128xf32, #tpu.memory_space<vmem>>, vector<16xf32>,
      %mul3A_189 = arith.mulf %mul3A_185, %get3A_188 : vector<16xf32>
      %max3A_190 = arith.maximumf %mul3A_182, %mul3A_189 : vector<16xf32>
      %swap3A_191 = arith.index_cast %add3A_101 : i32 to index
      %swap3A_192 = arith.constant 48 : index
      %swap3A_193 = tpu.vector_load %arg17[%swap3A_191, %swap3A_192] {strides = array<i32>} : memref<80x128xf32, #tpu.memory_space<vmem>>, vector<16xf32>,
      tpu.vector_store %arg17[%swap3A_191, %swap3A_192], %max3A_190 {strides = array<i32>} : memref<80x128xf32, #tpu.memory_space<vmem>>, vector<16xf32>,
      %get3A_194 = arith.index_cast %add3A_101 : i32 to index
      %get3A_195 = arith.constant 64 : index
      %get3A_196 = tpu.vector_load %arg15[%get3A_194, %get3A_195] {strides = array<i32>} : memref<80x128xi32, #tpu.memory_space<vmem>>, vector<16xi32>,
      %get3A_197 = arith.index_cast %add3A_101 : i32 to index
      %get3A_198 = arith.constant 64 : index
      %get3A_199 = tpu.vector_load %arg16[%get3A_197, %get3A_198] {strides = array<i32>} : memref<80x128xi32, #tpu.memory_space<vmem>>, vector<16xi32>,
      %gather3A_200 = tpu.vector_load_idx %arg19[%get3A_196] : memref<10000xf32, #tpu.memory_space<vmem>>[vector<16xi32>], vector<16xf32>,
      %gather3A_201 = tpu.vector_load_idx %arg21[%get3A_199] : memref<10000xf32, #tpu.memory_space<vmem>>[vector<16xi32>], vector<16xf32>,
      %mul3A_202 = arith.mulf %gather3A_200, %gather3A_201 : vector<16xf32>
      %get3A_203 = arith.index_cast %add3A_101 : i32 to index
      %get3A_204 = arith.constant 64 : index
      %get3A_205 = tpu.vector_load %arg17[%get3A_203, %get3A_204] {strides = array<i32>} : memref<80x128xf32, #tpu.memory_space<vmem>>, vector<16xf32>,
      %mul3A_206 = arith.mulf %mul3A_202, %get3A_205 : vector<16xf32>
      %gather3A_207 = tpu.vector_load_idx %arg20[%get3A_196] : memref<10000xf32, #tpu.memory_space<vmem>>[vector<16xi32>], vector<16xf32>,
      %gather3A_208 = tpu.vector_load_idx %arg22[%get3A_199] : memref<10000xf32, #tpu.memory_space<vmem>>[vector<16xi32>], vector<16xf32>,
      %mul3A_209 = arith.mulf %gather3A_207, %gather3A_208 : vector<16xf32>
      %get3A_210 = arith.index_cast %add3A_101 : i32 to index
      %get3A_211 = arith.constant 64 : index
      %get3A_212 = tpu.vector_load %arg18[%get3A_210, %get3A_211] {strides = array<i32>} : memref<80x128xf32, #tpu.memory_space<vmem>>, vector<16xf32>,
      %mul3A_213 = arith.mulf %mul3A_209, %get3A_212 : vector<16xf32>
      %max3A_214 = arith.maximumf %mul3A_206, %mul3A_213 : vector<16xf32>
      %swap3A_215 = arith.index_cast %add3A_101 : i32 to index
      %swap3A_216 = arith.constant 64 : index
      %swap3A_217 = tpu.vector_load %arg17[%swap3A_215, %swap3A_216] {strides = array<i32>} : memref<80x128xf32, #tpu.memory_space<vmem>>, vector<16xf32>,
      tpu.vector_store %arg17[%swap3A_215, %swap3A_216], %max3A_214 {strides = array<i32>} : memref<80x128xf32, #tpu.memory_space<vmem>>, vector<16xf32>,
      %get3A_218 = arith.index_cast %add3A_101 : i32 to index
      %get3A_219 = arith.constant 80 : index
      %get3A_220 = tpu.vector_load %arg15[%get3A_218, %get3A_219] {strides = array<i32>} : memref<80x128xi32, #tpu.memory_space<vmem>>, vector<16xi32>,
      %get3A_221 = arith.index_cast %add3A_101 : i32 to index
      %get3A_222 = arith.constant 80 : index
      %get3A_223 = tpu.vector_load %arg16[%get3A_221, %get3A_222] {strides = array<i32>} : memref<80x128xi32, #tpu.memory_space<vmem>>, vector<16xi32>,
      %gather3A_224 = tpu.vector_load_idx %arg19[%get3A_220] : memref<10000xf32, #tpu.memory_space<vmem>>[vector<16xi32>], vector<16xf32>,
      %gather3A_225 = tpu.vector_load_idx %arg21[%get3A_223] : memref<10000xf32, #tpu.memory_space<vmem>>[vector<16xi32>], vector<16xf32>,
      %mul3A_226 = arith.mulf %gather3A_224, %gather3A_225 : vector<16xf32>
      %get3A_227 = arith.index_cast %add3A_101 : i32 to index
      %get3A_228 = arith.constant 80 : index
      %get3A_229 = tpu.vector_load %arg17[%get3A_227, %get3A_228] {strides = array<i32>} : memref<80x128xf32, #tpu.memory_space<vmem>>, vector<16xf32>,
      %mul3A_230 = arith.mulf %mul3A_226, %get3A_229 : vector<16xf32>
      %gather3A_231 = tpu.vector_load_idx %arg20[%get3A_220] : memref<10000xf32, #tpu.memory_space<vmem>>[vector<16xi32>], vector<16xf32>,
      %gather3A_232 = tpu.vector_load_idx %arg22[%get3A_223] : memref<10000xf32, #tpu.memory_space<vmem>>[vector<16xi32>], vector<16xf32>,
      %mul3A_233 = arith.mulf %gather3A_231, %gather3A_232 : vector<16xf32>
      %get3A_234 = arith.index_cast %add3A_101 : i32 to index
      %get3A_235 = arith.constant 80 : index
      %get3A_236 = tpu.vector_load %arg18[%get3A_234, %get3A_235] {strides = array<i32>} : memref<80x128xf32, #tpu.memory_space<vmem>>, vector<16xf32>,
      %mul3A_237 = arith.mulf %mul3A_233, %get3A_236 : vector<16xf32>
      %max3A_238 = arith.maximumf %mul3A_230, %mul3A_237 : vector<16xf32>
      %swap3A_239 = arith.index_cast %add3A_101 : i32 to index
      %swap3A_240 = arith.constant 80 : index
      %swap3A_241 = tpu.vector_load %arg17[%swap3A_239, %swap3A_240] {strides = array<i32>} : memref<80x128xf32, #tpu.memory_space<vmem>>, vector<16xf32>,
      tpu.vector_store %arg17[%swap3A_239, %swap3A_240], %max3A_238 {strides = array<i32>} : memref<80x128xf32, #tpu.memory_space<vmem>>, vector<16xf32>,
      %get3A_242 = arith.index_cast %add3A_101 : i32 to index
      %get3A_243 = arith.constant 96 : index
      %get3A_244 = tpu.vector_load %arg15[%get3A_242, %get3A_243] {strides = array<i32>} : memref<80x128xi32, #tpu.memory_space<vmem>>, vector<16xi32>,
      %get3A_245 = arith.index_cast %add3A_101 : i32 to index
      %get3A_246 = arith.constant 96 : index
      %get3A_247 = tpu.vector_load %arg16[%get3A_245, %get3A_246] {strides = array<i32>} : memref<80x128xi32, #tpu.memory_space<vmem>>, vector<16xi32>,
      %gather3A_248 = tpu.vector_load_idx %arg19[%get3A_244] : memref<10000xf32, #tpu.memory_space<vmem>>[vector<16xi32>], vector<16xf32>,
      %gather3A_249 = tpu.vector_load_idx %arg21[%get3A_247] : memref<10000xf32, #tpu.memory_space<vmem>>[vector<16xi32>], vector<16xf32>,
      %mul3A_250 = arith.mulf %gather3A_248, %gather3A_249 : vector<16xf32>
      %get3A_251 = arith.index_cast %add3A_101 : i32 to index
      %get3A_252 = arith.constant 96 : index
      %get3A_253 = tpu.vector_load %arg17[%get3A_251, %get3A_252] {strides = array<i32>} : memref<80x128xf32, #tpu.memory_space<vmem>>, vector<16xf32>,
      %mul3A_254 = arith.mulf %mul3A_250, %get3A_253 : vector<16xf32>
      %gather3A_255 = tpu.vector_load_idx %arg20[%get3A_244] : memref<10000xf32, #tpu.memory_space<vmem>>[vector<16xi32>], vector<16xf32>,
      %gather3A_256 = tpu.vector_load_idx %arg22[%get3A_247] : memref<10000xf32, #tpu.memory_space<vmem>>[vector<16xi32>], vector<16xf32>,
      %mul3A_257 = arith.mulf %gather3A_255, %gather3A_256 : vector<16xf32>
      %get3A_258 = arith.index_cast %add3A_101 : i32 to index
      %get3A_259 = arith.constant 96 : index
      %get3A_260 = tpu.vector_load %arg18[%get3A_258, %get3A_259] {strides = array<i32>} : memref<80x128xf32, #tpu.memory_space<vmem>>, vector<16xf32>,
      %mul3A_261 = arith.mulf %mul3A_257, %get3A_260 : vector<16xf32>
      %max3A_262 = arith.maximumf %mul3A_254, %mul3A_261 : vector<16xf32>
      %swap3A_263 = arith.index_cast %add3A_101 : i32 to index
      %swap3A_264 = arith.constant 96 : index
      %swap3A_265 = tpu.vector_load %arg17[%swap3A_263, %swap3A_264] {strides = array<i32>} : memref<80x128xf32, #tpu.memory_space<vmem>>, vector<16xf32>,
      tpu.vector_store %arg17[%swap3A_263, %swap3A_264], %max3A_262 {strides = array<i32>} : memref<80x128xf32, #tpu.memory_space<vmem>>, vector<16xf32>,
      %get3A_266 = arith.index_cast %add3A_101 : i32 to index
      %get3A_267 = arith.constant 112 : index
      %get3A_268 = tpu.vector_load %arg15[%get3A_266, %get3A_267] {strides = array<i32>} : memref<80x128xi32, #tpu.memory_space<vmem>>, vector<16xi32>,
      %get3A_269 = arith.index_cast %add3A_101 : i32 to index
      %get3A_270 = arith.constant 112 : index
      %get3A_271 = tpu.vector_load %arg16[%get3A_269, %get3A_270] {strides = array<i32>} : memref<80x128xi32, #tpu.memory_space<vmem>>, vector<16xi32>,
      %gather3A_272 = tpu.vector_load_idx %arg19[%get3A_268] : memref<10000xf32, #tpu.memory_space<vmem>>[vector<16xi32>], vector<16xf32>,
      %gather3A_273 = tpu.vector_load_idx %arg21[%get3A_271] : memref<10000xf32, #tpu.memory_space<vmem>>[vector<16xi32>], vector<16xf32>,
      %mul3A_274 = arith.mulf %gather3A_272, %gather3A_273 : vector<16xf32>
      %get3A_275 = arith.index_cast %add3A_101 : i32 to index
      %get3A_276 = arith.constant 112 : index
      %get3A_277 = tpu.vector_load %arg17[%get3A_275, %get3A_276] {strides = array<i32>} : memref<80x128xf32, #tpu.memory_space<vmem>>, vector<16xf32>,
      %mul3A_278 = arith.mulf %mul3A_274, %get3A_277 : vector<16xf32>
      %gather3A_279 = tpu.vector_load_idx %arg20[%get3A_268] : memref<10000xf32, #tpu.memory_space<vmem>>[vector<16xi32>], vector<16xf32>,
      %gather3A_280 = tpu.vector_load_idx %arg22[%get3A_271] : memref<10000xf32, #tpu.memory_space<vmem>>[vector<16xi32>], vector<16xf32>,
      %mul3A_281 = arith.mulf %gather3A_279, %gather3A_280 : vector<16xf32>
      %get3A_282 = arith.index_cast %add3A_101 : i32 to index
      %get3A_283 = arith.constant 112 : index
      %get3A_284 = tpu.vector_load %arg18[%get3A_282, %get3A_283] {strides = array<i32>} : memref<80x128xf32, #tpu.memory_space<vmem>>, vector<16xf32>,
      %mul3A_285 = arith.mulf %mul3A_281, %get3A_284 : vector<16xf32>
      %max3A_286 = arith.maximumf %mul3A_278, %mul3A_285 : vector<16xf32>
      %swap3A_287 = arith.index_cast %add3A_101 : i32 to index
      %swap3A_288 = arith.constant 112 : index
      %swap3A_289 = tpu.vector_load %arg17[%swap3A_287, %swap3A_288] {strides = array<i32>} : memref<80x128xf32, #tpu.memory_space<vmem>>, vector<16xf32>,
      tpu.vector_store %arg17[%swap3A_287, %swap3A_288], %max3A_286 {strides = array<i32>} : memref<80x128xf32, #tpu.memory_space<vmem>>, vector<16xf32>,
    }
    %while3A_22 = arith.constant 1 : i32
    scf.for %while3A_99 = %while3A_20 to %while3A_16 step %while3A_22  : i32 {
      %mul3A_100 = arith.muli %while3A_99, %while3A : i32
      %add3A_101 = arith.addi %while3A_13, %mul3A_100 : i32
      %get3A = arith.index_cast %add3A_101 : i32 to index
      %get3A_102 = arith.constant 0 : index
      %get3A_103 = tpu.vector_load %arg15[%get3A, %get3A_102] {strides = array<i32>} : memref<80x128xi32, #tpu.memory_space<vmem>>, vector<16xi32>,
      %get3A_104 = arith.index_cast %add3A_101 : i32 to index
      %get3A_105 = arith.constant 0 : index
      %get3A_106 = tpu.vector_load %arg16[%get3A_104, %get3A_105] {strides = array<i32>} : memref<80x128xi32, #tpu.memory_space<vmem>>, vector<16xi32>,
      %gather3A = tpu.vector_load_idx %arg19[%get3A_103] : memref<10000xf32, #tpu.memory_space<vmem>>[vector<16xi32>], vector<16xf32>,
      %gather3A_107 = tpu.vector_load_idx %arg21[%get3A_106] : memref<10000xf32, #tpu.memory_space<vmem>>[vector<16xi32>], vector<16xf32>,
      %mul3A_108 = arith.mulf %gather3A, %gather3A_107 : vector<16xf32>
      %get3A_109 = arith.index_cast %add3A_101 : i32 to index
      %get3A_110 = arith.constant 0 : index
      %get3A_111 = tpu.vector_load %arg17[%get3A_109, %get3A_110] {strides = array<i32>} : memref<80x128xf32, #tpu.memory_space<vmem>>, vector<16xf32>,
      %mul3A_112 = arith.mulf %mul3A_108, %get3A_111 : vector<16xf32>
      %gather3A_113 = tpu.vector_load_idx %arg20[%get3A_103] : memref<10000xf32, #tpu.memory_space<vmem>>[vector<16xi32>], vector<16xf32>,
      %gather3A_114 = tpu.vector_load_idx %arg22[%get3A_106] : memref<10000xf32, #tpu.memory_space<vmem>>[vector<16xi32>], vector<16xf32>,
      %mul3A_115 = arith.mulf %gather3A_113, %gather3A_114 : vector<16xf32>
      %get3A_116 = arith.index_cast %add3A_101 : i32 to index
      %get3A_117 = arith.constant 0 : index
      %get3A_118 = tpu.vector_load %arg18[%get3A_116, %get3A_117] {strides = array<i32>} : memref<80x128xf32, #tpu.memory_space<vmem>>, vector<16xf32>,
      %mul3A_119 = arith.mulf %mul3A_115, %get3A_118 : vector<16xf32>
      %max3A = arith.maximumf %mul3A_112, %mul3A_119 : vector<16xf32>
      %swap3A = arith.index_cast %add3A_101 : i32 to index
      %swap3A_120 = arith.constant 0 : index
      %swap3A_121 = tpu.vector_load %arg17[%swap3A, %swap3A_120] {strides = array<i32>} : memref<80x128xf32, #tpu.memory_space<vmem>>, vector<16xf32>,
      tpu.vector_store %arg17[%swap3A, %swap3A_120], %max3A {strides = array<i32>} : memref<80x128xf32, #tpu.memory_space<vmem>>, vector<16xf32>,
      %get3A_122 = arith.index_cast %add3A_101 : i32 to index
      %get3A_123 = arith.constant 16 : index
      %get3A_124 = tpu.vector_load %arg15[%get3A_122, %get3A_123] {strides = array<i32>} : memref<80x128xi32, #tpu.memory_space<vmem>>, vector<16xi32>,
      %get3A_125 = arith.index_cast %add3A_101 : i32 to index
      %get3A_126 = arith.constant 16 : index
      %get3A_127 = tpu.vector_load %arg16[%get3A_125, %get3A_126] {strides = array<i32>} : memref<80x128xi32, #tpu.memory_space<vmem>>, vector<16xi32>,
      %gather3A_128 = tpu.vector_load_idx %arg19[%get3A_124] : memref<10000xf32, #tpu.memory_space<vmem>>[vector<16xi32>], vector<16xf32>,
      %gather3A_129 = tpu.vector_load_idx %arg21[%get3A_127] : memref<10000xf32, #tpu.memory_space<vmem>>[vector<16xi32>], vector<16xf32>,
      %mul3A_130 = arith.mulf %gather3A_128, %gather3A_129 : vector<16xf32>
      %get3A_131 = arith.index_cast %add3A_101 : i32 to index
      %get3A_132 = arith.constant 16 : index
      %get3A_133 = tpu.vector_load %arg17[%get3A_131, %get3A_132] {strides = array<i32>} : memref<80x128xf32, #tpu.memory_space<vmem>>, vector<16xf32>,
      %mul3A_134 = arith.mulf %mul3A_130, %get3A_133 : vector<16xf32>
      %gather3A_135 = tpu.vector_load_idx %arg20[%get3A_124] : memref<10000xf32, #tpu.memory_space<vmem>>[vector<16xi32>], vector<16xf32>,
      %gather3A_136 = tpu.vector_load_idx %arg22[%get3A_127] : memref<10000xf32, #tpu.memory_space<vmem>>[vector<16xi32>], vector<16xf32>,
      %mul3A_137 = arith.mulf %gather3A_135, %gather3A_136 : vector<16xf32>
      %get3A_138 = arith.index_cast %add3A_101 : i32 to index
      %get3A_139 = arith.constant 16 : index
      %get3A_140 = tpu.vector_load %arg18[%get3A_138, %get3A_139] {strides = array<i32>} : memref<80x128xf32, #tpu.memory_space<vmem>>, vector<16xf32>,
      %mul3A_141 = arith.mulf %mul3A_137, %get3A_140 : vector<16xf32>
      %max3A_142 = arith.maximumf %mul3A_134, %mul3A_141 : vector<16xf32>
      %swap3A_143 = arith.index_cast %add3A_101 : i32 to index
      %swap3A_144 = arith.constant 16 : index
      %swap3A_145 = tpu.vector_load %arg17[%swap3A_143, %swap3A_144] {strides = array<i32>} : memref<80x128xf32, #tpu.memory_space<vmem>>, vector<16xf32>,
      tpu.vector_store %arg17[%swap3A_143, %swap3A_144], %max3A_142 {strides = array<i32>} : memref<80x128xf32, #tpu.memory_space<vmem>>, vector<16xf32>,
      %get3A_146 = arith.index_cast %add3A_101 : i32 to index
      %get3A_147 = arith.constant 32 : index
      %get3A_148 = tpu.vector_load %arg15[%get3A_146, %get3A_147] {strides = array<i32>} : memref<80x128xi32, #tpu.memory_space<vmem>>, vector<16xi32>,
      %get3A_149 = arith.index_cast %add3A_101 : i32 to index
      %get3A_150 = arith.constant 32 : index
      %get3A_151 = tpu.vector_load %arg16[%get3A_149, %get3A_150] {strides = array<i32>} : memref<80x128xi32, #tpu.memory_space<vmem>>, vector<16xi32>,
      %gather3A_152 = tpu.vector_load_idx %arg19[%get3A_148] : memref<10000xf32, #tpu.memory_space<vmem>>[vector<16xi32>], vector<16xf32>,
      %gather3A_153 = tpu.vector_load_idx %arg21[%get3A_151] : memref<10000xf32, #tpu.memory_space<vmem>>[vector<16xi32>], vector<16xf32>,
      %mul3A_154 = arith.mulf %gather3A_152, %gather3A_153 : vector<16xf32>
      %get3A_155 = arith.index_cast %add3A_101 : i32 to index
      %get3A_156 = arith.constant 32 : index
      %get3A_157 = tpu.vector_load %arg17[%get3A_155, %get3A_156] {strides = array<i32>} : memref<80x128xf32, #tpu.memory_space<vmem>>, vector<16xf32>,
      %mul3A_158 = arith.mulf %mul3A_154, %get3A_157 : vector<16xf32>
      %gather3A_159 = tpu.vector_load_idx %arg20[%get3A_148] : memref<10000xf32, #tpu.memory_space<vmem>>[vector<16xi32>], vector<16xf32>,
      %gather3A_160 = tpu.vector_load_idx %arg22[%get3A_151] : memref<10000xf32, #tpu.memory_space<vmem>>[vector<16xi32>], vector<16xf32>,
      %mul3A_161 = arith.mulf %gather3A_159, %gather3A_160 : vector<16xf32>
      %get3A_162 = arith.index_cast %add3A_101 : i32 to index
      %get3A_163 = arith.constant 32 : index
      %get3A_164 = tpu.vector_load %arg18[%get3A_162, %get3A_163] {strides = array<i32>} : memref<80x128xf32, #tpu.memory_space<vmem>>, vector<16xf32>,
      %mul3A_165 = arith.mulf %mul3A_161, %get3A_164 : vector<16xf32>
      %max3A_166 = arith.maximumf %mul3A_158, %mul3A_165 : vector<16xf32>
      %swap3A_167 = arith.index_cast %add3A_101 : i32 to index
      %swap3A_168 = arith.constant 32 : index
      %swap3A_169 = tpu.vector_load %arg17[%swap3A_167, %swap3A_168] {strides = array<i32>} : memref<80x128xf32, #tpu.memory_space<vmem>>, vector<16xf32>,
      tpu.vector_store %arg17[%swap3A_167, %swap3A_168], %max3A_166 {strides = array<i32>} : memref<80x128xf32, #tpu.memory_space<vmem>>, vector<16xf32>,
      %get3A_170 = arith.index_cast %add3A_101 : i32 to index
      %get3A_171 = arith.constant 48 : index
      %get3A_172 = tpu.vector_load %arg15[%get3A_170, %get3A_171] {strides = array<i32>} : memref<80x128xi32, #tpu.memory_space<vmem>>, vector<16xi32>,
      %get3A_173 = arith.index_cast %add3A_101 : i32 to index
      %get3A_174 = arith.constant 48 : index
      %get3A_175 = tpu.vector_load %arg16[%get3A_173, %get3A_174] {strides = array<i32>} : memref<80x128xi32, #tpu.memory_space<vmem>>, vector<16xi32>,
      %gather3A_176 = tpu.vector_load_idx %arg19[%get3A_172] : memref<10000xf32, #tpu.memory_space<vmem>>[vector<16xi32>], vector<16xf32>,
      %gather3A_177 = tpu.vector_load_idx %arg21[%get3A_175] : memref<10000xf32, #tpu.memory_space<vmem>>[vector<16xi32>], vector<16xf32>,
      %mul3A_178 = arith.mulf %gather3A_176, %gather3A_177 : vector<16xf32>
      %get3A_179 = arith.index_cast %add3A_101 : i32 to index
      %get3A_180 = arith.constant 48 : index
      %get3A_181 = tpu.vector_load %arg17[%get3A_179, %get3A_180] {strides = array<i32>} : memref<80x128xf32, #tpu.memory_space<vmem>>, vector<16xf32>,
      %mul3A_182 = arith.mulf %mul3A_178, %get3A_181 : vector<16xf32>
      %gather3A_183 = tpu.vector_load_idx %arg20[%get3A_172] : memref<10000xf32, #tpu.memory_space<vmem>>[vector<16xi32>], vector<16xf32>,
      %gather3A_184 = tpu.vector_load_idx %arg22[%get3A_175] : memref<10000xf32, #tpu.memory_space<vmem>>[vector<16xi32>], vector<16xf32>,
      %mul3A_185 = arith.mulf %gather3A_183, %gather3A_184 : vector<16xf32>
      %get3A_186 = arith.index_cast %add3A_101 : i32 to index
      %get3A_187 = arith.constant 48 : index
      %get3A_188 = tpu.vector_load %arg18[%get3A_186, %get3A_187] {strides = array<i32>} : memref<80x128xf32, #tpu.memory_space<vmem>>, vector<16xf32>,
      %mul3A_189 = arith.mulf %mul3A_185, %get3A_188 : vector<16xf32>
      %max3A_190 = arith.maximumf %mul3A_182, %mul3A_189 : vector<16xf32>
      %swap3A_191 = arith.index_cast %add3A_101 : i32 to index
      %swap3A_192 = arith.constant 48 : index
      %swap3A_193 = tpu.vector_load %arg17[%swap3A_191, %swap3A_192] {strides = array<i32>} : memref<80x128xf32, #tpu.memory_space<vmem>>, vector<16xf32>,
      tpu.vector_store %arg17[%swap3A_191, %swap3A_192], %max3A_190 {strides = array<i32>} : memref<80x128xf32, #tpu.memory_space<vmem>>, vector<16xf32>,
      %get3A_194 = arith.index_cast %add3A_101 : i32 to index
      %get3A_195 = arith.constant 64 : index
      %get3A_196 = tpu.vector_load %arg15[%get3A_194, %get3A_195] {strides = array<i32>} : memref<80x128xi32, #tpu.memory_space<vmem>>, vector<16xi32>,
      %get3A_197 = arith.index_cast %add3A_101 : i32 to index
      %get3A_198 = arith.constant 64 : index
      %get3A_199 = tpu.vector_load %arg16[%get3A_197, %get3A_198] {strides = array<i32>} : memref<80x128xi32, #tpu.memory_space<vmem>>, vector<16xi32>,
      %gather3A_200 = tpu.vector_load_idx %arg19[%get3A_196] : memref<10000xf32, #tpu.memory_space<vmem>>[vector<16xi32>], vector<16xf32>,
      %gather3A_201 = tpu.vector_load_idx %arg21[%get3A_199] : memref<10000xf32, #tpu.memory_space<vmem>>[vector<16xi32>], vector<16xf32>,
      %mul3A_202 = arith.mulf %gather3A_200, %gather3A_201 : vector<16xf32>
      %get3A_203 = arith.index_cast %add3A_101 : i32 to index
      %get3A_204 = arith.constant 64 : index
      %get3A_205 = tpu.vector_load %arg17[%get3A_203, %get3A_204] {strides = array<i32>} : memref<80x128xf32, #tpu.memory_space<vmem>>, vector<16xf32>,
      %mul3A_206 = arith.mulf %mul3A_202, %get3A_205 : vector<16xf32>
      %gather3A_207 = tpu.vector_load_idx %arg20[%get3A_196] : memref<10000xf32, #tpu.memory_space<vmem>>[vector<16xi32>], vector<16xf32>,
      %gather3A_208 = tpu.vector_load_idx %arg22[%get3A_199] : memref<10000xf32, #tpu.memory_space<vmem>>[vector<16xi32>], vector<16xf32>,
      %mul3A_209 = arith.mulf %gather3A_207, %gather3A_208 : vector<16xf32>
      %get3A_210 = arith.index_cast %add3A_101 : i32 to index
      %get3A_211 = arith.constant 64 : index
      %get3A_212 = tpu.vector_load %arg18[%get3A_210, %get3A_211] {strides = array<i32>} : memref<80x128xf32, #tpu.memory_space<vmem>>, vector<16xf32>,
      %mul3A_213 = arith.mulf %mul3A_209, %get3A_212 : vector<16xf32>
      %max3A_214 = arith.maximumf %mul3A_206, %mul3A_213 : vector<16xf32>
      %swap3A_215 = arith.index_cast %add3A_101 : i32 to index
      %swap3A_216 = arith.constant 64 : index
      %swap3A_217 = tpu.vector_load %arg17[%swap3A_215, %swap3A_216] {strides = array<i32>} : memref<80x128xf32, #tpu.memory_space<vmem>>, vector<16xf32>,
      tpu.vector_store %arg17[%swap3A_215, %swap3A_216], %max3A_214 {strides = array<i32>} : memref<80x128xf32, #tpu.memory_space<vmem>>, vector<16xf32>,
      %get3A_218 = arith.index_cast %add3A_101 : i32 to index
      %get3A_219 = arith.constant 80 : index
      %get3A_220 = tpu.vector_load %arg15[%get3A_218, %get3A_219] {strides = array<i32>} : memref<80x128xi32, #tpu.memory_space<vmem>>, vector<16xi32>,
      %get3A_221 = arith.index_cast %add3A_101 : i32 to index
      %get3A_222 = arith.constant 80 : index
      %get3A_223 = tpu.vector_load %arg16[%get3A_221, %get3A_222] {strides = array<i32>} : memref<80x128xi32, #tpu.memory_space<vmem>>, vector<16xi32>,
      %gather3A_224 = tpu.vector_load_idx %arg19[%get3A_220] : memref<10000xf32, #tpu.memory_space<vmem>>[vector<16xi32>], vector<16xf32>,
      %gather3A_225 = tpu.vector_load_idx %arg21[%get3A_223] : memref<10000xf32, #tpu.memory_space<vmem>>[vector<16xi32>], vector<16xf32>,
      %mul3A_226 = arith.mulf %gather3A_224, %gather3A_225 : vector<16xf32>
      %get3A_227 = arith.index_cast %add3A_101 : i32 to index
      %get3A_228 = arith.constant 80 : index
      %get3A_229 = tpu.vector_load %arg17[%get3A_227, %get3A_228] {strides = array<i32>} : memref<80x128xf32, #tpu.memory_space<vmem>>, vector<16xf32>,
      %mul3A_230 = arith.mulf %mul3A_226, %get3A_229 : vector<16xf32>
      %gather3A_231 = tpu.vector_load_idx %arg20[%get3A_220] : memref<10000xf32, #tpu.memory_space<vmem>>[vector<16xi32>], vector<16xf32>,
      %gather3A_232 = tpu.vector_load_idx %arg22[%get3A_223] : memref<10000xf32, #tpu.memory_space<vmem>>[vector<16xi32>], vector<16xf32>,
      %mul3A_233 = arith.mulf %gather3A_231, %gather3A_232 : vector<16xf32>
      %get3A_234 = arith.index_cast %add3A_101 : i32 to index
      %get3A_235 = arith.constant 80 : index
      %get3A_236 = tpu.vector_load %arg18[%get3A_234, %get3A_235] {strides = array<i32>} : memref<80x128xf32, #tpu.memory_space<vmem>>, vector<16xf32>,
      %mul3A_237 = arith.mulf %mul3A_233, %get3A_236 : vector<16xf32>
      %max3A_238 = arith.maximumf %mul3A_230, %mul3A_237 : vector<16xf32>
      %swap3A_239 = arith.index_cast %add3A_101 : i32 to index
      %swap3A_240 = arith.constant 80 : index
      %swap3A_241 = tpu.vector_load %arg17[%swap3A_239, %swap3A_240] {strides = array<i32>} : memref<80x128xf32, #tpu.memory_space<vmem>>, vector<16xf32>,
      tpu.vector_store %arg17[%swap3A_239, %swap3A_240], %max3A_238 {strides = array<i32>} : memref<80x128xf32, #tpu.memory_space<vmem>>, vector<16xf32>,
      %get3A_242 = arith.index_cast %add3A_101 : i32 to index
      %get3A_243 = arith.constant 96 : index
      %get3A_244 = tpu.vector_load %arg15[%get3A_242, %get3A_243] {strides = array<i32>} : memref<80x128xi32, #tpu.memory_space<vmem>>, vector<16xi32>,
      %get3A_245 = arith.index_cast %add3A_101 : i32 to index
      %get3A_246 = arith.constant 96 : index
      %get3A_247 = tpu.vector_load %arg16[%get3A_245, %get3A_246] {strides = array<i32>} : memref<80x128xi32, #tpu.memory_space<vmem>>, vector<16xi32>,
      %gather3A_248 = tpu.vector_load_idx %arg19[%get3A_244] : memref<10000xf32, #tpu.memory_space<vmem>>[vector<16xi32>], vector<16xf32>,
      %gather3A_249 = tpu.vector_load_idx %arg21[%get3A_247] : memref<10000xf32, #tpu.memory_space<vmem>>[vector<16xi32>], vector<16xf32>,
      %mul3A_250 = arith.mulf %gather3A_248, %gather3A_249 : vector<16xf32>
      %get3A_251 = arith.index_cast %add3A_101 : i32 to index
      %get3A_252 = arith.constant 96 : index
      %get3A_253 = tpu.vector_load %arg17[%get3A_251, %get3A_252] {strides = array<i32>} : memref<80x128xf32, #tpu.memory_space<vmem>>, vector<16xf32>,
      %mul3A_254 = arith.mulf %mul3A_250, %get3A_253 : vector<16xf32>
      %gather3A_255 = tpu.vector_load_idx %arg20[%get3A_244] : memref<10000xf32, #tpu.memory_space<vmem>>[vector<16xi32>], vector<16xf32>,
      %gather3A_256 = tpu.vector_load_idx %arg22[%get3A_247] : memref<10000xf32, #tpu.memory_space<vmem>>[vector<16xi32>], vector<16xf32>,
      %mul3A_257 = arith.mulf %gather3A_255, %gather3A_256 : vector<16xf32>
      %get3A_258 = arith.index_cast %add3A_101 : i32 to index
      %get3A_259 = arith.constant 96 : index
      %get3A_260 = tpu.vector_load %arg18[%get3A_258, %get3A_259] {strides = array<i32>} : memref<80x128xf32, #tpu.memory_space<vmem>>, vector<16xf32>,
      %mul3A_261 = arith.mulf %mul3A_257, %get3A_260 : vector<16xf32>
      %max3A_262 = arith.maximumf %mul3A_254, %mul3A_261 : vector<16xf32>
      %swap3A_263 = arith.index_cast %add3A_101 : i32 to index
      %swap3A_264 = arith.constant 96 : index
      %swap3A_265 = tpu.vector_load %arg17[%swap3A_263, %swap3A_264] {strides = array<i32>} : memref<80x128xf32, #tpu.memory_space<vmem>>, vector<16xf32>,
      tpu.vector_store %arg17[%swap3A_263, %swap3A_264], %max3A_262 {strides = array<i32>} : memref<80x128xf32, #tpu.memory_space<vmem>>, vector<16xf32>,
      %get3A_266 = arith.index_cast %add3A_101 : i32 to index
      %get3A_267 = arith.constant 112 : index
      %get3A_268 = tpu.vector_load %arg15[%get3A_266, %get3A_267] {strides = array<i32>} : memref<80x128xi32, #tpu.memory_space<vmem>>, vector<16xi32>,
      %get3A_269 = arith.index_cast %add3A_101 : i32 to index
      %get3A_270 = arith.constant 112 : index
      %get3A_271 = tpu.vector_load %arg16[%get3A_269, %get3A_270] {strides = array<i32>} : memref<80x128xi32, #tpu.memory_space<vmem>>, vector<16xi32>,
      %gather3A_272 = tpu.vector_load_idx %arg19[%get3A_268] : memref<10000xf32, #tpu.memory_space<vmem>>[vector<16xi32>], vector<16xf32>,
      %gather3A_273 = tpu.vector_load_idx %arg21[%get3A_271] : memref<10000xf32, #tpu.memory_space<vmem>>[vector<16xi32>], vector<16xf32>,
      %mul3A_274 = arith.mulf %gather3A_272, %gather3A_273 : vector<16xf32>
      %get3A_275 = arith.index_cast %add3A_101 : i32 to index
      %get3A_276 = arith.constant 112 : index
      %get3A_277 = tpu.vector_load %arg17[%get3A_275, %get3A_276] {strides = array<i32>} : memref<80x128xf32, #tpu.memory_space<vmem>>, vector<16xf32>,
      %mul3A_278 = arith.mulf %mul3A_274, %get3A_277 : vector<16xf32>
      %gather3A_279 = tpu.vector_load_idx %arg20[%get3A_268] : memref<10000xf32, #tpu.memory_space<vmem>>[vector<16xi32>], vector<16xf32>,
      %gather3A_280 = tpu.vector_load_idx %arg22[%get3A_271] : memref<10000xf32, #tpu.memory_space<vmem>>[vector<16xi32>], vector<16xf32>,
      %mul3A_281 = arith.mulf %gather3A_279, %gather3A_280 : vector<16xf32>
      %get3A_282 = arith.index_cast %add3A_101 : i32 to index
      %get3A_283 = arith.constant 112 : index
      %get3A_284 = tpu.vector_load %arg18[%get3A_282, %get3A_283] {strides = array<i32>} : memref<80x128xf32, #tpu.memory_space<vmem>>, vector<16xf32>,
      %mul3A_285 = arith.mulf %mul3A_281, %get3A_284 : vector<16xf32>
      %max3A_286 = arith.maximumf %mul3A_278, %mul3A_285 : vector<16xf32>
      %swap3A_287 = arith.index_cast %add3A_101 : i32 to index
      %swap3A_288 = arith.constant 112 : index
      %swap3A_289 = tpu.vector_load %arg17[%swap3A_287, %swap3A_288] {strides = array<i32>} : memref<80x128xf32, #tpu.memory_space<vmem>>, vector<16xf32>,
      tpu.vector_store %arg17[%swap3A_287, %swap3A_288], %max3A_286 {strides = array<i32>} : memref<80x128xf32, #tpu.memory_space<vmem>>, vector<16xf32>,
    }
    %sub3A_23 = arith.constant 0 : i32
    %sub3A_24 = arith.subi %select_n3A, %sub3A_23 : i32
    %sub3A_25 = arith.constant 1 : i32
    %sub3A_26 = arith.constant 1 : i32
    %sub3A_27 = arith.subi %sub3A_25, %sub3A_26 : i32
    %add3A_28 = arith.addi %sub3A_24, %sub3A_27 : i32
    %div3A_29 = arith.constant 1 : i32
    %div3A_30 = arith.divsi %add3A_28, %div3A_29 : i32
    %while3A_31 = arith.constant 1 : i32
    %while3A_32 = arith.constant 0 : i32
    %while3A_33 = arith.constant 0 : i32
    %while3A_34 = arith.subi %div3A_30, %while3A_33 : i32
    %while3A_35 = arith.addi %while3A_33, %while3A_34 : i32
    %while3A_36 = arith.constant 1 : i32
    %while3A_37 = arith.divsi %while3A_34, %while3A_36 : i32
    %while3A_38 = arith.muli %while3A_37, %while3A_36 : i32
    %while3A_39 = arith.addi %while3A_33, %while3A_38 : i32
    %while3A_40 = arith.constant 1 : i32
    scf.for %while3A_99 = %while3A_33 to %while3A_39 step %while3A_40  : i32 {
      %mul3A_100 = arith.muli %while3A_99, %while3A_31 : i32
      %add3A_101 = arith.addi %while3A_32, %mul3A_100 : i32
      "tpu.region"() ({
        %run_scoped3A = tpu.sem_alloc : memref<!tpu.dma_semaphore, #tpu.memory_space<semaphore_mem>>
        %dma_start3A_102 = arith.constant 0 : i32
        %dma_start3A_103 = tpu.memref_slice %arg17[%add3A_101, %dma_start3A_102] : memref<80x128xf32, #tpu.memory_space<vmem>> -> memref<1x128xf32, #tpu.memory_space<vmem>>
        %dma_start3A_104 = tpu.memref_squeeze %dma_start3A_103 : memref<1x128xf32, #tpu.memory_space<vmem>> -> memref<128xf32, #tpu.memory_space<vmem>>
        %dma_start3A_105 = arith.constant 0 : i32
        %dma_start3A_106 = tpu.memref_slice %arg16[%add3A_101, %dma_start3A_105] : memref<80x128xi32, #tpu.memory_space<vmem>> -> memref<1x128xi32, #tpu.memory_space<vmem>>
        %dma_start3A_107 = tpu.memref_squeeze %dma_start3A_106 : memref<1x128xi32, #tpu.memory_space<vmem>> -> memref<128xi32, #tpu.memory_space<vmem>>
        %dma_start3A_108 = arith.constant 0 : i32
        %dma_start3A_109 = tpu.memref_slice %arg26[%dma_start3A_108] : memref<10240xf32, #tpu.memory_space<vmem_shared>> -> memref<10240xf32, #tpu.memory_space<vmem_shared>>
        tpu.enqueue_indirect_dma source(%dma_start3A_104 : memref<128xf32, #tpu.memory_space<vmem>>) target(%dma_start3A_109 : memref<10240xf32, #tpu.memory_space<vmem_shared>>) offsets(%dma_start3A_107 : memref<128xi32, #tpu.memory_space<vmem>>) semaphore(%run_scoped3A : memref<!tpu.dma_semaphore, #tpu.memory_space<semaphore_mem>>) {add = true}
        %dma_wait3A = arith.constant 0 : i32
        %dma_wait3A_110 = tpu.memref_slice %arg17[%add3A_101, %dma_wait3A] : memref<80x128xf32, #tpu.memory_space<vmem>> -> memref<1x128xf32, #tpu.memory_space<vmem>>
        %dma_wait3A_111 = tpu.memref_squeeze %dma_wait3A_110 : memref<1x128xf32, #tpu.memory_space<vmem>> -> memref<128xf32, #tpu.memory_space<vmem>>
        %dma_wait3A_112 = arith.constant 0 : i32
        %dma_wait3A_113 = tpu.memref_slice %arg16[%add3A_101, %dma_wait3A_112] : memref<80x128xi32, #tpu.memory_space<vmem>> -> memref<1x128xi32, #tpu.memory_space<vmem>>
        %dma_wait3A_114 = tpu.memref_squeeze %dma_wait3A_113 : memref<1x128xi32, #tpu.memory_space<vmem>> -> memref<128xi32, #tpu.memory_space<vmem>>
        %dma_wait3A_115 = arith.constant 0 : i32
        %dma_wait3A_116 = tpu.memref_slice %arg26[%dma_wait3A_115] : memref<10240xf32, #tpu.memory_space<vmem_shared>> -> memref<10240xf32, #tpu.memory_space<vmem_shared>>
        tpu.wait_indirect_dma semaphore(%run_scoped3A : memref<!tpu.dma_semaphore, #tpu.memory_space<semaphore_mem>>) src(%dma_wait3A_111 : memref<128xf32, #tpu.memory_space<vmem>>) dst(%dma_wait3A_116 : memref<10240xf32, #tpu.memory_space<vmem_shared>>)
        tpu.yield
      }) : () -> ()
    }
    %while3A_41 = arith.constant 1 : i32
    scf.for %while3A_99 = %while3A_39 to %while3A_35 step %while3A_41  : i32 {
      %mul3A_100 = arith.muli %while3A_99, %while3A_31 : i32
      %add3A_101 = arith.addi %while3A_32, %mul3A_100 : i32
      "tpu.region"() ({
        %run_scoped3A = tpu.sem_alloc : memref<!tpu.dma_semaphore, #tpu.memory_space<semaphore_mem>>
        %dma_start3A_102 = arith.constant 0 : i32
        %dma_start3A_103 = tpu.memref_slice %arg17[%add3A_101, %dma_start3A_102] : memref<80x128xf32, #tpu.memory_space<vmem>> -> memref<1x128xf32, #tpu.memory_space<vmem>>
        %dma_start3A_104 = tpu.memref_squeeze %dma_start3A_103 : memref<1x128xf32, #tpu.memory_space<vmem>> -> memref<128xf32, #tpu.memory_space<vmem>>
        %dma_start3A_105 = arith.constant 0 : i32
        %dma_start3A_106 = tpu.memref_slice %arg16[%add3A_101, %dma_start3A_105] : memref<80x128xi32, #tpu.memory_space<vmem>> -> memref<1x128xi32, #tpu.memory_space<vmem>>
        %dma_start3A_107 = tpu.memref_squeeze %dma_start3A_106 : memref<1x128xi32, #tpu.memory_space<vmem>> -> memref<128xi32, #tpu.memory_space<vmem>>
        %dma_start3A_108 = arith.constant 0 : i32
        %dma_start3A_109 = tpu.memref_slice %arg26[%dma_start3A_108] : memref<10240xf32, #tpu.memory_space<vmem_shared>> -> memref<10240xf32, #tpu.memory_space<vmem_shared>>
        tpu.enqueue_indirect_dma source(%dma_start3A_104 : memref<128xf32, #tpu.memory_space<vmem>>) target(%dma_start3A_109 : memref<10240xf32, #tpu.memory_space<vmem_shared>>) offsets(%dma_start3A_107 : memref<128xi32, #tpu.memory_space<vmem>>) semaphore(%run_scoped3A : memref<!tpu.dma_semaphore, #tpu.memory_space<semaphore_mem>>) {add = true}
        %dma_wait3A = arith.constant 0 : i32
        %dma_wait3A_110 = tpu.memref_slice %arg17[%add3A_101, %dma_wait3A] : memref<80x128xf32, #tpu.memory_space<vmem>> -> memref<1x128xf32, #tpu.memory_space<vmem>>
        %dma_wait3A_111 = tpu.memref_squeeze %dma_wait3A_110 : memref<1x128xf32, #tpu.memory_space<vmem>> -> memref<128xf32, #tpu.memory_space<vmem>>
        %dma_wait3A_112 = arith.constant 0 : i32
        %dma_wait3A_113 = tpu.memref_slice %arg16[%add3A_101, %dma_wait3A_112] : memref<80x128xi32, #tpu.memory_space<vmem>> -> memref<1x128xi32, #tpu.memory_space<vmem>>
        %dma_wait3A_114 = tpu.memref_squeeze %dma_wait3A_113 : memref<1x128xi32, #tpu.memory_space<vmem>> -> memref<128xi32, #tpu.memory_space<vmem>>
        %dma_wait3A_115 = arith.constant 0 : i32
        %dma_wait3A_116 = tpu.memref_slice %arg26[%dma_wait3A_115] : memref<10240xf32, #tpu.memory_space<vmem_shared>> -> memref<10240xf32, #tpu.memory_space<vmem_shared>>
        tpu.wait_indirect_dma semaphore(%run_scoped3A : memref<!tpu.dma_semaphore, #tpu.memory_space<semaphore_mem>>) src(%dma_wait3A_111 : memref<128xf32, #tpu.memory_space<vmem>>) dst(%dma_wait3A_116 : memref<10240xf32, #tpu.memory_space<vmem_shared>>)
        tpu.yield
      }) : () -> ()
    }
    %dma_start3A = arith.constant 0 : i32
    %dma_start3A_42 = arith.constant 0 : i32
    %dma_start3A_43 = tpu.memref_slice %arg15[%dma_start3A, %dma_start3A_42] : memref<80x128xi32, #tpu.memory_space<vmem>> -> memref<1x128xi32, #tpu.memory_space<vmem>>
    %dma_start3A_44 = tpu.memref_squeeze %dma_start3A_43 : memref<1x128xi32, #tpu.memory_space<vmem>> -> memref<128xi32, #tpu.memory_space<vmem>>
    %dma_start3A_45 = arith.constant 0 : i32
    %dma_start3A_46 = arith.constant 0 : i32
    %dma_start3A_47 = tpu.memref_slice %arg10[%dma_start3A_45, %dma_start3A_46] : memref<10000x32xf32, #tpu.memory_space<hbm>> -> memref<10000x32xf32, #tpu.memory_space<hbm>>
    tpu.enqueue_indirect_dma source(%dma_start3A_47 : memref<10000x32xf32, #tpu.memory_space<hbm>>) target(%arg23 : memref<128x32xf32, #tpu.memory_space<vmem>>) offsets(%dma_start3A_44 : memref<128xi32, #tpu.memory_space<vmem>>) semaphore(%arg27 : memref<!tpu.dma_semaphore, #tpu.memory_space<semaphore_mem>>)
    %dma_start3A_48 = arith.constant 1 : i32
    %dma_start3A_49 = arith.constant 0 : i32
    %dma_start3A_50 = tpu.memref_slice %arg15[%dma_start3A_48, %dma_start3A_49] : memref<80x128xi32, #tpu.memory_space<vmem>> -> memref<1x128xi32, #tpu.memory_space<vmem>>
    %dma_start3A_51 = tpu.memref_squeeze %dma_start3A_50 : memref<1x128xi32, #tpu.memory_space<vmem>> -> memref<128xi32, #tpu.memory_space<vmem>>
    %dma_start3A_52 = arith.constant 0 : i32
    %dma_start3A_53 = arith.constant 0 : i32
    %dma_start3A_54 = tpu.memref_slice %arg10[%dma_start3A_52, %dma_start3A_53] : memref<10000x32xf32, #tpu.memory_space<hbm>> -> memref<10000x32xf32, #tpu.memory_space<hbm>>
    tpu.enqueue_indirect_dma source(%dma_start3A_54 : memref<10000x32xf32, #tpu.memory_space<hbm>>) target(%arg24 : memref<128x32xf32, #tpu.memory_space<vmem>>) offsets(%dma_start3A_51 : memref<128xi32, #tpu.memory_space<vmem>>) semaphore(%arg28 : memref<!tpu.dma_semaphore, #tpu.memory_space<semaphore_mem>>)
    %jit3A_55 = arith.constant 2 : i32
    %div3A_56 = arith.divsi %select_n3A, %jit3A_55 : i32
    %sign3A = arith.constant 0 : i32
    %sign3A_57 = arith.cmpi sgt, %select_n3A, %sign3A : i32
    %sign3A_58 = arith.extui %sign3A_57 : i1 to i32
    %sign3A_59 = arith.constant 0 : i32
    %sign3A_60 = arith.cmpi slt, %select_n3A, %sign3A_59 : i32
    %sign3A_61 = arith.extui %sign3A_60 : i1 to i32
    %sign3A_62 = arith.subi %sign3A_58, %sign3A_61 : i32
    %sign3A_63 = arith.constant 0 : i32
    %sign3A_64 = arith.cmpi sgt, %jit3A_55, %sign3A_63 : i32
    %sign3A_65 = arith.extui %sign3A_64 : i1 to i32
    %sign3A_66 = arith.constant 0 : i32
    %sign3A_67 = arith.cmpi slt, %jit3A_55, %sign3A_66 : i32
    %sign3A_68 = arith.extui %sign3A_67 : i1 to i32
    %sign3A_69 = arith.subi %sign3A_65, %sign3A_68 : i32
    %ne3A = arith.cmpi ne, %sign3A_62, %sign3A_69 : i32
    %rem3A = arith.remsi %select_n3A, %jit3A_55 : i32
    %ne3A_70 = arith.constant 0 : i32
    %ne3A_71 = arith.cmpi ne, %rem3A, %ne3A_70 : i32
    %and3A = arith.andi %ne3A, %ne3A_71 : i1
    %sub3A_72 = arith.constant 1 : i32
    %sub3A_73 = arith.subi %div3A_56, %sub3A_72 : i32
    %select_n3A_74 = arith.select %and3A, %sub3A_73, %div3A_56 : i32
    %sub3A_75 = arith.constant 0 : i32
    %sub3A_76 = arith.subi %select_n3A_74, %sub3A_75 : i32
    %sub3A_77 = arith.constant 1 : i32
    %sub3A_78 = arith.constant 1 : i32
    %sub3A_79 = arith.subi %sub3A_77, %sub3A_78 : i32
    %add3A_80 = arith.addi %sub3A_76, %sub3A_79 : i32
    %div3A_81 = arith.constant 1 : i32
    %div3A_82 = arith.divsi %add3A_80, %div3A_81 : i32
    %while3A_83 = arith.constant 1 : i32
    %while3A_84 = arith.constant 0 : i32
    %while3A_85 = arith.constant 0 : i32
    %while3A_86 = arith.subi %div3A_82, %while3A_85 : i32
    %while3A_87 = arith.addi %while3A_85, %while3A_86 : i32
    %while3A_88 = arith.constant 1 : i32
    %while3A_89 = arith.divsi %while3A_86, %while3A_88 : i32
    %while3A_90 = arith.muli %while3A_89, %while3A_88 : i32
    %while3A_91 = arith.addi %while3A_85, %while3A_90 : i32
    %while3A_92 = arith.constant 1 : i32
    scf.for %while3A_99 = %while3A_85 to %while3A_91 step %while3A_92  : i32 {
      %mul3A_100 = arith.muli %while3A_99, %while3A_83 : i32
      %add3A_101 = arith.addi %while3A_84, %mul3A_100 : i32
      %mul3A_102 = arith.constant 2 : i32
      %mul3A_103 = arith.muli %add3A_101, %mul3A_102 : i32
      %add3A_104 = arith.constant 1 : i32
      %add3A_105 = arith.addi %mul3A_103, %add3A_104 : i32
      %dma_wait3A = arith.constant 0 : i32
      %dma_wait3A_106 = tpu.memref_slice %arg15[%mul3A_103, %dma_wait3A] : memref<80x128xi32, #tpu.memory_space<vmem>> -> memref<1x128xi32, #tpu.memory_space<vmem>>
      %dma_wait3A_107 = tpu.memref_squeeze %dma_wait3A_106 : memref<1x128xi32, #tpu.memory_space<vmem>> -> memref<128xi32, #tpu.memory_space<vmem>>
      %dma_wait3A_108 = arith.constant 0 : i32
      %dma_wait3A_109 = arith.constant 0 : i32
      %dma_wait3A_110 = tpu.memref_slice %arg10[%dma_wait3A_108, %dma_wait3A_109] : memref<10000x32xf32, #tpu.memory_space<hbm>> -> memref<10000x32xf32, #tpu.memory_space<hbm>>
      tpu.wait_indirect_dma semaphore(%arg27 : memref<!tpu.dma_semaphore, #tpu.memory_space<semaphore_mem>>) src(%dma_wait3A_110 : memref<10000x32xf32, #tpu.memory_space<hbm>>) dst(%arg23 : memref<128x32xf32, #tpu.memory_space<vmem>>)
      %scan3A = arith.constant 0 : i32
      %scan3A_111 = arith.constant 16 : i32
      %scan3A_112 = arith.addi %scan3A, %scan3A_111 : i32
      %scan3A_113 = arith.constant 1 : i32
      scf.for %scan3A_135 = %scan3A to %scan3A_112 step %scan3A_113  : i32 {
        %mul3A_136 = arith.constant 1 : i32
        %mul3A_137 = arith.muli %scan3A_135, %mul3A_136 : i32
        %add3A_138 = arith.constant 0 : i32
        %add3A_139 = arith.addi %add3A_138, %mul3A_137 : i32
        %mul3A_140 = arith.constant 8 : i32
        %mul3A_141 = arith.muli %add3A_139, %mul3A_140 : i32
        %add3A_142 = arith.constant 0 : i32
        %add3A_143 = arith.addi %mul3A_141, %add3A_142 : i32
        %broadcast_in_dim3A = vector.broadcast %mul3A_103 : i32 to vector<16xi32>
        %broadcast_in_dim3A_144 = vector.broadcast %add3A_143 : i32 to vector<16xi32>
        %gather3A = tpu.vector_load_idx %arg17[%broadcast_in_dim3A, %broadcast_in_dim3A_144] : memref<80x128xf32, #tpu.memory_space<vmem>>[vector<16xi32>, vector<16xi32>], vector<16xf32>,
        %get3A = arith.index_cast %add3A_143 : i32 to index
        %get3A_145 = arith.constant 0 : index
        %get3A_146 = tpu.vector_load %arg23[%get3A, %get3A_145] {strides = array<i32>} : memref<128x32xf32, #tpu.memory_space<vmem>>, vector<16xf32>,
        %mul3A_147 = arith.mulf %get3A_146, %gather3A : vector<16xf32>
        %swap3A = arith.index_cast %add3A_143 : i32 to index
        %swap3A_148 = arith.constant 0 : index
        %swap3A_149 = tpu.vector_load %arg23[%swap3A, %swap3A_148] {strides = array<i32>} : memref<128x32xf32, #tpu.memory_space<vmem>>, vector<16xf32>,
        tpu.vector_store %arg23[%swap3A, %swap3A_148], %mul3A_147 {strides = array<i32>} : memref<128x32xf32, #tpu.memory_space<vmem>>, vector<16xf32>,
        %get3A_150 = arith.index_cast %add3A_143 : i32 to index
        %get3A_151 = arith.constant 16 : index
        %get3A_152 = tpu.vector_load %arg23[%get3A_150, %get3A_151] {strides = array<i32>} : memref<128x32xf32, #tpu.memory_space<vmem>>, vector<16xf32>,
        %mul3A_153 = arith.mulf %get3A_152, %gather3A : vector<16xf32>
        %swap3A_154 = arith.index_cast %add3A_143 : i32 to index
        %swap3A_155 = arith.constant 16 : index
        %swap3A_156 = tpu.vector_load %arg23[%swap3A_154, %swap3A_155] {strides = array<i32>} : memref<128x32xf32, #tpu.memory_space<vmem>>, vector<16xf32>,
        tpu.vector_store %arg23[%swap3A_154, %swap3A_155], %mul3A_153 {strides = array<i32>} : memref<128x32xf32, #tpu.memory_space<vmem>>, vector<16xf32>,
        %mul3A_157 = arith.constant 8 : i32
        %mul3A_158 = arith.muli %add3A_139, %mul3A_157 : i32
        %add3A_159 = arith.constant 1 : i32
        %add3A_160 = arith.addi %mul3A_158, %add3A_159 : i32
        %broadcast_in_dim3A_161 = vector.broadcast %mul3A_103 : i32 to vector<16xi32>
        %broadcast_in_dim3A_162 = vector.broadcast %add3A_160 : i32 to vector<16xi32>
        %gather3A_163 = tpu.vector_load_idx %arg17[%broadcast_in_dim3A_161, %broadcast_in_dim3A_162] : memref<80x128xf32, #tpu.memory_space<vmem>>[vector<16xi32>, vector<16xi32>], vector<16xf32>,
        %get3A_164 = arith.index_cast %add3A_160 : i32 to index
        %get3A_165 = arith.constant 0 : index
        %get3A_166 = tpu.vector_load %arg23[%get3A_164, %get3A_165] {strides = array<i32>} : memref<128x32xf32, #tpu.memory_space<vmem>>, vector<16xf32>,
        %mul3A_167 = arith.mulf %get3A_166, %gather3A_163 : vector<16xf32>
        %swap3A_168 = arith.index_cast %add3A_160 : i32 to index
        %swap3A_169 = arith.constant 0 : index
        %swap3A_170 = tpu.vector_load %arg23[%swap3A_168, %swap3A_169] {strides = array<i32>} : memref<128x32xf32, #tpu.memory_space<vmem>>, vector<16xf32>,
        tpu.vector_store %arg23[%swap3A_168, %swap3A_169], %mul3A_167 {strides = array<i32>} : memref<128x32xf32, #tpu.memory_space<vmem>>, vector<16xf32>,
        %get3A_171 = arith.index_cast %add3A_160 : i32 to index
        %get3A_172 = arith.constant 16 : index
        %get3A_173 = tpu.vector_load %arg23[%get3A_171, %get3A_172] {strides = array<i32>} : memref<128x32xf32, #tpu.memory_space<vmem>>, vector<16xf32>,
        %mul3A_174 = arith.mulf %get3A_173, %gather3A_163 : vector<16xf32>
        %swap3A_175 = arith.index_cast %add3A_160 : i32 to index
        %swap3A_176 = arith.constant 16 : index
        %swap3A_177 = tpu.vector_load %arg23[%swap3A_175, %swap3A_176] {strides = array<i32>} : memref<128x32xf32, #tpu.memory_space<vmem>>, vector<16xf32>,
        tpu.vector_store %arg23[%swap3A_175, %swap3A_176], %mul3A_174 {strides = array<i32>} : memref<128x32xf32, #tpu.memory_space<vmem>>, vector<16xf32>,
        %mul3A_178 = arith.constant 8 : i32
        %mul3A_179 = arith.muli %add3A_139, %mul3A_178 : i32
        %add3A_180 = arith.constant 2 : i32
        %add3A_181 = arith.addi %mul3A_179, %add3A_180 : i32
        %broadcast_in_dim3A_182 = vector.broadcast %mul3A_103 : i32 to vector<16xi32>
        %broadcast_in_dim3A_183 = vector.broadcast %add3A_181 : i32 to vector<16xi32>
        %gather3A_184 = tpu.vector_load_idx %arg17[%broadcast_in_dim3A_182, %broadcast_in_dim3A_183] : memref<80x128xf32, #tpu.memory_space<vmem>>[vector<16xi32>, vector<16xi32>], vector<16xf32>,
        %get3A_185 = arith.index_cast %add3A_181 : i32 to index
        %get3A_186 = arith.constant 0 : index
        %get3A_187 = tpu.vector_load %arg23[%get3A_185, %get3A_186] {strides = array<i32>} : memref<128x32xf32, #tpu.memory_space<vmem>>, vector<16xf32>,
        %mul3A_188 = arith.mulf %get3A_187, %gather3A_184 : vector<16xf32>
        %swap3A_189 = arith.index_cast %add3A_181 : i32 to index
        %swap3A_190 = arith.constant 0 : index
        %swap3A_191 = tpu.vector_load %arg23[%swap3A_189, %swap3A_190] {strides = array<i32>} : memref<128x32xf32, #tpu.memory_space<vmem>>, vector<16xf32>,
        tpu.vector_store %arg23[%swap3A_189, %swap3A_190], %mul3A_188 {strides = array<i32>} : memref<128x32xf32, #tpu.memory_space<vmem>>, vector<16xf32>,
        %get3A_192 = arith.index_cast %add3A_181 : i32 to index
        %get3A_193 = arith.constant 16 : index
        %get3A_194 = tpu.vector_load %arg23[%get3A_192, %get3A_193] {strides = array<i32>} : memref<128x32xf32, #tpu.memory_space<vmem>>, vector<16xf32>,
        %mul3A_195 = arith.mulf %get3A_194, %gather3A_184 : vector<16xf32>
        %swap3A_196 = arith.index_cast %add3A_181 : i32 to index
        %swap3A_197 = arith.constant 16 : index
        %swap3A_198 = tpu.vector_load %arg23[%swap3A_196, %swap3A_197] {strides = array<i32>} : memref<128x32xf32, #tpu.memory_space<vmem>>, vector<16xf32>,
        tpu.vector_store %arg23[%swap3A_196, %swap3A_197], %mul3A_195 {strides = array<i32>} : memref<128x32xf32, #tpu.memory_space<vmem>>, vector<16xf32>,
        %mul3A_199 = arith.constant 8 : i32
        %mul3A_200 = arith.muli %add3A_139, %mul3A_199 : i32
        %add3A_201 = arith.constant 3 : i32
        %add3A_202 = arith.addi %mul3A_200, %add3A_201 : i32
        %broadcast_in_dim3A_203 = vector.broadcast %mul3A_103 : i32 to vector<16xi32>
        %broadcast_in_dim3A_204 = vector.broadcast %add3A_202 : i32 to vector<16xi32>
        %gather3A_205 = tpu.vector_load_idx %arg17[%broadcast_in_dim3A_203, %broadcast_in_dim3A_204] : memref<80x128xf32, #tpu.memory_space<vmem>>[vector<16xi32>, vector<16xi32>], vector<16xf32>,
        %get3A_206 = arith.index_cast %add3A_202 : i32 to index
        %get3A_207 = arith.constant 0 : index
        %get3A_208 = tpu.vector_load %arg23[%get3A_206, %get3A_207] {strides = array<i32>} : memref<128x32xf32, #tpu.memory_space<vmem>>, vector<16xf32>,
        %mul3A_209 = arith.mulf %get3A_208, %gather3A_205 : vector<16xf32>
        %swap3A_210 = arith.index_cast %add3A_202 : i32 to index
        %swap3A_211 = arith.constant 0 : index
        %swap3A_212 = tpu.vector_load %arg23[%swap3A_210, %swap3A_211] {strides = array<i32>} : memref<128x32xf32, #tpu.memory_space<vmem>>, vector<16xf32>,
        tpu.vector_store %arg23[%swap3A_210, %swap3A_211], %mul3A_209 {strides = array<i32>} : memref<128x32xf32, #tpu.memory_space<vmem>>, vector<16xf32>,
        %get3A_213 = arith.index_cast %add3A_202 : i32 to index
        %get3A_214 = arith.constant 16 : index
        %get3A_215 = tpu.vector_load %arg23[%get3A_213, %get3A_214] {strides = array<i32>} : memref<128x32xf32, #tpu.memory_space<vmem>>, vector<16xf32>,
        %mul3A_216 = arith.mulf %get3A_215, %gather3A_205 : vector<16xf32>
        %swap3A_217 = arith.index_cast %add3A_202 : i32 to index
        %swap3A_218 = arith.constant 16 : index
        %swap3A_219 = tpu.vector_load %arg23[%swap3A_217, %swap3A_218] {strides = array<i32>} : memref<128x32xf32, #tpu.memory_space<vmem>>, vector<16xf32>,
        tpu.vector_store %arg23[%swap3A_217, %swap3A_218], %mul3A_216 {strides = array<i32>} : memref<128x32xf32, #tpu.memory_space<vmem>>, vector<16xf32>,
        %mul3A_220 = arith.constant 8 : i32
        %mul3A_221 = arith.muli %add3A_139, %mul3A_220 : i32
        %add3A_222 = arith.constant 4 : i32
        %add3A_223 = arith.addi %mul3A_221, %add3A_222 : i32
        %broadcast_in_dim3A_224 = vector.broadcast %mul3A_103 : i32 to vector<16xi32>
        %broadcast_in_dim3A_225 = vector.broadcast %add3A_223 : i32 to vector<16xi32>
        %gather3A_226 = tpu.vector_load_idx %arg17[%broadcast_in_dim3A_224, %broadcast_in_dim3A_225] : memref<80x128xf32, #tpu.memory_space<vmem>>[vector<16xi32>, vector<16xi32>], vector<16xf32>,
        %get3A_227 = arith.index_cast %add3A_223 : i32 to index
        %get3A_228 = arith.constant 0 : index
        %get3A_229 = tpu.vector_load %arg23[%get3A_227, %get3A_228] {strides = array<i32>} : memref<128x32xf32, #tpu.memory_space<vmem>>, vector<16xf32>,
        %mul3A_230 = arith.mulf %get3A_229, %gather3A_226 : vector<16xf32>
        %swap3A_231 = arith.index_cast %add3A_223 : i32 to index
        %swap3A_232 = arith.constant 0 : index
        %swap3A_233 = tpu.vector_load %arg23[%swap3A_231, %swap3A_232] {strides = array<i32>} : memref<128x32xf32, #tpu.memory_space<vmem>>, vector<16xf32>,
        tpu.vector_store %arg23[%swap3A_231, %swap3A_232], %mul3A_230 {strides = array<i32>} : memref<128x32xf32, #tpu.memory_space<vmem>>, vector<16xf32>,
        %get3A_234 = arith.index_cast %add3A_223 : i32 to index
        %get3A_235 = arith.constant 16 : index
        %get3A_236 = tpu.vector_load %arg23[%get3A_234, %get3A_235] {strides = array<i32>} : memref<128x32xf32, #tpu.memory_space<vmem>>, vector<16xf32>,
        %mul3A_237 = arith.mulf %get3A_236, %gather3A_226 : vector<16xf32>
        %swap3A_238 = arith.index_cast %add3A_223 : i32 to index
        %swap3A_239 = arith.constant 16 : index
        %swap3A_240 = tpu.vector_load %arg23[%swap3A_238, %swap3A_239] {strides = array<i32>} : memref<128x32xf32, #tpu.memory_space<vmem>>, vector<16xf32>,
        tpu.vector_store %arg23[%swap3A_238, %swap3A_239], %mul3A_237 {strides = array<i32>} : memref<128x32xf32, #tpu.memory_space<vmem>>, vector<16xf32>,
        %mul3A_241 = arith.constant 8 : i32
        %mul3A_242 = arith.muli %add3A_139, %mul3A_241 : i32
        %add3A_243 = arith.constant 5 : i32
        %add3A_244 = arith.addi %mul3A_242, %add3A_243 : i32
        %broadcast_in_dim3A_245 = vector.broadcast %mul3A_103 : i32 to vector<16xi32>
        %broadcast_in_dim3A_246 = vector.broadcast %add3A_244 : i32 to vector<16xi32>
        %gather3A_247 = tpu.vector_load_idx %arg17[%broadcast_in_dim3A_245, %broadcast_in_dim3A_246] : memref<80x128xf32, #tpu.memory_space<vmem>>[vector<16xi32>, vector<16xi32>], vector<16xf32>,
        %get3A_248 = arith.index_cast %add3A_244 : i32 to index
        %get3A_249 = arith.constant 0 : index
        %get3A_250 = tpu.vector_load %arg23[%get3A_248, %get3A_249] {strides = array<i32>} : memref<128x32xf32, #tpu.memory_space<vmem>>, vector<16xf32>,
        %mul3A_251 = arith.mulf %get3A_250, %gather3A_247 : vector<16xf32>
        %swap3A_252 = arith.index_cast %add3A_244 : i32 to index
        %swap3A_253 = arith.constant 0 : index
        %swap3A_254 = tpu.vector_load %arg23[%swap3A_252, %swap3A_253] {strides = array<i32>} : memref<128x32xf32, #tpu.memory_space<vmem>>, vector<16xf32>,
        tpu.vector_store %arg23[%swap3A_252, %swap3A_253], %mul3A_251 {strides = array<i32>} : memref<128x32xf32, #tpu.memory_space<vmem>>, vector<16xf32>,
        %get3A_255 = arith.index_cast %add3A_244 : i32 to index
        %get3A_256 = arith.constant 16 : index
        %get3A_257 = tpu.vector_load %arg23[%get3A_255, %get3A_256] {strides = array<i32>} : memref<128x32xf32, #tpu.memory_space<vmem>>, vector<16xf32>,
        %mul3A_258 = arith.mulf %get3A_257, %gather3A_247 : vector<16xf32>
        %swap3A_259 = arith.index_cast %add3A_244 : i32 to index
        %swap3A_260 = arith.constant 16 : index
        %swap3A_261 = tpu.vector_load %arg23[%swap3A_259, %swap3A_260] {strides = array<i32>} : memref<128x32xf32, #tpu.memory_space<vmem>>, vector<16xf32>,
        tpu.vector_store %arg23[%swap3A_259, %swap3A_260], %mul3A_258 {strides = array<i32>} : memref<128x32xf32, #tpu.memory_space<vmem>>, vector<16xf32>,
        %mul3A_262 = arith.constant 8 : i32
        %mul3A_263 = arith.muli %add3A_139, %mul3A_262 : i32
        %add3A_264 = arith.constant 6 : i32
        %add3A_265 = arith.addi %mul3A_263, %add3A_264 : i32
        %broadcast_in_dim3A_266 = vector.broadcast %mul3A_103 : i32 to vector<16xi32>
        %broadcast_in_dim3A_267 = vector.broadcast %add3A_265 : i32 to vector<16xi32>
        %gather3A_268 = tpu.vector_load_idx %arg17[%broadcast_in_dim3A_266, %broadcast_in_dim3A_267] : memref<80x128xf32, #tpu.memory_space<vmem>>[vector<16xi32>, vector<16xi32>], vector<16xf32>,
        %get3A_269 = arith.index_cast %add3A_265 : i32 to index
        %get3A_270 = arith.constant 0 : index
        %get3A_271 = tpu.vector_load %arg23[%get3A_269, %get3A_270] {strides = array<i32>} : memref<128x32xf32, #tpu.memory_space<vmem>>, vector<16xf32>,
        %mul3A_272 = arith.mulf %get3A_271, %gather3A_268 : vector<16xf32>
        %swap3A_273 = arith.index_cast %add3A_265 : i32 to index
        %swap3A_274 = arith.constant 0 : index
        %swap3A_275 = tpu.vector_load %arg23[%swap3A_273, %swap3A_274] {strides = array<i32>} : memref<128x32xf32, #tpu.memory_space<vmem>>, vector<16xf32>,
        tpu.vector_store %arg23[%swap3A_273, %swap3A_274], %mul3A_272 {strides = array<i32>} : memref<128x32xf32, #tpu.memory_space<vmem>>, vector<16xf32>,
        %get3A_276 = arith.index_cast %add3A_265 : i32 to index
        %get3A_277 = arith.constant 16 : index
        %get3A_278 = tpu.vector_load %arg23[%get3A_276, %get3A_277] {strides = array<i32>} : memref<128x32xf32, #tpu.memory_space<vmem>>, vector<16xf32>,
        %mul3A_279 = arith.mulf %get3A_278, %gather3A_268 : vector<16xf32>
        %swap3A_280 = arith.index_cast %add3A_265 : i32 to index
        %swap3A_281 = arith.constant 16 : index
        %swap3A_282 = tpu.vector_load %arg23[%swap3A_280, %swap3A_281] {strides = array<i32>} : memref<128x32xf32, #tpu.memory_space<vmem>>, vector<16xf32>,
        tpu.vector_store %arg23[%swap3A_280, %swap3A_281], %mul3A_279 {strides = array<i32>} : memref<128x32xf32, #tpu.memory_space<vmem>>, vector<16xf32>,
        %mul3A_283 = arith.constant 8 : i32
        %mul3A_284 = arith.muli %add3A_139, %mul3A_283 : i32
        %add3A_285 = arith.constant 7 : i32
        %add3A_286 = arith.addi %mul3A_284, %add3A_285 : i32
        %broadcast_in_dim3A_287 = vector.broadcast %mul3A_103 : i32 to vector<16xi32>
        %broadcast_in_dim3A_288 = vector.broadcast %add3A_286 : i32 to vector<16xi32>
        %gather3A_289 = tpu.vector_load_idx %arg17[%broadcast_in_dim3A_287, %broadcast_in_dim3A_288] : memref<80x128xf32, #tpu.memory_space<vmem>>[vector<16xi32>, vector<16xi32>], vector<16xf32>,
        %get3A_290 = arith.index_cast %add3A_286 : i32 to index
        %get3A_291 = arith.constant 0 : index
        %get3A_292 = tpu.vector_load %arg23[%get3A_290, %get3A_291] {strides = array<i32>} : memref<128x32xf32, #tpu.memory_space<vmem>>, vector<16xf32>,
        %mul3A_293 = arith.mulf %get3A_292, %gather3A_289 : vector<16xf32>
        %swap3A_294 = arith.index_cast %add3A_286 : i32 to index
        %swap3A_295 = arith.constant 0 : index
        %swap3A_296 = tpu.vector_load %arg23[%swap3A_294, %swap3A_295] {strides = array<i32>} : memref<128x32xf32, #tpu.memory_space<vmem>>, vector<16xf32>,
        tpu.vector_store %arg23[%swap3A_294, %swap3A_295], %mul3A_293 {strides = array<i32>} : memref<128x32xf32, #tpu.memory_space<vmem>>, vector<16xf32>,
        %get3A_297 = arith.index_cast %add3A_286 : i32 to index
        %get3A_298 = arith.constant 16 : index
        %get3A_299 = tpu.vector_load %arg23[%get3A_297, %get3A_298] {strides = array<i32>} : memref<128x32xf32, #tpu.memory_space<vmem>>, vector<16xf32>,
        %mul3A_300 = arith.mulf %get3A_299, %gather3A_289 : vector<16xf32>
        %swap3A_301 = arith.index_cast %add3A_286 : i32 to index
        %swap3A_302 = arith.constant 16 : index
        %swap3A_303 = tpu.vector_load %arg23[%swap3A_301, %swap3A_302] {strides = array<i32>} : memref<128x32xf32, #tpu.memory_space<vmem>>, vector<16xf32>,
        tpu.vector_store %arg23[%swap3A_301, %swap3A_302], %mul3A_300 {strides = array<i32>} : memref<128x32xf32, #tpu.memory_space<vmem>>, vector<16xf32>,
      }
      %scan3A_114 = arith.constant 16 : i32
      "tpu.region"() ({
        %run_scoped3A = tpu.sem_alloc : memref<!tpu.dma_semaphore, #tpu.memory_space<semaphore_mem>>
        %dma_start3A_135 = arith.constant 0 : i32
        %dma_start3A_136 = tpu.memref_slice %arg16[%mul3A_103, %dma_start3A_135] : memref<80x128xi32, #tpu.memory_space<vmem>> -> memref<1x128xi32, #tpu.memory_space<vmem>>
        %dma_start3A_137 = tpu.memref_squeeze %dma_start3A_136 : memref<1x128xi32, #tpu.memory_space<vmem>> -> memref<128xi32, #tpu.memory_space<vmem>>
        %dma_start3A_138 = arith.constant 0 : i32
        %dma_start3A_139 = arith.constant 0 : i32
        %dma_start3A_140 = tpu.memref_slice %arg25[%dma_start3A_138, %dma_start3A_139] : memref<10000x32xf32, #tpu.memory_space<vmem_shared>> -> memref<10000x32xf32, #tpu.memory_space<vmem_shared>>
        tpu.enqueue_indirect_dma source(%arg23 : memref<128x32xf32, #tpu.memory_space<vmem>>) target(%dma_start3A_140 : memref<10000x32xf32, #tpu.memory_space<vmem_shared>>) offsets(%dma_start3A_137 : memref<128xi32, #tpu.memory_space<vmem>>) semaphore(%run_scoped3A : memref<!tpu.dma_semaphore, #tpu.memory_space<semaphore_mem>>) {add = true}
        %dma_wait3A_141 = arith.constant 0 : i32
        %dma_wait3A_142 = tpu.memref_slice %arg16[%mul3A_103, %dma_wait3A_141] : memref<80x128xi32, #tpu.memory_space<vmem>> -> memref<1x128xi32, #tpu.memory_space<vmem>>
        %dma_wait3A_143 = tpu.memref_squeeze %dma_wait3A_142 : memref<1x128xi32, #tpu.memory_space<vmem>> -> memref<128xi32, #tpu.memory_space<vmem>>
        %dma_wait3A_144 = arith.constant 0 : i32
        %dma_wait3A_145 = arith.constant 0 : i32
        %dma_wait3A_146 = tpu.memref_slice %arg25[%dma_wait3A_144, %dma_wait3A_145] : memref<10000x32xf32, #tpu.memory_space<vmem_shared>> -> memref<10000x32xf32, #tpu.memory_space<vmem_shared>>
        tpu.wait_indirect_dma semaphore(%run_scoped3A : memref<!tpu.dma_semaphore, #tpu.memory_space<semaphore_mem>>) src(%arg23 : memref<128x32xf32, #tpu.memory_space<vmem>>) dst(%dma_wait3A_146 : memref<10000x32xf32, #tpu.memory_space<vmem_shared>>)
        tpu.yield
      }) : () -> ()
      %add3A_115 = arith.constant 2 : i32
      %add3A_116 = arith.addi %mul3A_103, %add3A_115 : i32
      %lt3A = arith.cmpi slt, %add3A_116, %select_n3A : i32
      %convert_element_type3A = arith.extui %lt3A : i1 to i32
      %cond3A = arith.constant 0 : i32
      %cond3A_117 = arith.cmpi ne, %convert_element_type3A, %cond3A : i32
      scf.if %cond3A_117 {
        %add3A_135 = arith.constant 2 : i32
        %add3A_136 = arith.addi %mul3A_103, %add3A_135 : i32
        %dma_start3A_137 = arith.constant 0 : i32
        %dma_start3A_138 = tpu.memref_slice %arg15[%add3A_136, %dma_start3A_137] : memref<80x128xi32, #tpu.memory_space<vmem>> -> memref<1x128xi32, #tpu.memory_space<vmem>>
        %dma_start3A_139 = tpu.memref_squeeze %dma_start3A_138 : memref<1x128xi32, #tpu.memory_space<vmem>> -> memref<128xi32, #tpu.memory_space<vmem>>
        %dma_start3A_140 = arith.constant 0 : i32
        %dma_start3A_141 = arith.constant 0 : i32
        %dma_start3A_142 = tpu.memref_slice %arg10[%dma_start3A_140, %dma_start3A_141] : memref<10000x32xf32, #tpu.memory_space<hbm>> -> memref<10000x32xf32, #tpu.memory_space<hbm>>
        tpu.enqueue_indirect_dma source(%dma_start3A_142 : memref<10000x32xf32, #tpu.memory_space<hbm>>) target(%arg23 : memref<128x32xf32, #tpu.memory_space<vmem>>) offsets(%dma_start3A_139 : memref<128xi32, #tpu.memory_space<vmem>>) semaphore(%arg27 : memref<!tpu.dma_semaphore, #tpu.memory_space<semaphore_mem>>)
      } else {
      }
      %dma_wait3A_118 = arith.constant 0 : i32
      %dma_wait3A_119 = tpu.memref_slice %arg15[%add3A_105, %dma_wait3A_118] : memref<80x128xi32, #tpu.memory_space<vmem>> -> memref<1x128xi32, #tpu.memory_space<vmem>>
      %dma_wait3A_120 = tpu.memref_squeeze %dma_wait3A_119 : memref<1x128xi32, #tpu.memory_space<vmem>> -> memref<128xi32, #tpu.memory_space<vmem>>
      %dma_wait3A_121 = arith.constant 0 : i32
      %dma_wait3A_122 = arith.constant 0 : i32
      %dma_wait3A_123 = tpu.memref_slice %arg10[%dma_wait3A_121, %dma_wait3A_122] : memref<10000x32xf32, #tpu.memory_space<hbm>> -> memref<10000x32xf32, #tpu.memory_space<hbm>>
      tpu.wait_indirect_dma semaphore(%arg28 : memref<!tpu.dma_semaphore, #tpu.memory_space<semaphore_mem>>) src(%dma_wait3A_123 : memref<10000x32xf32, #tpu.memory_space<hbm>>) dst(%arg24 : memref<128x32xf32, #tpu.memory_space<vmem>>)
      %scan3A_124 = arith.constant 0 : i32
      %scan3A_125 = arith.constant 16 : i32
      %scan3A_126 = arith.addi %scan3A_124, %scan3A_125 : i32
      %scan3A_127 = arith.constant 1 : i32
      scf.for %scan3A_135 = %scan3A_124 to %scan3A_126 step %scan3A_127  : i32 {
        %mul3A_136 = arith.constant 1 : i32
        %mul3A_137 = arith.muli %scan3A_135, %mul3A_136 : i32
        %add3A_138 = arith.constant 0 : i32
        %add3A_139 = arith.addi %add3A_138, %mul3A_137 : i32
        %mul3A_140 = arith.constant 8 : i32
        %mul3A_141 = arith.muli %add3A_139, %mul3A_140 : i32
        %add3A_142 = arith.constant 0 : i32
        %add3A_143 = arith.addi %mul3A_141, %add3A_142 : i32
        %broadcast_in_dim3A = vector.broadcast %add3A_105 : i32 to vector<16xi32>
        %broadcast_in_dim3A_144 = vector.broadcast %add3A_143 : i32 to vector<16xi32>
        %gather3A = tpu.vector_load_idx %arg17[%broadcast_in_dim3A, %broadcast_in_dim3A_144] : memref<80x128xf32, #tpu.memory_space<vmem>>[vector<16xi32>, vector<16xi32>], vector<16xf32>,
        %get3A = arith.index_cast %add3A_143 : i32 to index
        %get3A_145 = arith.constant 0 : index
        %get3A_146 = tpu.vector_load %arg24[%get3A, %get3A_145] {strides = array<i32>} : memref<128x32xf32, #tpu.memory_space<vmem>>, vector<16xf32>,
        %mul3A_147 = arith.mulf %get3A_146, %gather3A : vector<16xf32>
        %swap3A = arith.index_cast %add3A_143 : i32 to index
        %swap3A_148 = arith.constant 0 : index
        %swap3A_149 = tpu.vector_load %arg24[%swap3A, %swap3A_148] {strides = array<i32>} : memref<128x32xf32, #tpu.memory_space<vmem>>, vector<16xf32>,
        tpu.vector_store %arg24[%swap3A, %swap3A_148], %mul3A_147 {strides = array<i32>} : memref<128x32xf32, #tpu.memory_space<vmem>>, vector<16xf32>,
        %get3A_150 = arith.index_cast %add3A_143 : i32 to index
        %get3A_151 = arith.constant 16 : index
        %get3A_152 = tpu.vector_load %arg24[%get3A_150, %get3A_151] {strides = array<i32>} : memref<128x32xf32, #tpu.memory_space<vmem>>, vector<16xf32>,
        %mul3A_153 = arith.mulf %get3A_152, %gather3A : vector<16xf32>
        %swap3A_154 = arith.index_cast %add3A_143 : i32 to index
        %swap3A_155 = arith.constant 16 : index
        %swap3A_156 = tpu.vector_load %arg24[%swap3A_154, %swap3A_155] {strides = array<i32>} : memref<128x32xf32, #tpu.memory_space<vmem>>, vector<16xf32>,
        tpu.vector_store %arg24[%swap3A_154, %swap3A_155], %mul3A_153 {strides = array<i32>} : memref<128x32xf32, #tpu.memory_space<vmem>>, vector<16xf32>,
        %mul3A_157 = arith.constant 8 : i32
        %mul3A_158 = arith.muli %add3A_139, %mul3A_157 : i32
        %add3A_159 = arith.constant 1 : i32
        %add3A_160 = arith.addi %mul3A_158, %add3A_159 : i32
        %broadcast_in_dim3A_161 = vector.broadcast %add3A_105 : i32 to vector<16xi32>
        %broadcast_in_dim3A_162 = vector.broadcast %add3A_160 : i32 to vector<16xi32>
        %gather3A_163 = tpu.vector_load_idx %arg17[%broadcast_in_dim3A_161, %broadcast_in_dim3A_162] : memref<80x128xf32, #tpu.memory_space<vmem>>[vector<16xi32>, vector<16xi32>], vector<16xf32>,
        %get3A_164 = arith.index_cast %add3A_160 : i32 to index
        %get3A_165 = arith.constant 0 : index
        %get3A_166 = tpu.vector_load %arg24[%get3A_164, %get3A_165] {strides = array<i32>} : memref<128x32xf32, #tpu.memory_space<vmem>>, vector<16xf32>,
        %mul3A_167 = arith.mulf %get3A_166, %gather3A_163 : vector<16xf32>
        %swap3A_168 = arith.index_cast %add3A_160 : i32 to index
        %swap3A_169 = arith.constant 0 : index
        %swap3A_170 = tpu.vector_load %arg24[%swap3A_168, %swap3A_169] {strides = array<i32>} : memref<128x32xf32, #tpu.memory_space<vmem>>, vector<16xf32>,
        tpu.vector_store %arg24[%swap3A_168, %swap3A_169], %mul3A_167 {strides = array<i32>} : memref<128x32xf32, #tpu.memory_space<vmem>>, vector<16xf32>,
        %get3A_171 = arith.index_cast %add3A_160 : i32 to index
        %get3A_172 = arith.constant 16 : index
        %get3A_173 = tpu.vector_load %arg24[%get3A_171, %get3A_172] {strides = array<i32>} : memref<128x32xf32, #tpu.memory_space<vmem>>, vector<16xf32>,
        %mul3A_174 = arith.mulf %get3A_173, %gather3A_163 : vector<16xf32>
        %swap3A_175 = arith.index_cast %add3A_160 : i32 to index
        %swap3A_176 = arith.constant 16 : index
        %swap3A_177 = tpu.vector_load %arg24[%swap3A_175, %swap3A_176] {strides = array<i32>} : memref<128x32xf32, #tpu.memory_space<vmem>>, vector<16xf32>,
        tpu.vector_store %arg24[%swap3A_175, %swap3A_176], %mul3A_174 {strides = array<i32>} : memref<128x32xf32, #tpu.memory_space<vmem>>, vector<16xf32>,
        %mul3A_178 = arith.constant 8 : i32
        %mul3A_179 = arith.muli %add3A_139, %mul3A_178 : i32
        %add3A_180 = arith.constant 2 : i32
        %add3A_181 = arith.addi %mul3A_179, %add3A_180 : i32
        %broadcast_in_dim3A_182 = vector.broadcast %add3A_105 : i32 to vector<16xi32>
        %broadcast_in_dim3A_183 = vector.broadcast %add3A_181 : i32 to vector<16xi32>
        %gather3A_184 = tpu.vector_load_idx %arg17[%broadcast_in_dim3A_182, %broadcast_in_dim3A_183] : memref<80x128xf32, #tpu.memory_space<vmem>>[vector<16xi32>, vector<16xi32>], vector<16xf32>,
        %get3A_185 = arith.index_cast %add3A_181 : i32 to index
        %get3A_186 = arith.constant 0 : index
        %get3A_187 = tpu.vector_load %arg24[%get3A_185, %get3A_186] {strides = array<i32>} : memref<128x32xf32, #tpu.memory_space<vmem>>, vector<16xf32>,
        %mul3A_188 = arith.mulf %get3A_187, %gather3A_184 : vector<16xf32>
        %swap3A_189 = arith.index_cast %add3A_181 : i32 to index
        %swap3A_190 = arith.constant 0 : index
        %swap3A_191 = tpu.vector_load %arg24[%swap3A_189, %swap3A_190] {strides = array<i32>} : memref<128x32xf32, #tpu.memory_space<vmem>>, vector<16xf32>,
        tpu.vector_store %arg24[%swap3A_189, %swap3A_190], %mul3A_188 {strides = array<i32>} : memref<128x32xf32, #tpu.memory_space<vmem>>, vector<16xf32>,
        %get3A_192 = arith.index_cast %add3A_181 : i32 to index
        %get3A_193 = arith.constant 16 : index
        %get3A_194 = tpu.vector_load %arg24[%get3A_192, %get3A_193] {strides = array<i32>} : memref<128x32xf32, #tpu.memory_space<vmem>>, vector<16xf32>,
        %mul3A_195 = arith.mulf %get3A_194, %gather3A_184 : vector<16xf32>
        %swap3A_196 = arith.index_cast %add3A_181 : i32 to index
        %swap3A_197 = arith.constant 16 : index
        %swap3A_198 = tpu.vector_load %arg24[%swap3A_196, %swap3A_197] {strides = array<i32>} : memref<128x32xf32, #tpu.memory_space<vmem>>, vector<16xf32>,
        tpu.vector_store %arg24[%swap3A_196, %swap3A_197], %mul3A_195 {strides = array<i32>} : memref<128x32xf32, #tpu.memory_space<vmem>>, vector<16xf32>,
        %mul3A_199 = arith.constant 8 : i32
        %mul3A_200 = arith.muli %add3A_139, %mul3A_199 : i32
        %add3A_201 = arith.constant 3 : i32
        %add3A_202 = arith.addi %mul3A_200, %add3A_201 : i32
        %broadcast_in_dim3A_203 = vector.broadcast %add3A_105 : i32 to vector<16xi32>
        %broadcast_in_dim3A_204 = vector.broadcast %add3A_202 : i32 to vector<16xi32>
        %gather3A_205 = tpu.vector_load_idx %arg17[%broadcast_in_dim3A_203, %broadcast_in_dim3A_204] : memref<80x128xf32, #tpu.memory_space<vmem>>[vector<16xi32>, vector<16xi32>], vector<16xf32>,
        %get3A_206 = arith.index_cast %add3A_202 : i32 to index
        %get3A_207 = arith.constant 0 : index
        %get3A_208 = tpu.vector_load %arg24[%get3A_206, %get3A_207] {strides = array<i32>} : memref<128x32xf32, #tpu.memory_space<vmem>>, vector<16xf32>,
        %mul3A_209 = arith.mulf %get3A_208, %gather3A_205 : vector<16xf32>
        %swap3A_210 = arith.index_cast %add3A_202 : i32 to index
        %swap3A_211 = arith.constant 0 : index
        %swap3A_212 = tpu.vector_load %arg24[%swap3A_210, %swap3A_211] {strides = array<i32>} : memref<128x32xf32, #tpu.memory_space<vmem>>, vector<16xf32>,
        tpu.vector_store %arg24[%swap3A_210, %swap3A_211], %mul3A_209 {strides = array<i32>} : memref<128x32xf32, #tpu.memory_space<vmem>>, vector<16xf32>,
        %get3A_213 = arith.index_cast %add3A_202 : i32 to index
        %get3A_214 = arith.constant 16 : index
        %get3A_215 = tpu.vector_load %arg24[%get3A_213, %get3A_214] {strides = array<i32>} : memref<128x32xf32, #tpu.memory_space<vmem>>, vector<16xf32>,
        %mul3A_216 = arith.mulf %get3A_215, %gather3A_205 : vector<16xf32>
        %swap3A_217 = arith.index_cast %add3A_202 : i32 to index
        %swap3A_218 = arith.constant 16 : index
        %swap3A_219 = tpu.vector_load %arg24[%swap3A_217, %swap3A_218] {strides = array<i32>} : memref<128x32xf32, #tpu.memory_space<vmem>>, vector<16xf32>,
        tpu.vector_store %arg24[%swap3A_217, %swap3A_218], %mul3A_216 {strides = array<i32>} : memref<128x32xf32, #tpu.memory_space<vmem>>, vector<16xf32>,
        %mul3A_220 = arith.constant 8 : i32
        %mul3A_221 = arith.muli %add3A_139, %mul3A_220 : i32
        %add3A_222 = arith.constant 4 : i32
        %add3A_223 = arith.addi %mul3A_221, %add3A_222 : i32
        %broadcast_in_dim3A_224 = vector.broadcast %add3A_105 : i32 to vector<16xi32>
        %broadcast_in_dim3A_225 = vector.broadcast %add3A_223 : i32 to vector<16xi32>
        %gather3A_226 = tpu.vector_load_idx %arg17[%broadcast_in_dim3A_224, %broadcast_in_dim3A_225] : memref<80x128xf32, #tpu.memory_space<vmem>>[vector<16xi32>, vector<16xi32>], vector<16xf32>,
        %get3A_227 = arith.index_cast %add3A_223 : i32 to index
        %get3A_228 = arith.constant 0 : index
        %get3A_229 = tpu.vector_load %arg24[%get3A_227, %get3A_228] {strides = array<i32>} : memref<128x32xf32, #tpu.memory_space<vmem>>, vector<16xf32>,
        %mul3A_230 = arith.mulf %get3A_229, %gather3A_226 : vector<16xf32>
        %swap3A_231 = arith.index_cast %add3A_223 : i32 to index
        %swap3A_232 = arith.constant 0 : index
        %swap3A_233 = tpu.vector_load %arg24[%swap3A_231, %swap3A_232] {strides = array<i32>} : memref<128x32xf32, #tpu.memory_space<vmem>>, vector<16xf32>,
        tpu.vector_store %arg24[%swap3A_231, %swap3A_232], %mul3A_230 {strides = array<i32>} : memref<128x32xf32, #tpu.memory_space<vmem>>, vector<16xf32>,
        %get3A_234 = arith.index_cast %add3A_223 : i32 to index
        %get3A_235 = arith.constant 16 : index
        %get3A_236 = tpu.vector_load %arg24[%get3A_234, %get3A_235] {strides = array<i32>} : memref<128x32xf32, #tpu.memory_space<vmem>>, vector<16xf32>,
        %mul3A_237 = arith.mulf %get3A_236, %gather3A_226 : vector<16xf32>
        %swap3A_238 = arith.index_cast %add3A_223 : i32 to index
        %swap3A_239 = arith.constant 16 : index
        %swap3A_240 = tpu.vector_load %arg24[%swap3A_238, %swap3A_239] {strides = array<i32>} : memref<128x32xf32, #tpu.memory_space<vmem>>, vector<16xf32>,
        tpu.vector_store %arg24[%swap3A_238, %swap3A_239], %mul3A_237 {strides = array<i32>} : memref<128x32xf32, #tpu.memory_space<vmem>>, vector<16xf32>,
        %mul3A_241 = arith.constant 8 : i32
        %mul3A_242 = arith.muli %add3A_139, %mul3A_241 : i32
        %add3A_243 = arith.constant 5 : i32
        %add3A_244 = arith.addi %mul3A_242, %add3A_243 : i32
        %broadcast_in_dim3A_245 = vector.broadcast %add3A_105 : i32 to vector<16xi32>
        %broadcast_in_dim3A_246 = vector.broadcast %add3A_244 : i32 to vector<16xi32>
        %gather3A_247 = tpu.vector_load_idx %arg17[%broadcast_in_dim3A_245, %broadcast_in_dim3A_246] : memref<80x128xf32, #tpu.memory_space<vmem>>[vector<16xi32>, vector<16xi32>], vector<16xf32>,
        %get3A_248 = arith.index_cast %add3A_244 : i32 to index
        %get3A_249 = arith.constant 0 : index
        %get3A_250 = tpu.vector_load %arg24[%get3A_248, %get3A_249] {strides = array<i32>} : memref<128x32xf32, #tpu.memory_space<vmem>>, vector<16xf32>,
        %mul3A_251 = arith.mulf %get3A_250, %gather3A_247 : vector<16xf32>
        %swap3A_252 = arith.index_cast %add3A_244 : i32 to index
        %swap3A_253 = arith.constant 0 : index
        %swap3A_254 = tpu.vector_load %arg24[%swap3A_252, %swap3A_253] {strides = array<i32>} : memref<128x32xf32, #tpu.memory_space<vmem>>, vector<16xf32>,
        tpu.vector_store %arg24[%swap3A_252, %swap3A_253], %mul3A_251 {strides = array<i32>} : memref<128x32xf32, #tpu.memory_space<vmem>>, vector<16xf32>,
        %get3A_255 = arith.index_cast %add3A_244 : i32 to index
        %get3A_256 = arith.constant 16 : index
        %get3A_257 = tpu.vector_load %arg24[%get3A_255, %get3A_256] {strides = array<i32>} : memref<128x32xf32, #tpu.memory_space<vmem>>, vector<16xf32>,
        %mul3A_258 = arith.mulf %get3A_257, %gather3A_247 : vector<16xf32>
        %swap3A_259 = arith.index_cast %add3A_244 : i32 to index
        %swap3A_260 = arith.constant 16 : index
        %swap3A_261 = tpu.vector_load %arg24[%swap3A_259, %swap3A_260] {strides = array<i32>} : memref<128x32xf32, #tpu.memory_space<vmem>>, vector<16xf32>,
        tpu.vector_store %arg24[%swap3A_259, %swap3A_260], %mul3A_258 {strides = array<i32>} : memref<128x32xf32, #tpu.memory_space<vmem>>, vector<16xf32>,
        %mul3A_262 = arith.constant 8 : i32
        %mul3A_263 = arith.muli %add3A_139, %mul3A_262 : i32
        %add3A_264 = arith.constant 6 : i32
        %add3A_265 = arith.addi %mul3A_263, %add3A_264 : i32
        %broadcast_in_dim3A_266 = vector.broadcast %add3A_105 : i32 to vector<16xi32>
        %broadcast_in_dim3A_267 = vector.broadcast %add3A_265 : i32 to vector<16xi32>
        %gather3A_268 = tpu.vector_load_idx %arg17[%broadcast_in_dim3A_266, %broadcast_in_dim3A_267] : memref<80x128xf32, #tpu.memory_space<vmem>>[vector<16xi32>, vector<16xi32>], vector<16xf32>,
        %get3A_269 = arith.index_cast %add3A_265 : i32 to index
        %get3A_270 = arith.constant 0 : index
        %get3A_271 = tpu.vector_load %arg24[%get3A_269, %get3A_270] {strides = array<i32>} : memref<128x32xf32, #tpu.memory_space<vmem>>, vector<16xf32>,
        %mul3A_272 = arith.mulf %get3A_271, %gather3A_268 : vector<16xf32>
        %swap3A_273 = arith.index_cast %add3A_265 : i32 to index
        %swap3A_274 = arith.constant 0 : index
        %swap3A_275 = tpu.vector_load %arg24[%swap3A_273, %swap3A_274] {strides = array<i32>} : memref<128x32xf32, #tpu.memory_space<vmem>>, vector<16xf32>,
        tpu.vector_store %arg24[%swap3A_273, %swap3A_274], %mul3A_272 {strides = array<i32>} : memref<128x32xf32, #tpu.memory_space<vmem>>, vector<16xf32>,
        %get3A_276 = arith.index_cast %add3A_265 : i32 to index
        %get3A_277 = arith.constant 16 : index
        %get3A_278 = tpu.vector_load %arg24[%get3A_276, %get3A_277] {strides = array<i32>} : memref<128x32xf32, #tpu.memory_space<vmem>>, vector<16xf32>,
        %mul3A_279 = arith.mulf %get3A_278, %gather3A_268 : vector<16xf32>
        %swap3A_280 = arith.index_cast %add3A_265 : i32 to index
        %swap3A_281 = arith.constant 16 : index
        %swap3A_282 = tpu.vector_load %arg24[%swap3A_280, %swap3A_281] {strides = array<i32>} : memref<128x32xf32, #tpu.memory_space<vmem>>, vector<16xf32>,
        tpu.vector_store %arg24[%swap3A_280, %swap3A_281], %mul3A_279 {strides = array<i32>} : memref<128x32xf32, #tpu.memory_space<vmem>>, vector<16xf32>,
        %mul3A_283 = arith.constant 8 : i32
        %mul3A_284 = arith.muli %add3A_139, %mul3A_283 : i32
        %add3A_285 = arith.constant 7 : i32
        %add3A_286 = arith.addi %mul3A_284, %add3A_285 : i32
        %broadcast_in_dim3A_287 = vector.broadcast %add3A_105 : i32 to vector<16xi32>
        %broadcast_in_dim3A_288 = vector.broadcast %add3A_286 : i32 to vector<16xi32>
        %gather3A_289 = tpu.vector_load_idx %arg17[%broadcast_in_dim3A_287, %broadcast_in_dim3A_288] : memref<80x128xf32, #tpu.memory_space<vmem>>[vector<16xi32>, vector<16xi32>], vector<16xf32>,
        %get3A_290 = arith.index_cast %add3A_286 : i32 to index
        %get3A_291 = arith.constant 0 : index
        %get3A_292 = tpu.vector_load %arg24[%get3A_290, %get3A_291] {strides = array<i32>} : memref<128x32xf32, #tpu.memory_space<vmem>>, vector<16xf32>,
        %mul3A_293 = arith.mulf %get3A_292, %gather3A_289 : vector<16xf32>
        %swap3A_294 = arith.index_cast %add3A_286 : i32 to index
        %swap3A_295 = arith.constant 0 : index
        %swap3A_296 = tpu.vector_load %arg24[%swap3A_294, %swap3A_295] {strides = array<i32>} : memref<128x32xf32, #tpu.memory_space<vmem>>, vector<16xf32>,
        tpu.vector_store %arg24[%swap3A_294, %swap3A_295], %mul3A_293 {strides = array<i32>} : memref<128x32xf32, #tpu.memory_space<vmem>>, vector<16xf32>,
        %get3A_297 = arith.index_cast %add3A_286 : i32 to index
        %get3A_298 = arith.constant 16 : index
        %get3A_299 = tpu.vector_load %arg24[%get3A_297, %get3A_298] {strides = array<i32>} : memref<128x32xf32, #tpu.memory_space<vmem>>, vector<16xf32>,
        %mul3A_300 = arith.mulf %get3A_299, %gather3A_289 : vector<16xf32>
        %swap3A_301 = arith.index_cast %add3A_286 : i32 to index
        %swap3A_302 = arith.constant 16 : index
        %swap3A_303 = tpu.vector_load %arg24[%swap3A_301, %swap3A_302] {strides = array<i32>} : memref<128x32xf32, #tpu.memory_space<vmem>>, vector<16xf32>,
        tpu.vector_store %arg24[%swap3A_301, %swap3A_302], %mul3A_300 {strides = array<i32>} : memref<128x32xf32, #tpu.memory_space<vmem>>, vector<16xf32>,
      }
      %scan3A_128 = arith.constant 16 : i32
      "tpu.region"() ({
        %run_scoped3A = tpu.sem_alloc : memref<!tpu.dma_semaphore, #tpu.memory_space<semaphore_mem>>
        %dma_start3A_135 = arith.constant 0 : i32
        %dma_start3A_136 = tpu.memref_slice %arg16[%add3A_105, %dma_start3A_135] : memref<80x128xi32, #tpu.memory_space<vmem>> -> memref<1x128xi32, #tpu.memory_space<vmem>>
        %dma_start3A_137 = tpu.memref_squeeze %dma_start3A_136 : memref<1x128xi32, #tpu.memory_space<vmem>> -> memref<128xi32, #tpu.memory_space<vmem>>
        %dma_start3A_138 = arith.constant 0 : i32
        %dma_start3A_139 = arith.constant 0 : i32
        %dma_start3A_140 = tpu.memref_slice %arg25[%dma_start3A_138, %dma_start3A_139] : memref<10000x32xf32, #tpu.memory_space<vmem_shared>> -> memref<10000x32xf32, #tpu.memory_space<vmem_shared>>
        tpu.enqueue_indirect_dma source(%arg24 : memref<128x32xf32, #tpu.memory_space<vmem>>) target(%dma_start3A_140 : memref<10000x32xf32, #tpu.memory_space<vmem_shared>>) offsets(%dma_start3A_137 : memref<128xi32, #tpu.memory_space<vmem>>) semaphore(%run_scoped3A : memref<!tpu.dma_semaphore, #tpu.memory_space<semaphore_mem>>) {add = true}
        %dma_wait3A_141 = arith.constant 0 : i32
        %dma_wait3A_142 = tpu.memref_slice %arg16[%add3A_105, %dma_wait3A_141] : memref<80x128xi32, #tpu.memory_space<vmem>> -> memref<1x128xi32, #tpu.memory_space<vmem>>
        %dma_wait3A_143 = tpu.memref_squeeze %dma_wait3A_142 : memref<1x128xi32, #tpu.memory_space<vmem>> -> memref<128xi32, #tpu.memory_space<vmem>>
        %dma_wait3A_144 = arith.constant 0 : i32
        %dma_wait3A_145 = arith.constant 0 : i32
        %dma_wait3A_146 = tpu.memref_slice %arg25[%dma_wait3A_144, %dma_wait3A_145] : memref<10000x32xf32, #tpu.memory_space<vmem_shared>> -> memref<10000x32xf32, #tpu.memory_space<vmem_shared>>
        tpu.wait_indirect_dma semaphore(%run_scoped3A : memref<!tpu.dma_semaphore, #tpu.memory_space<semaphore_mem>>) src(%arg24 : memref<128x32xf32, #tpu.memory_space<vmem>>) dst(%dma_wait3A_146 : memref<10000x32xf32, #tpu.memory_space<vmem_shared>>)
        tpu.yield
      }) : () -> ()
      %add3A_129 = arith.constant 2 : i32
      %add3A_130 = arith.addi %add3A_105, %add3A_129 : i32
      %lt3A_131 = arith.cmpi slt, %add3A_130, %select_n3A : i32
      %convert_element_type3A_132 = arith.extui %lt3A_131 : i1 to i32
      %cond3A_133 = arith.constant 0 : i32
      %cond3A_134 = arith.cmpi ne, %convert_element_type3A_132, %cond3A_133 : i32
      scf.if %cond3A_134 {
        %add3A_135 = arith.constant 2 : i32
        %add3A_136 = arith.addi %add3A_105, %add3A_135 : i32
        %dma_start3A_137 = arith.constant 0 : i32
        %dma_start3A_138 = tpu.memref_slice %arg15[%add3A_136, %dma_start3A_137] : memref<80x128xi32, #tpu.memory_space<vmem>> -> memref<1x128xi32, #tpu.memory_space<vmem>>
        %dma_start3A_139 = tpu.memref_squeeze %dma_start3A_138 : memref<1x128xi32, #tpu.memory_space<vmem>> -> memref<128xi32, #tpu.memory_space<vmem>>
        %dma_start3A_140 = arith.constant 0 : i32
        %dma_start3A_141 = arith.constant 0 : i32
        %dma_start3A_142 = tpu.memref_slice %arg10[%dma_start3A_140, %dma_start3A_141] : memref<10000x32xf32, #tpu.memory_space<hbm>> -> memref<10000x32xf32, #tpu.memory_space<hbm>>
        tpu.enqueue_indirect_dma source(%dma_start3A_142 : memref<10000x32xf32, #tpu.memory_space<hbm>>) target(%arg24 : memref<128x32xf32, #tpu.memory_space<vmem>>) offsets(%dma_start3A_139 : memref<128xi32, #tpu.memory_space<vmem>>) semaphore(%arg28 : memref<!tpu.dma_semaphore, #tpu.memory_space<semaphore_mem>>)
      } else {
      }
    }
    %while3A_93 = arith.constant 1 : i32
    scf.for %while3A_99 = %while3A_91 to %while3A_87 step %while3A_93  : i32 {
      %mul3A_100 = arith.muli %while3A_99, %while3A_83 : i32
      %add3A_101 = arith.addi %while3A_84, %mul3A_100 : i32
      %mul3A_102 = arith.constant 2 : i32
      %mul3A_103 = arith.muli %add3A_101, %mul3A_102 : i32
      %add3A_104 = arith.constant 1 : i32
      %add3A_105 = arith.addi %mul3A_103, %add3A_104 : i32
      %dma_wait3A = arith.constant 0 : i32
      %dma_wait3A_106 = tpu.memref_slice %arg15[%mul3A_103, %dma_wait3A] : memref<80x128xi32, #tpu.memory_space<vmem>> -> memref<1x128xi32, #tpu.memory_space<vmem>>
      %dma_wait3A_107 = tpu.memref_squeeze %dma_wait3A_106 : memref<1x128xi32, #tpu.memory_space<vmem>> -> memref<128xi32, #tpu.memory_space<vmem>>
      %dma_wait3A_108 = arith.constant 0 : i32
      %dma_wait3A_109 = arith.constant 0 : i32
      %dma_wait3A_110 = tpu.memref_slice %arg10[%dma_wait3A_108, %dma_wait3A_109] : memref<10000x32xf32, #tpu.memory_space<hbm>> -> memref<10000x32xf32, #tpu.memory_space<hbm>>
      tpu.wait_indirect_dma semaphore(%arg27 : memref<!tpu.dma_semaphore, #tpu.memory_space<semaphore_mem>>) src(%dma_wait3A_110 : memref<10000x32xf32, #tpu.memory_space<hbm>>) dst(%arg23 : memref<128x32xf32, #tpu.memory_space<vmem>>)
      %scan3A = arith.constant 0 : i32
      %scan3A_111 = arith.constant 16 : i32
      %scan3A_112 = arith.addi %scan3A, %scan3A_111 : i32
      %scan3A_113 = arith.constant 1 : i32
      scf.for %scan3A_135 = %scan3A to %scan3A_112 step %scan3A_113  : i32 {
        %mul3A_136 = arith.constant 1 : i32
        %mul3A_137 = arith.muli %scan3A_135, %mul3A_136 : i32
        %add3A_138 = arith.constant 0 : i32
        %add3A_139 = arith.addi %add3A_138, %mul3A_137 : i32
        %mul3A_140 = arith.constant 8 : i32
        %mul3A_141 = arith.muli %add3A_139, %mul3A_140 : i32
        %add3A_142 = arith.constant 0 : i32
        %add3A_143 = arith.addi %mul3A_141, %add3A_142 : i32
        %broadcast_in_dim3A = vector.broadcast %mul3A_103 : i32 to vector<16xi32>
        %broadcast_in_dim3A_144 = vector.broadcast %add3A_143 : i32 to vector<16xi32>
        %gather3A = tpu.vector_load_idx %arg17[%broadcast_in_dim3A, %broadcast_in_dim3A_144] : memref<80x128xf32, #tpu.memory_space<vmem>>[vector<16xi32>, vector<16xi32>], vector<16xf32>,
        %get3A = arith.index_cast %add3A_143 : i32 to index
        %get3A_145 = arith.constant 0 : index
        %get3A_146 = tpu.vector_load %arg23[%get3A, %get3A_145] {strides = array<i32>} : memref<128x32xf32, #tpu.memory_space<vmem>>, vector<16xf32>,
        %mul3A_147 = arith.mulf %get3A_146, %gather3A : vector<16xf32>
        %swap3A = arith.index_cast %add3A_143 : i32 to index
        %swap3A_148 = arith.constant 0 : index
        %swap3A_149 = tpu.vector_load %arg23[%swap3A, %swap3A_148] {strides = array<i32>} : memref<128x32xf32, #tpu.memory_space<vmem>>, vector<16xf32>,
        tpu.vector_store %arg23[%swap3A, %swap3A_148], %mul3A_147 {strides = array<i32>} : memref<128x32xf32, #tpu.memory_space<vmem>>, vector<16xf32>,
        %get3A_150 = arith.index_cast %add3A_143 : i32 to index
        %get3A_151 = arith.constant 16 : index
        %get3A_152 = tpu.vector_load %arg23[%get3A_150, %get3A_151] {strides = array<i32>} : memref<128x32xf32, #tpu.memory_space<vmem>>, vector<16xf32>,
        %mul3A_153 = arith.mulf %get3A_152, %gather3A : vector<16xf32>
        %swap3A_154 = arith.index_cast %add3A_143 : i32 to index
        %swap3A_155 = arith.constant 16 : index
        %swap3A_156 = tpu.vector_load %arg23[%swap3A_154, %swap3A_155] {strides = array<i32>} : memref<128x32xf32, #tpu.memory_space<vmem>>, vector<16xf32>,
        tpu.vector_store %arg23[%swap3A_154, %swap3A_155], %mul3A_153 {strides = array<i32>} : memref<128x32xf32, #tpu.memory_space<vmem>>, vector<16xf32>,
        %mul3A_157 = arith.constant 8 : i32
        %mul3A_158 = arith.muli %add3A_139, %mul3A_157 : i32
        %add3A_159 = arith.constant 1 : i32
        %add3A_160 = arith.addi %mul3A_158, %add3A_159 : i32
        %broadcast_in_dim3A_161 = vector.broadcast %mul3A_103 : i32 to vector<16xi32>
        %broadcast_in_dim3A_162 = vector.broadcast %add3A_160 : i32 to vector<16xi32>
        %gather3A_163 = tpu.vector_load_idx %arg17[%broadcast_in_dim3A_161, %broadcast_in_dim3A_162] : memref<80x128xf32, #tpu.memory_space<vmem>>[vector<16xi32>, vector<16xi32>], vector<16xf32>,
        %get3A_164 = arith.index_cast %add3A_160 : i32 to index
        %get3A_165 = arith.constant 0 : index
        %get3A_166 = tpu.vector_load %arg23[%get3A_164, %get3A_165] {strides = array<i32>} : memref<128x32xf32, #tpu.memory_space<vmem>>, vector<16xf32>,
        %mul3A_167 = arith.mulf %get3A_166, %gather3A_163 : vector<16xf32>
        %swap3A_168 = arith.index_cast %add3A_160 : i32 to index
        %swap3A_169 = arith.constant 0 : index
        %swap3A_170 = tpu.vector_load %arg23[%swap3A_168, %swap3A_169] {strides = array<i32>} : memref<128x32xf32, #tpu.memory_space<vmem>>, vector<16xf32>,
        tpu.vector_store %arg23[%swap3A_168, %swap3A_169], %mul3A_167 {strides = array<i32>} : memref<128x32xf32, #tpu.memory_space<vmem>>, vector<16xf32>,
        %get3A_171 = arith.index_cast %add3A_160 : i32 to index
        %get3A_172 = arith.constant 16 : index
        %get3A_173 = tpu.vector_load %arg23[%get3A_171, %get3A_172] {strides = array<i32>} : memref<128x32xf32, #tpu.memory_space<vmem>>, vector<16xf32>,
        %mul3A_174 = arith.mulf %get3A_173, %gather3A_163 : vector<16xf32>
        %swap3A_175 = arith.index_cast %add3A_160 : i32 to index
        %swap3A_176 = arith.constant 16 : index
        %swap3A_177 = tpu.vector_load %arg23[%swap3A_175, %swap3A_176] {strides = array<i32>} : memref<128x32xf32, #tpu.memory_space<vmem>>, vector<16xf32>,
        tpu.vector_store %arg23[%swap3A_175, %swap3A_176], %mul3A_174 {strides = array<i32>} : memref<128x32xf32, #tpu.memory_space<vmem>>, vector<16xf32>,
        %mul3A_178 = arith.constant 8 : i32
        %mul3A_179 = arith.muli %add3A_139, %mul3A_178 : i32
        %add3A_180 = arith.constant 2 : i32
        %add3A_181 = arith.addi %mul3A_179, %add3A_180 : i32
        %broadcast_in_dim3A_182 = vector.broadcast %mul3A_103 : i32 to vector<16xi32>
        %broadcast_in_dim3A_183 = vector.broadcast %add3A_181 : i32 to vector<16xi32>
        %gather3A_184 = tpu.vector_load_idx %arg17[%broadcast_in_dim3A_182, %broadcast_in_dim3A_183] : memref<80x128xf32, #tpu.memory_space<vmem>>[vector<16xi32>, vector<16xi32>], vector<16xf32>,
        %get3A_185 = arith.index_cast %add3A_181 : i32 to index
        %get3A_186 = arith.constant 0 : index
        %get3A_187 = tpu.vector_load %arg23[%get3A_185, %get3A_186] {strides = array<i32>} : memref<128x32xf32, #tpu.memory_space<vmem>>, vector<16xf32>,
        %mul3A_188 = arith.mulf %get3A_187, %gather3A_184 : vector<16xf32>
        %swap3A_189 = arith.index_cast %add3A_181 : i32 to index
        %swap3A_190 = arith.constant 0 : index
        %swap3A_191 = tpu.vector_load %arg23[%swap3A_189, %swap3A_190] {strides = array<i32>} : memref<128x32xf32, #tpu.memory_space<vmem>>, vector<16xf32>,
        tpu.vector_store %arg23[%swap3A_189, %swap3A_190], %mul3A_188 {strides = array<i32>} : memref<128x32xf32, #tpu.memory_space<vmem>>, vector<16xf32>,
        %get3A_192 = arith.index_cast %add3A_181 : i32 to index
        %get3A_193 = arith.constant 16 : index
        %get3A_194 = tpu.vector_load %arg23[%get3A_192, %get3A_193] {strides = array<i32>} : memref<128x32xf32, #tpu.memory_space<vmem>>, vector<16xf32>,
        %mul3A_195 = arith.mulf %get3A_194, %gather3A_184 : vector<16xf32>
        %swap3A_196 = arith.index_cast %add3A_181 : i32 to index
        %swap3A_197 = arith.constant 16 : index
        %swap3A_198 = tpu.vector_load %arg23[%swap3A_196, %swap3A_197] {strides = array<i32>} : memref<128x32xf32, #tpu.memory_space<vmem>>, vector<16xf32>,
        tpu.vector_store %arg23[%swap3A_196, %swap3A_197], %mul3A_195 {strides = array<i32>} : memref<128x32xf32, #tpu.memory_space<vmem>>, vector<16xf32>,
        %mul3A_199 = arith.constant 8 : i32
        %mul3A_200 = arith.muli %add3A_139, %mul3A_199 : i32
        %add3A_201 = arith.constant 3 : i32
        %add3A_202 = arith.addi %mul3A_200, %add3A_201 : i32
        %broadcast_in_dim3A_203 = vector.broadcast %mul3A_103 : i32 to vector<16xi32>
        %broadcast_in_dim3A_204 = vector.broadcast %add3A_202 : i32 to vector<16xi32>
        %gather3A_205 = tpu.vector_load_idx %arg17[%broadcast_in_dim3A_203, %broadcast_in_dim3A_204] : memref<80x128xf32, #tpu.memory_space<vmem>>[vector<16xi32>, vector<16xi32>], vector<16xf32>,
        %get3A_206 = arith.index_cast %add3A_202 : i32 to index
        %get3A_207 = arith.constant 0 : index
        %get3A_208 = tpu.vector_load %arg23[%get3A_206, %get3A_207] {strides = array<i32>} : memref<128x32xf32, #tpu.memory_space<vmem>>, vector<16xf32>,
        %mul3A_209 = arith.mulf %get3A_208, %gather3A_205 : vector<16xf32>
        %swap3A_210 = arith.index_cast %add3A_202 : i32 to index
        %swap3A_211 = arith.constant 0 : index
        %swap3A_212 = tpu.vector_load %arg23[%swap3A_210, %swap3A_211] {strides = array<i32>} : memref<128x32xf32, #tpu.memory_space<vmem>>, vector<16xf32>,
        tpu.vector_store %arg23[%swap3A_210, %swap3A_211], %mul3A_209 {strides = array<i32>} : memref<128x32xf32, #tpu.memory_space<vmem>>, vector<16xf32>,
        %get3A_213 = arith.index_cast %add3A_202 : i32 to index
        %get3A_214 = arith.constant 16 : index
        %get3A_215 = tpu.vector_load %arg23[%get3A_213, %get3A_214] {strides = array<i32>} : memref<128x32xf32, #tpu.memory_space<vmem>>, vector<16xf32>,
        %mul3A_216 = arith.mulf %get3A_215, %gather3A_205 : vector<16xf32>
        %swap3A_217 = arith.index_cast %add3A_202 : i32 to index
        %swap3A_218 = arith.constant 16 : index
        %swap3A_219 = tpu.vector_load %arg23[%swap3A_217, %swap3A_218] {strides = array<i32>} : memref<128x32xf32, #tpu.memory_space<vmem>>, vector<16xf32>,
        tpu.vector_store %arg23[%swap3A_217, %swap3A_218], %mul3A_216 {strides = array<i32>} : memref<128x32xf32, #tpu.memory_space<vmem>>, vector<16xf32>,
        %mul3A_220 = arith.constant 8 : i32
        %mul3A_221 = arith.muli %add3A_139, %mul3A_220 : i32
        %add3A_222 = arith.constant 4 : i32
        %add3A_223 = arith.addi %mul3A_221, %add3A_222 : i32
        %broadcast_in_dim3A_224 = vector.broadcast %mul3A_103 : i32 to vector<16xi32>
        %broadcast_in_dim3A_225 = vector.broadcast %add3A_223 : i32 to vector<16xi32>
        %gather3A_226 = tpu.vector_load_idx %arg17[%broadcast_in_dim3A_224, %broadcast_in_dim3A_225] : memref<80x128xf32, #tpu.memory_space<vmem>>[vector<16xi32>, vector<16xi32>], vector<16xf32>,
        %get3A_227 = arith.index_cast %add3A_223 : i32 to index
        %get3A_228 = arith.constant 0 : index
        %get3A_229 = tpu.vector_load %arg23[%get3A_227, %get3A_228] {strides = array<i32>} : memref<128x32xf32, #tpu.memory_space<vmem>>, vector<16xf32>,
        %mul3A_230 = arith.mulf %get3A_229, %gather3A_226 : vector<16xf32>
        %swap3A_231 = arith.index_cast %add3A_223 : i32 to index
        %swap3A_232 = arith.constant 0 : index
        %swap3A_233 = tpu.vector_load %arg23[%swap3A_231, %swap3A_232] {strides = array<i32>} : memref<128x32xf32, #tpu.memory_space<vmem>>, vector<16xf32>,
        tpu.vector_store %arg23[%swap3A_231, %swap3A_232], %mul3A_230 {strides = array<i32>} : memref<128x32xf32, #tpu.memory_space<vmem>>, vector<16xf32>,
        %get3A_234 = arith.index_cast %add3A_223 : i32 to index
        %get3A_235 = arith.constant 16 : index
        %get3A_236 = tpu.vector_load %arg23[%get3A_234, %get3A_235] {strides = array<i32>} : memref<128x32xf32, #tpu.memory_space<vmem>>, vector<16xf32>,
        %mul3A_237 = arith.mulf %get3A_236, %gather3A_226 : vector<16xf32>
        %swap3A_238 = arith.index_cast %add3A_223 : i32 to index
        %swap3A_239 = arith.constant 16 : index
        %swap3A_240 = tpu.vector_load %arg23[%swap3A_238, %swap3A_239] {strides = array<i32>} : memref<128x32xf32, #tpu.memory_space<vmem>>, vector<16xf32>,
        tpu.vector_store %arg23[%swap3A_238, %swap3A_239], %mul3A_237 {strides = array<i32>} : memref<128x32xf32, #tpu.memory_space<vmem>>, vector<16xf32>,
        %mul3A_241 = arith.constant 8 : i32
        %mul3A_242 = arith.muli %add3A_139, %mul3A_241 : i32
        %add3A_243 = arith.constant 5 : i32
        %add3A_244 = arith.addi %mul3A_242, %add3A_243 : i32
        %broadcast_in_dim3A_245 = vector.broadcast %mul3A_103 : i32 to vector<16xi32>
        %broadcast_in_dim3A_246 = vector.broadcast %add3A_244 : i32 to vector<16xi32>
        %gather3A_247 = tpu.vector_load_idx %arg17[%broadcast_in_dim3A_245, %broadcast_in_dim3A_246] : memref<80x128xf32, #tpu.memory_space<vmem>>[vector<16xi32>, vector<16xi32>], vector<16xf32>,
        %get3A_248 = arith.index_cast %add3A_244 : i32 to index
        %get3A_249 = arith.constant 0 : index
        %get3A_250 = tpu.vector_load %arg23[%get3A_248, %get3A_249] {strides = array<i32>} : memref<128x32xf32, #tpu.memory_space<vmem>>, vector<16xf32>,
        %mul3A_251 = arith.mulf %get3A_250, %gather3A_247 : vector<16xf32>
        %swap3A_252 = arith.index_cast %add3A_244 : i32 to index
        %swap3A_253 = arith.constant 0 : index
        %swap3A_254 = tpu.vector_load %arg23[%swap3A_252, %swap3A_253] {strides = array<i32>} : memref<128x32xf32, #tpu.memory_space<vmem>>, vector<16xf32>,
        tpu.vector_store %arg23[%swap3A_252, %swap3A_253], %mul3A_251 {strides = array<i32>} : memref<128x32xf32, #tpu.memory_space<vmem>>, vector<16xf32>,
        %get3A_255 = arith.index_cast %add3A_244 : i32 to index
        %get3A_256 = arith.constant 16 : index
        %get3A_257 = tpu.vector_load %arg23[%get3A_255, %get3A_256] {strides = array<i32>} : memref<128x32xf32, #tpu.memory_space<vmem>>, vector<16xf32>,
        %mul3A_258 = arith.mulf %get3A_257, %gather3A_247 : vector<16xf32>
        %swap3A_259 = arith.index_cast %add3A_244 : i32 to index
        %swap3A_260 = arith.constant 16 : index
        %swap3A_261 = tpu.vector_load %arg23[%swap3A_259, %swap3A_260] {strides = array<i32>} : memref<128x32xf32, #tpu.memory_space<vmem>>, vector<16xf32>,
        tpu.vector_store %arg23[%swap3A_259, %swap3A_260], %mul3A_258 {strides = array<i32>} : memref<128x32xf32, #tpu.memory_space<vmem>>, vector<16xf32>,
        %mul3A_262 = arith.constant 8 : i32
        %mul3A_263 = arith.muli %add3A_139, %mul3A_262 : i32
        %add3A_264 = arith.constant 6 : i32
        %add3A_265 = arith.addi %mul3A_263, %add3A_264 : i32
        %broadcast_in_dim3A_266 = vector.broadcast %mul3A_103 : i32 to vector<16xi32>
        %broadcast_in_dim3A_267 = vector.broadcast %add3A_265 : i32 to vector<16xi32>
        %gather3A_268 = tpu.vector_load_idx %arg17[%broadcast_in_dim3A_266, %broadcast_in_dim3A_267] : memref<80x128xf32, #tpu.memory_space<vmem>>[vector<16xi32>, vector<16xi32>], vector<16xf32>,
        %get3A_269 = arith.index_cast %add3A_265 : i32 to index
        %get3A_270 = arith.constant 0 : index
        %get3A_271 = tpu.vector_load %arg23[%get3A_269, %get3A_270] {strides = array<i32>} : memref<128x32xf32, #tpu.memory_space<vmem>>, vector<16xf32>,
        %mul3A_272 = arith.mulf %get3A_271, %gather3A_268 : vector<16xf32>
        %swap3A_273 = arith.index_cast %add3A_265 : i32 to index
        %swap3A_274 = arith.constant 0 : index
        %swap3A_275 = tpu.vector_load %arg23[%swap3A_273, %swap3A_274] {strides = array<i32>} : memref<128x32xf32, #tpu.memory_space<vmem>>, vector<16xf32>,
        tpu.vector_store %arg23[%swap3A_273, %swap3A_274], %mul3A_272 {strides = array<i32>} : memref<128x32xf32, #tpu.memory_space<vmem>>, vector<16xf32>,
        %get3A_276 = arith.index_cast %add3A_265 : i32 to index
        %get3A_277 = arith.constant 16 : index
        %get3A_278 = tpu.vector_load %arg23[%get3A_276, %get3A_277] {strides = array<i32>} : memref<128x32xf32, #tpu.memory_space<vmem>>, vector<16xf32>,
        %mul3A_279 = arith.mulf %get3A_278, %gather3A_268 : vector<16xf32>
        %swap3A_280 = arith.index_cast %add3A_265 : i32 to index
        %swap3A_281 = arith.constant 16 : index
        %swap3A_282 = tpu.vector_load %arg23[%swap3A_280, %swap3A_281] {strides = array<i32>} : memref<128x32xf32, #tpu.memory_space<vmem>>, vector<16xf32>,
        tpu.vector_store %arg23[%swap3A_280, %swap3A_281], %mul3A_279 {strides = array<i32>} : memref<128x32xf32, #tpu.memory_space<vmem>>, vector<16xf32>,
        %mul3A_283 = arith.constant 8 : i32
        %mul3A_284 = arith.muli %add3A_139, %mul3A_283 : i32
        %add3A_285 = arith.constant 7 : i32
        %add3A_286 = arith.addi %mul3A_284, %add3A_285 : i32
        %broadcast_in_dim3A_287 = vector.broadcast %mul3A_103 : i32 to vector<16xi32>
        %broadcast_in_dim3A_288 = vector.broadcast %add3A_286 : i32 to vector<16xi32>
        %gather3A_289 = tpu.vector_load_idx %arg17[%broadcast_in_dim3A_287, %broadcast_in_dim3A_288] : memref<80x128xf32, #tpu.memory_space<vmem>>[vector<16xi32>, vector<16xi32>], vector<16xf32>,
        %get3A_290 = arith.index_cast %add3A_286 : i32 to index
        %get3A_291 = arith.constant 0 : index
        %get3A_292 = tpu.vector_load %arg23[%get3A_290, %get3A_291] {strides = array<i32>} : memref<128x32xf32, #tpu.memory_space<vmem>>, vector<16xf32>,
        %mul3A_293 = arith.mulf %get3A_292, %gather3A_289 : vector<16xf32>
        %swap3A_294 = arith.index_cast %add3A_286 : i32 to index
        %swap3A_295 = arith.constant 0 : index
        %swap3A_296 = tpu.vector_load %arg23[%swap3A_294, %swap3A_295] {strides = array<i32>} : memref<128x32xf32, #tpu.memory_space<vmem>>, vector<16xf32>,
        tpu.vector_store %arg23[%swap3A_294, %swap3A_295], %mul3A_293 {strides = array<i32>} : memref<128x32xf32, #tpu.memory_space<vmem>>, vector<16xf32>,
        %get3A_297 = arith.index_cast %add3A_286 : i32 to index
        %get3A_298 = arith.constant 16 : index
        %get3A_299 = tpu.vector_load %arg23[%get3A_297, %get3A_298] {strides = array<i32>} : memref<128x32xf32, #tpu.memory_space<vmem>>, vector<16xf32>,
        %mul3A_300 = arith.mulf %get3A_299, %gather3A_289 : vector<16xf32>
        %swap3A_301 = arith.index_cast %add3A_286 : i32 to index
        %swap3A_302 = arith.constant 16 : index
        %swap3A_303 = tpu.vector_load %arg23[%swap3A_301, %swap3A_302] {strides = array<i32>} : memref<128x32xf32, #tpu.memory_space<vmem>>, vector<16xf32>,
        tpu.vector_store %arg23[%swap3A_301, %swap3A_302], %mul3A_300 {strides = array<i32>} : memref<128x32xf32, #tpu.memory_space<vmem>>, vector<16xf32>,
      }
      %scan3A_114 = arith.constant 16 : i32
      "tpu.region"() ({
        %run_scoped3A = tpu.sem_alloc : memref<!tpu.dma_semaphore, #tpu.memory_space<semaphore_mem>>
        %dma_start3A_135 = arith.constant 0 : i32
        %dma_start3A_136 = tpu.memref_slice %arg16[%mul3A_103, %dma_start3A_135] : memref<80x128xi32, #tpu.memory_space<vmem>> -> memref<1x128xi32, #tpu.memory_space<vmem>>
        %dma_start3A_137 = tpu.memref_squeeze %dma_start3A_136 : memref<1x128xi32, #tpu.memory_space<vmem>> -> memref<128xi32, #tpu.memory_space<vmem>>
        %dma_start3A_138 = arith.constant 0 : i32
        %dma_start3A_139 = arith.constant 0 : i32
        %dma_start3A_140 = tpu.memref_slice %arg25[%dma_start3A_138, %dma_start3A_139] : memref<10000x32xf32, #tpu.memory_space<vmem_shared>> -> memref<10000x32xf32, #tpu.memory_space<vmem_shared>>
        tpu.enqueue_indirect_dma source(%arg23 : memref<128x32xf32, #tpu.memory_space<vmem>>) target(%dma_start3A_140 : memref<10000x32xf32, #tpu.memory_space<vmem_shared>>) offsets(%dma_start3A_137 : memref<128xi32, #tpu.memory_space<vmem>>) semaphore(%run_scoped3A : memref<!tpu.dma_semaphore, #tpu.memory_space<semaphore_mem>>) {add = true}
        %dma_wait3A_141 = arith.constant 0 : i32
        %dma_wait3A_142 = tpu.memref_slice %arg16[%mul3A_103, %dma_wait3A_141] : memref<80x128xi32, #tpu.memory_space<vmem>> -> memref<1x128xi32, #tpu.memory_space<vmem>>
        %dma_wait3A_143 = tpu.memref_squeeze %dma_wait3A_142 : memref<1x128xi32, #tpu.memory_space<vmem>> -> memref<128xi32, #tpu.memory_space<vmem>>
        %dma_wait3A_144 = arith.constant 0 : i32
        %dma_wait3A_145 = arith.constant 0 : i32
        %dma_wait3A_146 = tpu.memref_slice %arg25[%dma_wait3A_144, %dma_wait3A_145] : memref<10000x32xf32, #tpu.memory_space<vmem_shared>> -> memref<10000x32xf32, #tpu.memory_space<vmem_shared>>
        tpu.wait_indirect_dma semaphore(%run_scoped3A : memref<!tpu.dma_semaphore, #tpu.memory_space<semaphore_mem>>) src(%arg23 : memref<128x32xf32, #tpu.memory_space<vmem>>) dst(%dma_wait3A_146 : memref<10000x32xf32, #tpu.memory_space<vmem_shared>>)
        tpu.yield
      }) : () -> ()
      %add3A_115 = arith.constant 2 : i32
      %add3A_116 = arith.addi %mul3A_103, %add3A_115 : i32
      %lt3A = arith.cmpi slt, %add3A_116, %select_n3A : i32
      %convert_element_type3A = arith.extui %lt3A : i1 to i32
      %cond3A = arith.constant 0 : i32
      %cond3A_117 = arith.cmpi ne, %convert_element_type3A, %cond3A : i32
      scf.if %cond3A_117 {
        %add3A_135 = arith.constant 2 : i32
        %add3A_136 = arith.addi %mul3A_103, %add3A_135 : i32
        %dma_start3A_137 = arith.constant 0 : i32
        %dma_start3A_138 = tpu.memref_slice %arg15[%add3A_136, %dma_start3A_137] : memref<80x128xi32, #tpu.memory_space<vmem>> -> memref<1x128xi32, #tpu.memory_space<vmem>>
        %dma_start3A_139 = tpu.memref_squeeze %dma_start3A_138 : memref<1x128xi32, #tpu.memory_space<vmem>> -> memref<128xi32, #tpu.memory_space<vmem>>
        %dma_start3A_140 = arith.constant 0 : i32
        %dma_start3A_141 = arith.constant 0 : i32
        %dma_start3A_142 = tpu.memref_slice %arg10[%dma_start3A_140, %dma_start3A_141] : memref<10000x32xf32, #tpu.memory_space<hbm>> -> memref<10000x32xf32, #tpu.memory_space<hbm>>
        tpu.enqueue_indirect_dma source(%dma_start3A_142 : memref<10000x32xf32, #tpu.memory_space<hbm>>) target(%arg23 : memref<128x32xf32, #tpu.memory_space<vmem>>) offsets(%dma_start3A_139 : memref<128xi32, #tpu.memory_space<vmem>>) semaphore(%arg27 : memref<!tpu.dma_semaphore, #tpu.memory_space<semaphore_mem>>)
      } else {
      }
      %dma_wait3A_118 = arith.constant 0 : i32
      %dma_wait3A_119 = tpu.memref_slice %arg15[%add3A_105, %dma_wait3A_118] : memref<80x128xi32, #tpu.memory_space<vmem>> -> memref<1x128xi32, #tpu.memory_space<vmem>>
      %dma_wait3A_120 = tpu.memref_squeeze %dma_wait3A_119 : memref<1x128xi32, #tpu.memory_space<vmem>> -> memref<128xi32, #tpu.memory_space<vmem>>
      %dma_wait3A_121 = arith.constant 0 : i32
      %dma_wait3A_122 = arith.constant 0 : i32
      %dma_wait3A_123 = tpu.memref_slice %arg10[%dma_wait3A_121, %dma_wait3A_122] : memref<10000x32xf32, #tpu.memory_space<hbm>> -> memref<10000x32xf32, #tpu.memory_space<hbm>>
      tpu.wait_indirect_dma semaphore(%arg28 : memref<!tpu.dma_semaphore, #tpu.memory_space<semaphore_mem>>) src(%dma_wait3A_123 : memref<10000x32xf32, #tpu.memory_space<hbm>>) dst(%arg24 : memref<128x32xf32, #tpu.memory_space<vmem>>)
      %scan3A_124 = arith.constant 0 : i32
      %scan3A_125 = arith.constant 16 : i32
      %scan3A_126 = arith.addi %scan3A_124, %scan3A_125 : i32
      %scan3A_127 = arith.constant 1 : i32
      scf.for %scan3A_135 = %scan3A_124 to %scan3A_126 step %scan3A_127  : i32 {
        %mul3A_136 = arith.constant 1 : i32
        %mul3A_137 = arith.muli %scan3A_135, %mul3A_136 : i32
        %add3A_138 = arith.constant 0 : i32
        %add3A_139 = arith.addi %add3A_138, %mul3A_137 : i32
        %mul3A_140 = arith.constant 8 : i32
        %mul3A_141 = arith.muli %add3A_139, %mul3A_140 : i32
        %add3A_142 = arith.constant 0 : i32
        %add3A_143 = arith.addi %mul3A_141, %add3A_142 : i32
        %broadcast_in_dim3A = vector.broadcast %add3A_105 : i32 to vector<16xi32>
        %broadcast_in_dim3A_144 = vector.broadcast %add3A_143 : i32 to vector<16xi32>
        %gather3A = tpu.vector_load_idx %arg17[%broadcast_in_dim3A, %broadcast_in_dim3A_144] : memref<80x128xf32, #tpu.memory_space<vmem>>[vector<16xi32>, vector<16xi32>], vector<16xf32>,
        %get3A = arith.index_cast %add3A_143 : i32 to index
        %get3A_145 = arith.constant 0 : index
        %get3A_146 = tpu.vector_load %arg24[%get3A, %get3A_145] {strides = array<i32>} : memref<128x32xf32, #tpu.memory_space<vmem>>, vector<16xf32>,
        %mul3A_147 = arith.mulf %get3A_146, %gather3A : vector<16xf32>
        %swap3A = arith.index_cast %add3A_143 : i32 to index
        %swap3A_148 = arith.constant 0 : index
        %swap3A_149 = tpu.vector_load %arg24[%swap3A, %swap3A_148] {strides = array<i32>} : memref<128x32xf32, #tpu.memory_space<vmem>>, vector<16xf32>,
        tpu.vector_store %arg24[%swap3A, %swap3A_148], %mul3A_147 {strides = array<i32>} : memref<128x32xf32, #tpu.memory_space<vmem>>, vector<16xf32>,
        %get3A_150 = arith.index_cast %add3A_143 : i32 to index
        %get3A_151 = arith.constant 16 : index
        %get3A_152 = tpu.vector_load %arg24[%get3A_150, %get3A_151] {strides = array<i32>} : memref<128x32xf32, #tpu.memory_space<vmem>>, vector<16xf32>,
        %mul3A_153 = arith.mulf %get3A_152, %gather3A : vector<16xf32>
        %swap3A_154 = arith.index_cast %add3A_143 : i32 to index
        %swap3A_155 = arith.constant 16 : index
        %swap3A_156 = tpu.vector_load %arg24[%swap3A_154, %swap3A_155] {strides = array<i32>} : memref<128x32xf32, #tpu.memory_space<vmem>>, vector<16xf32>,
        tpu.vector_store %arg24[%swap3A_154, %swap3A_155], %mul3A_153 {strides = array<i32>} : memref<128x32xf32, #tpu.memory_space<vmem>>, vector<16xf32>,
        %mul3A_157 = arith.constant 8 : i32
        %mul3A_158 = arith.muli %add3A_139, %mul3A_157 : i32
        %add3A_159 = arith.constant 1 : i32
        %add3A_160 = arith.addi %mul3A_158, %add3A_159 : i32
        %broadcast_in_dim3A_161 = vector.broadcast %add3A_105 : i32 to vector<16xi32>
        %broadcast_in_dim3A_162 = vector.broadcast %add3A_160 : i32 to vector<16xi32>
        %gather3A_163 = tpu.vector_load_idx %arg17[%broadcast_in_dim3A_161, %broadcast_in_dim3A_162] : memref<80x128xf32, #tpu.memory_space<vmem>>[vector<16xi32>, vector<16xi32>], vector<16xf32>,
        %get3A_164 = arith.index_cast %add3A_160 : i32 to index
        %get3A_165 = arith.constant 0 : index
        %get3A_166 = tpu.vector_load %arg24[%get3A_164, %get3A_165] {strides = array<i32>} : memref<128x32xf32, #tpu.memory_space<vmem>>, vector<16xf32>,
        %mul3A_167 = arith.mulf %get3A_166, %gather3A_163 : vector<16xf32>
        %swap3A_168 = arith.index_cast %add3A_160 : i32 to index
        %swap3A_169 = arith.constant 0 : index
        %swap3A_170 = tpu.vector_load %arg24[%swap3A_168, %swap3A_169] {strides = array<i32>} : memref<128x32xf32, #tpu.memory_space<vmem>>, vector<16xf32>,
        tpu.vector_store %arg24[%swap3A_168, %swap3A_169], %mul3A_167 {strides = array<i32>} : memref<128x32xf32, #tpu.memory_space<vmem>>, vector<16xf32>,
        %get3A_171 = arith.index_cast %add3A_160 : i32 to index
        %get3A_172 = arith.constant 16 : index
        %get3A_173 = tpu.vector_load %arg24[%get3A_171, %get3A_172] {strides = array<i32>} : memref<128x32xf32, #tpu.memory_space<vmem>>, vector<16xf32>,
        %mul3A_174 = arith.mulf %get3A_173, %gather3A_163 : vector<16xf32>
        %swap3A_175 = arith.index_cast %add3A_160 : i32 to index
        %swap3A_176 = arith.constant 16 : index
        %swap3A_177 = tpu.vector_load %arg24[%swap3A_175, %swap3A_176] {strides = array<i32>} : memref<128x32xf32, #tpu.memory_space<vmem>>, vector<16xf32>,
        tpu.vector_store %arg24[%swap3A_175, %swap3A_176], %mul3A_174 {strides = array<i32>} : memref<128x32xf32, #tpu.memory_space<vmem>>, vector<16xf32>,
        %mul3A_178 = arith.constant 8 : i32
        %mul3A_179 = arith.muli %add3A_139, %mul3A_178 : i32
        %add3A_180 = arith.constant 2 : i32
        %add3A_181 = arith.addi %mul3A_179, %add3A_180 : i32
        %broadcast_in_dim3A_182 = vector.broadcast %add3A_105 : i32 to vector<16xi32>
        %broadcast_in_dim3A_183 = vector.broadcast %add3A_181 : i32 to vector<16xi32>
        %gather3A_184 = tpu.vector_load_idx %arg17[%broadcast_in_dim3A_182, %broadcast_in_dim3A_183] : memref<80x128xf32, #tpu.memory_space<vmem>>[vector<16xi32>, vector<16xi32>], vector<16xf32>,
        %get3A_185 = arith.index_cast %add3A_181 : i32 to index
        %get3A_186 = arith.constant 0 : index
        %get3A_187 = tpu.vector_load %arg24[%get3A_185, %get3A_186] {strides = array<i32>} : memref<128x32xf32, #tpu.memory_space<vmem>>, vector<16xf32>,
        %mul3A_188 = arith.mulf %get3A_187, %gather3A_184 : vector<16xf32>
        %swap3A_189 = arith.index_cast %add3A_181 : i32 to index
        %swap3A_190 = arith.constant 0 : index
        %swap3A_191 = tpu.vector_load %arg24[%swap3A_189, %swap3A_190] {strides = array<i32>} : memref<128x32xf32, #tpu.memory_space<vmem>>, vector<16xf32>,
        tpu.vector_store %arg24[%swap3A_189, %swap3A_190], %mul3A_188 {strides = array<i32>} : memref<128x32xf32, #tpu.memory_space<vmem>>, vector<16xf32>,
        %get3A_192 = arith.index_cast %add3A_181 : i32 to index
        %get3A_193 = arith.constant 16 : index
        %get3A_194 = tpu.vector_load %arg24[%get3A_192, %get3A_193] {strides = array<i32>} : memref<128x32xf32, #tpu.memory_space<vmem>>, vector<16xf32>,
        %mul3A_195 = arith.mulf %get3A_194, %gather3A_184 : vector<16xf32>
        %swap3A_196 = arith.index_cast %add3A_181 : i32 to index
        %swap3A_197 = arith.constant 16 : index
        %swap3A_198 = tpu.vector_load %arg24[%swap3A_196, %swap3A_197] {strides = array<i32>} : memref<128x32xf32, #tpu.memory_space<vmem>>, vector<16xf32>,
        tpu.vector_store %arg24[%swap3A_196, %swap3A_197], %mul3A_195 {strides = array<i32>} : memref<128x32xf32, #tpu.memory_space<vmem>>, vector<16xf32>,
        %mul3A_199 = arith.constant 8 : i32
        %mul3A_200 = arith.muli %add3A_139, %mul3A_199 : i32
        %add3A_201 = arith.constant 3 : i32
        %add3A_202 = arith.addi %mul3A_200, %add3A_201 : i32
        %broadcast_in_dim3A_203 = vector.broadcast %add3A_105 : i32 to vector<16xi32>
        %broadcast_in_dim3A_204 = vector.broadcast %add3A_202 : i32 to vector<16xi32>
        %gather3A_205 = tpu.vector_load_idx %arg17[%broadcast_in_dim3A_203, %broadcast_in_dim3A_204] : memref<80x128xf32, #tpu.memory_space<vmem>>[vector<16xi32>, vector<16xi32>], vector<16xf32>,
        %get3A_206 = arith.index_cast %add3A_202 : i32 to index
        %get3A_207 = arith.constant 0 : index
        %get3A_208 = tpu.vector_load %arg24[%get3A_206, %get3A_207] {strides = array<i32>} : memref<128x32xf32, #tpu.memory_space<vmem>>, vector<16xf32>,
        %mul3A_209 = arith.mulf %get3A_208, %gather3A_205 : vector<16xf32>
        %swap3A_210 = arith.index_cast %add3A_202 : i32 to index
        %swap3A_211 = arith.constant 0 : index
        %swap3A_212 = tpu.vector_load %arg24[%swap3A_210, %swap3A_211] {strides = array<i32>} : memref<128x32xf32, #tpu.memory_space<vmem>>, vector<16xf32>,
        tpu.vector_store %arg24[%swap3A_210, %swap3A_211], %mul3A_209 {strides = array<i32>} : memref<128x32xf32, #tpu.memory_space<vmem>>, vector<16xf32>,
        %get3A_213 = arith.index_cast %add3A_202 : i32 to index
        %get3A_214 = arith.constant 16 : index
        %get3A_215 = tpu.vector_load %arg24[%get3A_213, %get3A_214] {strides = array<i32>} : memref<128x32xf32, #tpu.memory_space<vmem>>, vector<16xf32>,
        %mul3A_216 = arith.mulf %get3A_215, %gather3A_205 : vector<16xf32>
        %swap3A_217 = arith.index_cast %add3A_202 : i32 to index
        %swap3A_218 = arith.constant 16 : index
        %swap3A_219 = tpu.vector_load %arg24[%swap3A_217, %swap3A_218] {strides = array<i32>} : memref<128x32xf32, #tpu.memory_space<vmem>>, vector<16xf32>,
        tpu.vector_store %arg24[%swap3A_217, %swap3A_218], %mul3A_216 {strides = array<i32>} : memref<128x32xf32, #tpu.memory_space<vmem>>, vector<16xf32>,
        %mul3A_220 = arith.constant 8 : i32
        %mul3A_221 = arith.muli %add3A_139, %mul3A_220 : i32
        %add3A_222 = arith.constant 4 : i32
        %add3A_223 = arith.addi %mul3A_221, %add3A_222 : i32
        %broadcast_in_dim3A_224 = vector.broadcast %add3A_105 : i32 to vector<16xi32>
        %broadcast_in_dim3A_225 = vector.broadcast %add3A_223 : i32 to vector<16xi32>
        %gather3A_226 = tpu.vector_load_idx %arg17[%broadcast_in_dim3A_224, %broadcast_in_dim3A_225] : memref<80x128xf32, #tpu.memory_space<vmem>>[vector<16xi32>, vector<16xi32>], vector<16xf32>,
        %get3A_227 = arith.index_cast %add3A_223 : i32 to index
        %get3A_228 = arith.constant 0 : index
        %get3A_229 = tpu.vector_load %arg24[%get3A_227, %get3A_228] {strides = array<i32>} : memref<128x32xf32, #tpu.memory_space<vmem>>, vector<16xf32>,
        %mul3A_230 = arith.mulf %get3A_229, %gather3A_226 : vector<16xf32>
        %swap3A_231 = arith.index_cast %add3A_223 : i32 to index
        %swap3A_232 = arith.constant 0 : index
        %swap3A_233 = tpu.vector_load %arg24[%swap3A_231, %swap3A_232] {strides = array<i32>} : memref<128x32xf32, #tpu.memory_space<vmem>>, vector<16xf32>,
        tpu.vector_store %arg24[%swap3A_231, %swap3A_232], %mul3A_230 {strides = array<i32>} : memref<128x32xf32, #tpu.memory_space<vmem>>, vector<16xf32>,
        %get3A_234 = arith.index_cast %add3A_223 : i32 to index
        %get3A_235 = arith.constant 16 : index
        %get3A_236 = tpu.vector_load %arg24[%get3A_234, %get3A_235] {strides = array<i32>} : memref<128x32xf32, #tpu.memory_space<vmem>>, vector<16xf32>,
        %mul3A_237 = arith.mulf %get3A_236, %gather3A_226 : vector<16xf32>
        %swap3A_238 = arith.index_cast %add3A_223 : i32 to index
        %swap3A_239 = arith.constant 16 : index
        %swap3A_240 = tpu.vector_load %arg24[%swap3A_238, %swap3A_239] {strides = array<i32>} : memref<128x32xf32, #tpu.memory_space<vmem>>, vector<16xf32>,
        tpu.vector_store %arg24[%swap3A_238, %swap3A_239], %mul3A_237 {strides = array<i32>} : memref<128x32xf32, #tpu.memory_space<vmem>>, vector<16xf32>,
        %mul3A_241 = arith.constant 8 : i32
        %mul3A_242 = arith.muli %add3A_139, %mul3A_241 : i32
        %add3A_243 = arith.constant 5 : i32
        %add3A_244 = arith.addi %mul3A_242, %add3A_243 : i32
        %broadcast_in_dim3A_245 = vector.broadcast %add3A_105 : i32 to vector<16xi32>
        %broadcast_in_dim3A_246 = vector.broadcast %add3A_244 : i32 to vector<16xi32>
        %gather3A_247 = tpu.vector_load_idx %arg17[%broadcast_in_dim3A_245, %broadcast_in_dim3A_246] : memref<80x128xf32, #tpu.memory_space<vmem>>[vector<16xi32>, vector<16xi32>], vector<16xf32>,
        %get3A_248 = arith.index_cast %add3A_244 : i32 to index
        %get3A_249 = arith.constant 0 : index
        %get3A_250 = tpu.vector_load %arg24[%get3A_248, %get3A_249] {strides = array<i32>} : memref<128x32xf32, #tpu.memory_space<vmem>>, vector<16xf32>,
        %mul3A_251 = arith.mulf %get3A_250, %gather3A_247 : vector<16xf32>
        %swap3A_252 = arith.index_cast %add3A_244 : i32 to index
        %swap3A_253 = arith.constant 0 : index
        %swap3A_254 = tpu.vector_load %arg24[%swap3A_252, %swap3A_253] {strides = array<i32>} : memref<128x32xf32, #tpu.memory_space<vmem>>, vector<16xf32>,
        tpu.vector_store %arg24[%swap3A_252, %swap3A_253], %mul3A_251 {strides = array<i32>} : memref<128x32xf32, #tpu.memory_space<vmem>>, vector<16xf32>,
        %get3A_255 = arith.index_cast %add3A_244 : i32 to index
        %get3A_256 = arith.constant 16 : index
        %get3A_257 = tpu.vector_load %arg24[%get3A_255, %get3A_256] {strides = array<i32>} : memref<128x32xf32, #tpu.memory_space<vmem>>, vector<16xf32>,
        %mul3A_258 = arith.mulf %get3A_257, %gather3A_247 : vector<16xf32>
        %swap3A_259 = arith.index_cast %add3A_244 : i32 to index
        %swap3A_260 = arith.constant 16 : index
        %swap3A_261 = tpu.vector_load %arg24[%swap3A_259, %swap3A_260] {strides = array<i32>} : memref<128x32xf32, #tpu.memory_space<vmem>>, vector<16xf32>,
        tpu.vector_store %arg24[%swap3A_259, %swap3A_260], %mul3A_258 {strides = array<i32>} : memref<128x32xf32, #tpu.memory_space<vmem>>, vector<16xf32>,
        %mul3A_262 = arith.constant 8 : i32
        %mul3A_263 = arith.muli %add3A_139, %mul3A_262 : i32
        %add3A_264 = arith.constant 6 : i32
        %add3A_265 = arith.addi %mul3A_263, %add3A_264 : i32
        %broadcast_in_dim3A_266 = vector.broadcast %add3A_105 : i32 to vector<16xi32>
        %broadcast_in_dim3A_267 = vector.broadcast %add3A_265 : i32 to vector<16xi32>
        %gather3A_268 = tpu.vector_load_idx %arg17[%broadcast_in_dim3A_266, %broadcast_in_dim3A_267] : memref<80x128xf32, #tpu.memory_space<vmem>>[vector<16xi32>, vector<16xi32>], vector<16xf32>,
        %get3A_269 = arith.index_cast %add3A_265 : i32 to index
        %get3A_270 = arith.constant 0 : index
        %get3A_271 = tpu.vector_load %arg24[%get3A_269, %get3A_270] {strides = array<i32>} : memref<128x32xf32, #tpu.memory_space<vmem>>, vector<16xf32>,
        %mul3A_272 = arith.mulf %get3A_271, %gather3A_268 : vector<16xf32>
        %swap3A_273 = arith.index_cast %add3A_265 : i32 to index
        %swap3A_274 = arith.constant 0 : index
        %swap3A_275 = tpu.vector_load %arg24[%swap3A_273, %swap3A_274] {strides = array<i32>} : memref<128x32xf32, #tpu.memory_space<vmem>>, vector<16xf32>,
        tpu.vector_store %arg24[%swap3A_273, %swap3A_274], %mul3A_272 {strides = array<i32>} : memref<128x32xf32, #tpu.memory_space<vmem>>, vector<16xf32>,
        %get3A_276 = arith.index_cast %add3A_265 : i32 to index
        %get3A_277 = arith.constant 16 : index
        %get3A_278 = tpu.vector_load %arg24[%get3A_276, %get3A_277] {strides = array<i32>} : memref<128x32xf32, #tpu.memory_space<vmem>>, vector<16xf32>,
        %mul3A_279 = arith.mulf %get3A_278, %gather3A_268 : vector<16xf32>
        %swap3A_280 = arith.index_cast %add3A_265 : i32 to index
        %swap3A_281 = arith.constant 16 : index
        %swap3A_282 = tpu.vector_load %arg24[%swap3A_280, %swap3A_281] {strides = array<i32>} : memref<128x32xf32, #tpu.memory_space<vmem>>, vector<16xf32>,
        tpu.vector_store %arg24[%swap3A_280, %swap3A_281], %mul3A_279 {strides = array<i32>} : memref<128x32xf32, #tpu.memory_space<vmem>>, vector<16xf32>,
        %mul3A_283 = arith.constant 8 : i32
        %mul3A_284 = arith.muli %add3A_139, %mul3A_283 : i32
        %add3A_285 = arith.constant 7 : i32
        %add3A_286 = arith.addi %mul3A_284, %add3A_285 : i32
        %broadcast_in_dim3A_287 = vector.broadcast %add3A_105 : i32 to vector<16xi32>
        %broadcast_in_dim3A_288 = vector.broadcast %add3A_286 : i32 to vector<16xi32>
        %gather3A_289 = tpu.vector_load_idx %arg17[%broadcast_in_dim3A_287, %broadcast_in_dim3A_288] : memref<80x128xf32, #tpu.memory_space<vmem>>[vector<16xi32>, vector<16xi32>], vector<16xf32>,
        %get3A_290 = arith.index_cast %add3A_286 : i32 to index
        %get3A_291 = arith.constant 0 : index
        %get3A_292 = tpu.vector_load %arg24[%get3A_290, %get3A_291] {strides = array<i32>} : memref<128x32xf32, #tpu.memory_space<vmem>>, vector<16xf32>,
        %mul3A_293 = arith.mulf %get3A_292, %gather3A_289 : vector<16xf32>
        %swap3A_294 = arith.index_cast %add3A_286 : i32 to index
        %swap3A_295 = arith.constant 0 : index
        %swap3A_296 = tpu.vector_load %arg24[%swap3A_294, %swap3A_295] {strides = array<i32>} : memref<128x32xf32, #tpu.memory_space<vmem>>, vector<16xf32>,
        tpu.vector_store %arg24[%swap3A_294, %swap3A_295], %mul3A_293 {strides = array<i32>} : memref<128x32xf32, #tpu.memory_space<vmem>>, vector<16xf32>,
        %get3A_297 = arith.index_cast %add3A_286 : i32 to index
        %get3A_298 = arith.constant 16 : index
        %get3A_299 = tpu.vector_load %arg24[%get3A_297, %get3A_298] {strides = array<i32>} : memref<128x32xf32, #tpu.memory_space<vmem>>, vector<16xf32>,
        %mul3A_300 = arith.mulf %get3A_299, %gather3A_289 : vector<16xf32>
        %swap3A_301 = arith.index_cast %add3A_286 : i32 to index
        %swap3A_302 = arith.constant 16 : index
        %swap3A_303 = tpu.vector_load %arg24[%swap3A_301, %swap3A_302] {strides = array<i32>} : memref<128x32xf32, #tpu.memory_space<vmem>>, vector<16xf32>,
        tpu.vector_store %arg24[%swap3A_301, %swap3A_302], %mul3A_300 {strides = array<i32>} : memref<128x32xf32, #tpu.memory_space<vmem>>, vector<16xf32>,
      }
      %scan3A_128 = arith.constant 16 : i32
      "tpu.region"() ({
        %run_scoped3A = tpu.sem_alloc : memref<!tpu.dma_semaphore, #tpu.memory_space<semaphore_mem>>
        %dma_start3A_135 = arith.constant 0 : i32
        %dma_start3A_136 = tpu.memref_slice %arg16[%add3A_105, %dma_start3A_135] : memref<80x128xi32, #tpu.memory_space<vmem>> -> memref<1x128xi32, #tpu.memory_space<vmem>>
        %dma_start3A_137 = tpu.memref_squeeze %dma_start3A_136 : memref<1x128xi32, #tpu.memory_space<vmem>> -> memref<128xi32, #tpu.memory_space<vmem>>
        %dma_start3A_138 = arith.constant 0 : i32
        %dma_start3A_139 = arith.constant 0 : i32
        %dma_start3A_140 = tpu.memref_slice %arg25[%dma_start3A_138, %dma_start3A_139] : memref<10000x32xf32, #tpu.memory_space<vmem_shared>> -> memref<10000x32xf32, #tpu.memory_space<vmem_shared>>
        tpu.enqueue_indirect_dma source(%arg24 : memref<128x32xf32, #tpu.memory_space<vmem>>) target(%dma_start3A_140 : memref<10000x32xf32, #tpu.memory_space<vmem_shared>>) offsets(%dma_start3A_137 : memref<128xi32, #tpu.memory_space<vmem>>) semaphore(%run_scoped3A : memref<!tpu.dma_semaphore, #tpu.memory_space<semaphore_mem>>) {add = true}
        %dma_wait3A_141 = arith.constant 0 : i32
        %dma_wait3A_142 = tpu.memref_slice %arg16[%add3A_105, %dma_wait3A_141] : memref<80x128xi32, #tpu.memory_space<vmem>> -> memref<1x128xi32, #tpu.memory_space<vmem>>
        %dma_wait3A_143 = tpu.memref_squeeze %dma_wait3A_142 : memref<1x128xi32, #tpu.memory_space<vmem>> -> memref<128xi32, #tpu.memory_space<vmem>>
        %dma_wait3A_144 = arith.constant 0 : i32
        %dma_wait3A_145 = arith.constant 0 : i32
        %dma_wait3A_146 = tpu.memref_slice %arg25[%dma_wait3A_144, %dma_wait3A_145] : memref<10000x32xf32, #tpu.memory_space<vmem_shared>> -> memref<10000x32xf32, #tpu.memory_space<vmem_shared>>
        tpu.wait_indirect_dma semaphore(%run_scoped3A : memref<!tpu.dma_semaphore, #tpu.memory_space<semaphore_mem>>) src(%arg24 : memref<128x32xf32, #tpu.memory_space<vmem>>) dst(%dma_wait3A_146 : memref<10000x32xf32, #tpu.memory_space<vmem_shared>>)
        tpu.yield
      }) : () -> ()
      %add3A_129 = arith.constant 2 : i32
      %add3A_130 = arith.addi %add3A_105, %add3A_129 : i32
      %lt3A_131 = arith.cmpi slt, %add3A_130, %select_n3A : i32
      %convert_element_type3A_132 = arith.extui %lt3A_131 : i1 to i32
      %cond3A_133 = arith.constant 0 : i32
      %cond3A_134 = arith.cmpi ne, %convert_element_type3A_132, %cond3A_133 : i32
      scf.if %cond3A_134 {
        %add3A_135 = arith.constant 2 : i32
        %add3A_136 = arith.addi %add3A_105, %add3A_135 : i32
        %dma_start3A_137 = arith.constant 0 : i32
        %dma_start3A_138 = tpu.memref_slice %arg15[%add3A_136, %dma_start3A_137] : memref<80x128xi32, #tpu.memory_space<vmem>> -> memref<1x128xi32, #tpu.memory_space<vmem>>
        %dma_start3A_139 = tpu.memref_squeeze %dma_start3A_138 : memref<1x128xi32, #tpu.memory_space<vmem>> -> memref<128xi32, #tpu.memory_space<vmem>>
        %dma_start3A_140 = arith.constant 0 : i32
        %dma_start3A_141 = arith.constant 0 : i32
        %dma_start3A_142 = tpu.memref_slice %arg10[%dma_start3A_140, %dma_start3A_141] : memref<10000x32xf32, #tpu.memory_space<hbm>> -> memref<10000x32xf32, #tpu.memory_space<hbm>>
        tpu.enqueue_indirect_dma source(%dma_start3A_142 : memref<10000x32xf32, #tpu.memory_space<hbm>>) target(%arg24 : memref<128x32xf32, #tpu.memory_space<vmem>>) offsets(%dma_start3A_139 : memref<128xi32, #tpu.memory_space<vmem>>) semaphore(%arg28 : memref<!tpu.dma_semaphore, #tpu.memory_space<semaphore_mem>>)
      } else {
      }
    }
    %barrier3A_94 = arith.constant 0 : index
    tpu.barrier barrier_id(%barrier3A_94)
    %mul3A_95 = arith.constant 640 : i32
    %mul3A_96 = arith.muli %arg1, %mul3A_95 : i32
    %mul3A_97 = arith.constant 625 : i32
    %mul3A_98 = arith.muli %arg1, %mul3A_97 : i32
    "tpu.region"() ({
      %run_scoped3A = tpu.sem_alloc : memref<!tpu.dma_semaphore, #tpu.memory_space<semaphore_mem>>
      %dma_start3A_99 = arith.constant 0 : i32
      %dma_start3A_100 = tpu.memref_slice %arg13[%arg0, %mul3A_98, %dma_start3A_99] : memref<2x10000x32xf32, #tpu.memory_space<hbm>> -> memref<1x625x32xf32, #tpu.memory_space<hbm>>
      %dma_start3A_101 = tpu.memref_squeeze %dma_start3A_100 : memref<1x625x32xf32, #tpu.memory_space<hbm>> -> memref<625x32xf32, #tpu.memory_space<hbm>>
      %dma_start3A_102 = arith.constant 0 : i32
      %dma_start3A_103 = tpu.memref_slice %arg25[%mul3A_98, %dma_start3A_102] : memref<10000x32xf32, #tpu.memory_space<vmem_shared>> -> memref<625x32xf32, #tpu.memory_space<vmem_shared>>
      tpu.enqueue_dma source(%dma_start3A_103 : memref<625x32xf32, #tpu.memory_space<vmem_shared>>) target(%dma_start3A_101 : memref<625x32xf32, #tpu.memory_space<hbm>>) target_semaphore(%run_scoped3A : memref<!tpu.dma_semaphore, #tpu.memory_space<semaphore_mem>>)
      %dma_wait3A = arith.constant 0 : i32
      %dma_wait3A_104 = tpu.memref_slice %arg13[%arg0, %mul3A_98, %dma_wait3A] : memref<2x10000x32xf32, #tpu.memory_space<hbm>> -> memref<1x625x32xf32, #tpu.memory_space<hbm>>
      %dma_wait3A_105 = tpu.memref_squeeze %dma_wait3A_104 : memref<1x625x32xf32, #tpu.memory_space<hbm>> -> memref<625x32xf32, #tpu.memory_space<hbm>>
      %dma_wait3A_106 = arith.constant 0 : i32
      %dma_wait3A_107 = tpu.memref_slice %arg25[%mul3A_98, %dma_wait3A_106] : memref<10000x32xf32, #tpu.memory_space<vmem_shared>> -> memref<625x32xf32, #tpu.memory_space<vmem_shared>>
      tpu.wait_dma2 semaphore(%run_scoped3A : memref<!tpu.dma_semaphore, #tpu.memory_space<semaphore_mem>>) src(%dma_wait3A_107 : memref<625x32xf32, #tpu.memory_space<vmem_shared>>) dst(%dma_wait3A_105 : memref<625x32xf32, #tpu.memory_space<hbm>>)
      tpu.yield
    }) : () -> ()
    "tpu.region"() ({
      %run_scoped3A = tpu.sem_alloc : memref<!tpu.dma_semaphore, #tpu.memory_space<semaphore_mem>>
      %dma_start3A_99 = tpu.memref_slice %arg14[%arg0, %mul3A_96] : memref<2x10240xf32, #tpu.memory_space<hbm>> -> memref<1x640xf32, #tpu.memory_space<hbm>>
      %dma_start3A_100 = tpu.memref_squeeze %dma_start3A_99 : memref<1x640xf32, #tpu.memory_space<hbm>> -> memref<640xf32, #tpu.memory_space<hbm>>
      %dma_start3A_101 = tpu.memref_slice %arg26[%mul3A_96] : memref<10240xf32, #tpu.memory_space<vmem_shared>> -> memref<640xf32, #tpu.memory_space<vmem_shared>>
      tpu.enqueue_dma source(%dma_start3A_101 : memref<640xf32, #tpu.memory_space<vmem_shared>>) target(%dma_start3A_100 : memref<640xf32, #tpu.memory_space<hbm>>) target_semaphore(%run_scoped3A : memref<!tpu.dma_semaphore, #tpu.memory_space<semaphore_mem>>)
      %dma_wait3A = tpu.memref_slice %arg14[%arg0, %mul3A_96] : memref<2x10240xf32, #tpu.memory_space<hbm>> -> memref<1x640xf32, #tpu.memory_space<hbm>>
      %dma_wait3A_102 = tpu.memref_squeeze %dma_wait3A : memref<1x640xf32, #tpu.memory_space<hbm>> -> memref<640xf32, #tpu.memory_space<hbm>>
      %dma_wait3A_103 = tpu.memref_slice %arg26[%mul3A_96] : memref<10240xf32, #tpu.memory_space<vmem_shared>> -> memref<640xf32, #tpu.memory_space<vmem_shared>>
      tpu.wait_dma2 semaphore(%run_scoped3A : memref<!tpu.dma_semaphore, #tpu.memory_space<semaphore_mem>>) src(%dma_wait3A_103 : memref<640xf32, #tpu.memory_space<vmem_shared>>) dst(%dma_wait3A_102 : memref<640xf32, #tpu.memory_space<hbm>>)
      tpu.yield
    }) : () -> ()
    return
  }
}

#map = affine_map<(d0, d1) -> (0, 0, 0)>
#map1 = affine_map<(d0, d1) -> (0)>
#map2 = affine_map<(d0, d1) -> (0, 0)>
module attributes {stable_mosaic.version = 14 : i64} {
  func.func @_sc_deg_kernel(%arg0: i32, %arg1: i32, %arg2: memref<32x80x128xi32, #tpu.memory_space<hbm>>, %arg3: memref<32x80x128xf32, #tpu.memory_space<hbm>>, %arg4: memref<32x80x128xf32, #tpu.memory_space<hbm>>, %arg5: memref<640xf32, #tpu.memory_space<hbm>>, %arg6: memref<2x10240xf32, #tpu.memory_space<hbm>>, %arg7: memref<2x10240xf32, #tpu.memory_space<hbm>>, %arg8: memref<2x10240xf32, #tpu.memory_space<hbm>>, %arg9: memref<80x128xi32, #tpu.memory_space<vmem>>, %arg10: memref<1x128xf32, #tpu.memory_space<vmem>>, %arg11: memref<80x128xf32, #tpu.memory_space<vmem>>, %arg12: memref<80x128xf32, #tpu.memory_space<vmem>>, %arg13: memref<10240xf32, #tpu.memory_space<vmem_shared>>, %arg14: memref<10240xf32, #tpu.memory_space<vmem_shared>>, %arg15: memref<10240xf32, #tpu.memory_space<vmem_shared>>) attributes {dimension_semantics = [#tpu.dimension_semantics<core_parallel>, #tpu.dimension_semantics<subcore_parallel>], iteration_bounds = array<i64: 2, 16>, scalar_prefetch = 0 : i64, scratch_operands = 7 : i64, tpu.core_type = #tpu.core_type<sc_vector_subcore>, window_params = [{transform_indices = #map}, {transform_indices = #map}, {transform_indices = #map}, {transform_indices = #map1}, {transform_indices = #map2}, {transform_indices = #map2}, {transform_indices = #map2}]} {
    %mul3A = arith.constant 16 : i32
    %mul3A_0 = arith.muli %arg0, %mul3A : i32
    %add3A = arith.addi %mul3A_0, %arg1 : i32
    %eq3A = arith.constant 31 : i32
    %eq3A_1 = arith.cmpi eq, %add3A, %eq3A : i32
    %jit3A = arith.constant 20 : i32
    %jit3A_2 = arith.constant 80 : i32
    %select_n3A = arith.select %eq3A_1, %jit3A, %jit3A_2 : i32
    %mul3A_3 = arith.constant 640 : i32
    %mul3A_4 = arith.muli %arg1, %mul3A_3 : i32
    "tpu.region"() ({
      %run_scoped3A = tpu.sem_alloc : memref<!tpu.dma_semaphore, #tpu.memory_space<semaphore_mem>>
      %dma_start3A = tpu.memref_slice %arg13[%mul3A_4] : memref<10240xf32, #tpu.memory_space<vmem_shared>> -> memref<640xf32, #tpu.memory_space<vmem_shared>>
      tpu.enqueue_dma source(%arg5 : memref<640xf32, #tpu.memory_space<hbm>>) target(%dma_start3A : memref<640xf32, #tpu.memory_space<vmem_shared>>) target_semaphore(%run_scoped3A : memref<!tpu.dma_semaphore, #tpu.memory_space<semaphore_mem>>)
      %dma_wait3A = tpu.memref_slice %arg13[%mul3A_4] : memref<10240xf32, #tpu.memory_space<vmem_shared>> -> memref<640xf32, #tpu.memory_space<vmem_shared>>
      tpu.wait_dma2 semaphore(%run_scoped3A : memref<!tpu.dma_semaphore, #tpu.memory_space<semaphore_mem>>) src(%arg5 : memref<640xf32, #tpu.memory_space<hbm>>) dst(%dma_wait3A : memref<640xf32, #tpu.memory_space<vmem_shared>>)
      tpu.yield
    }) : () -> ()
    %mul3A_5 = arith.constant 640 : i32
    %mul3A_6 = arith.muli %arg1, %mul3A_5 : i32
    "tpu.region"() ({
      %run_scoped3A = tpu.sem_alloc : memref<!tpu.dma_semaphore, #tpu.memory_space<semaphore_mem>>
      %dma_start3A = tpu.memref_slice %arg14[%mul3A_6] : memref<10240xf32, #tpu.memory_space<vmem_shared>> -> memref<640xf32, #tpu.memory_space<vmem_shared>>
      tpu.enqueue_dma source(%arg5 : memref<640xf32, #tpu.memory_space<hbm>>) target(%dma_start3A : memref<640xf32, #tpu.memory_space<vmem_shared>>) target_semaphore(%run_scoped3A : memref<!tpu.dma_semaphore, #tpu.memory_space<semaphore_mem>>)
      %dma_wait3A = tpu.memref_slice %arg14[%mul3A_6] : memref<10240xf32, #tpu.memory_space<vmem_shared>> -> memref<640xf32, #tpu.memory_space<vmem_shared>>
      tpu.wait_dma2 semaphore(%run_scoped3A : memref<!tpu.dma_semaphore, #tpu.memory_space<semaphore_mem>>) src(%arg5 : memref<640xf32, #tpu.memory_space<hbm>>) dst(%dma_wait3A : memref<640xf32, #tpu.memory_space<vmem_shared>>)
      tpu.yield
    }) : () -> ()
    %mul3A_7 = arith.constant 640 : i32
    %mul3A_8 = arith.muli %arg1, %mul3A_7 : i32
    "tpu.region"() ({
      %run_scoped3A = tpu.sem_alloc : memref<!tpu.dma_semaphore, #tpu.memory_space<semaphore_mem>>
      %dma_start3A = tpu.memref_slice %arg15[%mul3A_8] : memref<10240xf32, #tpu.memory_space<vmem_shared>> -> memref<640xf32, #tpu.memory_space<vmem_shared>>
      tpu.enqueue_dma source(%arg5 : memref<640xf32, #tpu.memory_space<hbm>>) target(%dma_start3A : memref<640xf32, #tpu.memory_space<vmem_shared>>) target_semaphore(%run_scoped3A : memref<!tpu.dma_semaphore, #tpu.memory_space<semaphore_mem>>)
      %dma_wait3A = tpu.memref_slice %arg15[%mul3A_8] : memref<10240xf32, #tpu.memory_space<vmem_shared>> -> memref<640xf32, #tpu.memory_space<vmem_shared>>
      tpu.wait_dma2 semaphore(%run_scoped3A : memref<!tpu.dma_semaphore, #tpu.memory_space<semaphore_mem>>) src(%arg5 : memref<640xf32, #tpu.memory_space<hbm>>) dst(%dma_wait3A : memref<640xf32, #tpu.memory_space<vmem_shared>>)
      tpu.yield
    }) : () -> ()
    "tpu.region"() ({
      %run_scoped3A = tpu.sem_alloc : memref<!tpu.dma_semaphore, #tpu.memory_space<semaphore_mem>>
      %dma_start3A = arith.constant 0 : i32
      %dma_start3A_32 = arith.constant 0 : i32
      %dma_start3A_33 = tpu.memref_slice %arg2[%add3A, %dma_start3A, %dma_start3A_32] : memref<32x80x128xi32, #tpu.memory_space<hbm>> -> memref<1x80x128xi32, #tpu.memory_space<hbm>>
      %dma_start3A_34 = tpu.memref_squeeze %dma_start3A_33 : memref<1x80x128xi32, #tpu.memory_space<hbm>> -> memref<80x128xi32, #tpu.memory_space<hbm>>
      %dma_start3A_35 = arith.constant 0 : i32
      %dma_start3A_36 = arith.constant 0 : i32
      %dma_start3A_37 = tpu.memref_slice %arg2[%add3A, %dma_start3A_35, %dma_start3A_36] : memref<32x80x128xi32, #tpu.memory_space<hbm>> -> memref<1x80x128xi32, #tpu.memory_space<hbm>>
      %dma_start3A_38 = tpu.memref_squeeze %dma_start3A_37 : memref<1x80x128xi32, #tpu.memory_space<hbm>> -> memref<80x128xi32, #tpu.memory_space<hbm>>
      tpu.enqueue_dma source(%dma_start3A_38 : memref<80x128xi32, #tpu.memory_space<hbm>>) target(%arg9 : memref<80x128xi32, #tpu.memory_space<vmem>>) target_semaphore(%run_scoped3A : memref<!tpu.dma_semaphore, #tpu.memory_space<semaphore_mem>>)
      %dma_wait3A = arith.constant 0 : i32
      %dma_wait3A_39 = arith.constant 0 : i32
      %dma_wait3A_40 = tpu.memref_slice %arg2[%add3A, %dma_wait3A, %dma_wait3A_39] : memref<32x80x128xi32, #tpu.memory_space<hbm>> -> memref<1x80x128xi32, #tpu.memory_space<hbm>>
      %dma_wait3A_41 = tpu.memref_squeeze %dma_wait3A_40 : memref<1x80x128xi32, #tpu.memory_space<hbm>> -> memref<80x128xi32, #tpu.memory_space<hbm>>
      %dma_wait3A_42 = arith.constant 0 : i32
      %dma_wait3A_43 = arith.constant 0 : i32
      %dma_wait3A_44 = tpu.memref_slice %arg2[%add3A, %dma_wait3A_42, %dma_wait3A_43] : memref<32x80x128xi32, #tpu.memory_space<hbm>> -> memref<1x80x128xi32, #tpu.memory_space<hbm>>
      %dma_wait3A_45 = tpu.memref_squeeze %dma_wait3A_44 : memref<1x80x128xi32, #tpu.memory_space<hbm>> -> memref<80x128xi32, #tpu.memory_space<hbm>>
      tpu.wait_dma2 semaphore(%run_scoped3A : memref<!tpu.dma_semaphore, #tpu.memory_space<semaphore_mem>>) src(%dma_wait3A_45 : memref<80x128xi32, #tpu.memory_space<hbm>>) dst(%arg9 : memref<80x128xi32, #tpu.memory_space<vmem>>)
      tpu.yield
    }) : () -> ()
    "tpu.region"() ({
      %run_scoped3A = tpu.sem_alloc : memref<!tpu.dma_semaphore, #tpu.memory_space<semaphore_mem>>
      %dma_start3A = arith.constant 0 : i32
      %dma_start3A_32 = arith.constant 0 : i32
      %dma_start3A_33 = tpu.memref_slice %arg3[%add3A, %dma_start3A, %dma_start3A_32] : memref<32x80x128xf32, #tpu.memory_space<hbm>> -> memref<1x80x128xf32, #tpu.memory_space<hbm>>
      %dma_start3A_34 = tpu.memref_squeeze %dma_start3A_33 : memref<1x80x128xf32, #tpu.memory_space<hbm>> -> memref<80x128xf32, #tpu.memory_space<hbm>>
      %dma_start3A_35 = arith.constant 0 : i32
      %dma_start3A_36 = arith.constant 0 : i32
      %dma_start3A_37 = tpu.memref_slice %arg3[%add3A, %dma_start3A_35, %dma_start3A_36] : memref<32x80x128xf32, #tpu.memory_space<hbm>> -> memref<1x80x128xf32, #tpu.memory_space<hbm>>
      %dma_start3A_38 = tpu.memref_squeeze %dma_start3A_37 : memref<1x80x128xf32, #tpu.memory_space<hbm>> -> memref<80x128xf32, #tpu.memory_space<hbm>>
      tpu.enqueue_dma source(%dma_start3A_38 : memref<80x128xf32, #tpu.memory_space<hbm>>) target(%arg11 : memref<80x128xf32, #tpu.memory_space<vmem>>) target_semaphore(%run_scoped3A : memref<!tpu.dma_semaphore, #tpu.memory_space<semaphore_mem>>)
      %dma_wait3A = arith.constant 0 : i32
      %dma_wait3A_39 = arith.constant 0 : i32
      %dma_wait3A_40 = tpu.memref_slice %arg3[%add3A, %dma_wait3A, %dma_wait3A_39] : memref<32x80x128xf32, #tpu.memory_space<hbm>> -> memref<1x80x128xf32, #tpu.memory_space<hbm>>
      %dma_wait3A_41 = tpu.memref_squeeze %dma_wait3A_40 : memref<1x80x128xf32, #tpu.memory_space<hbm>> -> memref<80x128xf32, #tpu.memory_space<hbm>>
      %dma_wait3A_42 = arith.constant 0 : i32
      %dma_wait3A_43 = arith.constant 0 : i32
      %dma_wait3A_44 = tpu.memref_slice %arg3[%add3A, %dma_wait3A_42, %dma_wait3A_43] : memref<32x80x128xf32, #tpu.memory_space<hbm>> -> memref<1x80x128xf32, #tpu.memory_space<hbm>>
      %dma_wait3A_45 = tpu.memref_squeeze %dma_wait3A_44 : memref<1x80x128xf32, #tpu.memory_space<hbm>> -> memref<80x128xf32, #tpu.memory_space<hbm>>
      tpu.wait_dma2 semaphore(%run_scoped3A : memref<!tpu.dma_semaphore, #tpu.memory_space<semaphore_mem>>) src(%dma_wait3A_45 : memref<80x128xf32, #tpu.memory_space<hbm>>) dst(%arg11 : memref<80x128xf32, #tpu.memory_space<vmem>>)
      tpu.yield
    }) : () -> ()
    "tpu.region"() ({
      %run_scoped3A = tpu.sem_alloc : memref<!tpu.dma_semaphore, #tpu.memory_space<semaphore_mem>>
      %dma_start3A = arith.constant 0 : i32
      %dma_start3A_32 = arith.constant 0 : i32
      %dma_start3A_33 = tpu.memref_slice %arg4[%add3A, %dma_start3A, %dma_start3A_32] : memref<32x80x128xf32, #tpu.memory_space<hbm>> -> memref<1x80x128xf32, #tpu.memory_space<hbm>>
      %dma_start3A_34 = tpu.memref_squeeze %dma_start3A_33 : memref<1x80x128xf32, #tpu.memory_space<hbm>> -> memref<80x128xf32, #tpu.memory_space<hbm>>
      %dma_start3A_35 = arith.constant 0 : i32
      %dma_start3A_36 = arith.constant 0 : i32
      %dma_start3A_37 = tpu.memref_slice %arg4[%add3A, %dma_start3A_35, %dma_start3A_36] : memref<32x80x128xf32, #tpu.memory_space<hbm>> -> memref<1x80x128xf32, #tpu.memory_space<hbm>>
      %dma_start3A_38 = tpu.memref_squeeze %dma_start3A_37 : memref<1x80x128xf32, #tpu.memory_space<hbm>> -> memref<80x128xf32, #tpu.memory_space<hbm>>
      tpu.enqueue_dma source(%dma_start3A_38 : memref<80x128xf32, #tpu.memory_space<hbm>>) target(%arg12 : memref<80x128xf32, #tpu.memory_space<vmem>>) target_semaphore(%run_scoped3A : memref<!tpu.dma_semaphore, #tpu.memory_space<semaphore_mem>>)
      %dma_wait3A = arith.constant 0 : i32
      %dma_wait3A_39 = arith.constant 0 : i32
      %dma_wait3A_40 = tpu.memref_slice %arg4[%add3A, %dma_wait3A, %dma_wait3A_39] : memref<32x80x128xf32, #tpu.memory_space<hbm>> -> memref<1x80x128xf32, #tpu.memory_space<hbm>>
      %dma_wait3A_41 = tpu.memref_squeeze %dma_wait3A_40 : memref<1x80x128xf32, #tpu.memory_space<hbm>> -> memref<80x128xf32, #tpu.memory_space<hbm>>
      %dma_wait3A_42 = arith.constant 0 : i32
      %dma_wait3A_43 = arith.constant 0 : i32
      %dma_wait3A_44 = tpu.memref_slice %arg4[%add3A, %dma_wait3A_42, %dma_wait3A_43] : memref<32x80x128xf32, #tpu.memory_space<hbm>> -> memref<1x80x128xf32, #tpu.memory_space<hbm>>
      %dma_wait3A_45 = tpu.memref_squeeze %dma_wait3A_44 : memref<1x80x128xf32, #tpu.memory_space<hbm>> -> memref<80x128xf32, #tpu.memory_space<hbm>>
      tpu.wait_dma2 semaphore(%run_scoped3A : memref<!tpu.dma_semaphore, #tpu.memory_space<semaphore_mem>>) src(%dma_wait3A_45 : memref<80x128xf32, #tpu.memory_space<hbm>>) dst(%arg12 : memref<80x128xf32, #tpu.memory_space<vmem>>)
      tpu.yield
    }) : () -> ()
    %scan3A = arith.constant 0 : i32
    %scan3A_9 = arith.constant 8 : i32
    %scan3A_10 = arith.addi %scan3A, %scan3A_9 : i32
    %scan3A_11 = arith.constant 1 : i32
    scf.for %scan3A_32 = %scan3A to %scan3A_10 step %scan3A_11  : i32 {
      %mul3A_33 = arith.constant 1 : i32
      %mul3A_34 = arith.muli %scan3A_32, %mul3A_33 : i32
      %add3A_35 = arith.constant 0 : i32
      %add3A_36 = arith.addi %add3A_35, %mul3A_34 : i32
      %broadcast_in_dim3A = arith.constant 1.000000e+00 : f32
      %broadcast_in_dim3A_37 = vector.broadcast %broadcast_in_dim3A : f32 to vector<16xf32>
      %mul3A_38 = arith.constant 16 : i32
      %mul3A_39 = arith.muli %add3A_36, %mul3A_38 : i32
      %swap3A = arith.constant 0 : i32
      %swap3A_40 = arith.index_cast %swap3A : i32 to index
      %swap3A_41 = arith.index_cast %mul3A_39 : i32 to index
      %swap3A_42 = tpu.vector_load %arg10[%swap3A_40, %swap3A_41] {strides = array<i32>} : memref<1x128xf32, #tpu.memory_space<vmem>>, vector<16xf32>,
      tpu.vector_store %arg10[%swap3A_40, %swap3A_41], %broadcast_in_dim3A_37 {strides = array<i32>} : memref<1x128xf32, #tpu.memory_space<vmem>>, vector<16xf32>,
    }
    %scan3A_12 = arith.constant 8 : i32
    %barrier3A = arith.constant 0 : index
    tpu.barrier barrier_id(%barrier3A)
    %sub3A = arith.constant 0 : i32
    %sub3A_13 = arith.subi %select_n3A, %sub3A : i32
    %sub3A_14 = arith.constant 1 : i32
    %sub3A_15 = arith.constant 1 : i32
    %sub3A_16 = arith.subi %sub3A_14, %sub3A_15 : i32
    %add3A_17 = arith.addi %sub3A_13, %sub3A_16 : i32
    %div3A = arith.constant 1 : i32
    %div3A_18 = arith.divsi %add3A_17, %div3A : i32
    %while3A = arith.constant 1 : i32
    %while3A_19 = arith.constant 0 : i32
    %while3A_20 = arith.constant 0 : i32
    %while3A_21 = arith.subi %div3A_18, %while3A_20 : i32
    %while3A_22 = arith.addi %while3A_20, %while3A_21 : i32
    %while3A_23 = arith.constant 1 : i32
    %while3A_24 = arith.divsi %while3A_21, %while3A_23 : i32
    %while3A_25 = arith.muli %while3A_24, %while3A_23 : i32
    %while3A_26 = arith.addi %while3A_20, %while3A_25 : i32
    %while3A_27 = arith.constant 1 : i32
    scf.for %while3A_32 = %while3A_20 to %while3A_26 step %while3A_27  : i32 {
      %mul3A_33 = arith.muli %while3A_32, %while3A : i32
      %add3A_34 = arith.addi %while3A_19, %mul3A_33 : i32
      %run_scoped3A = arith.constant 0 : i32
      "tpu.region"() ({
        %run_scoped3A_35 = tpu.sem_alloc : memref<!tpu.dma_semaphore, #tpu.memory_space<semaphore_mem>>
        %dma_start3A = arith.constant 0 : i32
        %dma_start3A_36 = tpu.memref_slice %arg10[%run_scoped3A, %dma_start3A] : memref<1x128xf32, #tpu.memory_space<vmem>> -> memref<1x128xf32, #tpu.memory_space<vmem>>
        %dma_start3A_37 = tpu.memref_squeeze %dma_start3A_36 : memref<1x128xf32, #tpu.memory_space<vmem>> -> memref<128xf32, #tpu.memory_space<vmem>>
        %dma_start3A_38 = arith.constant 0 : i32
        %dma_start3A_39 = tpu.memref_slice %arg9[%add3A_34, %dma_start3A_38] : memref<80x128xi32, #tpu.memory_space<vmem>> -> memref<1x128xi32, #tpu.memory_space<vmem>>
        %dma_start3A_40 = tpu.memref_squeeze %dma_start3A_39 : memref<1x128xi32, #tpu.memory_space<vmem>> -> memref<128xi32, #tpu.memory_space<vmem>>
        %dma_start3A_41 = arith.constant 0 : i32
        %dma_start3A_42 = tpu.memref_slice %arg13[%dma_start3A_41] : memref<10240xf32, #tpu.memory_space<vmem_shared>> -> memref<10240xf32, #tpu.memory_space<vmem_shared>>
        tpu.enqueue_indirect_dma source(%dma_start3A_37 : memref<128xf32, #tpu.memory_space<vmem>>) target(%dma_start3A_42 : memref<10240xf32, #tpu.memory_space<vmem_shared>>) offsets(%dma_start3A_40 : memref<128xi32, #tpu.memory_space<vmem>>) semaphore(%run_scoped3A_35 : memref<!tpu.dma_semaphore, #tpu.memory_space<semaphore_mem>>) {add = true}
        %dma_wait3A = arith.constant 0 : i32
        %dma_wait3A_43 = tpu.memref_slice %arg10[%run_scoped3A, %dma_wait3A] : memref<1x128xf32, #tpu.memory_space<vmem>> -> memref<1x128xf32, #tpu.memory_space<vmem>>
        %dma_wait3A_44 = tpu.memref_squeeze %dma_wait3A_43 : memref<1x128xf32, #tpu.memory_space<vmem>> -> memref<128xf32, #tpu.memory_space<vmem>>
        %dma_wait3A_45 = arith.constant 0 : i32
        %dma_wait3A_46 = tpu.memref_slice %arg9[%add3A_34, %dma_wait3A_45] : memref<80x128xi32, #tpu.memory_space<vmem>> -> memref<1x128xi32, #tpu.memory_space<vmem>>
        %dma_wait3A_47 = tpu.memref_squeeze %dma_wait3A_46 : memref<1x128xi32, #tpu.memory_space<vmem>> -> memref<128xi32, #tpu.memory_space<vmem>>
        %dma_wait3A_48 = arith.constant 0 : i32
        %dma_wait3A_49 = tpu.memref_slice %arg13[%dma_wait3A_48] : memref<10240xf32, #tpu.memory_space<vmem_shared>> -> memref<10240xf32, #tpu.memory_space<vmem_shared>>
        tpu.wait_indirect_dma semaphore(%run_scoped3A_35 : memref<!tpu.dma_semaphore, #tpu.memory_space<semaphore_mem>>) src(%dma_wait3A_44 : memref<128xf32, #tpu.memory_space<vmem>>) dst(%dma_wait3A_49 : memref<10240xf32, #tpu.memory_space<vmem_shared>>)
        tpu.yield
      }) : () -> ()
      "tpu.region"() ({
        %run_scoped3A_35 = tpu.sem_alloc : memref<!tpu.dma_semaphore, #tpu.memory_space<semaphore_mem>>
        %dma_start3A = arith.constant 0 : i32
        %dma_start3A_36 = tpu.memref_slice %arg11[%add3A_34, %dma_start3A] : memref<80x128xf32, #tpu.memory_space<vmem>> -> memref<1x128xf32, #tpu.memory_space<vmem>>
        %dma_start3A_37 = tpu.memref_squeeze %dma_start3A_36 : memref<1x128xf32, #tpu.memory_space<vmem>> -> memref<128xf32, #tpu.memory_space<vmem>>
        %dma_start3A_38 = arith.constant 0 : i32
        %dma_start3A_39 = tpu.memref_slice %arg9[%add3A_34, %dma_start3A_38] : memref<80x128xi32, #tpu.memory_space<vmem>> -> memref<1x128xi32, #tpu.memory_space<vmem>>
        %dma_start3A_40 = tpu.memref_squeeze %dma_start3A_39 : memref<1x128xi32, #tpu.memory_space<vmem>> -> memref<128xi32, #tpu.memory_space<vmem>>
        %dma_start3A_41 = arith.constant 0 : i32
        %dma_start3A_42 = tpu.memref_slice %arg14[%dma_start3A_41] : memref<10240xf32, #tpu.memory_space<vmem_shared>> -> memref<10240xf32, #tpu.memory_space<vmem_shared>>
        tpu.enqueue_indirect_dma source(%dma_start3A_37 : memref<128xf32, #tpu.memory_space<vmem>>) target(%dma_start3A_42 : memref<10240xf32, #tpu.memory_space<vmem_shared>>) offsets(%dma_start3A_40 : memref<128xi32, #tpu.memory_space<vmem>>) semaphore(%run_scoped3A_35 : memref<!tpu.dma_semaphore, #tpu.memory_space<semaphore_mem>>) {add = true}
        %dma_wait3A = arith.constant 0 : i32
        %dma_wait3A_43 = tpu.memref_slice %arg11[%add3A_34, %dma_wait3A] : memref<80x128xf32, #tpu.memory_space<vmem>> -> memref<1x128xf32, #tpu.memory_space<vmem>>
        %dma_wait3A_44 = tpu.memref_squeeze %dma_wait3A_43 : memref<1x128xf32, #tpu.memory_space<vmem>> -> memref<128xf32, #tpu.memory_space<vmem>>
        %dma_wait3A_45 = arith.constant 0 : i32
        %dma_wait3A_46 = tpu.memref_slice %arg9[%add3A_34, %dma_wait3A_45] : memref<80x128xi32, #tpu.memory_space<vmem>> -> memref<1x128xi32, #tpu.memory_space<vmem>>
        %dma_wait3A_47 = tpu.memref_squeeze %dma_wait3A_46 : memref<1x128xi32, #tpu.memory_space<vmem>> -> memref<128xi32, #tpu.memory_space<vmem>>
        %dma_wait3A_48 = arith.constant 0 : i32
        %dma_wait3A_49 = tpu.memref_slice %arg14[%dma_wait3A_48] : memref<10240xf32, #tpu.memory_space<vmem_shared>> -> memref<10240xf32, #tpu.memory_space<vmem_shared>>
        tpu.wait_indirect_dma semaphore(%run_scoped3A_35 : memref<!tpu.dma_semaphore, #tpu.memory_space<semaphore_mem>>) src(%dma_wait3A_44 : memref<128xf32, #tpu.memory_space<vmem>>) dst(%dma_wait3A_49 : memref<10240xf32, #tpu.memory_space<vmem_shared>>)
        tpu.yield
      }) : () -> ()
      "tpu.region"() ({
        %run_scoped3A_35 = tpu.sem_alloc : memref<!tpu.dma_semaphore, #tpu.memory_space<semaphore_mem>>
        %dma_start3A = arith.constant 0 : i32
        %dma_start3A_36 = tpu.memref_slice %arg12[%add3A_34, %dma_start3A] : memref<80x128xf32, #tpu.memory_space<vmem>> -> memref<1x128xf32, #tpu.memory_space<vmem>>
        %dma_start3A_37 = tpu.memref_squeeze %dma_start3A_36 : memref<1x128xf32, #tpu.memory_space<vmem>> -> memref<128xf32, #tpu.memory_space<vmem>>
        %dma_start3A_38 = arith.constant 0 : i32
        %dma_start3A_39 = tpu.memref_slice %arg9[%add3A_34, %dma_start3A_38] : memref<80x128xi32, #tpu.memory_space<vmem>> -> memref<1x128xi32, #tpu.memory_space<vmem>>
        %dma_start3A_40 = tpu.memref_squeeze %dma_start3A_39 : memref<1x128xi32, #tpu.memory_space<vmem>> -> memref<128xi32, #tpu.memory_space<vmem>>
        %dma_start3A_41 = arith.constant 0 : i32
        %dma_start3A_42 = tpu.memref_slice %arg15[%dma_start3A_41] : memref<10240xf32, #tpu.memory_space<vmem_shared>> -> memref<10240xf32, #tpu.memory_space<vmem_shared>>
        tpu.enqueue_indirect_dma source(%dma_start3A_37 : memref<128xf32, #tpu.memory_space<vmem>>) target(%dma_start3A_42 : memref<10240xf32, #tpu.memory_space<vmem_shared>>) offsets(%dma_start3A_40 : memref<128xi32, #tpu.memory_space<vmem>>) semaphore(%run_scoped3A_35 : memref<!tpu.dma_semaphore, #tpu.memory_space<semaphore_mem>>) {add = true}
        %dma_wait3A = arith.constant 0 : i32
        %dma_wait3A_43 = tpu.memref_slice %arg12[%add3A_34, %dma_wait3A] : memref<80x128xf32, #tpu.memory_space<vmem>> -> memref<1x128xf32, #tpu.memory_space<vmem>>
        %dma_wait3A_44 = tpu.memref_squeeze %dma_wait3A_43 : memref<1x128xf32, #tpu.memory_space<vmem>> -> memref<128xf32, #tpu.memory_space<vmem>>
        %dma_wait3A_45 = arith.constant 0 : i32
        %dma_wait3A_46 = tpu.memref_slice %arg9[%add3A_34, %dma_wait3A_45] : memref<80x128xi32, #tpu.memory_space<vmem>> -> memref<1x128xi32, #tpu.memory_space<vmem>>
        %dma_wait3A_47 = tpu.memref_squeeze %dma_wait3A_46 : memref<1x128xi32, #tpu.memory_space<vmem>> -> memref<128xi32, #tpu.memory_space<vmem>>
        %dma_wait3A_48 = arith.constant 0 : i32
        %dma_wait3A_49 = tpu.memref_slice %arg15[%dma_wait3A_48] : memref<10240xf32, #tpu.memory_space<vmem_shared>> -> memref<10240xf32, #tpu.memory_space<vmem_shared>>
        tpu.wait_indirect_dma semaphore(%run_scoped3A_35 : memref<!tpu.dma_semaphore, #tpu.memory_space<semaphore_mem>>) src(%dma_wait3A_44 : memref<128xf32, #tpu.memory_space<vmem>>) dst(%dma_wait3A_49 : memref<10240xf32, #tpu.memory_space<vmem_shared>>)
        tpu.yield
      }) : () -> ()
    }
    %while3A_28 = arith.constant 1 : i32
    scf.for %while3A_32 = %while3A_26 to %while3A_22 step %while3A_28  : i32 {
      %mul3A_33 = arith.muli %while3A_32, %while3A : i32
      %add3A_34 = arith.addi %while3A_19, %mul3A_33 : i32
      %run_scoped3A = arith.constant 0 : i32
      "tpu.region"() ({
        %run_scoped3A_35 = tpu.sem_alloc : memref<!tpu.dma_semaphore, #tpu.memory_space<semaphore_mem>>
        %dma_start3A = arith.constant 0 : i32
        %dma_start3A_36 = tpu.memref_slice %arg10[%run_scoped3A, %dma_start3A] : memref<1x128xf32, #tpu.memory_space<vmem>> -> memref<1x128xf32, #tpu.memory_space<vmem>>
        %dma_start3A_37 = tpu.memref_squeeze %dma_start3A_36 : memref<1x128xf32, #tpu.memory_space<vmem>> -> memref<128xf32, #tpu.memory_space<vmem>>
        %dma_start3A_38 = arith.constant 0 : i32
        %dma_start3A_39 = tpu.memref_slice %arg9[%add3A_34, %dma_start3A_38] : memref<80x128xi32, #tpu.memory_space<vmem>> -> memref<1x128xi32, #tpu.memory_space<vmem>>
        %dma_start3A_40 = tpu.memref_squeeze %dma_start3A_39 : memref<1x128xi32, #tpu.memory_space<vmem>> -> memref<128xi32, #tpu.memory_space<vmem>>
        %dma_start3A_41 = arith.constant 0 : i32
        %dma_start3A_42 = tpu.memref_slice %arg13[%dma_start3A_41] : memref<10240xf32, #tpu.memory_space<vmem_shared>> -> memref<10240xf32, #tpu.memory_space<vmem_shared>>
        tpu.enqueue_indirect_dma source(%dma_start3A_37 : memref<128xf32, #tpu.memory_space<vmem>>) target(%dma_start3A_42 : memref<10240xf32, #tpu.memory_space<vmem_shared>>) offsets(%dma_start3A_40 : memref<128xi32, #tpu.memory_space<vmem>>) semaphore(%run_scoped3A_35 : memref<!tpu.dma_semaphore, #tpu.memory_space<semaphore_mem>>) {add = true}
        %dma_wait3A = arith.constant 0 : i32
        %dma_wait3A_43 = tpu.memref_slice %arg10[%run_scoped3A, %dma_wait3A] : memref<1x128xf32, #tpu.memory_space<vmem>> -> memref<1x128xf32, #tpu.memory_space<vmem>>
        %dma_wait3A_44 = tpu.memref_squeeze %dma_wait3A_43 : memref<1x128xf32, #tpu.memory_space<vmem>> -> memref<128xf32, #tpu.memory_space<vmem>>
        %dma_wait3A_45 = arith.constant 0 : i32
        %dma_wait3A_46 = tpu.memref_slice %arg9[%add3A_34, %dma_wait3A_45] : memref<80x128xi32, #tpu.memory_space<vmem>> -> memref<1x128xi32, #tpu.memory_space<vmem>>
        %dma_wait3A_47 = tpu.memref_squeeze %dma_wait3A_46 : memref<1x128xi32, #tpu.memory_space<vmem>> -> memref<128xi32, #tpu.memory_space<vmem>>
        %dma_wait3A_48 = arith.constant 0 : i32
        %dma_wait3A_49 = tpu.memref_slice %arg13[%dma_wait3A_48] : memref<10240xf32, #tpu.memory_space<vmem_shared>> -> memref<10240xf32, #tpu.memory_space<vmem_shared>>
        tpu.wait_indirect_dma semaphore(%run_scoped3A_35 : memref<!tpu.dma_semaphore, #tpu.memory_space<semaphore_mem>>) src(%dma_wait3A_44 : memref<128xf32, #tpu.memory_space<vmem>>) dst(%dma_wait3A_49 : memref<10240xf32, #tpu.memory_space<vmem_shared>>)
        tpu.yield
      }) : () -> ()
      "tpu.region"() ({
        %run_scoped3A_35 = tpu.sem_alloc : memref<!tpu.dma_semaphore, #tpu.memory_space<semaphore_mem>>
        %dma_start3A = arith.constant 0 : i32
        %dma_start3A_36 = tpu.memref_slice %arg11[%add3A_34, %dma_start3A] : memref<80x128xf32, #tpu.memory_space<vmem>> -> memref<1x128xf32, #tpu.memory_space<vmem>>
        %dma_start3A_37 = tpu.memref_squeeze %dma_start3A_36 : memref<1x128xf32, #tpu.memory_space<vmem>> -> memref<128xf32, #tpu.memory_space<vmem>>
        %dma_start3A_38 = arith.constant 0 : i32
        %dma_start3A_39 = tpu.memref_slice %arg9[%add3A_34, %dma_start3A_38] : memref<80x128xi32, #tpu.memory_space<vmem>> -> memref<1x128xi32, #tpu.memory_space<vmem>>
        %dma_start3A_40 = tpu.memref_squeeze %dma_start3A_39 : memref<1x128xi32, #tpu.memory_space<vmem>> -> memref<128xi32, #tpu.memory_space<vmem>>
        %dma_start3A_41 = arith.constant 0 : i32
        %dma_start3A_42 = tpu.memref_slice %arg14[%dma_start3A_41] : memref<10240xf32, #tpu.memory_space<vmem_shared>> -> memref<10240xf32, #tpu.memory_space<vmem_shared>>
        tpu.enqueue_indirect_dma source(%dma_start3A_37 : memref<128xf32, #tpu.memory_space<vmem>>) target(%dma_start3A_42 : memref<10240xf32, #tpu.memory_space<vmem_shared>>) offsets(%dma_start3A_40 : memref<128xi32, #tpu.memory_space<vmem>>) semaphore(%run_scoped3A_35 : memref<!tpu.dma_semaphore, #tpu.memory_space<semaphore_mem>>) {add = true}
        %dma_wait3A = arith.constant 0 : i32
        %dma_wait3A_43 = tpu.memref_slice %arg11[%add3A_34, %dma_wait3A] : memref<80x128xf32, #tpu.memory_space<vmem>> -> memref<1x128xf32, #tpu.memory_space<vmem>>
        %dma_wait3A_44 = tpu.memref_squeeze %dma_wait3A_43 : memref<1x128xf32, #tpu.memory_space<vmem>> -> memref<128xf32, #tpu.memory_space<vmem>>
        %dma_wait3A_45 = arith.constant 0 : i32
        %dma_wait3A_46 = tpu.memref_slice %arg9[%add3A_34, %dma_wait3A_45] : memref<80x128xi32, #tpu.memory_space<vmem>> -> memref<1x128xi32, #tpu.memory_space<vmem>>
        %dma_wait3A_47 = tpu.memref_squeeze %dma_wait3A_46 : memref<1x128xi32, #tpu.memory_space<vmem>> -> memref<128xi32, #tpu.memory_space<vmem>>
        %dma_wait3A_48 = arith.constant 0 : i32
        %dma_wait3A_49 = tpu.memref_slice %arg14[%dma_wait3A_48] : memref<10240xf32, #tpu.memory_space<vmem_shared>> -> memref<10240xf32, #tpu.memory_space<vmem_shared>>
        tpu.wait_indirect_dma semaphore(%run_scoped3A_35 : memref<!tpu.dma_semaphore, #tpu.memory_space<semaphore_mem>>) src(%dma_wait3A_44 : memref<128xf32, #tpu.memory_space<vmem>>) dst(%dma_wait3A_49 : memref<10240xf32, #tpu.memory_space<vmem_shared>>)
        tpu.yield
      }) : () -> ()
      "tpu.region"() ({
        %run_scoped3A_35 = tpu.sem_alloc : memref<!tpu.dma_semaphore, #tpu.memory_space<semaphore_mem>>
        %dma_start3A = arith.constant 0 : i32
        %dma_start3A_36 = tpu.memref_slice %arg12[%add3A_34, %dma_start3A] : memref<80x128xf32, #tpu.memory_space<vmem>> -> memref<1x128xf32, #tpu.memory_space<vmem>>
        %dma_start3A_37 = tpu.memref_squeeze %dma_start3A_36 : memref<1x128xf32, #tpu.memory_space<vmem>> -> memref<128xf32, #tpu.memory_space<vmem>>
        %dma_start3A_38 = arith.constant 0 : i32
        %dma_start3A_39 = tpu.memref_slice %arg9[%add3A_34, %dma_start3A_38] : memref<80x128xi32, #tpu.memory_space<vmem>> -> memref<1x128xi32, #tpu.memory_space<vmem>>
        %dma_start3A_40 = tpu.memref_squeeze %dma_start3A_39 : memref<1x128xi32, #tpu.memory_space<vmem>> -> memref<128xi32, #tpu.memory_space<vmem>>
        %dma_start3A_41 = arith.constant 0 : i32
        %dma_start3A_42 = tpu.memref_slice %arg15[%dma_start3A_41] : memref<10240xf32, #tpu.memory_space<vmem_shared>> -> memref<10240xf32, #tpu.memory_space<vmem_shared>>
        tpu.enqueue_indirect_dma source(%dma_start3A_37 : memref<128xf32, #tpu.memory_space<vmem>>) target(%dma_start3A_42 : memref<10240xf32, #tpu.memory_space<vmem_shared>>) offsets(%dma_start3A_40 : memref<128xi32, #tpu.memory_space<vmem>>) semaphore(%run_scoped3A_35 : memref<!tpu.dma_semaphore, #tpu.memory_space<semaphore_mem>>) {add = true}
        %dma_wait3A = arith.constant 0 : i32
        %dma_wait3A_43 = tpu.memref_slice %arg12[%add3A_34, %dma_wait3A] : memref<80x128xf32, #tpu.memory_space<vmem>> -> memref<1x128xf32, #tpu.memory_space<vmem>>
        %dma_wait3A_44 = tpu.memref_squeeze %dma_wait3A_43 : memref<1x128xf32, #tpu.memory_space<vmem>> -> memref<128xf32, #tpu.memory_space<vmem>>
        %dma_wait3A_45 = arith.constant 0 : i32
        %dma_wait3A_46 = tpu.memref_slice %arg9[%add3A_34, %dma_wait3A_45] : memref<80x128xi32, #tpu.memory_space<vmem>> -> memref<1x128xi32, #tpu.memory_space<vmem>>
        %dma_wait3A_47 = tpu.memref_squeeze %dma_wait3A_46 : memref<1x128xi32, #tpu.memory_space<vmem>> -> memref<128xi32, #tpu.memory_space<vmem>>
        %dma_wait3A_48 = arith.constant 0 : i32
        %dma_wait3A_49 = tpu.memref_slice %arg15[%dma_wait3A_48] : memref<10240xf32, #tpu.memory_space<vmem_shared>> -> memref<10240xf32, #tpu.memory_space<vmem_shared>>
        tpu.wait_indirect_dma semaphore(%run_scoped3A_35 : memref<!tpu.dma_semaphore, #tpu.memory_space<semaphore_mem>>) src(%dma_wait3A_44 : memref<128xf32, #tpu.memory_space<vmem>>) dst(%dma_wait3A_49 : memref<10240xf32, #tpu.memory_space<vmem_shared>>)
        tpu.yield
      }) : () -> ()
    }
    %barrier3A_29 = arith.constant 0 : index
    tpu.barrier barrier_id(%barrier3A_29)
    %mul3A_30 = arith.constant 640 : i32
    %mul3A_31 = arith.muli %arg1, %mul3A_30 : i32
    "tpu.region"() ({
      %run_scoped3A = tpu.sem_alloc : memref<!tpu.dma_semaphore, #tpu.memory_space<semaphore_mem>>
      %dma_start3A = tpu.memref_slice %arg6[%arg0, %mul3A_31] : memref<2x10240xf32, #tpu.memory_space<hbm>> -> memref<1x640xf32, #tpu.memory_space<hbm>>
      %dma_start3A_32 = tpu.memref_squeeze %dma_start3A : memref<1x640xf32, #tpu.memory_space<hbm>> -> memref<640xf32, #tpu.memory_space<hbm>>
      %dma_start3A_33 = tpu.memref_slice %arg13[%mul3A_31] : memref<10240xf32, #tpu.memory_space<vmem_shared>> -> memref<640xf32, #tpu.memory_space<vmem_shared>>
      tpu.enqueue_dma source(%dma_start3A_33 : memref<640xf32, #tpu.memory_space<vmem_shared>>) target(%dma_start3A_32 : memref<640xf32, #tpu.memory_space<hbm>>) target_semaphore(%run_scoped3A : memref<!tpu.dma_semaphore, #tpu.memory_space<semaphore_mem>>)
      %dma_wait3A = tpu.memref_slice %arg6[%arg0, %mul3A_31] : memref<2x10240xf32, #tpu.memory_space<hbm>> -> memref<1x640xf32, #tpu.memory_space<hbm>>
      %dma_wait3A_34 = tpu.memref_squeeze %dma_wait3A : memref<1x640xf32, #tpu.memory_space<hbm>> -> memref<640xf32, #tpu.memory_space<hbm>>
      %dma_wait3A_35 = tpu.memref_slice %arg13[%mul3A_31] : memref<10240xf32, #tpu.memory_space<vmem_shared>> -> memref<640xf32, #tpu.memory_space<vmem_shared>>
      tpu.wait_dma2 semaphore(%run_scoped3A : memref<!tpu.dma_semaphore, #tpu.memory_space<semaphore_mem>>) src(%dma_wait3A_35 : memref<640xf32, #tpu.memory_space<vmem_shared>>) dst(%dma_wait3A_34 : memref<640xf32, #tpu.memory_space<hbm>>)
      tpu.yield
    }) : () -> ()
    "tpu.region"() ({
      %run_scoped3A = tpu.sem_alloc : memref<!tpu.dma_semaphore, #tpu.memory_space<semaphore_mem>>
      %dma_start3A = tpu.memref_slice %arg7[%arg0, %mul3A_31] : memref<2x10240xf32, #tpu.memory_space<hbm>> -> memref<1x640xf32, #tpu.memory_space<hbm>>
      %dma_start3A_32 = tpu.memref_squeeze %dma_start3A : memref<1x640xf32, #tpu.memory_space<hbm>> -> memref<640xf32, #tpu.memory_space<hbm>>
      %dma_start3A_33 = tpu.memref_slice %arg14[%mul3A_31] : memref<10240xf32, #tpu.memory_space<vmem_shared>> -> memref<640xf32, #tpu.memory_space<vmem_shared>>
      tpu.enqueue_dma source(%dma_start3A_33 : memref<640xf32, #tpu.memory_space<vmem_shared>>) target(%dma_start3A_32 : memref<640xf32, #tpu.memory_space<hbm>>) target_semaphore(%run_scoped3A : memref<!tpu.dma_semaphore, #tpu.memory_space<semaphore_mem>>)
      %dma_wait3A = tpu.memref_slice %arg7[%arg0, %mul3A_31] : memref<2x10240xf32, #tpu.memory_space<hbm>> -> memref<1x640xf32, #tpu.memory_space<hbm>>
      %dma_wait3A_34 = tpu.memref_squeeze %dma_wait3A : memref<1x640xf32, #tpu.memory_space<hbm>> -> memref<640xf32, #tpu.memory_space<hbm>>
      %dma_wait3A_35 = tpu.memref_slice %arg14[%mul3A_31] : memref<10240xf32, #tpu.memory_space<vmem_shared>> -> memref<640xf32, #tpu.memory_space<vmem_shared>>
      tpu.wait_dma2 semaphore(%run_scoped3A : memref<!tpu.dma_semaphore, #tpu.memory_space<semaphore_mem>>) src(%dma_wait3A_35 : memref<640xf32, #tpu.memory_space<vmem_shared>>) dst(%dma_wait3A_34 : memref<640xf32, #tpu.memory_space<hbm>>)
      tpu.yield
    }) : () -> ()
    "tpu.region"() ({
      %run_scoped3A = tpu.sem_alloc : memref<!tpu.dma_semaphore, #tpu.memory_space<semaphore_mem>>
      %dma_start3A = tpu.memref_slice %arg8[%arg0, %mul3A_31] : memref<2x10240xf32, #tpu.memory_space<hbm>> -> memref<1x640xf32, #tpu.memory_space<hbm>>
      %dma_start3A_32 = tpu.memref_squeeze %dma_start3A : memref<1x640xf32, #tpu.memory_space<hbm>> -> memref<640xf32, #tpu.memory_space<hbm>>
      %dma_start3A_33 = tpu.memref_slice %arg15[%mul3A_31] : memref<10240xf32, #tpu.memory_space<vmem_shared>> -> memref<640xf32, #tpu.memory_space<vmem_shared>>
      tpu.enqueue_dma source(%dma_start3A_33 : memref<640xf32, #tpu.memory_space<vmem_shared>>) target(%dma_start3A_32 : memref<640xf32, #tpu.memory_space<hbm>>) target_semaphore(%run_scoped3A : memref<!tpu.dma_semaphore, #tpu.memory_space<semaphore_mem>>)
      %dma_wait3A = tpu.memref_slice %arg8[%arg0, %mul3A_31] : memref<2x10240xf32, #tpu.memory_space<hbm>> -> memref<1x640xf32, #tpu.memory_space<hbm>>
      %dma_wait3A_34 = tpu.memref_squeeze %dma_wait3A : memref<1x640xf32, #tpu.memory_space<hbm>> -> memref<640xf32, #tpu.memory_space<hbm>>
      %dma_wait3A_35 = tpu.memref_slice %arg15[%mul3A_31] : memref<10240xf32, #tpu.memory_space<vmem_shared>> -> memref<640xf32, #tpu.memory_space<vmem_shared>>
      tpu.wait_dma2 semaphore(%run_scoped3A : memref<!tpu.dma_semaphore, #tpu.memory_space<semaphore_mem>>) src(%dma_wait3A_35 : memref<640xf32, #tpu.memory_space<vmem_shared>>) dst(%dma_wait3A_34 : memref<640xf32, #tpu.memory_space<hbm>>)
      tpu.yield
    }) : () -> ()
    return
  }
}

module attributes {stable_mosaic.version = 14 : i64} {
  func.func @_edge_proj_kernel(%arg0: i32, %arg1: memref<1000x128xf32, #tpu.memory_space<vmem>>, %arg2: memref<2x128xf32, #tpu.memory_space<vmem>>, %arg3: memref<128x32xf32, #tpu.memory_space<vmem>>, %arg4: memref<1000x32xf32, #tpu.memory_space<vmem>>, %arg5: memref<1000x32xf32, #tpu.memory_space<vmem>>) attributes {dimension_semantics = [#tpu.dimension_semantics<arbitrary>], iteration_bounds = array<i64: 10>, scalar_prefetch = 0 : i64, scratch_operands = 0 : i64, tpu.core_type = #tpu.core_type<tc>, window_params = [{transform_indices = @transform_0, window_bounds = array<i64: 1000, 128>}, {pipeline_mode = #tpu.pipeline_mode<synchronous>, transform_indices = @transform_1, window_bounds = array<i64: 2, 128>}, {pipeline_mode = #tpu.pipeline_mode<synchronous>, transform_indices = @transform_2, window_bounds = array<i64: 128, 32>}, {transform_indices = @transform_3, window_bounds = array<i64: 1000, 32>}, {transform_indices = @transform_4, window_bounds = array<i64: 1000, 32>}]} {
    %get3A = arith.constant 0 : index
    %get3A_0 = arith.constant 0 : index
    %get3A_1 = vector.load %arg1[%get3A, %get3A_0] : memref<1000x128xf32, #tpu.memory_space<vmem>>, vector<1000x128xf32>
    %get3A_2 = arith.constant 0 : index
    %get3A_3 = arith.constant 0 : index
    %get3A_4 = vector.load %arg2[%get3A_2, %get3A_3] : memref<2x128xf32, #tpu.memory_space<vmem>>, vector<1x128xf32>
    %mul3A = vector.broadcast %get3A_4 : vector<1x128xf32> to vector<1000x128xf32>
    %mul3A_5 = arith.mulf %get3A_1, %mul3A : vector<1000x128xf32>
    %get3A_6 = arith.constant 0 : index
    %get3A_7 = arith.constant 0 : index
    %get3A_8 = vector.load %arg3[%get3A_6, %get3A_7] : memref<128x32xf32, #tpu.memory_space<vmem>>, vector<128x32xf32>
    %dot_general3A = arith.constant dense<0.000000e+00> : vector<1000x32xf32>
    %dot_general3A_9 = tpu.matmul %mul3A_5, %get3A_8, %dot_general3A {dimension_numbers = #tpu.dot_dimension_numbers<[1], [0], [0], [1], [0, 0, 1, 1], [], []>, precision = #tpu.contract_precision<fp32>, transpose_lhs_hint = false} : vector<1000x128xf32>, vector<128x32xf32>, vector<1000x32xf32> -> vector<1000x32xf32>
    %swap3A = arith.constant 0 : index
    %swap3A_10 = arith.constant 0 : index
    %swap3A_11 = vector.load %arg4[%swap3A, %swap3A_10] : memref<1000x32xf32, #tpu.memory_space<vmem>>, vector<1000x32xf32>
    tpu.vector_store %arg4[%swap3A, %swap3A_10], %dot_general3A_9 {strides = array<i32>} : memref<1000x32xf32, #tpu.memory_space<vmem>>, vector<1000x32xf32>,
    %get3A_12 = arith.constant 0 : index
    %get3A_13 = arith.constant 0 : index
    %get3A_14 = vector.load %arg1[%get3A_12, %get3A_13] : memref<1000x128xf32, #tpu.memory_space<vmem>>, vector<1000x128xf32>
    %get3A_15 = arith.constant 1 : index
    %get3A_16 = arith.constant 0 : index
    %get3A_17 = vector.load %arg2[%get3A_15, %get3A_16] : memref<2x128xf32, #tpu.memory_space<vmem>>, vector<1x128xf32>
    %mul3A_18 = vector.broadcast %get3A_17 : vector<1x128xf32> to vector<1000x128xf32>
    %mul3A_19 = arith.mulf %get3A_14, %mul3A_18 : vector<1000x128xf32>
    %get3A_20 = arith.constant 0 : index
    %get3A_21 = arith.constant 0 : index
    %get3A_22 = vector.load %arg3[%get3A_20, %get3A_21] : memref<128x32xf32, #tpu.memory_space<vmem>>, vector<128x32xf32>
    %dot_general3A_23 = arith.constant dense<0.000000e+00> : vector<1000x32xf32>
    %dot_general3A_24 = tpu.matmul %mul3A_19, %get3A_22, %dot_general3A_23 {dimension_numbers = #tpu.dot_dimension_numbers<[1], [0], [0], [1], [0, 0, 1, 1], [], []>, precision = #tpu.contract_precision<fp32>, transpose_lhs_hint = false} : vector<1000x128xf32>, vector<128x32xf32>, vector<1000x32xf32> -> vector<1000x32xf32>
    %swap3A_25 = arith.constant 0 : index
    %swap3A_26 = arith.constant 0 : index
    %swap3A_27 = vector.load %arg5[%swap3A_25, %swap3A_26] : memref<1000x32xf32, #tpu.memory_space<vmem>>, vector<1000x32xf32>
    tpu.vector_store %arg5[%swap3A_25, %swap3A_26], %dot_general3A_24 {strides = array<i32>} : memref<1000x32xf32, #tpu.memory_space<vmem>>, vector<1000x32xf32>,
    return
  }
  func.func @transform_0(%arg0: i32) -> (i32, i32) {
    %c0_i32 = arith.constant 0 : i32
    %c0_i32_0 = arith.constant 0 : i32
    return %arg0, %c0_i32 : i32, i32
  }
  func.func @transform_1(%arg0: i32) -> (i32, i32) {
    %c0_i32 = arith.constant 0 : i32
    %c0_i32_0 = arith.constant 0 : i32
    %c0_i32_1 = arith.constant 0 : i32
    return %c0_i32, %c0_i32_0 : i32, i32
  }
  func.func @transform_2(%arg0: i32) -> (i32, i32) {
    %c0_i32 = arith.constant 0 : i32
    %c0_i32_0 = arith.constant 0 : i32
    %c0_i32_1 = arith.constant 0 : i32
    return %c0_i32, %c0_i32_0 : i32, i32
  }
  func.func @transform_3(%arg0: i32) -> (i32, i32) {
    %c0_i32 = arith.constant 0 : i32
    %c0_i32_0 = arith.constant 0 : i32
    return %arg0, %c0_i32 : i32, i32
  }
  func.func @transform_4(%arg0: i32) -> (i32, i32) {
    %c0_i32 = arith.constant 0 : i32
    %c0_i32_0 = arith.constant 0 : i32
    return %arg0, %c0_i32 : i32, i32
  }
}

module attributes {stable_mosaic.version = 14 : i64} {
  func.func @_matmul_kernel(%arg0: i32, %arg1: memref<1000x128xf32, #tpu.memory_space<vmem>>, %arg2: memref<128x32xf32, #tpu.memory_space<vmem>>, %arg3: memref<1000x32xf32, #tpu.memory_space<vmem>>) attributes {dimension_semantics = [#tpu.dimension_semantics<arbitrary>], iteration_bounds = array<i64: 10>, scalar_prefetch = 0 : i64, scratch_operands = 0 : i64, tpu.core_type = #tpu.core_type<tc>, window_params = [{transform_indices = @transform_0, window_bounds = array<i64: 1000, 128>}, {pipeline_mode = #tpu.pipeline_mode<synchronous>, transform_indices = @transform_1, window_bounds = array<i64: 128, 32>}, {transform_indices = @transform_2, window_bounds = array<i64: 1000, 32>}]} {
    %get3A = arith.constant 0 : index
    %get3A_0 = arith.constant 0 : index
    %get3A_1 = vector.load %arg1[%get3A, %get3A_0] : memref<1000x128xf32, #tpu.memory_space<vmem>>, vector<1000x128xf32>
    %get3A_2 = arith.constant 0 : index
    %get3A_3 = arith.constant 0 : index
    %get3A_4 = vector.load %arg2[%get3A_2, %get3A_3] : memref<128x32xf32, #tpu.memory_space<vmem>>, vector<128x32xf32>
    %dot_general3A = arith.constant dense<0.000000e+00> : vector<1000x32xf32>
    %dot_general3A_5 = tpu.matmul %get3A_1, %get3A_4, %dot_general3A {dimension_numbers = #tpu.dot_dimension_numbers<[1], [0], [0], [1], [0, 0, 1, 1], [], []>, transpose_lhs_hint = false} : vector<1000x128xf32>, vector<128x32xf32>, vector<1000x32xf32> -> vector<1000x32xf32>
    %swap3A = arith.constant 0 : index
    %swap3A_6 = arith.constant 0 : index
    %swap3A_7 = vector.load %arg3[%swap3A, %swap3A_6] : memref<1000x32xf32, #tpu.memory_space<vmem>>, vector<1000x32xf32>
    tpu.vector_store %arg3[%swap3A, %swap3A_6], %dot_general3A_5 {strides = array<i32>} : memref<1000x32xf32, #tpu.memory_space<vmem>>, vector<1000x32xf32>,
    return
  }
  func.func @transform_0(%arg0: i32) -> (i32, i32) {
    %c0_i32 = arith.constant 0 : i32
    %c0_i32_0 = arith.constant 0 : i32
    return %arg0, %c0_i32 : i32, i32
  }
  func.func @transform_1(%arg0: i32) -> (i32, i32) {
    %c0_i32 = arith.constant 0 : i32
    %c0_i32_0 = arith.constant 0 : i32
    %c0_i32_1 = arith.constant 0 : i32
    return %c0_i32, %c0_i32_0 : i32, i32
  }
  func.func @transform_2(%arg0: i32) -> (i32, i32) {
    %c0_i32 = arith.constant 0 : i32
    %c0_i32_0 = arith.constant 0 : i32
    return %arg0, %c0_i32 : i32, i32
  }
}

module attributes {stable_mosaic.version = 14 : i64} {
  func.func @_matmul_kernel(%arg0: i32, %arg1: memref<1000x32xf32, #tpu.memory_space<vmem>>, %arg2: memref<32x32xf32, #tpu.memory_space<vmem>>, %arg3: memref<1000x32xf32, #tpu.memory_space<vmem>>) attributes {dimension_semantics = [#tpu.dimension_semantics<arbitrary>], iteration_bounds = array<i64: 10>, scalar_prefetch = 0 : i64, scratch_operands = 0 : i64, tpu.core_type = #tpu.core_type<tc>, window_params = [{transform_indices = @transform_0, window_bounds = array<i64: 1000, 32>}, {pipeline_mode = #tpu.pipeline_mode<synchronous>, transform_indices = @transform_1, window_bounds = array<i64: 32, 32>}, {transform_indices = @transform_2, window_bounds = array<i64: 1000, 32>}]} {
    %get3A = arith.constant 0 : index
    %get3A_0 = arith.constant 0 : index
    %get3A_1 = vector.load %arg1[%get3A, %get3A_0] : memref<1000x32xf32, #tpu.memory_space<vmem>>, vector<1000x32xf32>
    %get3A_2 = arith.constant 0 : index
    %get3A_3 = arith.constant 0 : index
    %get3A_4 = vector.load %arg2[%get3A_2, %get3A_3] : memref<32x32xf32, #tpu.memory_space<vmem>>, vector<32x32xf32>
    %dot_general3A = arith.constant dense<0.000000e+00> : vector<1000x32xf32>
    %dot_general3A_5 = tpu.matmul %get3A_1, %get3A_4, %dot_general3A {dimension_numbers = #tpu.dot_dimension_numbers<[1], [0], [0], [1], [0, 0, 1, 1], [], []>, transpose_lhs_hint = false} : vector<1000x32xf32>, vector<32x32xf32>, vector<1000x32xf32> -> vector<1000x32xf32>
    %swap3A = arith.constant 0 : index
    %swap3A_6 = arith.constant 0 : index
    %swap3A_7 = vector.load %arg3[%swap3A, %swap3A_6] : memref<1000x32xf32, #tpu.memory_space<vmem>>, vector<1000x32xf32>
    tpu.vector_store %arg3[%swap3A, %swap3A_6], %dot_general3A_5 {strides = array<i32>} : memref<1000x32xf32, #tpu.memory_space<vmem>>, vector<1000x32xf32>,
    return
  }
  func.func @transform_0(%arg0: i32) -> (i32, i32) {
    %c0_i32 = arith.constant 0 : i32
    %c0_i32_0 = arith.constant 0 : i32
    return %arg0, %c0_i32 : i32, i32
  }
  func.func @transform_1(%arg0: i32) -> (i32, i32) {
    %c0_i32 = arith.constant 0 : i32
    %c0_i32_0 = arith.constant 0 : i32
    %c0_i32_1 = arith.constant 0 : i32
    return %c0_i32, %c0_i32_0 : i32, i32
  }
  func.func @transform_2(%arg0: i32) -> (i32, i32) {
    %c0_i32 = arith.constant 0 : i32
    %c0_i32_0 = arith.constant 0 : i32
    return %arg0, %c0_i32 : i32, i32
  }
}

</mosaic_0001>

<sc_bundles>
// kernel: kernel.11.cloned.1.call-start
scs
__scs_entry_jumppad:
0x0: {  	(pc) =	sbr.rel $0x88, $3  }
0x1: {  	(tag) =	ssettag $0x0;
	lr =	simm.s32 $0x1  }
0x2: {  	[smem:$0x3F90] =	sst lr;
	_ =	strace $0xD0000000  }
0x3: {  	_ = 	snop  }
0x4: {  	_ = 	snop  }
0x5: {  	_ = 	snop  }
0x6: {  	_ = 	snop  }
0x7: {  	_ = 	snop  }
__scs_overlays_trampoline_lowered:
0x8: {  	[smem:$0x3F9F] =	sst s0  }
0x9: {  	[smem:$0x3FA0] =	sst s1  }
0xa: {  	[smem:$0x3FA1] =	sst s2  }
0xb: {  	[smem:$0x3FA2] =	sst s3  }
0xc: {  	[smem:$0x3FA3] =	sst s4  }
0xd: {  	[smem:$0x3FA4] =	sst s5  }
0xe: {  	[smem:$0x3FA5] =	sst s6  }
0xf: {  	[smem:$0x3FA6] =	sst s7  }
0x10: {  	[smem:$0x3FA7] =	sst s8  }
0x11: {  	[smem:$0x3FA8] =	sst s9;
	s0 =	simm.s32 @!p0 $0x0  }
0x12: {  	s1 =	sld [smem:$0x3F8E];
	s0 =	simm.s32 @p0 $0x1  }
0x13: {  	[smem:$0x3FA9] =	sst s0;
	s0 =	simm.s32 @!p1 $0x0  }
0x14: {  	s2 =	sld [smem:$0x3F8D];
	s0 =	simm.s32 @p1 $0x1  }
0x15: {  	[smem:$0x3FAA] =	sst s0;
	s0 =	simm.s32 @!p2 $0x0  }
0x16: {  	s3 =	sld [smem:$0x3FDB];
	s0 =	simm.s32 @p2 $0x1  }
0x17: {  	s4 =	simm.s32 $0x1BF5;
	[smem:$0x3FAC] =	sst s0  }
0x18: {  	s0 =	sld [smem:$0x3F8F];
	_ =	swait.ge [sflag:s4], $0x0  }
0x19: {  	s7 =	sld [smem:$0x3F90]  }
0x1a: {  	s8 =	sadd.s32 $0xFFFFE003, lr  }
0x1b: {  	s9 =	sadd.s32 $0xFFFFFEF7, lr;
	s5 =	simm.s32 $0xFFFFFFFF;
	p2 =	slt.u32 s8, $0xFFFFF086  }
0x1c: {  	p1 =	slt.u32 s9, $0xF7A;
	s5 =	simm.s32 @!p2 $0x0  }
0x1d: {  	s5 =	simm.s32 @p1 $0x1;
	p0 =	seq.s32 s7, s2  }
0x1e: {  	s7 =	smul.u32 @!p0 $0xF7A, s2;
	p2 =	seq.s32 @!p0 s5, $0x0  }
0x1f: {  	s9 =	smul.u32 $0xF7A, s1;
	s8 =	simm.s32 @!p0 $0x1BF5;
	p2 =	por !p2, p0  }
0x20: {  	[sflag:s8] =	ssyncset.s32 @!p0 $0xFFFFF086;
	s6 =	sadd.s32 @!p0 s3, s7;
	s7 =	simm.s32 @!p0 $0x108  }
0x21: {  	s3 =	sadd.s32 s3, s9;
	s6 =	sadd.s32 @!p0 $0x88, s6;
	s7 =	simm.s32 @p2 $0x1082  }
0x22: {  	[simem:s7], [sflag:s8] =	dma.local @!p0 [hbm:s6], $0xF7A  }
0x23: {  	s9 =	sor.u32 $0xD0000000, s2;
	s6 =	simm.s32 $0x108;
	_ =	swait.ge @!p0 [sflag:s8], $0x0  }
0x24: {  	s3 =	sadd.s32 $0x88, s3;
	s6 =	simm.s32 @!p1 $0x1082;
	[sflag:s4] =	ssyncset.s32 $0xFFFFF086  }
0x25: {  	[simem:s6], [sflag:s4] =	dma.local [hbm:s3], $0xF7A  }
0x26: {  	[smem:$0x3F90] =	sst s1;
	(tag) =	ssettag s2;
	_ =	strace s9  }
0x27: {  	s1 =	sld [smem:$0x3FA0]  }
0x28: {  	s2 =	sld [smem:$0x3FA1]  }
0x29: {  	s4 =	sld [smem:$0x3FA3]  }
0x2a: {  	p0 =	seq.s32 s5, $0x0;
	s5 =	sld [smem:$0x3FA4]  }
0x2b: {  	s6 =	sld [smem:$0x3FA5]  }
0x2c: {  	s7 =	sld [smem:$0x3FA6]  }
0x2d: {  	s3 =	simm.s32 $0x108;
	s8 =	sld [smem:$0x3FA7]  }
0x2e: {  	s3 =	simm.s32 @!p0 $0x1082;
	s9 =	sld [smem:$0x3FA8]  }
0x2f: {  	lr =	sadd.s32 s0, s3;
	s0 =	sld [smem:$0x3F9F]  }
0x30: {  	s3 =	sld [smem:$0x3FA2]  }
0x31: {  	[smem:$0x3FAB] =	sst s10  }
0x32: {  	s10 =	sld [smem:$0x3FA9];
	_ =	sdelay $0x3  }
0x33: {  	p0 =	seq.s32 s10, $0x1;
	s10 =	sld [smem:$0x3FAB];
	_ =	sdelay $0x3  }
0x34: {  	[smem:$0x3FAB] =	sst s10  }
0x35: {  	s10 =	sld [smem:$0x3FAA];
	_ =	sdelay $0x3  }
0x36: {  	p1 =	seq.s32 s10, $0x1;
	s10 =	sld [smem:$0x3FAB];
	_ =	sdelay $0x3  }
0x37: {  	[smem:$0x3FAB] =	sst s10  }
0x38: {  	s10 =	sld [smem:$0x3FAC]  }
0x39: {  	_ = 	snop;
	(pc) =	sbr.ind lr, $3  }
0x3a: {  	_ = 	snop  }
0x3b: {  	_ = 	snop  }
0x3c: {  	p2 =	seq.s32 s10, $0x1;
	s10 =	sld [smem:$0x3FAB]  }
0x3d: {  	_ =	shalt  }
0x3e: {  	_ =	shalt  }
0x3f: {  	_ =	shalt  }
0x40: {  	_ =	shalt  }
0x41: {  	_ =	shalt  }
0x42: {  	_ =	shalt  }
0x43: {  	_ =	shalt  }
0x44: {  	_ =	shalt  }
0x45: {  	_ =	shalt  }
0x46: {  	_ =	shalt  }
0x47: {  	_ =	shalt  }
0x48: {  	_ =	shalt  }
0x49: {  	_ =	shalt  }
0x4a: {  	_ =	shalt  }
0x4b: {  	_ =	shalt  }
0x4c: {  	_ =	shalt  }
0x4d: {  	_ =	shalt  }
0x4e: {  	_ =	shalt  }
0x4f: {  	_ =	shalt  }
0x50: {  	_ =	shalt  }
0x51: {  	_ =	shalt  }
0x52: {  	_ =	shalt  }
0x53: {  	_ =	shalt  }
0x54: {  	_ =	shalt  }
0x55: {  	_ =	shalt  }
0x56: {  	_ =	shalt  }
0x57: {  	_ =	shalt  }
0x58: {  	_ =	shalt  }
0x59: {  	_ =	shalt  }
0x5a: {  	_ =	shalt  }
0x5b: {  	_ =	shalt  }
0x5c: {  	_ =	shalt  }
0x5d: {  	_ =	shalt  }
0x5e: {  	_ =	shalt  }
0x5f: {  	_ =	shalt  }
0x60: {  	_ =	shalt  }
0x61: {  	_ =	shalt  }
0x62: {  	_ =	shalt  }
0x63: {  	_ =	shalt  }
0x64: {  	_ =	shalt  }
0x65: {  	_ =	shalt  }
0x66: {  	_ =	shalt  }
0x67: {  	_ =	shalt  }
0x68: {  	_ =	shalt  }
0x69: {  	_ =	shalt  }
0x6a: {  	_ =	shalt  }
0x6b: {  	_ =	shalt  }
0x6c: {  	_ =	shalt  }
0x6d: {  	_ =	shalt  }
0x6e: {  	_ =	shalt  }
0x6f: {  	_ =	shalt  }
0x70: {  	_ =	shalt  }
0x71: {  	_ =	shalt  }
0x72: {  	_ =	shalt  }
0x73: {  	_ =	shalt  }
0x74: {  	_ =	shalt  }
0x75: {  	_ =	shalt  }
0x76: {  	_ =	shalt  }
0x77: {  	_ =	shalt  }
0x78: {  	_ =	shalt  }
0x79: {  	_ =	shalt  }
0x7a: {  	_ =	shalt  }
0x7b: {  	_ =	shalt  }
0x7c: {  	_ =	shalt  }
0x7d: {  	_ =	shalt  }
0x7e: {  	_ =	shalt  }
0x7f: {  	_ =	shalt  }
0x80: {  	_ =	shalt  }
0x81: {  	_ =	shalt  }
0x82: {  	_ =	shalt  }
0x83: {  	_ =	shalt  }
0x84: {  	_ =	shalt  }
0x85: {  	_ =	shalt  }
0x86: {  	_ =	shalt  }
0x87: {  	_ =	shalt  }
.Lfunc_end0:
.L_simem_size_0:
called_computation.1_lowered:
.L_overlay_start_0:
0x88: {  	s2 =	sld [smem:$0x3FD9]  }
0x89: {  	s3 =	sld [smem:$0x3FFE];
	_ =	sdelay $0x1  }
0x8a: {  	s1 =	srdreg.scid  }
0x8b: {  	s0 =	sand.u32 $0x1, s1  }
0x8c: {  	s17 =	sshll.u32 s0, $0xA;
	s2 =	sadd.s32 s3, s2  }
0x8d: {  	s2 =	sadd.s32 s2, s17  }
0x8e: {  	[smem:$0x3FB7] =	sst s2  }
0x8f: {  	_ = 	snop  }
0x90: {  	s2 =	sld [smem:$0x3FD0];
	(tm) =	ssettm $0x1  }
0x91: {  	s18 =	sld [smem:$0x3FFB];
	_ =	sdelay $0x3  }
0x92: {  	_ =	strace s18  }
0x93: {  	s3 =	sld [smem:$0x3FFC];
	_ =	sdelay $0x3  }
0x94: {  	_ =	strace s3  }
0x95: {  	s3 =	sld [smem:$0x3FFD];
	_ =	sdelay $0x3  }
0x96: {  	_ =	strace s3  }
0x97: {  	_ =	strace $0x8FFFFFFF  }
0x98: {  	s19 =	sld [smem:$0x3FDB];
	_ =	sdelay $0x1  }
0x99: {  	s4 =	simm.s32 $_scs_section_size  }
0x9a: {  	s5 =	simm.s32 $_size__tile_overlayer_lowered;
	s6 =	simm.s32 $_tile_overlayer_lowered  }
0x9b: {  	s22 =	simm.s32 $0x1BFF;
	s21 =	sshll.u32 s6, $0x1;
	s3 =	sadd.s32 s4, s19  }
0x9c: {  	s7 =	simm.s32 $0x0;
	s20 =	sshll.u32 s5, $0x1;
	s5 =	sadd.s32 s21, s3  }
0x9d: {  	[timem:s7], [sflag:s22] =	dma.local [hbm:s5], s20  }
0x9e: {  	_ =	swait.ge [sflag:s22], s20  }
0x9f: {  	s4 =	ssub.s32 $0x0, s20;
	[sflag:s22] =	ssyncset.done $0x0  }
0xa0: {  	[sflag:s22] =	ssyncadd.s32 s4;
	_ =	sdelay $0x1  }
0xa1: {  	s23 =	simm.s32 $0x1B8B  }
0xa2: {  	_ =	swait.ge [sflag:s23], $0x1  }
0xa3: {  	[sflag:s23] =	ssyncset.done $0x0  }
0xa4: {  	s25 =	simm.s32 $0x1B8E;
	s24 =	sld [smem:$0x3FFE];
	[sflag:s23] =	ssyncadd.s32 $0xFFFFFFFF  }
0xa5: {  	s26 =	simm.s32 $execute0_lowered;
	[smem:$0x3FD2] =	sst s25  }
0xa6: {  	s5 =	sshll.u32 s26, $0x1;
	_ =	strace $0x80000046;
	[dreg:$0x1] =	wrdreg $0xFFFFFFFF  }
0xa7: {  	s28 =	simm.s32 $_size_execute0_lowered;
	s3 =	sadd.s32 s3, s5;
	[dreg:$0x0] =	wrdreg $0x0  }
0xa8: {  	s5 =	sshll.u32 s28, $0x1;
	[dreg:$0x2] =	wrdreg s3  }
0xa9: {  	[dreg:$0x3] =	wrdreg s5  }
0xaa: {  	[dreg:$0x4] =	wrdreg $0xC0  }
0xab: {  	_ =	task [dreg:s7], $0x5FFFF  }
0xac: {  	[dreg:$0x1] =	wrdreg $0xFFFFFFFF  }
0xad: {  	[dreg:$0x0] =	wrdreg $0x60  }
0xae: {  	[dreg:$0x2] =	wrdreg s24  }
0xaf: {  	[dreg:$0x3] =	wrdreg s2  }
0xb0: {  	[dreg:$0x4] =	wrdreg $0x15C400  }
0xb1: {  	[dreg:$0x5] =	wrdreg $0x1AA600  }
0xb2: {  	[dreg:$0x6] =	wrdreg $0xA  }
0xb3: {  	_ =	task.clear_ibuf [dreg:s7], $0x7FFFF;
	_ =	strace $0x90000046  }
0xb4: {  	s29 =	simm.s32 $0xA;
	_ =	strace $0x80000048  }
0xb5: {  	_ =	swait.ge [sflag:s29], $0x1  }
0xb6: {  	[sflag:s29] =	ssyncadd.s32 $0xFFFFFFFF  }
0xb7: {  	_ =	strace $0x90000048  }
0xb8: {  	_ =	sfence  }
0xb9: {  	s30 =	sld [smem:$0x0];
	_ =	sdelay $0x2  }
0xba: {  	s31 =	sshll.u32 s1, $0xD;
	s1 =	sshrl.u32 s1, $0x2  }
0xbb: {  	s3 =	sand.u32 $0x4000, s31;
	s1 =	sadd.s32 s1, s30  }
0xbc: {  	s0 =	sor.u32 s3, s0;
	s1 =	sshll.u32 s1, $0x11  }
0xbd: {  	s0 =	sor.u32 s1, s0  }
0xbe: {  	s0 =	sadd.s32 $0x8F2B, s0  }
0xbf: {  	[sflag:s0] =	ssyncadd.remote.s32 $0x1  }
0xc0: {  	_ =	sfence.sel $0xFFFF  }
0xc1: {  	[dreg:$0x0] =	wrdreg $0xFFFFFFFF;
	(pc) =	sbr.abs _section_cstart, $3  }
0xc2: {  	[dreg:$0x1] =	wrdreg $0xFFFFFFFF  }
0xc3: {  	_ =	task.clear_ibuf [dreg:s7], $0x2FFFF;
	_ =	strace $0x9FFFFFFF  }
0xc4: {  	(tm) =	ssettm $0x7FFFFFFF  }
0xc5: {  	_ =	shalt  }
tec
execute0_lowered:
.L_overlay_start_1:
0x0: {  	(tag) =	ssettag $0x1  }
0x1: {  	s0 =	rddreg [dreg:$0x0]  }
0x2: {  	s3 =	rddreg [dreg:$0x2]  }
0x3: {  	s4 =	rddreg [dreg:$0x3]  }
0x4: {  	s1 =	srdreg.scid;
	s13 =	stileid.u32  }
0x5: {  	s5 =	simm.s32 $0x0;
	s12 =	simm.s32 $0x14;
	s29 =	simm.s32 $0xA000  }
0x6: {  	s30 =	simm.s32 $0xC710;
	s31 =	simm.s32 $0xEE20;
	s28 =	simm.s32 $0x1  }
0x7: {  	s1 =	sand.u32 $0x1, s1;
	s2 =	smul.u32 $0x4E20, s13;
	[smem:$0x7FF] =	sst s5  }
0x8: {  	s7 =	sadd.s32 $0x1EE00, s0;
	s14 =	sadd.s32 $0x1F400, s0;
	s15 =	sadd.s32 $0x1E800, s0  }
0x9: {  	s16 =	smul.u32 $0x280, s13;
	_ =	strace $0x80000047;
	[dreg:$0x5] =	wrdreg s7  }
0xa: {  	s8 =	sadd.s32 $0x1E200, s0;
	s10 =	sadd.s32 $0x14200, s0;
	[dreg:$0x6] =	wrdreg s14  }
0xb: {  	s9 =	sadd.s32 $0x33A00, s0;
	s6 =	smul.u32 $0x4E200, s1;
	[dreg:$0x7] =	wrdreg s15  }
0xc: {  	s19 =	sshll.u32 s13, $0x6;
	[dreg:$0x8] =	wrdreg s8;
	s17 =	smul.u32 $0x2800, s1  }
0xd: {  	[dreg:$0x9] =	wrdreg s9;
	s18 =	ssub.s32 $0x2, s1;
	s1 =	sshll.u32 s1, $0x4  }
0xe: {  	s14 =	sor.u32 $0x1C03, s19;
	s7 =	simm.s32 $0x0;
	s11 =	sshrl.u32 s18, $0x1  }
0xf: {  	s1 =	sor.u32 s13, s1;
	s20 =	sadd.s32 s16, s4;
	s6 =	sadd.s32 s2, s6  }
0x10: {  	s8 =	sadd.s32 s16, s17;
	p0 =	seq.s32 s1, $0x1F;
	s1 =	smul.u32 $0x500, s1  }
0x11: {  	s9 =	ssub.s32 s18, s11;
	s2 =	sadd.s32 s2, s3;
	[dreg:$0xa] =	wrdreg s20  }
0x12: {  	s6 =	sshrl.u32 s6, $0x3;
	s8 =	sshrl.u32 s8, $0x3;
	s12 =	simm.s32 @!p0 $0x50  }
0x13: {  	s26 =	smax.u32 s9, $0x1;
	s6 =	sadd.s32 s6, s0;
	s13 =	sadd.s32 s0, s1  }
0x14: {  	s8 =	sadd.s32 s8, s0;
	[dreg:$0x10] =	wrdreg s26;
	s21 =	sadd.s32 $0xA000, s13  }
0x15: {  	s19 =	sshrl.u32 s12, $0x1;
	s22 =	sadd.s32 $0x1FA00, s13;
	[dreg:$0xb] =	wrdreg s21  }
0x16: {  	s26 =	simm.s32 $0x5000;
	s23 =	sadd.s32 $0x29A00, s13;
	[dreg:$0xc] =	wrdreg s22  }
0x17: {  	s0 =	simm.s32 $0x11530;
	s24 =	sadd.s32 $0x34400, s6;
	[dreg:$0xd] =	wrdreg s23  }
0x18: {  	s1 =	simm.s32 $0x13C40;
	s25 =	sadd.s32 $0x47E00, s8;
	[dreg:$0xe] =	wrdreg s24  }
0x19: {  	v0 =	vimm.s32 $0x0;
	vm0 =	vcmask $0x300;
	s6 =	simm.s32 $0x2;
	[dreg:$0xf] =	wrdreg s25;
	s23 =	sshrl.u32 s2, $0x3  }
0x1a: {  	v0 =	vsel vm0, $0x3, v0;
	s24 =	simm.s32 $0x3;
	s2 =	simm.s32 $0x80;
	s25 =	simm.s32 $0x14C40  }
.LBB2_1:
0x1b: {  	s8 =	rddreg [dreg:$0x9]  }
0x1c: {  	[spmem:s23], [sflag:s14] =	dma.local [hbm:s8], $0x9C4  }
0x1d: {  	_ =	swait.ge [sflag:s24], $0x9C4  }
0x1e: {  	[sflag:s24] =	ssyncset.done $0x0  }
0x1f: {  	s21 =	rddreg [dreg:$0xa];
	[sflag:s24] =	ssyncadd.s32 $0xFFFFF63C  }
0x20: {  	s8 =	sshrl.u32 s21, $0x3;
	s9 =	rddreg [dreg:$0x1]  }
0x21: {  	[spmem:s8], [sflag:s14] =	dma.local [hbm:s9], $0x50  }
0x22: {  	_ =	swait.ge [sflag:s24], $0x50  }
0x23: {  	[sflag:s24] =	ssyncset.done $0x0  }
0x24: {  	[sflag:s24] =	ssyncadd.s32 $0xFFFFFFB0  }
0x25: {  	[tilespmem:s5], [sflag:$0x3] =	stream.linear.gather [hbm4b:s13+s5], $0x2800, $0x38;
	[tilespmem:$0x1ACE0] =	vst v63  }
0x26: {  	_ =	swait.ge [sflag:s24], $0x2800  }
0x27: {  	[sflag:s24] =	ssyncset.done $0x0  }
0x28: {  	s11 =	simm.s32 $0x2800;
	s22 =	rddreg [dreg:$0xb];
	[sflag:s24] =	ssyncadd.s32 $0xFFFFD800  }
0x29: {  	[tilespmem:s11], [sflag:$0x3] =	stream.linear.gather [hbm4b:s22+s5], $0x2800, $0x38;
	[tilespmem:$0x1ACE0] =	vst v63  }
0x2a: {  	_ =	swait.ge [sflag:s24], $0x2800  }
0x2b: {  	[sflag:s24] =	ssyncset.done $0x0  }
0x2c: {  	s15 =	rddreg [dreg:$0xc];
	[sflag:s24] =	ssyncadd.s32 $0xFFFFD800  }
0x2d: {  	[tilespmem:s26], [sflag:$0x3] =	stream.linear.gather [hbm4b:s15+s5], $0x2800, $0x38;
	[tilespmem:$0x1ACE0] =	vst v63  }
0x2e: {  	_ =	swait.ge [sflag:s24], $0x2800  }
0x2f: {  	[sflag:s24] =	ssyncset.done $0x0  }
0x30: {  	s17 =	simm.s32 $0x7800;
	s16 =	rddreg [dreg:$0xd];
	[sflag:s24] =	ssyncadd.s32 $0xFFFFD800  }
0x31: {  	[tilespmem:s17], [sflag:$0x3] =	stream.linear.gather [hbm4b:s16+s5], $0x2800, $0x38;
	[tilespmem:$0x1ACE0] =	vst v63  }
0x32: {  	_ =	swait.ge [sflag:s24], $0x2800  }
0x33: {  	[sflag:s24] =	ssyncset.done $0x0  }
0x34: {  	s18 =	rddreg [dreg:$0x5];
	[sflag:s24] =	ssyncadd.s32 $0xFFFFD800  }
0x35: {  	[tilespmem:s29], [sflag:$0x3] =	stream.linear.gather [hbm4b:s18+s5], $0x2710, $0x38;
	[tilespmem:$0x1ACE0] =	vst v63  }
0x36: {  	_ =	swait.ge [sflag:s24], $0x2710  }
0x37: {  	[sflag:s24] =	ssyncset.done $0x0  }
0x38: {  	s20 =	rddreg [dreg:$0x6];
	[sflag:s24] =	ssyncadd.s32 $0xFFFFD8F0  }
0x39: {  	[tilespmem:s30], [sflag:$0x3] =	stream.linear.gather [hbm4b:s20+s5], $0x2710, $0x38;
	[tilespmem:$0x1ACE0] =	vst v63  }
0x3a: {  	_ =	swait.ge [sflag:s24], $0x2710  }
0x3b: {  	[sflag:s24] =	ssyncset.done $0x0  }
0x3c: {  	s21 =	rddreg [dreg:$0x7];
	[sflag:s24] =	ssyncadd.s32 $0xFFFFD8F0  }
0x3d: {  	[tilespmem:s31], [sflag:$0x3] =	stream.linear.gather [hbm4b:s21+s5], $0x2710, $0x38;
	[tilespmem:$0x1ACE0] =	vst v63  }
0x3e: {  	_ =	swait.ge [sflag:s24], $0x2710  }
0x3f: {  	[sflag:s24] =	ssyncset.done $0x0  }
0x40: {  	s22 =	rddreg [dreg:$0x8];
	[sflag:s24] =	ssyncadd.s32 $0xFFFFD8F0  }
0x41: {  	[tilespmem:s0], [sflag:$0x3] =	stream.linear.gather [hbm4b:s22+s5], $0x2710, $0x38;
	[tilespmem:$0x1ACE0] =	vst v63  }
0x42: {  	_ =	swait.ge [sflag:s24], $0x2710  }
0x43: {  	s9 =	simm.s32 $0x40;
	[sflag:s24] =	ssyncset.done $0x0  }
0x44: {  	s11 =	simm.s32 $0x2840;
	s15 =	simm.s32 $0x5040;
	[sflag:s24] =	ssyncadd.s32 $0xFFFFD8F0  }
0x45: {  	s16 =	simm.s32 $0x7840;
	s17 =	smov.u32 s12;
	[bflag:$0x0] =	sbarrier.arrive $0xFFFF  }
.LBB2_2:
0x46: {  	v1 =	vld [tilespmem:s9+$0xFFFFFFC0]  }
0x47: {  	v2 =	vld [tilespmem:s11+$0xFFFFFFC0];
	_ =	sdelay $0x6  }
0x48: {  	v3 =	vld.idx.msk [tilespmem:v1+s29+$0x0], $0xffff  }
0x49: {  	v4 =	vld.idx.msk [tilespmem:v2+s31+$0x0], $0xffff  }
0x4a: {  	v1 =	vld.idx.msk [tilespmem:v1+s30+$0x0], $0xffff  }
0x4b: {  	v2 =	vld.idx.msk [tilespmem:v2+s0+$0x0], $0xffff  }
0x4c: {  	v5 =	vld [tilespmem:s15+$0xFFFFFFC0]  }
0x4d: {  	v6 =	vld [tilespmem:s16+$0xFFFFFFC0];
	_ =	sdelay $0x2  }
0x4e: {  	v3 =	vmul.f32 v4, v3;
	v1 =	vmul.f32 v2, v1;
	_ =	sdelay $0x1  }
0x4f: {  	v2 =	vmul.f32 v5, v3;
	v1 =	vmul.f32 v6, v1;
	_ =	sdelay $0x1  }
0x50: {  	v1 =	vmax.f32 v2, v1  }
0x51: {  	[tilespmem:s15+$0xFFFFFFC0] =	vst v1  }
0x52: {  	v1 =	vld [tilespmem:s9+$0xFFFFFFD0]  }
0x53: {  	v2 =	vld [tilespmem:s11+$0xFFFFFFD0];
	_ =	sdelay $0x6  }
0x54: {  	v3 =	vld.idx.msk [tilespmem:v1+s29+$0x0], $0xffff  }
0x55: {  	v43 =	vld.idx.msk [tilespmem:v2+s31+$0x0], $0xffff  }
0x56: {  	v1 =	vld.idx.msk [tilespmem:v1+s30+$0x0], $0xffff  }
0x57: {  	v2 =	vld.idx.msk [tilespmem:v2+s0+$0x0], $0xffff  }
0x58: {  	v44 =	vld [tilespmem:s15+$0xFFFFFFD0]  }
0x59: {  	v45 =	vld [tilespmem:s16+$0xFFFFFFD0];
	_ =	sdelay $0x2  }
0x5a: {  	v3 =	vmul.f32 v43, v3;
	v1 =	vmul.f32 v2, v1;
	_ =	sdelay $0x1  }
0x5b: {  	v2 =	vmul.f32 v44, v3;
	v1 =	vmul.f32 v45, v1;
	_ =	sdelay $0x1  }
0x5c: {  	v1 =	vmax.f32 v2, v1  }
0x5d: {  	[tilespmem:s15+$0xFFFFFFD0] =	vst v1  }
0x5e: {  	v1 =	vld [tilespmem:s9+$0xFFFFFFE0]  }
0x5f: {  	v2 =	vld [tilespmem:s11+$0xFFFFFFE0];
	_ =	sdelay $0x6  }
0x60: {  	v3 =	vld.idx.msk [tilespmem:v1+s29+$0x0], $0xffff  }
0x61: {  	v46 =	vld.idx.msk [tilespmem:v2+s31+$0x0], $0xffff  }
0x62: {  	v1 =	vld.idx.msk [tilespmem:v1+s30+$0x0], $0xffff  }
0x63: {  	v2 =	vld.idx.msk [tilespmem:v2+s0+$0x0], $0xffff  }
0x64: {  	v47 =	vld [tilespmem:s15+$0xFFFFFFE0]  }
0x65: {  	v48 =	vld [tilespmem:s16+$0xFFFFFFE0];
	_ =	sdelay $0x2  }
0x66: {  	v3 =	vmul.f32 v46, v3;
	v1 =	vmul.f32 v2, v1;
	_ =	sdelay $0x1  }
0x67: {  	v2 =	vmul.f32 v47, v3;
	v1 =	vmul.f32 v48, v1;
	_ =	sdelay $0x1  }
0x68: {  	v1 =	vmax.f32 v2, v1  }
0x69: {  	[tilespmem:s15+$0xFFFFFFE0] =	vst v1  }
0x6a: {  	v1 =	vld [tilespmem:s9+$0xFFFFFFF0]  }
0x6b: {  	v2 =	vld [tilespmem:s11+$0xFFFFFFF0];
	_ =	sdelay $0x6  }
0x6c: {  	v3 =	vld.idx.msk [tilespmem:v1+s29+$0x0], $0xffff  }
0x6d: {  	v49 =	vld.idx.msk [tilespmem:v2+s31+$0x0], $0xffff  }
0x6e: {  	v1 =	vld.idx.msk [tilespmem:v1+s30+$0x0], $0xffff  }
0x6f: {  	v2 =	vld.idx.msk [tilespmem:v2+s0+$0x0], $0xffff  }
0x70: {  	v50 =	vld [tilespmem:s15+$0xFFFFFFF0]  }
0x71: {  	v51 =	vld [tilespmem:s16+$0xFFFFFFF0];
	_ =	sdelay $0x2  }
0x72: {  	v3 =	vmul.f32 v49, v3;
	v1 =	vmul.f32 v2, v1;
	_ =	sdelay $0x1  }
0x73: {  	v2 =	vmul.f32 v50, v3;
	v1 =	vmul.f32 v51, v1;
	_ =	sdelay $0x1  }
0x74: {  	v1 =	vmax.f32 v2, v1  }
0x75: {  	[tilespmem:s15+$0xFFFFFFF0] =	vst v1  }
0x76: {  	v1 =	vld [tilespmem:s9+$0x0]  }
0x77: {  	v2 =	vld [tilespmem:s11+$0x0];
	_ =	sdelay $0x6  }
0x78: {  	v3 =	vld.idx.msk [tilespmem:v1+s29+$0x0], $0xffff  }
0x79: {  	v52 =	vld.idx.msk [tilespmem:v2+s31+$0x0], $0xffff  }
0x7a: {  	v1 =	vld.idx.msk [tilespmem:v1+s30+$0x0], $0xffff  }
0x7b: {  	v2 =	vld.idx.msk [tilespmem:v2+s0+$0x0], $0xffff  }
0x7c: {  	v53 =	vld [tilespmem:s15+$0x0]  }
0x7d: {  	v54 =	vld [tilespmem:s16+$0x0];
	_ =	sdelay $0x2  }
0x7e: {  	v3 =	vmul.f32 v52, v3;
	v1 =	vmul.f32 v2, v1;
	_ =	sdelay $0x1  }
0x7f: {  	v2 =	vmul.f32 v53, v3;
	v1 =	vmul.f32 v54, v1;
	_ =	sdelay $0x1  }
0x80: {  	v1 =	vmax.f32 v2, v1  }
0x81: {  	[tilespmem:s15+$0x0] =	vst v1  }
0x82: {  	v1 =	vld [tilespmem:s9+$0x10]  }
0x83: {  	v2 =	vld [tilespmem:s11+$0x10];
	_ =	sdelay $0x6  }
0x84: {  	v3 =	vld.idx.msk [tilespmem:v1+s29+$0x0], $0xffff  }
0x85: {  	v55 =	vld.idx.msk [tilespmem:v2+s31+$0x0], $0xffff  }
0x86: {  	v1 =	vld.idx.msk [tilespmem:v1+s30+$0x0], $0xffff  }
0x87: {  	v2 =	vld.idx.msk [tilespmem:v2+s0+$0x0], $0xffff  }
0x88: {  	v56 =	vld [tilespmem:s15+$0x10]  }
0x89: {  	v57 =	vld [tilespmem:s16+$0x10];
	_ =	sdelay $0x2  }
0x8a: {  	v3 =	vmul.f32 v55, v3;
	v1 =	vmul.f32 v2, v1;
	_ =	sdelay $0x1  }
0x8b: {  	v2 =	vmul.f32 v56, v3;
	v1 =	vmul.f32 v57, v1;
	_ =	sdelay $0x1  }
0x8c: {  	v1 =	vmax.f32 v2, v1  }
0x8d: {  	[tilespmem:s15+$0x10] =	vst v1  }
0x8e: {  	v1 =	vld [tilespmem:s9+$0x20]  }
0x8f: {  	v2 =	vld [tilespmem:s11+$0x20];
	_ =	sdelay $0x6  }
0x90: {  	v3 =	vld.idx.msk [tilespmem:v1+s29+$0x0], $0xffff  }
0x91: {  	v58 =	vld.idx.msk [tilespmem:v2+s31+$0x0], $0xffff  }
0x92: {  	v1 =	vld.idx.msk [tilespmem:v1+s30+$0x0], $0xffff  }
0x93: {  	v2 =	vld.idx.msk [tilespmem:v2+s0+$0x0], $0xffff  }
0x94: {  	v59 =	vld [tilespmem:s15+$0x20]  }
0x95: {  	v60 =	vld [tilespmem:s16+$0x20];
	_ =	sdelay $0x2  }
0x96: {  	v3 =	vmul.f32 v58, v3;
	v1 =	vmul.f32 v2, v1;
	_ =	sdelay $0x1  }
0x97: {  	v2 =	vmul.f32 v59, v3;
	v1 =	vmul.f32 v60, v1;
	_ =	sdelay $0x1  }
0x98: {  	v1 =	vmax.f32 v2, v1  }
0x99: {  	[tilespmem:s15+$0x20] =	vst v1  }
0x9a: {  	v1 =	vld [tilespmem:s9+$0x30]  }
0x9b: {  	v2 =	vld [tilespmem:s11+$0x30];
	_ =	sdelay $0x6  }
0x9c: {  	v3 =	vld.idx.msk [tilespmem:v1+s29+$0x0], $0xffff  }
0x9d: {  	v61 =	vld.idx.msk [tilespmem:v2+s31+$0x0], $0xffff  }
0x9e: {  	v1 =	vld.idx.msk [tilespmem:v1+s30+$0x0], $0xffff  }
0x9f: {  	v2 =	vld.idx.msk [tilespmem:v2+s0+$0x0], $0xffff  }
0xa0: {  	v62 =	vld [tilespmem:s15+$0x30]  }
0xa1: {  	v63 =	vld [tilespmem:s16+$0x30];
	_ =	sdelay $0x2  }
0xa2: {  	p0 =	sne.s32 s17, $0x1;
	v3 =	vmul.f32 v61, v3;
	v1 =	vmul.f32 v2, v1  }
.Ltmp0:
0xa3: {  	_ = 	snop;
	(pc) =	sbr.rel @p0 .LBB2_2-.Ltmp0, $3  }
0xa4: {  	v2 =	vmul.f32 v62, v3;
	v1 =	vmul.f32 v63, v1;
	_ =	sdelay $0x1  }
0xa5: {  	s17 =	sadd.s32 $0xFFFFFFFF, s17;
	s9 =	sadd.s32 $0x80, s9;
	v1 =	vmax.f32 v2, v1  }
0xa6: {  	s11 =	sadd.s32 $0x80, s11;
	s16 =	sadd.s32 $0x80, s16;
	[tilespmem:s15+$0x30] =	vst v1;
	s15 =	sadd.s32 $0x80, s15  }
0xa7: {  	p0 =	sne.s32 s12, $0x1  }
.Ltmp1:
0xa8: {  	_ = 	snop;
	(pc) =	sbr.rel @!p0 .LBB2_5-.Ltmp1, $4  }
0xa9: {  	s9 =	simm.s32 $0x5000;
	s11 =	simm.s32 $0x2800  }
0xaa: {  	[spmem:s4] =	stream.indirect.scatter.add.f32 [tilespmem:s9], [sflag:$0x3], $0x1, s11, s2, $0xb8;
	[tilespmem:$0x1ACE0] =	vst v63  }
0xab: {  	_ =	swait.ge [sflag:s24], $0x80  }
0xac: {  	s15 =	sadd.s32 $0xFFFFFFFF, s12;
	[sflag:s24] =	ssyncset.done $0x0  }
.LBB2_4:
0xad: {  	[sflag:s24] =	ssyncadd.s32 $0xFFFFFF80  }
0xae: {  	s9 =	sadd.s32 $0x80, s9;
	s11 =	sadd.s32 $0x80, s11;
	p0 =	sne.s32 s15, $0x1  }
.Ltmp2:
0xaf: {  	s15 =	sadd.s32 $0xFFFFFFFF, s15;
	(pc) =	sbr.rel @p0 .LBB2_4-.Ltmp2, $4  }
0xb0: {  	_ = 	snop  }
0xb1: {  	[spmem:s4] =	stream.indirect.scatter.add.f32 [tilespmem:s9], [sflag:$0x3], $0x1, s11, s2, $0xb8;
	[tilespmem:$0x1ACE0] =	vst v63  }
0xb2: {  	_ =	swait.ge [sflag:s24], $0x80  }
0xb3: {  	[sflag:s24] =	ssyncset.done $0x0  }
.LBB2_5:
0xb4: {  	[sflag:s24] =	ssyncadd.s32 $0xFFFFFF80;
	s9 =	simm.s32 $0x0  }
0xb5: {  	[tilespmem:s1], [sflag:$0x1] =	stream.indirect.gather [hbm4b:s10+s2], $0x20, s9, s2, $0xb8;
	[tilespmem:$0x1ACE0] =	vst v63  }
0xb6: {  	_ = 	snop  }
0xb7: {  	[tilespmem:s25], [sflag:$0x2] =	stream.indirect.gather [hbm4b:s10+s2], $0x20, s2, s2, $0xb8;
	[tilespmem:$0x1ACE0] =	vst v63  }
.LBB2_6:
0xb8: {  	s11 =	simm.s32 $0x0  }
0xb9: {  	v1 =	vmov s11  }
0xba: {  	s21 =	sshll.u32 s9, $0x8;
	v2 =	vshrl.u32 v1, $0x3  }
0xbb: {  	v1 =	vmov s21;
	v2 =	vshll.u32 v2, v0  }
0xbc: {  	v2 =	vadd.s32 v1, v2  }
0xbd: {  	v2 =	vbroadcast v2, $0x0;
	_ =	sdelay $0x1  }
0xbe: {  	_ =	swait.ge [sflag:s28], $0x1000  }
0xbf: {  	[sflag:s28] =	ssyncset.done $0x0  }
0xc0: {  	s15 =	simm.s32 $0x13CC0;
	s22 =	simm.s32 $0x1;
	[sflag:s28] =	ssyncadd.s32 $0xFFFFF000  }
0xc1: {  	v4 =	vmov s22;
	v3 =	vld [tilespmem:s15+$0xFFFFFF80]  }
0xc2: {  	v4 =	vshrl.u32 v4, $0x3;
	v5 =	vld.idx.msk [tilespmem:v2+s26+$0x0], $0xffff  }
0xc3: {  	v6 =	vld [tilespmem:s15+$0xFFFFFF90];
	v4 =	vshll.u32 v4, v0;
	v2 =	vor.u32 $0x1, v1  }
0xc4: {  	v4 =	vadd.s32 v4, v2  }
0xc5: {  	v4 =	vbroadcast v4, $0x0;
	_ =	sdelay $0x1  }
0xc6: {  	v3 =	vmul.f32 v3, v5  }
0xc7: {  	v5 =	vmul.f32 v6, v5  }
0xc8: {  	s16 =	simm.s32 $0x2;
	[tilespmem:s15+$0xFFFFFF80] =	vst v3  }
0xc9: {  	[tilespmem:s15+$0xFFFFFF90] =	vst v5;
	v5 =	vld [tilespmem:s15+$0xFFFFFFA0];
	v3 =	vmov s16  }
0xca: {  	v4 =	vld.idx.msk [tilespmem:v4+s26+$0x0], $0xffff;
	v6 =	vshrl.u32 v3, $0x3  }
0xcb: {  	v7 =	vld [tilespmem:s15+$0xFFFFFFB0];
	v3 =	vor.u32 $0x2, v1;
	v6 =	vshll.u32 v6, v0  }
0xcc: {  	v6 =	vadd.s32 v6, v3  }
0xcd: {  	v6 =	vbroadcast v6, $0x0;
	_ =	sdelay $0x1  }
0xce: {  	v5 =	vmul.f32 v5, v4  }
0xcf: {  	v4 =	vmul.f32 v7, v4  }
0xd0: {  	s17 =	simm.s32 $0x3;
	[tilespmem:s15+$0xFFFFFFA0] =	vst v5  }
0xd1: {  	[tilespmem:s15+$0xFFFFFFB0] =	vst v4;
	v5 =	vld [tilespmem:s15+$0xFFFFFFC0];
	v4 =	vmov s17  }
0xd2: {  	v7 =	vshrl.u32 v4, $0x3;
	v6 =	vld.idx.msk [tilespmem:v6+s26+$0x0], $0xffff  }
0xd3: {  	v8 =	vld [tilespmem:s15+$0xFFFFFFD0];
	v4 =	vor.u32 $0x3, v1;
	v7 =	vshll.u32 v7, v0  }
0xd4: {  	v7 =	vadd.s32 v7, v4  }
0xd5: {  	v7 =	vbroadcast v7, $0x0;
	_ =	sdelay $0x1  }
0xd6: {  	v5 =	vmul.f32 v5, v6  }
0xd7: {  	v6 =	vmul.f32 v8, v6  }
0xd8: {  	[tilespmem:s15+$0xFFFFFFC0] =	vst v5  }
0xd9: {  	s18 =	simm.s32 $0x4;
	[tilespmem:s15+$0xFFFFFFD0] =	vst v6  }
0xda: {  	v5 =	vmov s18;
	v6 =	vld.idx.msk [tilespmem:v7+s26+$0x0], $0xffff  }
0xdb: {  	v7 =	vld [tilespmem:s15+$0xFFFFFFE0];
	v9 =	vshrl.u32 v5, $0x3  }
0xdc: {  	v8 =	vld [tilespmem:s15+$0xFFFFFFF0];
	v5 =	vor.u32 $0x4, v1;
	v9 =	vshll.u32 v9, v0  }
0xdd: {  	v9 =	vadd.s32 v9, v5  }
0xde: {  	v9 =	vbroadcast v9, $0x0;
	_ =	sdelay $0x1  }
0xdf: {  	v7 =	vmul.f32 v7, v6  }
0xe0: {  	v6 =	vmul.f32 v8, v6  }
0xe1: {  	s20 =	simm.s32 $0x5;
	[tilespmem:s15+$0xFFFFFFE0] =	vst v7  }
0xe2: {  	[tilespmem:s15+$0xFFFFFFF0] =	vst v6;
	v7 =	vld [tilespmem:s15+$0x0];
	v6 =	vmov s20  }
0xe3: {  	v8 =	vld.idx.msk [tilespmem:v9+s26+$0x0], $0xffff;
	v9 =	vshrl.u32 v6, $0x3  }
0xe4: {  	v10 =	vld [tilespmem:s15+$0x10];
	v6 =	vor.u32 $0x5, v1;
	v9 =	vshll.u32 v9, v0  }
0xe5: {  	v9 =	vadd.s32 v9, v6  }
0xe6: {  	v9 =	vbroadcast v9, $0x0;
	_ =	sdelay $0x1  }
0xe7: {  	v7 =	vmul.f32 v7, v8  }
0xe8: {  	v8 =	vmul.f32 v10, v8  }
0xe9: {  	s21 =	simm.s32 $0x6;
	[tilespmem:s15+$0x0] =	vst v7  }
0xea: {  	[tilespmem:s15+$0x10] =	vst v8;
	v8 =	vld [tilespmem:s15+$0x20];
	v7 =	vmov s21  }
0xeb: {  	v10 =	vshrl.u32 v7, $0x3;
	v9 =	vld.idx.msk [tilespmem:v9+s26+$0x0], $0xffff  }
0xec: {  	v11 =	vld [tilespmem:s15+$0x30];
	v7 =	vor.u32 $0x6, v1;
	v10 =	vshll.u32 v10, v0  }
0xed: {  	v10 =	vadd.s32 v10, v7  }
0xee: {  	v10 =	vbroadcast v10, $0x0;
	_ =	sdelay $0x1  }
0xef: {  	v8 =	vmul.f32 v8, v9  }
0xf0: {  	v11 =	vmul.f32 v11, v9  }
0xf1: {  	s22 =	simm.s32 $0x7;
	[tilespmem:s15+$0x20] =	vst v8  }
0xf2: {  	[tilespmem:s15+$0x30] =	vst v11;
	v8 =	vmov s22;
	v11 =	vld [tilespmem:s15+$0x40]  }
0xf3: {  	v12 =	vshrl.u32 v8, $0x3;
	v13 =	vld.idx.msk [tilespmem:v10+s26+$0x0], $0xffff  }
0xf4: {  	v8 =	vor.u32 $0x7, v1;
	v10 =	vshll.u32 v12, v0;
	v12 =	vld [tilespmem:s15+$0x50]  }
0xf5: {  	v10 =	vadd.s32 v10, v8  }
0xf6: {  	v14 =	vbroadcast v10, $0x0;
	_ =	sdelay $0x1  }
0xf7: {  	v11 =	vmul.f32 v11, v13  }
0xf8: {  	v12 =	vmul.f32 v12, v13  }
0xf9: {  	v9 =	vld [tilespmem:s15+$0x60];
	[tilespmem:s15+$0x40] =	vst v11  }
0xfa: {  	s11 =	sshll.u32 s9, $0x1;
	s17 =	simm.s32 $0x8;
	v10 =	vld [tilespmem:s15+$0x70];
	[tilespmem:s15+$0x50] =	vst v12  }
0xfb: {  	s16 =	simm.s32 $0xF;
	s18 =	simm.s32 $0x17;
	v12 =	vmov s17;
	s17 =	simm.s32 $0x13CC0;
	v11 =	vld.idx.msk [tilespmem:v14+s26+$0x0], $0xffff  }
.LBB2_7:
0xfc: {  	p0 =	sne.s32 s18, $0x7F  }
0xfd: {  	v12 =	vshrl.u32 v12, $0x3;
	s15 =	sadd.s32 $0x100, s15;
	s20 =	smov.u32 s18;
	s18 =	sadd.s32 $0x8, s18  }
0xfe: {  	v12 =	vshll.u32 v12, v0  }
0xff: {  	v12 =	vadd.s32 v1, v12  }
0x100: {  	v12 =	vbroadcast v12, $0x0;
	_ =	sdelay $0x1  }
0x101: {  	v9 =	vmul.f32 v9, v11;
	v10 =	vmul.f32 v10, v11;
	_ =	sdelay $0x1  }
0x102: {  	s21 =	sadd.s32 $0xFFFFFFFA, s16;
	[tilespmem:s17+$0x60] =	vst v9  }
0x103: {  	v9 =	vmov s21;
	v11 =	vld [tilespmem:s15+$0xFFFFFF80];
	[tilespmem:s17+$0x70] =	vst v10;
	s17 =	smov.u32 s15  }
0x104: {  	v9 =	vshrl.u32 v9, $0x3;
	v12 =	vld.idx.msk [tilespmem:v12+s26+$0x0], $0xffff  }
0x105: {  	v9 =	vshll.u32 v9, v0;
	v13 =	vld [tilespmem:s15+$0xFFFFFF90]  }
0x106: {  	v9 =	vadd.s32 v9, v2;
	v10 =	vld [tilespmem:s15+$0x70]  }
0x107: {  	v14 =	vbroadcast v9, $0x0;
	v9 =	vld [tilespmem:s15+$0x60];
	_ =	sdelay $0x2  }
0x108: {  	v11 =	vmul.f32 v11, v12;
	v12 =	vmul.f32 v13, v12  }
0x109: {  	s21 =	sadd.s32 $0xFFFFFFFB, s16  }
0x10a: {  	[tilespmem:s15+$0xFFFFFF80] =	vst v11;
	v11 =	vmov s21  }
0x10b: {  	[tilespmem:s15+$0xFFFFFF90] =	vst v12;
	v12 =	vld [tilespmem:s15+$0xFFFFFFA0];
	v11 =	vshrl.u32 v11, $0x3  }
0x10c: {  	v13 =	vld.idx.msk [tilespmem:v14+s26+$0x0], $0xffff;
	v11 =	vshll.u32 v11, v0  }
0x10d: {  	v14 =	vld [tilespmem:s15+$0xFFFFFFB0];
	v11 =	vadd.s32 v11, v3  }
0x10e: {  	v11 =	vbroadcast v11, $0x0;
	_ =	sdelay $0x3  }
0x10f: {  	s21 =	sadd.s32 $0xFFFFFFFC, s16;
	v12 =	vmul.f32 v12, v13;
	v13 =	vmul.f32 v14, v13  }
0x110: {  	v14 =	vmov s21  }
0x111: {  	[tilespmem:s15+$0xFFFFFFA0] =	vst v12;
	v12 =	vshrl.u32 v14, $0x3  }
0x112: {  	[tilespmem:s15+$0xFFFFFFB0] =	vst v13;
	v13 =	vld [tilespmem:s15+$0xFFFFFFC0];
	v12 =	vshll.u32 v12, v0  }
0x113: {  	v11 =	vld.idx.msk [tilespmem:v11+s26+$0x0], $0xffff;
	v12 =	vadd.s32 v12, v4  }
0x114: {  	v14 =	vld [tilespmem:s15+$0xFFFFFFD0];
	v12 =	vbroadcast v12, $0x0;
	_ =	sdelay $0x3  }
0x115: {  	s21 =	sadd.s32 $0xFFFFFFFD, s16  }
0x116: {  	v13 =	vmul.f32 v13, v11;
	v11 =	vmul.f32 v14, v11;
	v14 =	vmov s21  }
0x117: {  	v14 =	vshrl.u32 v14, $0x3  }
0x118: {  	[tilespmem:s15+$0xFFFFFFC0] =	vst v13;
	v13 =	vld [tilespmem:s15+$0xFFFFFFF0];
	v14 =	vshll.u32 v14, v0  }
0x119: {  	[tilespmem:s15+$0xFFFFFFD0] =	vst v11;
	v11 =	vadd.s32 v14, v5  }
0x11a: {  	v12 =	vld.idx.msk [tilespmem:v12+s26+$0x0], $0xffff;
	v11 =	vbroadcast v11, $0x0  }
0x11b: {  	v14 =	vld [tilespmem:s15+$0xFFFFFFE0];
	_ =	sdelay $0x2  }
0x11c: {  	s21 =	sadd.s32 $0xFFFFFFFE, s16  }
0x11d: {  	v15 =	vmov s21  }
0x11e: {  	v14 =	vmul.f32 v14, v12;
	v12 =	vmul.f32 v13, v12;
	v13 =	vshrl.u32 v15, $0x3  }
0x11f: {  	v13 =	vshll.u32 v13, v0  }
0x120: {  	[tilespmem:s15+$0xFFFFFFE0] =	vst v14;
	v13 =	vadd.s32 v13, v6  }
0x121: {  	[tilespmem:s15+$0xFFFFFFF0] =	vst v12;
	v12 =	vld [tilespmem:s15+$0x0];
	v13 =	vbroadcast v13, $0x0  }
0x122: {  	v11 =	vld.idx.msk [tilespmem:v11+s26+$0x0], $0xffff  }
0x123: {  	v14 =	vld [tilespmem:s15+$0x10];
	_ =	sdelay $0x1  }
0x124: {  	s21 =	sadd.s32 $0xFFFFFFFF, s16  }
0x125: {  	v15 =	vmov s21  }
0x126: {  	v15 =	vshrl.u32 v15, $0x3  }
0x127: {  	v12 =	vmul.f32 v12, v11;
	v11 =	vmul.f32 v14, v11;
	v14 =	vshll.u32 v15, v0  }
0x128: {  	v14 =	vadd.s32 v14, v7  }
0x129: {  	[tilespmem:s15+$0x0] =	vst v12;
	v12 =	vbroadcast v14, $0x0  }
0x12a: {  	[tilespmem:s15+$0x10] =	vst v11;
	v11 =	vld [tilespmem:s15+$0x20]  }
0x12b: {  	v13 =	vld.idx.msk [tilespmem:v13+s26+$0x0], $0xffff  }
0x12c: {  	v14 =	vld [tilespmem:s15+$0x30];
	_ =	sdelay $0x1  }
0x12d: {  	v15 =	vmov s16;
	s16 =	smov.u32 s20  }
0x12e: {  	v15 =	vshrl.u32 v15, $0x3  }
0x12f: {  	v15 =	vshll.u32 v15, v0  }
0x130: {  	v11 =	vmul.f32 v11, v13;
	v13 =	vmul.f32 v14, v13;
	v14 =	vadd.s32 v15, v8  }
0x131: {  	v14 =	vbroadcast v14, $0x0  }
0x132: {  	[tilespmem:s15+$0x20] =	vst v11  }
0x133: {  	[tilespmem:s15+$0x30] =	vst v13;
	v11 =	vld [tilespmem:s15+$0x40]  }
0x134: {  	v12 =	vld.idx.msk [tilespmem:v12+s26+$0x0], $0xffff  }
0x135: {  	v13 =	vld [tilespmem:s15+$0x50];
	_ =	sdelay $0x4  }
.Ltmp3:
0x136: {  	v11 =	vmul.f32 v11, v12;
	v12 =	vmul.f32 v13, v12;
	(pc) =	sbr.rel @p0 .LBB2_7-.Ltmp3, $4  }
0x137: {  	_ = 	snop  }
0x138: {  	[tilespmem:s15+$0x40] =	vst v11  }
0x139: {  	s20 =	sadd.s32 $0xFFFFFFF9, s16;
	[tilespmem:s15+$0x50] =	vst v12  }
0x13a: {  	v12 =	vmov s20;
	v11 =	vld.idx.msk [tilespmem:v14+s26+$0x0], $0xffff  }
0x13b: {  	v12 =	vshrl.u32 v12, $0x3  }
0x13c: {  	v12 =	vshll.u32 v12, v0  }
0x13d: {  	v1 =	vadd.s32 v1, v12  }
0x13e: {  	v1 =	vbroadcast v1, $0x0;
	_ =	sdelay $0x1  }
0x13f: {  	v9 =	vmul.f32 v9, v11  }
0x140: {  	v10 =	vmul.f32 v10, v11  }
0x141: {  	s15 =	sadd.s32 $0x100, s15;
	s18 =	sadd.s32 $0xFFFFFFFA, s16;
	[tilespmem:s17+$0x60] =	vst v9  }
0x142: {  	v11 =	vmov s18;
	v9 =	vld [tilespmem:s15+$0xFFFFFF80];
	[tilespmem:s17+$0x70] =	vst v10  }
0x143: {  	v10 =	vshrl.u32 v11, $0x3;
	v1 =	vld.idx.msk [tilespmem:v1+s26+$0x0], $0xffff  }
0x144: {  	v11 =	vld [tilespmem:s15+$0xFFFFFF90];
	v10 =	vshll.u32 v10, v0  }
0x145: {  	v2 =	vadd.s32 v10, v2  }
0x146: {  	v2 =	vbroadcast v2, $0x0;
	_ =	sdelay $0x1  }
0x147: {  	v9 =	vmul.f32 v9, v1  }
0x148: {  	v1 =	vmul.f32 v11, v1  }
0x149: {  	s18 =	sadd.s32 $0xFFFFFFFB, s16;
	[tilespmem:s15+$0xFFFFFF80] =	vst v9  }
0x14a: {  	v9 =	vmov s18;
	[tilespmem:s15+$0xFFFFFF90] =	vst v1;
	v1 =	vld [tilespmem:s15+$0xFFFFFFA0]  }
0x14b: {  	v9 =	vshrl.u32 v9, $0x3;
	v2 =	vld.idx.msk [tilespmem:v2+s26+$0x0], $0xffff  }
0x14c: {  	v10 =	vld [tilespmem:s15+$0xFFFFFFB0];
	v9 =	vshll.u32 v9, v0  }
0x14d: {  	v3 =	vadd.s32 v9, v3  }
0x14e: {  	v3 =	vbroadcast v3, $0x0;
	_ =	sdelay $0x1  }
0x14f: {  	v1 =	vmul.f32 v1, v2  }
0x150: {  	v2 =	vmul.f32 v10, v2  }
0x151: {  	s20 =	sadd.s32 $0xFFFFFFFC, s16;
	[tilespmem:s15+$0xFFFFFFA0] =	vst v1  }
0x152: {  	v1 =	vmov s20;
	[tilespmem:s15+$0xFFFFFFB0] =	vst v2;
	v2 =	vld [tilespmem:s15+$0xFFFFFFC0]  }
0x153: {  	v1 =	vshrl.u32 v1, $0x3;
	v3 =	vld.idx.msk [tilespmem:v3+s26+$0x0], $0xffff  }
0x154: {  	v9 =	vld [tilespmem:s15+$0xFFFFFFD0];
	v1 =	vshll.u32 v1, v0  }
0x155: {  	v1 =	vadd.s32 v1, v4  }
0x156: {  	v1 =	vbroadcast v1, $0x0;
	_ =	sdelay $0x1  }
0x157: {  	v2 =	vmul.f32 v2, v3  }
0x158: {  	v3 =	vmul.f32 v9, v3  }
0x159: {  	s21 =	sadd.s32 $0xFFFFFFFD, s16;
	[tilespmem:s15+$0xFFFFFFC0] =	vst v2  }
0x15a: {  	[tilespmem:s15+$0xFFFFFFD0] =	vst v3;
	v2 =	vmov s21;
	v3 =	vld [tilespmem:s15+$0xFFFFFFE0]  }
0x15b: {  	v1 =	vld.idx.msk [tilespmem:v1+s26+$0x0], $0xffff;
	v2 =	vshrl.u32 v2, $0x3  }
0x15c: {  	v4 =	vld [tilespmem:s15+$0xFFFFFFF0];
	v2 =	vshll.u32 v2, v0  }
0x15d: {  	v2 =	vadd.s32 v2, v5  }
0x15e: {  	v2 =	vbroadcast v2, $0x0;
	_ =	sdelay $0x1  }
0x15f: {  	v3 =	vmul.f32 v3, v1  }
0x160: {  	v1 =	vmul.f32 v4, v1  }
0x161: {  	s22 =	sadd.s32 $0xFFFFFFFE, s16;
	[tilespmem:s15+$0xFFFFFFE0] =	vst v3  }
0x162: {  	v3 =	vmov s22;
	[tilespmem:s15+$0xFFFFFFF0] =	vst v1;
	v1 =	vld [tilespmem:s15+$0x0]  }
0x163: {  	v3 =	vshrl.u32 v3, $0x3;
	v2 =	vld.idx.msk [tilespmem:v2+s26+$0x0], $0xffff  }
0x164: {  	v4 =	vld [tilespmem:s15+$0x10];
	v3 =	vshll.u32 v3, v0  }
0x165: {  	v3 =	vadd.s32 v3, v6  }
0x166: {  	v3 =	vbroadcast v3, $0x0;
	_ =	sdelay $0x1  }
0x167: {  	v1 =	vmul.f32 v1, v2  }
0x168: {  	v2 =	vmul.f32 v4, v2  }
0x169: {  	s18 =	sadd.s32 $0xFFFFFFFF, s16;
	[tilespmem:s15+$0x0] =	vst v1  }
0x16a: {  	v1 =	vmov s18;
	[tilespmem:s15+$0x10] =	vst v2;
	v2 =	vld [tilespmem:s15+$0x20]  }
0x16b: {  	v1 =	vshrl.u32 v1, $0x3;
	v3 =	vld.idx.msk [tilespmem:v3+s26+$0x0], $0xffff  }
0x16c: {  	v4 =	vld [tilespmem:s15+$0x30];
	v1 =	vshll.u32 v1, v0  }
0x16d: {  	v1 =	vadd.s32 v1, v7  }
0x16e: {  	v1 =	vbroadcast v1, $0x0;
	_ =	sdelay $0x1  }
0x16f: {  	v2 =	vmul.f32 v2, v3  }
0x170: {  	v3 =	vmul.f32 v4, v3  }
0x171: {  	[tilespmem:s15+$0x20] =	vst v2  }
0x172: {  	v2 =	vmov s16;
	[tilespmem:s15+$0x30] =	vst v3;
	v3 =	vld [tilespmem:s15+$0x40]  }
0x173: {  	v2 =	vshrl.u32 v2, $0x3;
	v1 =	vld.idx.msk [tilespmem:v1+s26+$0x0], $0xffff  }
0x174: {  	v4 =	vld [tilespmem:s15+$0x50];
	v2 =	vshll.u32 v2, v0  }
0x175: {  	v2 =	vadd.s32 v2, v8  }
0x176: {  	v2 =	vbroadcast v2, $0x0;
	_ =	sdelay $0x1  }
0x177: {  	v3 =	vmul.f32 v3, v1  }
0x178: {  	v1 =	vmul.f32 v4, v1  }
0x179: {  	[tilespmem:s15+$0x40] =	vst v3  }
0x17a: {  	v3 =	vld [tilespmem:s15+$0x60];
	[tilespmem:s15+$0x50] =	vst v1  }
0x17b: {  	v1 =	vld.idx.msk [tilespmem:v2+s26+$0x0], $0xffff  }
0x17c: {  	v2 =	vld [tilespmem:s15+$0x70];
	_ =	sdelay $0x3  }
0x17d: {  	v3 =	vmul.f32 v3, v1  }
0x17e: {  	s20 =	sshll.u32 s9, $0xA;
	v1 =	vmul.f32 v2, v1  }
0x17f: {  	s16 =	sshra.s32 s20, $0x2;
	[tilespmem:s15+$0x60] =	vst v3  }
0x180: {  	s21 =	simm.s32 $0x0;
	s16 =	sadd.s32 $0x2800, s16;
	[tilespmem:s15+$0x70] =	vst v1;
	s15 =	sor.u32 $0x1, s11  }
0x181: {  	v1 =	vmov s21;
	[spmem:s3] =	stream.indirect.scatter.add.f32 [tilespmem:s1], [sflag:$0x3], $0x20, s16, s2, $0xb8;
	[tilespmem:$0x1ACE0] =	vst v63  }
0x182: {  	s16 =	sadd.s32 $0x2, s11;
	s22 =	sshll.u32 s15, $0x7;
	v2 =	vshrl.u32 v1, $0x3  }
0x183: {  	_ =	swait.ge [sflag:s24], $0x1000;
	p0 =	sge.u32 s16, s12;
	v1 =	vmov s22;
	v2 =	vshll.u32 v2, v0  }
0x184: {  	[sflag:s24] =	ssyncset.done $0x0;
	s16 =	sshll.u32 @!p0 s16, $0x7;
	v2 =	vadd.s32 v1, v2;
	s17 =	simm.s32 @!p0 $0x80  }
0x185: {  	s18 =	simm.s32 @!p0 $0x13C40;
	[sflag:s24] =	ssyncadd.s32 $0xFFFFF000;
	s16 =	sand.u32 @!p0 $0x3FFFFF80, s16;
	v2 =	vbroadcast v2, $0x0  }
0x186: {  	[tilespmem:s18], [sflag:$0x1] =	stream.indirect.gather @!p0 [hbm4b:s10+s17], $0x20, s16, s17, $0xb8;
	[tilespmem:$0x1ACE0] =	vst v63  }
0x187: {  	_ =	swait.ge [sflag:s6], $0x1000  }
0x188: {  	[sflag:s6] =	ssyncset.done $0x0  }
0x189: {  	s16 =	simm.s32 $0x14CC0;
	s18 =	simm.s32 $0x1;
	[sflag:s6] =	ssyncadd.s32 $0xFFFFF000  }
0x18a: {  	v4 =	vmov s18;
	v3 =	vld [tilespmem:s16+$0xFFFFFF80]  }
0x18b: {  	v4 =	vshrl.u32 v4, $0x3;
	v5 =	vld.idx.msk [tilespmem:v2+s26+$0x0], $0xffff  }
0x18c: {  	v4 =	vshll.u32 v4, v0;
	v6 =	vld [tilespmem:s16+$0xFFFFFF90];
	v2 =	vor.u32 $0x1, v1  }
0x18d: {  	v4 =	vadd.s32 v4, v2  }
0x18e: {  	v4 =	vbroadcast v4, $0x0;
	_ =	sdelay $0x1  }
0x18f: {  	v3 =	vmul.f32 v3, v5  }
0x190: {  	v5 =	vmul.f32 v6, v5  }
0x191: {  	s20 =	simm.s32 $0x2;
	[tilespmem:s16+$0xFFFFFF80] =	vst v3  }
0x192: {  	[tilespmem:s16+$0xFFFFFF90] =	vst v5;
	v5 =	vld [tilespmem:s16+$0xFFFFFFA0];
	v3 =	vmov s20  }
0x193: {  	v4 =	vld.idx.msk [tilespmem:v4+s26+$0x0], $0xffff;
	v6 =	vshrl.u32 v3, $0x3  }
0x194: {  	v7 =	vld [tilespmem:s16+$0xFFFFFFB0];
	v3 =	vor.u32 $0x2, v1;
	v6 =	vshll.u32 v6, v0  }
0x195: {  	v6 =	vadd.s32 v6, v3  }
0x196: {  	v6 =	vbroadcast v6, $0x0;
	_ =	sdelay $0x1  }
0x197: {  	v5 =	vmul.f32 v5, v4  }
0x198: {  	v4 =	vmul.f32 v7, v4  }
0x199: {  	s21 =	simm.s32 $0x3;
	[tilespmem:s16+$0xFFFFFFA0] =	vst v5  }
0x19a: {  	[tilespmem:s16+$0xFFFFFFB0] =	vst v4;
	v5 =	vld [tilespmem:s16+$0xFFFFFFC0];
	v4 =	vmov s21  }
0x19b: {  	v7 =	vshrl.u32 v4, $0x3;
	v6 =	vld.idx.msk [tilespmem:v6+s26+$0x0], $0xffff  }
0x19c: {  	v8 =	vld [tilespmem:s16+$0xFFFFFFD0];
	v4 =	vor.u32 $0x3, v1;
	v7 =	vshll.u32 v7, v0  }
0x19d: {  	v7 =	vadd.s32 v7, v4  }
0x19e: {  	v7 =	vbroadcast v7, $0x0;
	_ =	sdelay $0x1  }
0x19f: {  	v5 =	vmul.f32 v5, v6  }
0x1a0: {  	v6 =	vmul.f32 v8, v6  }
0x1a1: {  	[tilespmem:s16+$0xFFFFFFC0] =	vst v5  }
0x1a2: {  	s22 =	simm.s32 $0x4;
	[tilespmem:s16+$0xFFFFFFD0] =	vst v6  }
0x1a3: {  	v5 =	vmov s22;
	v6 =	vld.idx.msk [tilespmem:v7+s26+$0x0], $0xffff  }
0x1a4: {  	v7 =	vld [tilespmem:s16+$0xFFFFFFE0];
	v9 =	vshrl.u32 v5, $0x3  }
0x1a5: {  	v8 =	vld [tilespmem:s16+$0xFFFFFFF0];
	v5 =	vor.u32 $0x4, v1;
	v9 =	vshll.u32 v9, v0  }
0x1a6: {  	v9 =	vadd.s32 v9, v5  }
0x1a7: {  	v9 =	vbroadcast v9, $0x0;
	_ =	sdelay $0x1  }
0x1a8: {  	v7 =	vmul.f32 v7, v6  }
0x1a9: {  	v6 =	vmul.f32 v8, v6  }
0x1aa: {  	s18 =	simm.s32 $0x5;
	[tilespmem:s16+$0xFFFFFFE0] =	vst v7  }
0x1ab: {  	[tilespmem:s16+$0xFFFFFFF0] =	vst v6;
	v7 =	vld [tilespmem:s16+$0x0];
	v6 =	vmov s18  }
0x1ac: {  	v8 =	vld.idx.msk [tilespmem:v9+s26+$0x0], $0xffff;
	v9 =	vshrl.u32 v6, $0x3  }
0x1ad: {  	v10 =	vld [tilespmem:s16+$0x10];
	v6 =	vor.u32 $0x5, v1;
	v9 =	vshll.u32 v9, v0  }
0x1ae: {  	v9 =	vadd.s32 v9, v6  }
0x1af: {  	v9 =	vbroadcast v9, $0x0;
	_ =	sdelay $0x1  }
0x1b0: {  	v7 =	vmul.f32 v7, v8  }
0x1b1: {  	v8 =	vmul.f32 v10, v8  }
0x1b2: {  	s20 =	simm.s32 $0x6;
	[tilespmem:s16+$0x0] =	vst v7  }
0x1b3: {  	[tilespmem:s16+$0x10] =	vst v8;
	v8 =	vld [tilespmem:s16+$0x20];
	v7 =	vmov s20  }
0x1b4: {  	v10 =	vshrl.u32 v7, $0x3;
	v9 =	vld.idx.msk [tilespmem:v9+s26+$0x0], $0xffff  }
0x1b5: {  	v11 =	vld [tilespmem:s16+$0x30];
	v7 =	vor.u32 $0x6, v1;
	v10 =	vshll.u32 v10, v0  }
0x1b6: {  	v10 =	vadd.s32 v10, v7  }
0x1b7: {  	v10 =	vbroadcast v10, $0x0;
	_ =	sdelay $0x1  }
0x1b8: {  	v8 =	vmul.f32 v8, v9  }
0x1b9: {  	v11 =	vmul.f32 v11, v9  }
0x1ba: {  	s21 =	simm.s32 $0x7;
	[tilespmem:s16+$0x20] =	vst v8  }
0x1bb: {  	[tilespmem:s16+$0x30] =	vst v11;
	v8 =	vmov s21;
	v11 =	vld [tilespmem:s16+$0x40]  }
0x1bc: {  	v12 =	vshrl.u32 v8, $0x3;
	v13 =	vld.idx.msk [tilespmem:v10+s26+$0x0], $0xffff  }
0x1bd: {  	v8 =	vor.u32 $0x7, v1;
	v10 =	vshll.u32 v12, v0;
	v12 =	vld [tilespmem:s16+$0x50]  }
0x1be: {  	v10 =	vadd.s32 v10, v8  }
0x1bf: {  	v14 =	vbroadcast v10, $0x0;
	_ =	sdelay $0x1  }
0x1c0: {  	v11 =	vmul.f32 v11, v13  }
0x1c1: {  	v12 =	vmul.f32 v12, v13  }
0x1c2: {  	v9 =	vld [tilespmem:s16+$0x60];
	[tilespmem:s16+$0x40] =	vst v11  }
0x1c3: {  	s22 =	simm.s32 $0x8;
	v10 =	vld [tilespmem:s16+$0x70];
	[tilespmem:s16+$0x50] =	vst v12  }
0x1c4: {  	s17 =	simm.s32 $0xF;
	s18 =	simm.s32 $0x14CC0;
	s20 =	simm.s32 $0x17;
	v12 =	vmov s22;
	v11 =	vld.idx.msk [tilespmem:v14+s26+$0x0], $0xffff  }
.LBB2_9:
0x1c5: {  	p0 =	sne.s32 s20, $0x7F  }
0x1c6: {  	v12 =	vshrl.u32 v12, $0x3;
	s16 =	sadd.s32 $0x100, s16;
	s21 =	smov.u32 s20;
	s20 =	sadd.s32 $0x8, s20  }
0x1c7: {  	v12 =	vshll.u32 v12, v0  }
0x1c8: {  	v12 =	vadd.s32 v1, v12  }
0x1c9: {  	v12 =	vbroadcast v12, $0x0;
	_ =	sdelay $0x1  }
0x1ca: {  	v9 =	vmul.f32 v9, v11;
	v10 =	vmul.f32 v10, v11;
	_ =	sdelay $0x1  }
0x1cb: {  	s22 =	sadd.s32 $0xFFFFFFFA, s17;
	[tilespmem:s18+$0x60] =	vst v9  }
0x1cc: {  	v9 =	vmov s22;
	v11 =	vld [tilespmem:s16+$0xFFFFFF80];
	[tilespmem:s18+$0x70] =	vst v10;
	s18 =	smov.u32 s16  }
0x1cd: {  	v9 =	vshrl.u32 v9, $0x3;
	v12 =	vld.idx.msk [tilespmem:v12+s26+$0x0], $0xffff  }
0x1ce: {  	v9 =	vshll.u32 v9, v0;
	v13 =	vld [tilespmem:s16+$0xFFFFFF90]  }
0x1cf: {  	v9 =	vadd.s32 v9, v2;
	v10 =	vld [tilespmem:s16+$0x70]  }
0x1d0: {  	v14 =	vbroadcast v9, $0x0;
	v9 =	vld [tilespmem:s16+$0x60];
	_ =	sdelay $0x2  }
0x1d1: {  	v11 =	vmul.f32 v11, v12;
	v12 =	vmul.f32 v13, v12  }
0x1d2: {  	s22 =	sadd.s32 $0xFFFFFFFB, s17  }
0x1d3: {  	[tilespmem:s16+$0xFFFFFF80] =	vst v11;
	v11 =	vmov s22  }
0x1d4: {  	[tilespmem:s16+$0xFFFFFF90] =	vst v12;
	v12 =	vld [tilespmem:s16+$0xFFFFFFA0];
	v11 =	vshrl.u32 v11, $0x3  }
0x1d5: {  	v13 =	vld.idx.msk [tilespmem:v14+s26+$0x0], $0xffff;
	v11 =	vshll.u32 v11, v0  }
0x1d6: {  	v14 =	vld [tilespmem:s16+$0xFFFFFFB0];
	v11 =	vadd.s32 v11, v3  }
0x1d7: {  	v11 =	vbroadcast v11, $0x0;
	_ =	sdelay $0x3  }
0x1d8: {  	s22 =	sadd.s32 $0xFFFFFFFC, s17;
	v12 =	vmul.f32 v12, v13;
	v13 =	vmul.f32 v14, v13  }
0x1d9: {  	v14 =	vmov s22  }
0x1da: {  	[tilespmem:s16+$0xFFFFFFA0] =	vst v12;
	v12 =	vshrl.u32 v14, $0x3  }
0x1db: {  	[tilespmem:s16+$0xFFFFFFB0] =	vst v13;
	v13 =	vld [tilespmem:s16+$0xFFFFFFC0];
	v12 =	vshll.u32 v12, v0  }
0x1dc: {  	v11 =	vld.idx.msk [tilespmem:v11+s26+$0x0], $0xffff;
	v12 =	vadd.s32 v12, v4  }
0x1dd: {  	v14 =	vld [tilespmem:s16+$0xFFFFFFD0];
	v12 =	vbroadcast v12, $0x0;
	_ =	sdelay $0x3  }
0x1de: {  	s22 =	sadd.s32 $0xFFFFFFFD, s17  }
0x1df: {  	v13 =	vmul.f32 v13, v11;
	v11 =	vmul.f32 v14, v11;
	v14 =	vmov s22  }
0x1e0: {  	v14 =	vshrl.u32 v14, $0x3  }
0x1e1: {  	[tilespmem:s16+$0xFFFFFFC0] =	vst v13;
	v13 =	vld [tilespmem:s16+$0xFFFFFFF0];
	v14 =	vshll.u32 v14, v0  }
0x1e2: {  	[tilespmem:s16+$0xFFFFFFD0] =	vst v11;
	v11 =	vadd.s32 v14, v5  }
0x1e3: {  	v12 =	vld.idx.msk [tilespmem:v12+s26+$0x0], $0xffff;
	v11 =	vbroadcast v11, $0x0  }
0x1e4: {  	v14 =	vld [tilespmem:s16+$0xFFFFFFE0];
	_ =	sdelay $0x2  }
0x1e5: {  	s22 =	sadd.s32 $0xFFFFFFFE, s17  }
0x1e6: {  	v15 =	vmov s22  }
0x1e7: {  	v14 =	vmul.f32 v14, v12;
	v12 =	vmul.f32 v13, v12;
	v13 =	vshrl.u32 v15, $0x3  }
0x1e8: {  	v13 =	vshll.u32 v13, v0  }
0x1e9: {  	[tilespmem:s16+$0xFFFFFFE0] =	vst v14;
	v13 =	vadd.s32 v13, v6  }
0x1ea: {  	[tilespmem:s16+$0xFFFFFFF0] =	vst v12;
	v12 =	vld [tilespmem:s16+$0x0];
	v13 =	vbroadcast v13, $0x0  }
0x1eb: {  	v11 =	vld.idx.msk [tilespmem:v11+s26+$0x0], $0xffff  }
0x1ec: {  	v14 =	vld [tilespmem:s16+$0x10];
	_ =	sdelay $0x1  }
0x1ed: {  	s22 =	sadd.s32 $0xFFFFFFFF, s17  }
0x1ee: {  	v15 =	vmov s22  }
0x1ef: {  	v15 =	vshrl.u32 v15, $0x3  }
0x1f0: {  	v12 =	vmul.f32 v12, v11;
	v11 =	vmul.f32 v14, v11;
	v14 =	vshll.u32 v15, v0  }
0x1f1: {  	v14 =	vadd.s32 v14, v7  }
0x1f2: {  	[tilespmem:s16+$0x0] =	vst v12;
	v12 =	vbroadcast v14, $0x0  }
0x1f3: {  	[tilespmem:s16+$0x10] =	vst v11;
	v11 =	vld [tilespmem:s16+$0x20]  }
0x1f4: {  	v13 =	vld.idx.msk [tilespmem:v13+s26+$0x0], $0xffff  }
0x1f5: {  	v14 =	vld [tilespmem:s16+$0x30];
	_ =	sdelay $0x1  }
0x1f6: {  	v15 =	vmov s17;
	s17 =	smov.u32 s21  }
0x1f7: {  	v15 =	vshrl.u32 v15, $0x3  }
0x1f8: {  	v15 =	vshll.u32 v15, v0  }
0x1f9: {  	v11 =	vmul.f32 v11, v13;
	v13 =	vmul.f32 v14, v13;
	v14 =	vadd.s32 v15, v8  }
0x1fa: {  	v14 =	vbroadcast v14, $0x0  }
0x1fb: {  	[tilespmem:s16+$0x20] =	vst v11  }
0x1fc: {  	[tilespmem:s16+$0x30] =	vst v13;
	v11 =	vld [tilespmem:s16+$0x40]  }
0x1fd: {  	v12 =	vld.idx.msk [tilespmem:v12+s26+$0x0], $0xffff  }
0x1fe: {  	v13 =	vld [tilespmem:s16+$0x50];
	_ =	sdelay $0x4  }
.Ltmp4:
0x1ff: {  	v11 =	vmul.f32 v11, v12;
	v12 =	vmul.f32 v13, v12;
	(pc) =	sbr.rel @p0 .LBB2_9-.Ltmp4, $4  }
0x200: {  	_ = 	snop  }
0x201: {  	[tilespmem:s16+$0x40] =	vst v11  }
0x202: {  	s21 =	sadd.s32 $0xFFFFFFF9, s17;
	[tilespmem:s16+$0x50] =	vst v12  }
0x203: {  	v12 =	vmov s21;
	v11 =	vld.idx.msk [tilespmem:v14+s26+$0x0], $0xffff  }
0x204: {  	v12 =	vshrl.u32 v12, $0x3  }
0x205: {  	v12 =	vshll.u32 v12, v0  }
0x206: {  	v1 =	vadd.s32 v1, v12  }
0x207: {  	v1 =	vbroadcast v1, $0x0;
	_ =	sdelay $0x1  }
0x208: {  	v9 =	vmul.f32 v9, v11  }
0x209: {  	v10 =	vmul.f32 v10, v11  }
0x20a: {  	s16 =	sadd.s32 $0x100, s16;
	s20 =	sadd.s32 $0xFFFFFFFA, s17;
	[tilespmem:s18+$0x60] =	vst v9  }
0x20b: {  	v53 =	vld [tilespmem:s16+$0xFFFFFF80];
	v54 =	vmov s20;
	[tilespmem:s18+$0x70] =	vst v10  }
0x20c: {  	v55 =	vshrl.u32 v54, $0x3;
	v1 =	vld.idx.msk [tilespmem:v1+s26+$0x0], $0xffff  }
0x20d: {  	v56 =	vld [tilespmem:s16+$0xFFFFFF90];
	v10 =	vshll.u32 v55, v0  }
0x20e: {  	v2 =	vadd.s32 v10, v2  }
0x20f: {  	v2 =	vbroadcast v2, $0x0;
	_ =	sdelay $0x1  }
0x210: {  	v9 =	vmul.f32 v53, v1  }
0x211: {  	v1 =	vmul.f32 v56, v1  }
0x212: {  	s21 =	sadd.s32 $0xFFFFFFFB, s17;
	[tilespmem:s16+$0xFFFFFF80] =	vst v9  }
0x213: {  	v57 =	vmov s21;
	[tilespmem:s16+$0xFFFFFF90] =	vst v1;
	v1 =	vld [tilespmem:s16+$0xFFFFFFA0]  }
0x214: {  	v9 =	vshrl.u32 v57, $0x3;
	v2 =	vld.idx.msk [tilespmem:v2+s26+$0x0], $0xffff  }
0x215: {  	v58 =	vld [tilespmem:s16+$0xFFFFFFB0];
	v9 =	vshll.u32 v9, v0  }
0x216: {  	v3 =	vadd.s32 v9, v3  }
0x217: {  	v3 =	vbroadcast v3, $0x0;
	_ =	sdelay $0x1  }
0x218: {  	v1 =	vmul.f32 v1, v2  }
0x219: {  	v2 =	vmul.f32 v58, v2  }
0x21a: {  	s22 =	sadd.s32 $0xFFFFFFFC, s17;
	[tilespmem:s16+$0xFFFFFFA0] =	vst v1  }
0x21b: {  	v1 =	vmov s22;
	[tilespmem:s16+$0xFFFFFFB0] =	vst v2;
	v2 =	vld [tilespmem:s16+$0xFFFFFFC0]  }
0x21c: {  	v1 =	vshrl.u32 v1, $0x3;
	v3 =	vld.idx.msk [tilespmem:v3+s26+$0x0], $0xffff  }
0x21d: {  	v59 =	vld [tilespmem:s16+$0xFFFFFFD0];
	v1 =	vshll.u32 v1, v0  }
0x21e: {  	v1 =	vadd.s32 v1, v4  }
0x21f: {  	v1 =	vbroadcast v1, $0x0;
	_ =	sdelay $0x1  }
0x220: {  	v2 =	vmul.f32 v2, v3  }
0x221: {  	v3 =	vmul.f32 v59, v3  }
0x222: {  	s20 =	sadd.s32 $0xFFFFFFFD, s17;
	[tilespmem:s16+$0xFFFFFFC0] =	vst v2  }
0x223: {  	[tilespmem:s16+$0xFFFFFFD0] =	vst v3;
	v2 =	vmov s20;
	v3 =	vld [tilespmem:s16+$0xFFFFFFE0]  }
0x224: {  	v2 =	vshrl.u32 v2, $0x3;
	v1 =	vld.idx.msk [tilespmem:v1+s26+$0x0], $0xffff  }
0x225: {  	v60 =	vld [tilespmem:s16+$0xFFFFFFF0];
	v2 =	vshll.u32 v2, v0  }
0x226: {  	v2 =	vadd.s32 v2, v5  }
0x227: {  	v2 =	vbroadcast v2, $0x0;
	_ =	sdelay $0x1  }
0x228: {  	v3 =	vmul.f32 v3, v1  }
0x229: {  	v1 =	vmul.f32 v60, v1  }
0x22a: {  	s21 =	sadd.s32 $0xFFFFFFFE, s17;
	[tilespmem:s16+$0xFFFFFFE0] =	vst v3  }
0x22b: {  	v3 =	vmov s21;
	[tilespmem:s16+$0xFFFFFFF0] =	vst v1;
	v1 =	vld [tilespmem:s16+$0x0]  }
0x22c: {  	v3 =	vshrl.u32 v3, $0x3;
	v2 =	vld.idx.msk [tilespmem:v2+s26+$0x0], $0xffff  }
0x22d: {  	v61 =	vld [tilespmem:s16+$0x10];
	v3 =	vshll.u32 v3, v0  }
0x22e: {  	v3 =	vadd.s32 v3, v6  }
0x22f: {  	v3 =	vbroadcast v3, $0x0;
	_ =	sdelay $0x1  }
0x230: {  	v1 =	vmul.f32 v1, v2  }
0x231: {  	v2 =	vmul.f32 v61, v2  }
0x232: {  	s22 =	sadd.s32 $0xFFFFFFFF, s17;
	[tilespmem:s16+$0x0] =	vst v1  }
0x233: {  	v1 =	vmov s22;
	[tilespmem:s16+$0x10] =	vst v2;
	v2 =	vld [tilespmem:s16+$0x20]  }
0x234: {  	v1 =	vshrl.u32 v1, $0x3;
	v3 =	vld.idx.msk [tilespmem:v3+s26+$0x0], $0xffff  }
0x235: {  	v62 =	vld [tilespmem:s16+$0x30];
	v1 =	vshll.u32 v1, v0  }
0x236: {  	v1 =	vadd.s32 v1, v7  }
0x237: {  	v1 =	vbroadcast v1, $0x0;
	_ =	sdelay $0x1  }
0x238: {  	v2 =	vmul.f32 v2, v3  }
0x239: {  	v3 =	vmul.f32 v62, v3  }
0x23a: {  	[tilespmem:s16+$0x20] =	vst v2  }
0x23b: {  	v2 =	vmov s17;
	[tilespmem:s16+$0x30] =	vst v3;
	v3 =	vld [tilespmem:s16+$0x40]  }
0x23c: {  	v2 =	vshrl.u32 v2, $0x3;
	v1 =	vld.idx.msk [tilespmem:v1+s26+$0x0], $0xffff  }
0x23d: {  	v63 =	vld [tilespmem:s16+$0x50];
	v2 =	vshll.u32 v2, v0  }
0x23e: {  	v2 =	vadd.s32 v2, v8  }
0x23f: {  	v2 =	vbroadcast v2, $0x0;
	_ =	sdelay $0x1  }
0x240: {  	v3 =	vmul.f32 v3, v1  }
0x241: {  	v1 =	vmul.f32 v63, v1  }
0x242: {  	[tilespmem:s16+$0x40] =	vst v3  }
0x243: {  	v3 =	vld [tilespmem:s16+$0x60];
	[tilespmem:s16+$0x50] =	vst v1  }
0x244: {  	v1 =	vld.idx.msk [tilespmem:v2+s26+$0x0], $0xffff  }
0x245: {  	v2 =	vld [tilespmem:s16+$0x70];
	_ =	sdelay $0x3  }
0x246: {  	v3 =	vmul.f32 v3, v1  }
0x247: {  	s15 =	sshll.u32 s15, $0x9;
	v1 =	vmul.f32 v2, v1  }
0x248: {  	s11 =	sadd.s32 $0x3, s11;
	s15 =	sshra.s32 s15, $0x2;
	[tilespmem:s16+$0x60] =	vst v3  }
0x249: {  	p0 =	sge.u32 s11, s12;
	s15 =	sadd.s32 $0x2800, s15;
	[tilespmem:s16+$0x70] =	vst v1  }
0x24a: {  	[spmem:s3] =	stream.indirect.scatter.add.f32 [tilespmem:s25], [sflag:$0x3], $0x20, s15, s2, $0xb8;
	[tilespmem:$0x1ACE0] =	vst v63  }
0x24b: {  	s11 =	sshll.u32 @!p0 s11, $0x7;
	_ =	swait.ge [sflag:s24], $0x1000  }
0x24c: {  	s9 =	sadd.s32 $0x1, s9;
	s11 =	sand.u32 @!p0 $0x3FFFFF80, s11;
	[sflag:s24] =	ssyncset.done $0x0  }
0x24d: {  	s16 =	simm.s32 @!p0 $0x14C40;
	s15 =	simm.s32 @!p0 $0x80;
	[sflag:s24] =	ssyncadd.s32 $0xFFFFF000  }
0x24e: {  	[tilespmem:s16], [sflag:$0x2] =	stream.indirect.gather @!p0 [hbm4b:s10+s15], $0x20, s11, s15, $0xb8;
	[tilespmem:$0x1ACE0] =	vst v63  }
0x24f: {  	p0 =	sne.s32 s9, s19  }
.Ltmp5:
0x250: {  	_ = 	snop;
	(pc) =	sbr.rel @p0 .LBB2_6-.Ltmp5, $1  }
0x251: {  	_ =	sdelay $0x3  }
0x252: {  	[bflag:$0x0] =	sbarrier.arrive $0xFFFF  }
0x253: {  	s9 =	rddreg [dreg:$0xe]  }
0x254: {  	[hbm:s9], [sflag:s14] =	dma.local [spmem:s23], $0x9C4  }
0x255: {  	_ =	swait.ge [sflag:s24], $0x9C4  }
0x256: {  	[sflag:s24] =	ssyncset.done $0x0  }
0x257: {  	s21 =	rddreg [dreg:$0xf];
	[sflag:s24] =	ssyncadd.s32 $0xFFFFF63C  }
0x258: {  	[hbm:s21], [sflag:s14] =	dma.local [spmem:s8], $0x50  }
0x259: {  	_ =	swait.ge [sflag:s24], $0x50  }
0x25a: {  	s7 =	sadd.s32 $0x1, s7;
	s22 =	rddreg [dreg:$0x10]  }
0x25b: {  	p0 =	sne.s32 s7, s22  }
.Ltmp6:
0x25c: {  	_ = 	snop;
	(pc) =	sbr.rel @p0 .LBB2_1-.Ltmp6, $3  }
0x25d: {  	_ =	sdelay $0x1  }
0x25e: {  	[sflag:s24] =	ssyncset.done $0x0  }
0x25f: {  	[sflag:s24] =	ssyncadd.s32 $0xFFFFFFB0  }
0x260: {  	_ =	sfence.sel $0x180000  }
0x261: {  	[bflag:$0x0] =	sbarrier.arrive $0xFFFF  }
0x262: {  	_ =	strace $0x90000047  }
0x263: {  	s0 =	stileid.u32;
	[bflag:$0x2] =	sbarrier.arrive $0xFFFF  }
0x264: {  	p0 =	sne.s32 s0, $0x0;
	s0 =	rddreg [dreg:$0x4]  }
0x265: {  	s0 =	sadd.s32 @!p0 $0x100000, s0  }
0x266: {  	[sflag:s0] =	ssyncadd.tile.s32 @!p0 $0x1;
	_ =	shalt  }
.Lfunc_end2:
_tile_overlayer_lowered:
.L_overlay_start_2:
0x267: {  	(tag) =	ssettag $0x2  }
0x268: {  	s0 =	rddreg [dreg:$0x0];
	s2 =	stileid.u32  }
0x269: {  	s1 =	rddreg [dreg:$0x1];
	p0 =	sne.s32 s2, $0x0  }
0x26a: {  	s3 =	rddreg [dreg:$0x2];
	[bflag:$0x3] =	sbarrier.arrive $0xFFFF;
	s2 =	simm.s32 @!p0 $0x1C03  }
0x26b: {  	[timem:s3], [sflag:s2] =	dma.local @!p0 [hbm:s0], s1  }
0x26c: {  	s0 =	simm.s32 @!p0 $0x3  }
0x26d: {  	_ =	swait.ge @!p0 [sflag:s0], s1  }
0x26e: {  	s1 =	ssub.s32 @!p0 $0x0, s1;
	[sflag:s0] =	ssyncset.done @!p0 $0x0  }
0x26f: {  	[sflag:s0] =	ssyncadd.s32 @!p0 s1  }
0x270: {  	[bflag:$0x3] =	sbarrier.arrive $0xFFFF  }
0x271: {  	_ =	shalt  }

// kernel: kernel.14.cloned.1.call-start
scs
__scs_entry_jumppad:
0x0: {  	(pc) =	sbr.rel $0x88, $3  }
0x1: {  	(tag) =	ssettag $0x0;
	lr =	simm.s32 $0x1  }
0x2: {  	[smem:$0x3F90] =	sst lr;
	_ =	strace $0xD0000000  }
0x3: {  	_ = 	snop  }
0x4: {  	_ = 	snop  }
0x5: {  	_ = 	snop  }
0x6: {  	_ = 	snop  }
0x7: {  	_ = 	snop  }
__scs_overlays_trampoline_lowered:
0x8: {  	[smem:$0x3F9F] =	sst s0  }
0x9: {  	[smem:$0x3FA0] =	sst s1  }
0xa: {  	[smem:$0x3FA1] =	sst s2  }
0xb: {  	[smem:$0x3FA2] =	sst s3  }
0xc: {  	[smem:$0x3FA3] =	sst s4  }
0xd: {  	[smem:$0x3FA4] =	sst s5  }
0xe: {  	[smem:$0x3FA5] =	sst s6  }
0xf: {  	[smem:$0x3FA6] =	sst s7  }
0x10: {  	[smem:$0x3FA7] =	sst s8  }
0x11: {  	[smem:$0x3FA8] =	sst s9;
	s0 =	simm.s32 @!p0 $0x0  }
0x12: {  	s1 =	sld [smem:$0x3F8E];
	s0 =	simm.s32 @p0 $0x1  }
0x13: {  	[smem:$0x3FA9] =	sst s0;
	s0 =	simm.s32 @!p1 $0x0  }
0x14: {  	s2 =	sld [smem:$0x3F8D];
	s0 =	simm.s32 @p1 $0x1  }
0x15: {  	[smem:$0x3FAA] =	sst s0;
	s0 =	simm.s32 @!p2 $0x0  }
0x16: {  	s3 =	sld [smem:$0x3FDB];
	s0 =	simm.s32 @p2 $0x1  }
0x17: {  	s4 =	simm.s32 $0x1BF5;
	[smem:$0x3FAC] =	sst s0  }
0x18: {  	s0 =	sld [smem:$0x3F8F];
	_ =	swait.ge [sflag:s4], $0x0  }
0x19: {  	s7 =	sld [smem:$0x3F90]  }
0x1a: {  	s8 =	sadd.s32 $0xFFFFE003, lr  }
0x1b: {  	s9 =	sadd.s32 $0xFFFFFEF7, lr;
	s5 =	simm.s32 $0xFFFFFFFF;
	p2 =	slt.u32 s8, $0xFFFFF086  }
0x1c: {  	p1 =	slt.u32 s9, $0xF7A;
	s5 =	simm.s32 @!p2 $0x0  }
0x1d: {  	s5 =	simm.s32 @p1 $0x1;
	p0 =	seq.s32 s7, s2  }
0x1e: {  	s7 =	smul.u32 @!p0 $0xF7A, s2;
	p2 =	seq.s32 @!p0 s5, $0x0  }
0x1f: {  	s9 =	smul.u32 $0xF7A, s1;
	s8 =	simm.s32 @!p0 $0x1BF5;
	p2 =	por !p2, p0  }
0x20: {  	[sflag:s8] =	ssyncset.s32 @!p0 $0xFFFFF086;
	s6 =	sadd.s32 @!p0 s3, s7;
	s7 =	simm.s32 @!p0 $0x108  }
0x21: {  	s3 =	sadd.s32 s3, s9;
	s6 =	sadd.s32 @!p0 $0x88, s6;
	s7 =	simm.s32 @p2 $0x1082  }
0x22: {  	[simem:s7], [sflag:s8] =	dma.local @!p0 [hbm:s6], $0xF7A  }
0x23: {  	s9 =	sor.u32 $0xD0000000, s2;
	s6 =	simm.s32 $0x108;
	_ =	swait.ge @!p0 [sflag:s8], $0x0  }
0x24: {  	s3 =	sadd.s32 $0x88, s3;
	s6 =	simm.s32 @!p1 $0x1082;
	[sflag:s4] =	ssyncset.s32 $0xFFFFF086  }
0x25: {  	[simem:s6], [sflag:s4] =	dma.local [hbm:s3], $0xF7A  }
0x26: {  	[smem:$0x3F90] =	sst s1;
	(tag) =	ssettag s2;
	_ =	strace s9  }
0x27: {  	s1 =	sld [smem:$0x3FA0]  }
0x28: {  	s2 =	sld [smem:$0x3FA1]  }
0x29: {  	s4 =	sld [smem:$0x3FA3]  }
0x2a: {  	p0 =	seq.s32 s5, $0x0;
	s5 =	sld [smem:$0x3FA4]  }
0x2b: {  	s6 =	sld [smem:$0x3FA5]  }
0x2c: {  	s7 =	sld [smem:$0x3FA6]  }
0x2d: {  	s3 =	simm.s32 $0x108;
	s8 =	sld [smem:$0x3FA7]  }
0x2e: {  	s3 =	simm.s32 @!p0 $0x1082;
	s9 =	sld [smem:$0x3FA8]  }
0x2f: {  	lr =	sadd.s32 s0, s3;
	s0 =	sld [smem:$0x3F9F]  }
0x30: {  	s3 =	sld [smem:$0x3FA2]  }
0x31: {  	[smem:$0x3FAB] =	sst s10  }
0x32: {  	s10 =	sld [smem:$0x3FA9];
	_ =	sdelay $0x3  }
0x33: {  	p0 =	seq.s32 s10, $0x1;
	s10 =	sld [smem:$0x3FAB];
	_ =	sdelay $0x3  }
0x34: {  	[smem:$0x3FAB] =	sst s10  }
0x35: {  	s10 =	sld [smem:$0x3FAA];
	_ =	sdelay $0x3  }
0x36: {  	p1 =	seq.s32 s10, $0x1;
	s10 =	sld [smem:$0x3FAB];
	_ =	sdelay $0x3  }
0x37: {  	[smem:$0x3FAB] =	sst s10  }
0x38: {  	s10 =	sld [smem:$0x3FAC]  }
0x39: {  	_ = 	snop;
	(pc) =	sbr.ind lr, $3  }
0x3a: {  	_ = 	snop  }
0x3b: {  	_ = 	snop  }
0x3c: {  	p2 =	seq.s32 s10, $0x1;
	s10 =	sld [smem:$0x3FAB]  }
0x3d: {  	_ =	shalt  }
0x3e: {  	_ =	shalt  }
0x3f: {  	_ =	shalt  }
0x40: {  	_ =	shalt  }
0x41: {  	_ =	shalt  }
0x42: {  	_ =	shalt  }
0x43: {  	_ =	shalt  }
0x44: {  	_ =	shalt  }
0x45: {  	_ =	shalt  }
0x46: {  	_ =	shalt  }
0x47: {  	_ =	shalt  }
0x48: {  	_ =	shalt  }
0x49: {  	_ =	shalt  }
0x4a: {  	_ =	shalt  }
0x4b: {  	_ =	shalt  }
0x4c: {  	_ =	shalt  }
0x4d: {  	_ =	shalt  }
0x4e: {  	_ =	shalt  }
0x4f: {  	_ =	shalt  }
0x50: {  	_ =	shalt  }
0x51: {  	_ =	shalt  }
0x52: {  	_ =	shalt  }
0x53: {  	_ =	shalt  }
0x54: {  	_ =	shalt  }
0x55: {  	_ =	shalt  }
0x56: {  	_ =	shalt  }
0x57: {  	_ =	shalt  }
0x58: {  	_ =	shalt  }
0x59: {  	_ =	shalt  }
0x5a: {  	_ =	shalt  }
0x5b: {  	_ =	shalt  }
0x5c: {  	_ =	shalt  }
0x5d: {  	_ =	shalt  }
0x5e: {  	_ =	shalt  }
0x5f: {  	_ =	shalt  }
0x60: {  	_ =	shalt  }
0x61: {  	_ =	shalt  }
0x62: {  	_ =	shalt  }
0x63: {  	_ =	shalt  }
0x64: {  	_ =	shalt  }
0x65: {  	_ =	shalt  }
0x66: {  	_ =	shalt  }
0x67: {  	_ =	shalt  }
0x68: {  	_ =	shalt  }
0x69: {  	_ =	shalt  }
0x6a: {  	_ =	shalt  }
0x6b: {  	_ =	shalt  }
0x6c: {  	_ =	shalt  }
0x6d: {  	_ =	shalt  }
0x6e: {  	_ =	shalt  }
0x6f: {  	_ =	shalt  }
0x70: {  	_ =	shalt  }
0x71: {  	_ =	shalt  }
0x72: {  	_ =	shalt  }
0x73: {  	_ =	shalt  }
0x74: {  	_ =	shalt  }
0x75: {  	_ =	shalt  }
0x76: {  	_ =	shalt  }
0x77: {  	_ =	shalt  }
0x78: {  	_ =	shalt  }
0x79: {  	_ =	shalt  }
0x7a: {  	_ =	shalt  }
0x7b: {  	_ =	shalt  }
0x7c: {  	_ =	shalt  }
0x7d: {  	_ =	shalt  }
0x7e: {  	_ =	shalt  }
0x7f: {  	_ =	shalt  }
0x80: {  	_ =	shalt  }
0x81: {  	_ =	shalt  }
0x82: {  	_ =	shalt  }
0x83: {  	_ =	shalt  }
0x84: {  	_ =	shalt  }
0x85: {  	_ =	shalt  }
0x86: {  	_ =	shalt  }
0x87: {  	_ =	shalt  }
.Lfunc_end0:
.L_simem_size_0:
called_computation.2_lowered:
.L_overlay_start_0:
0x88: {  	s2 =	sld [smem:$0x3FD9]  }
0x89: {  	s3 =	sld [smem:$0x3FFE];
	_ =	sdelay $0x1  }
0x8a: {  	s1 =	srdreg.scid  }
0x8b: {  	s0 =	sand.u32 $0x1, s1  }
0x8c: {  	s17 =	sshll.u32 s0, $0xA;
	s2 =	sadd.s32 s3, s2  }
0x8d: {  	s2 =	sadd.s32 s2, s17  }
0x8e: {  	[smem:$0x3FB7] =	sst s2  }
0x8f: {  	_ = 	snop  }
0x90: {  	s2 =	sld [smem:$0x3FD0];
	(tm) =	ssettm $0x1  }
0x91: {  	s18 =	sld [smem:$0x3FFB];
	_ =	sdelay $0x3  }
0x92: {  	_ =	strace s18  }
0x93: {  	s3 =	sld [smem:$0x3FFC];
	_ =	sdelay $0x3  }
0x94: {  	_ =	strace s3  }
0x95: {  	s3 =	sld [smem:$0x3FFD];
	_ =	sdelay $0x3  }
0x96: {  	_ =	strace s3  }
0x97: {  	_ =	strace $0x8FFFFFFF  }
0x98: {  	s19 =	sld [smem:$0x3FDB];
	_ =	sdelay $0x1  }
0x99: {  	s4 =	simm.s32 $_scs_section_size  }
0x9a: {  	s5 =	simm.s32 $_size__tile_overlayer_lowered;
	s6 =	simm.s32 $_tile_overlayer_lowered  }
0x9b: {  	s22 =	simm.s32 $0x1BFF;
	s21 =	sshll.u32 s6, $0x1;
	s3 =	sadd.s32 s4, s19  }
0x9c: {  	s7 =	simm.s32 $0x0;
	s20 =	sshll.u32 s5, $0x1;
	s5 =	sadd.s32 s21, s3  }
0x9d: {  	[timem:s7], [sflag:s22] =	dma.local [hbm:s5], s20  }
0x9e: {  	_ =	swait.ge [sflag:s22], s20  }
0x9f: {  	s4 =	ssub.s32 $0x0, s20;
	[sflag:s22] =	ssyncset.done $0x0  }
0xa0: {  	[sflag:s22] =	ssyncadd.s32 s4;
	_ =	sdelay $0x1  }
0xa1: {  	s23 =	simm.s32 $0x1B8B  }
0xa2: {  	_ =	swait.ge [sflag:s23], $0x1  }
0xa3: {  	[sflag:s23] =	ssyncset.done $0x0  }
0xa4: {  	s25 =	simm.s32 $0x1B8E;
	s24 =	sld [smem:$0x3FFE];
	[sflag:s23] =	ssyncadd.s32 $0xFFFFFFFF  }
0xa5: {  	s26 =	simm.s32 $execute0_lowered;
	[smem:$0x3FD2] =	sst s25  }
0xa6: {  	s5 =	sshll.u32 s26, $0x1;
	_ =	strace $0x8000004C;
	[dreg:$0x1] =	wrdreg $0xFFFFFFFF  }
0xa7: {  	s28 =	simm.s32 $_size_execute0_lowered;
	s3 =	sadd.s32 s3, s5;
	[dreg:$0x0] =	wrdreg $0x0  }
0xa8: {  	s5 =	sshll.u32 s28, $0x1;
	[dreg:$0x2] =	wrdreg s3  }
0xa9: {  	[dreg:$0x3] =	wrdreg s5  }
0xaa: {  	[dreg:$0x4] =	wrdreg $0xC0  }
0xab: {  	_ =	task [dreg:s7], $0x5FFFF  }
0xac: {  	[dreg:$0x1] =	wrdreg $0xFFFFFFFF  }
0xad: {  	[dreg:$0x0] =	wrdreg $0x60  }
0xae: {  	[dreg:$0x2] =	wrdreg s24  }
0xaf: {  	[dreg:$0x3] =	wrdreg s2  }
0xb0: {  	[dreg:$0x4] =	wrdreg $0x15C400  }
0xb1: {  	[dreg:$0x5] =	wrdreg $0x1AA600  }
0xb2: {  	[dreg:$0x6] =	wrdreg $0x9  }
0xb3: {  	_ =	task.clear_ibuf [dreg:s7], $0x7FFFF;
	_ =	strace $0x9000004C  }
0xb4: {  	s29 =	simm.s32 $0x9;
	_ =	strace $0x8000004E  }
0xb5: {  	_ =	swait.ge [sflag:s29], $0x1  }
0xb6: {  	[sflag:s29] =	ssyncadd.s32 $0xFFFFFFFF  }
0xb7: {  	_ =	strace $0x9000004E  }
0xb8: {  	_ =	sfence  }
0xb9: {  	s30 =	sld [smem:$0x0];
	_ =	sdelay $0x2  }
0xba: {  	s31 =	sshll.u32 s1, $0xD;
	s1 =	sshrl.u32 s1, $0x2  }
0xbb: {  	s3 =	sand.u32 $0x4000, s31;
	s1 =	sadd.s32 s1, s30  }
0xbc: {  	s0 =	sor.u32 s3, s0;
	s1 =	sshll.u32 s1, $0x11  }
0xbd: {  	s0 =	sor.u32 s1, s0  }
0xbe: {  	s0 =	sadd.s32 $0x8F2B, s0  }
0xbf: {  	[sflag:s0] =	ssyncadd.remote.s32 $0x1  }
0xc0: {  	_ =	sfence.sel $0xFFFF  }
0xc1: {  	[dreg:$0x0] =	wrdreg $0xFFFFFFFF;
	(pc) =	sbr.abs _section_cstart, $3  }
0xc2: {  	[dreg:$0x1] =	wrdreg $0xFFFFFFFF  }
0xc3: {  	_ =	task.clear_ibuf [dreg:s7], $0x2FFFF;
	_ =	strace $0x9FFFFFFF  }
0xc4: {  	(tm) =	ssettm $0x7FFFFFFF  }
0xc5: {  	_ =	shalt  }
tec
execute0_lowered:
.L_overlay_start_1:
0x0: {  	(tag) =	ssettag $0x1  }
0x1: {  	s0 =	rddreg [dreg:$0x0]  }
0x2: {  	s3 =	rddreg [dreg:$0x2]  }
0x3: {  	s4 =	rddreg [dreg:$0x3]  }
0x4: {  	s1 =	srdreg.scid;
	s13 =	stileid.u32  }
0x5: {  	s5 =	simm.s32 $0x0;
	s12 =	simm.s32 $0x14;
	s29 =	simm.s32 $0xA000  }
0x6: {  	s30 =	simm.s32 $0xC710;
	s31 =	simm.s32 $0xEE20;
	s28 =	simm.s32 $0x1  }
0x7: {  	s1 =	sand.u32 $0x1, s1;
	s2 =	smul.u32 $0x4E20, s13;
	[smem:$0x7FF] =	sst s5  }
0x8: {  	s7 =	sadd.s32 $0x14800, s0;
	s14 =	sadd.s32 $0x14200, s0;
	s15 =	sadd.s32 $0x15600, s0  }
0x9: {  	s16 =	smul.u32 $0x280, s13;
	_ =	strace $0x8000004D;
	[dreg:$0x5] =	wrdreg s7  }
0xa: {  	s8 =	sadd.s32 $0x15000, s0;
	s10 =	sadd.s32 $0x15C00, s0;
	[dreg:$0x6] =	wrdreg s14  }
0xb: {  	s9 =	sadd.s32 $0x33A00, s0;
	s6 =	smul.u32 $0x4E200, s1;
	[dreg:$0x7] =	wrdreg s15  }
0xc: {  	s19 =	sshll.u32 s13, $0x6;
	[dreg:$0x8] =	wrdreg s8;
	s17 =	smul.u32 $0x2800, s1  }
0xd: {  	[dreg:$0x9] =	wrdreg s9;
	s18 =	ssub.s32 $0x2, s1;
	s1 =	sshll.u32 s1, $0x4  }
0xe: {  	s14 =	sor.u32 $0x1C03, s19;
	s7 =	simm.s32 $0x0;
	s11 =	sshrl.u32 s18, $0x1  }
0xf: {  	s1 =	sor.u32 s13, s1;
	s20 =	sadd.s32 s16, s4;
	s6 =	sadd.s32 s2, s6  }
0x10: {  	s8 =	sadd.s32 s16, s17;
	p0 =	seq.s32 s1, $0x1F;
	s1 =	smul.u32 $0x500, s1  }
0x11: {  	s9 =	ssub.s32 s18, s11;
	s2 =	sadd.s32 s2, s3;
	[dreg:$0xa] =	wrdreg s20  }
0x12: {  	s6 =	sshrl.u32 s6, $0x3;
	s8 =	sshrl.u32 s8, $0x3;
	s12 =	simm.s32 @!p0 $0x50  }
0x13: {  	s26 =	smax.u32 s9, $0x1;
	s6 =	sadd.s32 s6, s0;
	s13 =	sadd.s32 s0, s1  }
0x14: {  	s8 =	sadd.s32 s8, s0;
	[dreg:$0x10] =	wrdreg s26;
	s21 =	sadd.s32 $0xA000, s13  }
0x15: {  	s19 =	sshrl.u32 s12, $0x1;
	s22 =	sadd.s32 $0x1FA00, s13;
	[dreg:$0xb] =	wrdreg s21  }
0x16: {  	s26 =	simm.s32 $0x5000;
	s23 =	sadd.s32 $0x29A00, s13;
	[dreg:$0xc] =	wrdreg s22  }
0x17: {  	s0 =	simm.s32 $0x11530;
	s24 =	sadd.s32 $0x34400, s6;
	[dreg:$0xd] =	wrdreg s23  }
0x18: {  	s1 =	simm.s32 $0x13C40;
	s25 =	sadd.s32 $0x47E00, s8;
	[dreg:$0xe] =	wrdreg s24  }
0x19: {  	v0 =	vimm.s32 $0x0;
	vm0 =	vcmask $0x300;
	s6 =	simm.s32 $0x2;
	[dreg:$0xf] =	wrdreg s25;
	s23 =	sshrl.u32 s2, $0x3  }
0x1a: {  	v0 =	vsel vm0, $0x3, v0;
	s24 =	simm.s32 $0x3;
	s2 =	simm.s32 $0x80;
	s25 =	simm.s32 $0x14C40  }
.LBB2_1:
0x1b: {  	s8 =	rddreg [dreg:$0x9]  }
0x1c: {  	[spmem:s23], [sflag:s14] =	dma.local [hbm:s8], $0x9C4  }
0x1d: {  	_ =	swait.ge [sflag:s24], $0x9C4  }
0x1e: {  	[sflag:s24] =	ssyncset.done $0x0  }
0x1f: {  	s21 =	rddreg [dreg:$0xa];
	[sflag:s24] =	ssyncadd.s32 $0xFFFFF63C  }
0x20: {  	s8 =	sshrl.u32 s21, $0x3;
	s9 =	rddreg [dreg:$0x1]  }
0x21: {  	[spmem:s8], [sflag:s14] =	dma.local [hbm:s9], $0x50  }
0x22: {  	_ =	swait.ge [sflag:s24], $0x50  }
0x23: {  	[sflag:s24] =	ssyncset.done $0x0  }
0x24: {  	[sflag:s24] =	ssyncadd.s32 $0xFFFFFFB0  }
0x25: {  	[tilespmem:s5], [sflag:$0x3] =	stream.linear.gather [hbm4b:s13+s5], $0x2800, $0x38;
	[tilespmem:$0x1ACE0] =	vst v63  }
0x26: {  	_ =	swait.ge [sflag:s24], $0x2800  }
0x27: {  	[sflag:s24] =	ssyncset.done $0x0  }
0x28: {  	s11 =	simm.s32 $0x2800;
	s22 =	rddreg [dreg:$0xb];
	[sflag:s24] =	ssyncadd.s32 $0xFFFFD800  }
0x29: {  	[tilespmem:s11], [sflag:$0x3] =	stream.linear.gather [hbm4b:s22+s5], $0x2800, $0x38;
	[tilespmem:$0x1ACE0] =	vst v63  }
0x2a: {  	_ =	swait.ge [sflag:s24], $0x2800  }
0x2b: {  	[sflag:s24] =	ssyncset.done $0x0  }
0x2c: {  	s15 =	rddreg [dreg:$0xc];
	[sflag:s24] =	ssyncadd.s32 $0xFFFFD800  }
0x2d: {  	[tilespmem:s26], [sflag:$0x3] =	stream.linear.gather [hbm4b:s15+s5], $0x2800, $0x38;
	[tilespmem:$0x1ACE0] =	vst v63  }
0x2e: {  	_ =	swait.ge [sflag:s24], $0x2800  }
0x2f: {  	[sflag:s24] =	ssyncset.done $0x0  }
0x30: {  	s17 =	simm.s32 $0x7800;
	s16 =	rddreg [dreg:$0xd];
	[sflag:s24] =	ssyncadd.s32 $0xFFFFD800  }
0x31: {  	[tilespmem:s17], [sflag:$0x3] =	stream.linear.gather [hbm4b:s16+s5], $0x2800, $0x38;
	[tilespmem:$0x1ACE0] =	vst v63  }
0x32: {  	_ =	swait.ge [sflag:s24], $0x2800  }
0x33: {  	[sflag:s24] =	ssyncset.done $0x0  }
0x34: {  	s18 =	rddreg [dreg:$0x5];
	[sflag:s24] =	ssyncadd.s32 $0xFFFFD800  }
0x35: {  	[tilespmem:s29], [sflag:$0x3] =	stream.linear.gather [hbm4b:s18+s5], $0x2710, $0x38;
	[tilespmem:$0x1ACE0] =	vst v63  }
0x36: {  	_ =	swait.ge [sflag:s24], $0x2710  }
0x37: {  	[sflag:s24] =	ssyncset.done $0x0  }
0x38: {  	s20 =	rddreg [dreg:$0x6];
	[sflag:s24] =	ssyncadd.s32 $0xFFFFD8F0  }
0x39: {  	[tilespmem:s30], [sflag:$0x3] =	stream.linear.gather [hbm4b:s20+s5], $0x2710, $0x38;
	[tilespmem:$0x1ACE0] =	vst v63  }
0x3a: {  	_ =	swait.ge [sflag:s24], $0x2710  }
0x3b: {  	[sflag:s24] =	ssyncset.done $0x0  }
0x3c: {  	s21 =	rddreg [dreg:$0x7];
	[sflag:s24] =	ssyncadd.s32 $0xFFFFD8F0  }
0x3d: {  	[tilespmem:s31], [sflag:$0x3] =	stream.linear.gather [hbm4b:s21+s5], $0x2710, $0x38;
	[tilespmem:$0x1ACE0] =	vst v63  }
0x3e: {  	_ =	swait.ge [sflag:s24], $0x2710  }
0x3f: {  	[sflag:s24] =	ssyncset.done $0x0  }
0x40: {  	s22 =	rddreg [dreg:$0x8];
	[sflag:s24] =	ssyncadd.s32 $0xFFFFD8F0  }
0x41: {  	[tilespmem:s0], [sflag:$0x3] =	stream.linear.gather [hbm4b:s22+s5], $0x2710, $0x38;
	[tilespmem:$0x1ACE0] =	vst v63  }
0x42: {  	_ =	swait.ge [sflag:s24], $0x2710  }
0x43: {  	s9 =	simm.s32 $0x40;
	[sflag:s24] =	ssyncset.done $0x0  }
0x44: {  	s11 =	simm.s32 $0x2840;
	s15 =	simm.s32 $0x5040;
	[sflag:s24] =	ssyncadd.s32 $0xFFFFD8F0  }
0x45: {  	s16 =	simm.s32 $0x7840;
	s17 =	smov.u32 s12;
	[bflag:$0x0] =	sbarrier.arrive $0xFFFF  }
.LBB2_2:
0x46: {  	v1 =	vld [tilespmem:s9+$0xFFFFFFC0]  }
0x47: {  	v2 =	vld [tilespmem:s11+$0xFFFFFFC0];
	_ =	sdelay $0x6  }
0x48: {  	v3 =	vld.idx.msk [tilespmem:v1+s29+$0x0], $0xffff  }
0x49: {  	v4 =	vld.idx.msk [tilespmem:v2+s31+$0x0], $0xffff  }
0x4a: {  	v1 =	vld.idx.msk [tilespmem:v1+s30+$0x0], $0xffff  }
0x4b: {  	v2 =	vld.idx.msk [tilespmem:v2+s0+$0x0], $0xffff  }
0x4c: {  	v5 =	vld [tilespmem:s15+$0xFFFFFFC0]  }
0x4d: {  	v6 =	vld [tilespmem:s16+$0xFFFFFFC0];
	_ =	sdelay $0x2  }
0x4e: {  	v3 =	vmul.f32 v4, v3;
	v1 =	vmul.f32 v2, v1;
	_ =	sdelay $0x1  }
0x4f: {  	v2 =	vmul.f32 v5, v3;
	v1 =	vmul.f32 v6, v1;
	_ =	sdelay $0x1  }
0x50: {  	v1 =	vmax.f32 v2, v1  }
0x51: {  	[tilespmem:s15+$0xFFFFFFC0] =	vst v1  }
0x52: {  	v1 =	vld [tilespmem:s9+$0xFFFFFFD0]  }
0x53: {  	v2 =	vld [tilespmem:s11+$0xFFFFFFD0];
	_ =	sdelay $0x6  }
0x54: {  	v3 =	vld.idx.msk [tilespmem:v1+s29+$0x0], $0xffff  }
0x55: {  	v43 =	vld.idx.msk [tilespmem:v2+s31+$0x0], $0xffff  }
0x56: {  	v1 =	vld.idx.msk [tilespmem:v1+s30+$0x0], $0xffff  }
0x57: {  	v2 =	vld.idx.msk [tilespmem:v2+s0+$0x0], $0xffff  }
0x58: {  	v44 =	vld [tilespmem:s15+$0xFFFFFFD0]  }
0x59: {  	v45 =	vld [tilespmem:s16+$0xFFFFFFD0];
	_ =	sdelay $0x2  }
0x5a: {  	v3 =	vmul.f32 v43, v3;
	v1 =	vmul.f32 v2, v1;
	_ =	sdelay $0x1  }
0x5b: {  	v2 =	vmul.f32 v44, v3;
	v1 =	vmul.f32 v45, v1;
	_ =	sdelay $0x1  }
0x5c: {  	v1 =	vmax.f32 v2, v1  }
0x5d: {  	[tilespmem:s15+$0xFFFFFFD0] =	vst v1  }
0x5e: {  	v1 =	vld [tilespmem:s9+$0xFFFFFFE0]  }
0x5f: {  	v2 =	vld [tilespmem:s11+$0xFFFFFFE0];
	_ =	sdelay $0x6  }
0x60: {  	v3 =	vld.idx.msk [tilespmem:v1+s29+$0x0], $0xffff  }
0x61: {  	v46 =	vld.idx.msk [tilespmem:v2+s31+$0x0], $0xffff  }
0x62: {  	v1 =	vld.idx.msk [tilespmem:v1+s30+$0x0], $0xffff  }
0x63: {  	v2 =	vld.idx.msk [tilespmem:v2+s0+$0x0], $0xffff  }
0x64: {  	v47 =	vld [tilespmem:s15+$0xFFFFFFE0]  }
0x65: {  	v48 =	vld [tilespmem:s16+$0xFFFFFFE0];
	_ =	sdelay $0x2  }
0x66: {  	v3 =	vmul.f32 v46, v3;
	v1 =	vmul.f32 v2, v1;
	_ =	sdelay $0x1  }
0x67: {  	v2 =	vmul.f32 v47, v3;
	v1 =	vmul.f32 v48, v1;
	_ =	sdelay $0x1  }
0x68: {  	v1 =	vmax.f32 v2, v1  }
0x69: {  	[tilespmem:s15+$0xFFFFFFE0] =	vst v1  }
0x6a: {  	v1 =	vld [tilespmem:s9+$0xFFFFFFF0]  }
0x6b: {  	v2 =	vld [tilespmem:s11+$0xFFFFFFF0];
	_ =	sdelay $0x6  }
0x6c: {  	v3 =	vld.idx.msk [tilespmem:v1+s29+$0x0], $0xffff  }
0x6d: {  	v49 =	vld.idx.msk [tilespmem:v2+s31+$0x0], $0xffff  }
0x6e: {  	v1 =	vld.idx.msk [tilespmem:v1+s30+$0x0], $0xffff  }
0x6f: {  	v2 =	vld.idx.msk [tilespmem:v2+s0+$0x0], $0xffff  }
0x70: {  	v50 =	vld [tilespmem:s15+$0xFFFFFFF0]  }
0x71: {  	v51 =	vld [tilespmem:s16+$0xFFFFFFF0];
	_ =	sdelay $0x2  }
0x72: {  	v3 =	vmul.f32 v49, v3;
	v1 =	vmul.f32 v2, v1;
	_ =	sdelay $0x1  }
0x73: {  	v2 =	vmul.f32 v50, v3;
	v1 =	vmul.f32 v51, v1;
	_ =	sdelay $0x1  }
0x74: {  	v1 =	vmax.f32 v2, v1  }
0x75: {  	[tilespmem:s15+$0xFFFFFFF0] =	vst v1  }
0x76: {  	v1 =	vld [tilespmem:s9+$0x0]  }
0x77: {  	v2 =	vld [tilespmem:s11+$0x0];
	_ =	sdelay $0x6  }
0x78: {  	v3 =	vld.idx.msk [tilespmem:v1+s29+$0x0], $0xffff  }
0x79: {  	v52 =	vld.idx.msk [tilespmem:v2+s31+$0x0], $0xffff  }
0x7a: {  	v1 =	vld.idx.msk [tilespmem:v1+s30+$0x0], $0xffff  }
0x7b: {  	v2 =	vld.idx.msk [tilespmem:v2+s0+$0x0], $0xffff  }
0x7c: {  	v53 =	vld [tilespmem:s15+$0x0]  }
0x7d: {  	v54 =	vld [tilespmem:s16+$0x0];
	_ =	sdelay $0x2  }
0x7e: {  	v3 =	vmul.f32 v52, v3;
	v1 =	vmul.f32 v2, v1;
	_ =	sdelay $0x1  }
0x7f: {  	v2 =	vmul.f32 v53, v3;
	v1 =	vmul.f32 v54, v1;
	_ =	sdelay $0x1  }
0x80: {  	v1 =	vmax.f32 v2, v1  }
0x81: {  	[tilespmem:s15+$0x0] =	vst v1  }
0x82: {  	v1 =	vld [tilespmem:s9+$0x10]  }
0x83: {  	v2 =	vld [tilespmem:s11+$0x10];
	_ =	sdelay $0x6  }
0x84: {  	v3 =	vld.idx.msk [tilespmem:v1+s29+$0x0], $0xffff  }
0x85: {  	v55 =	vld.idx.msk [tilespmem:v2+s31+$0x0], $0xffff  }
0x86: {  	v1 =	vld.idx.msk [tilespmem:v1+s30+$0x0], $0xffff  }
0x87: {  	v2 =	vld.idx.msk [tilespmem:v2+s0+$0x0], $0xffff  }
0x88: {  	v56 =	vld [tilespmem:s15+$0x10]  }
0x89: {  	v57 =	vld [tilespmem:s16+$0x10];
	_ =	sdelay $0x2  }
0x8a: {  	v3 =	vmul.f32 v55, v3;
	v1 =	vmul.f32 v2, v1;
	_ =	sdelay $0x1  }
0x8b: {  	v2 =	vmul.f32 v56, v3;
	v1 =	vmul.f32 v57, v1;
	_ =	sdelay $0x1  }
0x8c: {  	v1 =	vmax.f32 v2, v1  }
0x8d: {  	[tilespmem:s15+$0x10] =	vst v1  }
0x8e: {  	v1 =	vld [tilespmem:s9+$0x20]  }
0x8f: {  	v2 =	vld [tilespmem:s11+$0x20];
	_ =	sdelay $0x6  }
0x90: {  	v3 =	vld.idx.msk [tilespmem:v1+s29+$0x0], $0xffff  }
0x91: {  	v58 =	vld.idx.msk [tilespmem:v2+s31+$0x0], $0xffff  }
0x92: {  	v1 =	vld.idx.msk [tilespmem:v1+s30+$0x0], $0xffff  }
0x93: {  	v2 =	vld.idx.msk [tilespmem:v2+s0+$0x0], $0xffff  }
0x94: {  	v59 =	vld [tilespmem:s15+$0x20]  }
0x95: {  	v60 =	vld [tilespmem:s16+$0x20];
	_ =	sdelay $0x2  }
0x96: {  	v3 =	vmul.f32 v58, v3;
	v1 =	vmul.f32 v2, v1;
	_ =	sdelay $0x1  }
0x97: {  	v2 =	vmul.f32 v59, v3;
	v1 =	vmul.f32 v60, v1;
	_ =	sdelay $0x1  }
0x98: {  	v1 =	vmax.f32 v2, v1  }
0x99: {  	[tilespmem:s15+$0x20] =	vst v1  }
0x9a: {  	v1 =	vld [tilespmem:s9+$0x30]  }
0x9b: {  	v2 =	vld [tilespmem:s11+$0x30];
	_ =	sdelay $0x6  }
0x9c: {  	v3 =	vld.idx.msk [tilespmem:v1+s29+$0x0], $0xffff  }
0x9d: {  	v61 =	vld.idx.msk [tilespmem:v2+s31+$0x0], $0xffff  }
0x9e: {  	v1 =	vld.idx.msk [tilespmem:v1+s30+$0x0], $0xffff  }
0x9f: {  	v2 =	vld.idx.msk [tilespmem:v2+s0+$0x0], $0xffff  }
0xa0: {  	v62 =	vld [tilespmem:s15+$0x30]  }
0xa1: {  	v63 =	vld [tilespmem:s16+$0x30];
	_ =	sdelay $0x2  }
0xa2: {  	p0 =	sne.s32 s17, $0x1;
	v3 =	vmul.f32 v61, v3;
	v1 =	vmul.f32 v2, v1  }
.Ltmp0:
0xa3: {  	_ = 	snop;
	(pc) =	sbr.rel @p0 .LBB2_2-.Ltmp0, $3  }
0xa4: {  	v2 =	vmul.f32 v62, v3;
	v1 =	vmul.f32 v63, v1;
	_ =	sdelay $0x1  }
0xa5: {  	s17 =	sadd.s32 $0xFFFFFFFF, s17;
	s9 =	sadd.s32 $0x80, s9;
	v1 =	vmax.f32 v2, v1  }
0xa6: {  	s11 =	sadd.s32 $0x80, s11;
	s16 =	sadd.s32 $0x80, s16;
	[tilespmem:s15+$0x30] =	vst v1;
	s15 =	sadd.s32 $0x80, s15  }
0xa7: {  	p0 =	sne.s32 s12, $0x1  }
.Ltmp1:
0xa8: {  	_ = 	snop;
	(pc) =	sbr.rel @!p0 .LBB2_5-.Ltmp1, $4  }
0xa9: {  	s9 =	simm.s32 $0x5000;
	s11 =	simm.s32 $0x2800  }
0xaa: {  	[spmem:s4] =	stream.indirect.scatter.add.f32 [tilespmem:s9], [sflag:$0x3], $0x1, s11, s2, $0xb8;
	[tilespmem:$0x1ACE0] =	vst v63  }
0xab: {  	_ =	swait.ge [sflag:s24], $0x80  }
0xac: {  	s15 =	sadd.s32 $0xFFFFFFFF, s12;
	[sflag:s24] =	ssyncset.done $0x0  }
.LBB2_4:
0xad: {  	[sflag:s24] =	ssyncadd.s32 $0xFFFFFF80  }
0xae: {  	s9 =	sadd.s32 $0x80, s9;
	s11 =	sadd.s32 $0x80, s11;
	p0 =	sne.s32 s15, $0x1  }
.Ltmp2:
0xaf: {  	s15 =	sadd.s32 $0xFFFFFFFF, s15;
	(pc) =	sbr.rel @p0 .LBB2_4-.Ltmp2, $4  }
0xb0: {  	_ = 	snop  }
0xb1: {  	[spmem:s4] =	stream.indirect.scatter.add.f32 [tilespmem:s9], [sflag:$0x3], $0x1, s11, s2, $0xb8;
	[tilespmem:$0x1ACE0] =	vst v63  }
0xb2: {  	_ =	swait.ge [sflag:s24], $0x80  }
0xb3: {  	[sflag:s24] =	ssyncset.done $0x0  }
.LBB2_5:
0xb4: {  	[sflag:s24] =	ssyncadd.s32 $0xFFFFFF80;
	s9 =	simm.s32 $0x0  }
0xb5: {  	[tilespmem:s1], [sflag:$0x1] =	stream.indirect.gather [hbm4b:s10+s2], $0x20, s9, s2, $0xb8;
	[tilespmem:$0x1ACE0] =	vst v63  }
0xb6: {  	_ = 	snop  }
0xb7: {  	[tilespmem:s25], [sflag:$0x2] =	stream.indirect.gather [hbm4b:s10+s2], $0x20, s2, s2, $0xb8;
	[tilespmem:$0x1ACE0] =	vst v63  }
.LBB2_6:
0xb8: {  	s11 =	simm.s32 $0x0  }
0xb9: {  	v1 =	vmov s11  }
0xba: {  	s21 =	sshll.u32 s9, $0x8;
	v2 =	vshrl.u32 v1, $0x3  }
0xbb: {  	v1 =	vmov s21;
	v2 =	vshll.u32 v2, v0  }
0xbc: {  	v2 =	vadd.s32 v1, v2  }
0xbd: {  	v2 =	vbroadcast v2, $0x0;
	_ =	sdelay $0x1  }
0xbe: {  	_ =	swait.ge [sflag:s28], $0x1000  }
0xbf: {  	[sflag:s28] =	ssyncset.done $0x0  }
0xc0: {  	s15 =	simm.s32 $0x13CC0;
	s22 =	simm.s32 $0x1;
	[sflag:s28] =	ssyncadd.s32 $0xFFFFF000  }
0xc1: {  	v4 =	vmov s22;
	v3 =	vld [tilespmem:s15+$0xFFFFFF80]  }
0xc2: {  	v4 =	vshrl.u32 v4, $0x3;
	v5 =	vld.idx.msk [tilespmem:v2+s26+$0x0], $0xffff  }
0xc3: {  	v6 =	vld [tilespmem:s15+$0xFFFFFF90];
	v4 =	vshll.u32 v4, v0;
	v2 =	vor.u32 $0x1, v1  }
0xc4: {  	v4 =	vadd.s32 v4, v2  }
0xc5: {  	v4 =	vbroadcast v4, $0x0;
	_ =	sdelay $0x1  }
0xc6: {  	v3 =	vmul.f32 v3, v5  }
0xc7: {  	v5 =	vmul.f32 v6, v5  }
0xc8: {  	s16 =	simm.s32 $0x2;
	[tilespmem:s15+$0xFFFFFF80] =	vst v3  }
0xc9: {  	[tilespmem:s15+$0xFFFFFF90] =	vst v5;
	v5 =	vld [tilespmem:s15+$0xFFFFFFA0];
	v3 =	vmov s16  }
0xca: {  	v4 =	vld.idx.msk [tilespmem:v4+s26+$0x0], $0xffff;
	v6 =	vshrl.u32 v3, $0x3  }
0xcb: {  	v7 =	vld [tilespmem:s15+$0xFFFFFFB0];
	v3 =	vor.u32 $0x2, v1;
	v6 =	vshll.u32 v6, v0  }
0xcc: {  	v6 =	vadd.s32 v6, v3  }
0xcd: {  	v6 =	vbroadcast v6, $0x0;
	_ =	sdelay $0x1  }
0xce: {  	v5 =	vmul.f32 v5, v4  }
0xcf: {  	v4 =	vmul.f32 v7, v4  }
0xd0: {  	s17 =	simm.s32 $0x3;
	[tilespmem:s15+$0xFFFFFFA0] =	vst v5  }
0xd1: {  	[tilespmem:s15+$0xFFFFFFB0] =	vst v4;
	v5 =	vld [tilespmem:s15+$0xFFFFFFC0];
	v4 =	vmov s17  }
0xd2: {  	v7 =	vshrl.u32 v4, $0x3;
	v6 =	vld.idx.msk [tilespmem:v6+s26+$0x0], $0xffff  }
0xd3: {  	v8 =	vld [tilespmem:s15+$0xFFFFFFD0];
	v4 =	vor.u32 $0x3, v1;
	v7 =	vshll.u32 v7, v0  }
0xd4: {  	v7 =	vadd.s32 v7, v4  }
0xd5: {  	v7 =	vbroadcast v7, $0x0;
	_ =	sdelay $0x1  }
0xd6: {  	v5 =	vmul.f32 v5, v6  }
0xd7: {  	v6 =	vmul.f32 v8, v6  }
0xd8: {  	[tilespmem:s15+$0xFFFFFFC0] =	vst v5  }
0xd9: {  	s18 =	simm.s32 $0x4;
	[tilespmem:s15+$0xFFFFFFD0] =	vst v6  }
0xda: {  	v5 =	vmov s18;
	v6 =	vld.idx.msk [tilespmem:v7+s26+$0x0], $0xffff  }
0xdb: {  	v7 =	vld [tilespmem:s15+$0xFFFFFFE0];
	v9 =	vshrl.u32 v5, $0x3  }
0xdc: {  	v8 =	vld [tilespmem:s15+$0xFFFFFFF0];
	v5 =	vor.u32 $0x4, v1;
	v9 =	vshll.u32 v9, v0  }
0xdd: {  	v9 =	vadd.s32 v9, v5  }
0xde: {  	v9 =	vbroadcast v9, $0x0;
	_ =	sdelay $0x1  }
0xdf: {  	v7 =	vmul.f32 v7, v6  }
0xe0: {  	v6 =	vmul.f32 v8, v6  }
0xe1: {  	s20 =	simm.s32 $0x5;
	[tilespmem:s15+$0xFFFFFFE0] =	vst v7  }
0xe2: {  	[tilespmem:s15+$0xFFFFFFF0] =	vst v6;
	v7 =	vld [tilespmem:s15+$0x0];
	v6 =	vmov s20  }
0xe3: {  	v8 =	vld.idx.msk [tilespmem:v9+s26+$0x0], $0xffff;
	v9 =	vshrl.u32 v6, $0x3  }
0xe4: {  	v10 =	vld [tilespmem:s15+$0x10];
	v6 =	vor.u32 $0x5, v1;
	v9 =	vshll.u32 v9, v0  }
0xe5: {  	v9 =	vadd.s32 v9, v6  }
0xe6: {  	v9 =	vbroadcast v9, $0x0;
	_ =	sdelay $0x1  }
0xe7: {  	v7 =	vmul.f32 v7, v8  }
0xe8: {  	v8 =	vmul.f32 v10, v8  }
0xe9: {  	s21 =	simm.s32 $0x6;
	[tilespmem:s15+$0x0] =	vst v7  }
0xea: {  	[tilespmem:s15+$0x10] =	vst v8;
	v8 =	vld [tilespmem:s15+$0x20];
	v7 =	vmov s21  }
0xeb: {  	v10 =	vshrl.u32 v7, $0x3;
	v9 =	vld.idx.msk [tilespmem:v9+s26+$0x0], $0xffff  }
0xec: {  	v11 =	vld [tilespmem:s15+$0x30];
	v7 =	vor.u32 $0x6, v1;
	v10 =	vshll.u32 v10, v0  }
0xed: {  	v10 =	vadd.s32 v10, v7  }
0xee: {  	v10 =	vbroadcast v10, $0x0;
	_ =	sdelay $0x1  }
0xef: {  	v8 =	vmul.f32 v8, v9  }
0xf0: {  	v11 =	vmul.f32 v11, v9  }
0xf1: {  	s22 =	simm.s32 $0x7;
	[tilespmem:s15+$0x20] =	vst v8  }
0xf2: {  	[tilespmem:s15+$0x30] =	vst v11;
	v8 =	vmov s22;
	v11 =	vld [tilespmem:s15+$0x40]  }
0xf3: {  	v12 =	vshrl.u32 v8, $0x3;
	v13 =	vld.idx.msk [tilespmem:v10+s26+$0x0], $0xffff  }
0xf4: {  	v8 =	vor.u32 $0x7, v1;
	v10 =	vshll.u32 v12, v0;
	v12 =	vld [tilespmem:s15+$0x50]  }
0xf5: {  	v10 =	vadd.s32 v10, v8  }
0xf6: {  	v14 =	vbroadcast v10, $0x0;
	_ =	sdelay $0x1  }
0xf7: {  	v11 =	vmul.f32 v11, v13  }
0xf8: {  	v12 =	vmul.f32 v12, v13  }
0xf9: {  	v9 =	vld [tilespmem:s15+$0x60];
	[tilespmem:s15+$0x40] =	vst v11  }
0xfa: {  	s11 =	sshll.u32 s9, $0x1;
	s17 =	simm.s32 $0x8;
	v10 =	vld [tilespmem:s15+$0x70];
	[tilespmem:s15+$0x50] =	vst v12  }
0xfb: {  	s16 =	simm.s32 $0xF;
	s18 =	simm.s32 $0x17;
	v12 =	vmov s17;
	s17 =	simm.s32 $0x13CC0;
	v11 =	vld.idx.msk [tilespmem:v14+s26+$0x0], $0xffff  }
.LBB2_7:
0xfc: {  	p0 =	sne.s32 s18, $0x7F  }
0xfd: {  	v12 =	vshrl.u32 v12, $0x3;
	s15 =	sadd.s32 $0x100, s15;
	s20 =	smov.u32 s18;
	s18 =	sadd.s32 $0x8, s18  }
0xfe: {  	v12 =	vshll.u32 v12, v0  }
0xff: {  	v12 =	vadd.s32 v1, v12  }
0x100: {  	v12 =	vbroadcast v12, $0x0;
	_ =	sdelay $0x1  }
0x101: {  	v9 =	vmul.f32 v9, v11;
	v10 =	vmul.f32 v10, v11;
	_ =	sdelay $0x1  }
0x102: {  	s21 =	sadd.s32 $0xFFFFFFFA, s16;
	[tilespmem:s17+$0x60] =	vst v9  }
0x103: {  	v9 =	vmov s21;
	v11 =	vld [tilespmem:s15+$0xFFFFFF80];
	[tilespmem:s17+$0x70] =	vst v10;
	s17 =	smov.u32 s15  }
0x104: {  	v9 =	vshrl.u32 v9, $0x3;
	v12 =	vld.idx.msk [tilespmem:v12+s26+$0x0], $0xffff  }
0x105: {  	v9 =	vshll.u32 v9, v0;
	v13 =	vld [tilespmem:s15+$0xFFFFFF90]  }
0x106: {  	v9 =	vadd.s32 v9, v2;
	v10 =	vld [tilespmem:s15+$0x70]  }
0x107: {  	v14 =	vbroadcast v9, $0x0;
	v9 =	vld [tilespmem:s15+$0x60];
	_ =	sdelay $0x2  }
0x108: {  	v11 =	vmul.f32 v11, v12;
	v12 =	vmul.f32 v13, v12  }
0x109: {  	s21 =	sadd.s32 $0xFFFFFFFB, s16  }
0x10a: {  	[tilespmem:s15+$0xFFFFFF80] =	vst v11;
	v11 =	vmov s21  }
0x10b: {  	[tilespmem:s15+$0xFFFFFF90] =	vst v12;
	v12 =	vld [tilespmem:s15+$0xFFFFFFA0];
	v11 =	vshrl.u32 v11, $0x3  }
0x10c: {  	v13 =	vld.idx.msk [tilespmem:v14+s26+$0x0], $0xffff;
	v11 =	vshll.u32 v11, v0  }
0x10d: {  	v14 =	vld [tilespmem:s15+$0xFFFFFFB0];
	v11 =	vadd.s32 v11, v3  }
0x10e: {  	v11 =	vbroadcast v11, $0x0;
	_ =	sdelay $0x3  }
0x10f: {  	s21 =	sadd.s32 $0xFFFFFFFC, s16;
	v12 =	vmul.f32 v12, v13;
	v13 =	vmul.f32 v14, v13  }
0x110: {  	v14 =	vmov s21  }
0x111: {  	[tilespmem:s15+$0xFFFFFFA0] =	vst v12;
	v12 =	vshrl.u32 v14, $0x3  }
0x112: {  	[tilespmem:s15+$0xFFFFFFB0] =	vst v13;
	v13 =	vld [tilespmem:s15+$0xFFFFFFC0];
	v12 =	vshll.u32 v12, v0  }
0x113: {  	v11 =	vld.idx.msk [tilespmem:v11+s26+$0x0], $0xffff;
	v12 =	vadd.s32 v12, v4  }
0x114: {  	v14 =	vld [tilespmem:s15+$0xFFFFFFD0];
	v12 =	vbroadcast v12, $0x0;
	_ =	sdelay $0x3  }
0x115: {  	s21 =	sadd.s32 $0xFFFFFFFD, s16  }
0x116: {  	v13 =	vmul.f32 v13, v11;
	v11 =	vmul.f32 v14, v11;
	v14 =	vmov s21  }
0x117: {  	v14 =	vshrl.u32 v14, $0x3  }
0x118: {  	[tilespmem:s15+$0xFFFFFFC0] =	vst v13;
	v13 =	vld [tilespmem:s15+$0xFFFFFFF0];
	v14 =	vshll.u32 v14, v0  }
0x119: {  	[tilespmem:s15+$0xFFFFFFD0] =	vst v11;
	v11 =	vadd.s32 v14, v5  }
0x11a: {  	v12 =	vld.idx.msk [tilespmem:v12+s26+$0x0], $0xffff;
	v11 =	vbroadcast v11, $0x0  }
0x11b: {  	v14 =	vld [tilespmem:s15+$0xFFFFFFE0];
	_ =	sdelay $0x2  }
0x11c: {  	s21 =	sadd.s32 $0xFFFFFFFE, s16  }
0x11d: {  	v15 =	vmov s21  }
0x11e: {  	v14 =	vmul.f32 v14, v12;
	v12 =	vmul.f32 v13, v12;
	v13 =	vshrl.u32 v15, $0x3  }
0x11f: {  	v13 =	vshll.u32 v13, v0  }
0x120: {  	[tilespmem:s15+$0xFFFFFFE0] =	vst v14;
	v13 =	vadd.s32 v13, v6  }
0x121: {  	[tilespmem:s15+$0xFFFFFFF0] =	vst v12;
	v12 =	vld [tilespmem:s15+$0x0];
	v13 =	vbroadcast v13, $0x0  }
0x122: {  	v11 =	vld.idx.msk [tilespmem:v11+s26+$0x0], $0xffff  }
0x123: {  	v14 =	vld [tilespmem:s15+$0x10];
	_ =	sdelay $0x1  }
0x124: {  	s21 =	sadd.s32 $0xFFFFFFFF, s16  }
0x125: {  	v15 =	vmov s21  }
0x126: {  	v15 =	vshrl.u32 v15, $0x3  }
0x127: {  	v12 =	vmul.f32 v12, v11;
	v11 =	vmul.f32 v14, v11;
	v14 =	vshll.u32 v15, v0  }
0x128: {  	v14 =	vadd.s32 v14, v7  }
0x129: {  	[tilespmem:s15+$0x0] =	vst v12;
	v12 =	vbroadcast v14, $0x0  }
0x12a: {  	[tilespmem:s15+$0x10] =	vst v11;
	v11 =	vld [tilespmem:s15+$0x20]  }
0x12b: {  	v13 =	vld.idx.msk [tilespmem:v13+s26+$0x0], $0xffff  }
0x12c: {  	v14 =	vld [tilespmem:s15+$0x30];
	_ =	sdelay $0x1  }
0x12d: {  	v15 =	vmov s16;
	s16 =	smov.u32 s20  }
0x12e: {  	v15 =	vshrl.u32 v15, $0x3  }
0x12f: {  	v15 =	vshll.u32 v15, v0  }
0x130: {  	v11 =	vmul.f32 v11, v13;
	v13 =	vmul.f32 v14, v13;
	v14 =	vadd.s32 v15, v8  }
0x131: {  	v14 =	vbroadcast v14, $0x0  }
0x132: {  	[tilespmem:s15+$0x20] =	vst v11  }
0x133: {  	[tilespmem:s15+$0x30] =	vst v13;
	v11 =	vld [tilespmem:s15+$0x40]  }
0x134: {  	v12 =	vld.idx.msk [tilespmem:v12+s26+$0x0], $0xffff  }
0x135: {  	v13 =	vld [tilespmem:s15+$0x50];
	_ =	sdelay $0x4  }
.Ltmp3:
0x136: {  	v11 =	vmul.f32 v11, v12;
	v12 =	vmul.f32 v13, v12;
	(pc) =	sbr.rel @p0 .LBB2_7-.Ltmp3, $4  }
0x137: {  	_ = 	snop  }
0x138: {  	[tilespmem:s15+$0x40] =	vst v11  }
0x139: {  	s20 =	sadd.s32 $0xFFFFFFF9, s16;
	[tilespmem:s15+$0x50] =	vst v12  }
0x13a: {  	v12 =	vmov s20;
	v11 =	vld.idx.msk [tilespmem:v14+s26+$0x0], $0xffff  }
0x13b: {  	v12 =	vshrl.u32 v12, $0x3  }
0x13c: {  	v12 =	vshll.u32 v12, v0  }
0x13d: {  	v1 =	vadd.s32 v1, v12  }
0x13e: {  	v1 =	vbroadcast v1, $0x0;
	_ =	sdelay $0x1  }
0x13f: {  	v9 =	vmul.f32 v9, v11  }
0x140: {  	v10 =	vmul.f32 v10, v11  }
0x141: {  	s15 =	sadd.s32 $0x100, s15;
	s18 =	sadd.s32 $0xFFFFFFFA, s16;
	[tilespmem:s17+$0x60] =	vst v9  }
0x142: {  	v11 =	vmov s18;
	v9 =	vld [tilespmem:s15+$0xFFFFFF80];
	[tilespmem:s17+$0x70] =	vst v10  }
0x143: {  	v10 =	vshrl.u32 v11, $0x3;
	v1 =	vld.idx.msk [tilespmem:v1+s26+$0x0], $0xffff  }
0x144: {  	v11 =	vld [tilespmem:s15+$0xFFFFFF90];
	v10 =	vshll.u32 v10, v0  }
0x145: {  	v2 =	vadd.s32 v10, v2  }
0x146: {  	v2 =	vbroadcast v2, $0x0;
	_ =	sdelay $0x1  }
0x147: {  	v9 =	vmul.f32 v9, v1  }
0x148: {  	v1 =	vmul.f32 v11, v1  }
0x149: {  	s18 =	sadd.s32 $0xFFFFFFFB, s16;
	[tilespmem:s15+$0xFFFFFF80] =	vst v9  }
0x14a: {  	v9 =	vmov s18;
	[tilespmem:s15+$0xFFFFFF90] =	vst v1;
	v1 =	vld [tilespmem:s15+$0xFFFFFFA0]  }
0x14b: {  	v9 =	vshrl.u32 v9, $0x3;
	v2 =	vld.idx.msk [tilespmem:v2+s26+$0x0], $0xffff  }
0x14c: {  	v10 =	vld [tilespmem:s15+$0xFFFFFFB0];
	v9 =	vshll.u32 v9, v0  }
0x14d: {  	v3 =	vadd.s32 v9, v3  }
0x14e: {  	v3 =	vbroadcast v3, $0x0;
	_ =	sdelay $0x1  }
0x14f: {  	v1 =	vmul.f32 v1, v2  }
0x150: {  	v2 =	vmul.f32 v10, v2  }
0x151: {  	s20 =	sadd.s32 $0xFFFFFFFC, s16;
	[tilespmem:s15+$0xFFFFFFA0] =	vst v1  }
0x152: {  	v1 =	vmov s20;
	[tilespmem:s15+$0xFFFFFFB0] =	vst v2;
	v2 =	vld [tilespmem:s15+$0xFFFFFFC0]  }
0x153: {  	v1 =	vshrl.u32 v1, $0x3;
	v3 =	vld.idx.msk [tilespmem:v3+s26+$0x0], $0xffff  }
0x154: {  	v9 =	vld [tilespmem:s15+$0xFFFFFFD0];
	v1 =	vshll.u32 v1, v0  }
0x155: {  	v1 =	vadd.s32 v1, v4  }
0x156: {  	v1 =	vbroadcast v1, $0x0;
	_ =	sdelay $0x1  }
0x157: {  	v2 =	vmul.f32 v2, v3  }
0x158: {  	v3 =	vmul.f32 v9, v3  }
0x159: {  	s21 =	sadd.s32 $0xFFFFFFFD, s16;
	[tilespmem:s15+$0xFFFFFFC0] =	vst v2  }
0x15a: {  	[tilespmem:s15+$0xFFFFFFD0] =	vst v3;
	v2 =	vmov s21;
	v3 =	vld [tilespmem:s15+$0xFFFFFFE0]  }
0x15b: {  	v1 =	vld.idx.msk [tilespmem:v1+s26+$0x0], $0xffff;
	v2 =	vshrl.u32 v2, $0x3  }
0x15c: {  	v4 =	vld [tilespmem:s15+$0xFFFFFFF0];
	v2 =	vshll.u32 v2, v0  }
0x15d: {  	v2 =	vadd.s32 v2, v5  }
0x15e: {  	v2 =	vbroadcast v2, $0x0;
	_ =	sdelay $0x1  }
0x15f: {  	v3 =	vmul.f32 v3, v1  }
0x160: {  	v1 =	vmul.f32 v4, v1  }
0x161: {  	s22 =	sadd.s32 $0xFFFFFFFE, s16;
	[tilespmem:s15+$0xFFFFFFE0] =	vst v3  }
0x162: {  	v3 =	vmov s22;
	[tilespmem:s15+$0xFFFFFFF0] =	vst v1;
	v1 =	vld [tilespmem:s15+$0x0]  }
0x163: {  	v3 =	vshrl.u32 v3, $0x3;
	v2 =	vld.idx.msk [tilespmem:v2+s26+$0x0], $0xffff  }
0x164: {  	v4 =	vld [tilespmem:s15+$0x10];
	v3 =	vshll.u32 v3, v0  }
0x165: {  	v3 =	vadd.s32 v3, v6  }
0x166: {  	v3 =	vbroadcast v3, $0x0;
	_ =	sdelay $0x1  }
0x167: {  	v1 =	vmul.f32 v1, v2  }
0x168: {  	v2 =	vmul.f32 v4, v2  }
0x169: {  	s18 =	sadd.s32 $0xFFFFFFFF, s16;
	[tilespmem:s15+$0x0] =	vst v1  }
0x16a: {  	v1 =	vmov s18;
	[tilespmem:s15+$0x10] =	vst v2;
	v2 =	vld [tilespmem:s15+$0x20]  }
0x16b: {  	v1 =	vshrl.u32 v1, $0x3;
	v3 =	vld.idx.msk [tilespmem:v3+s26+$0x0], $0xffff  }
0x16c: {  	v4 =	vld [tilespmem:s15+$0x30];
	v1 =	vshll.u32 v1, v0  }
0x16d: {  	v1 =	vadd.s32 v1, v7  }
0x16e: {  	v1 =	vbroadcast v1, $0x0;
	_ =	sdelay $0x1  }
0x16f: {  	v2 =	vmul.f32 v2, v3  }
0x170: {  	v3 =	vmul.f32 v4, v3  }
0x171: {  	[tilespmem:s15+$0x20] =	vst v2  }
0x172: {  	v2 =	vmov s16;
	[tilespmem:s15+$0x30] =	vst v3;
	v3 =	vld [tilespmem:s15+$0x40]  }
0x173: {  	v2 =	vshrl.u32 v2, $0x3;
	v1 =	vld.idx.msk [tilespmem:v1+s26+$0x0], $0xffff  }
0x174: {  	v4 =	vld [tilespmem:s15+$0x50];
	v2 =	vshll.u32 v2, v0  }
0x175: {  	v2 =	vadd.s32 v2, v8  }
0x176: {  	v2 =	vbroadcast v2, $0x0;
	_ =	sdelay $0x1  }
0x177: {  	v3 =	vmul.f32 v3, v1  }
0x178: {  	v1 =	vmul.f32 v4, v1  }
0x179: {  	[tilespmem:s15+$0x40] =	vst v3  }
0x17a: {  	v3 =	vld [tilespmem:s15+$0x60];
	[tilespmem:s15+$0x50] =	vst v1  }
0x17b: {  	v1 =	vld.idx.msk [tilespmem:v2+s26+$0x0], $0xffff  }
0x17c: {  	v2 =	vld [tilespmem:s15+$0x70];
	_ =	sdelay $0x3  }
0x17d: {  	v3 =	vmul.f32 v3, v1  }
0x17e: {  	s20 =	sshll.u32 s9, $0xA;
	v1 =	vmul.f32 v2, v1  }
0x17f: {  	s16 =	sshra.s32 s20, $0x2;
	[tilespmem:s15+$0x60] =	vst v3  }
0x180: {  	s21 =	simm.s32 $0x0;
	s16 =	sadd.s32 $0x2800, s16;
	[tilespmem:s15+$0x70] =	vst v1;
	s15 =	sor.u32 $0x1, s11  }
0x181: {  	v1 =	vmov s21;
	[spmem:s3] =	stream.indirect.scatter.add.f32 [tilespmem:s1], [sflag:$0x3], $0x20, s16, s2, $0xb8;
	[tilespmem:$0x1ACE0] =	vst v63  }
0x182: {  	s16 =	sadd.s32 $0x2, s11;
	s22 =	sshll.u32 s15, $0x7;
	v2 =	vshrl.u32 v1, $0x3  }
0x183: {  	_ =	swait.ge [sflag:s24], $0x1000;
	p0 =	sge.u32 s16, s12;
	v1 =	vmov s22;
	v2 =	vshll.u32 v2, v0  }
0x184: {  	[sflag:s24] =	ssyncset.done $0x0;
	s16 =	sshll.u32 @!p0 s16, $0x7;
	v2 =	vadd.s32 v1, v2;
	s17 =	simm.s32 @!p0 $0x80  }
0x185: {  	s18 =	simm.s32 @!p0 $0x13C40;
	[sflag:s24] =	ssyncadd.s32 $0xFFFFF000;
	s16 =	sand.u32 @!p0 $0x3FFFFF80, s16;
	v2 =	vbroadcast v2, $0x0  }
0x186: {  	[tilespmem:s18], [sflag:$0x1] =	stream.indirect.gather @!p0 [hbm4b:s10+s17], $0x20, s16, s17, $0xb8;
	[tilespmem:$0x1ACE0] =	vst v63  }
0x187: {  	_ =	swait.ge [sflag:s6], $0x1000  }
0x188: {  	[sflag:s6] =	ssyncset.done $0x0  }
0x189: {  	s16 =	simm.s32 $0x14CC0;
	s18 =	simm.s32 $0x1;
	[sflag:s6] =	ssyncadd.s32 $0xFFFFF000  }
0x18a: {  	v4 =	vmov s18;
	v3 =	vld [tilespmem:s16+$0xFFFFFF80]  }
0x18b: {  	v4 =	vshrl.u32 v4, $0x3;
	v5 =	vld.idx.msk [tilespmem:v2+s26+$0x0], $0xffff  }
0x18c: {  	v4 =	vshll.u32 v4, v0;
	v6 =	vld [tilespmem:s16+$0xFFFFFF90];
	v2 =	vor.u32 $0x1, v1  }
0x18d: {  	v4 =	vadd.s32 v4, v2  }
0x18e: {  	v4 =	vbroadcast v4, $0x0;
	_ =	sdelay $0x1  }
0x18f: {  	v3 =	vmul.f32 v3, v5  }
0x190: {  	v5 =	vmul.f32 v6, v5  }
0x191: {  	s20 =	simm.s32 $0x2;
	[tilespmem:s16+$0xFFFFFF80] =	vst v3  }
0x192: {  	[tilespmem:s16+$0xFFFFFF90] =	vst v5;
	v5 =	vld [tilespmem:s16+$0xFFFFFFA0];
	v3 =	vmov s20  }
0x193: {  	v4 =	vld.idx.msk [tilespmem:v4+s26+$0x0], $0xffff;
	v6 =	vshrl.u32 v3, $0x3  }
0x194: {  	v7 =	vld [tilespmem:s16+$0xFFFFFFB0];
	v3 =	vor.u32 $0x2, v1;
	v6 =	vshll.u32 v6, v0  }
0x195: {  	v6 =	vadd.s32 v6, v3  }
0x196: {  	v6 =	vbroadcast v6, $0x0;
	_ =	sdelay $0x1  }
0x197: {  	v5 =	vmul.f32 v5, v4  }
0x198: {  	v4 =	vmul.f32 v7, v4  }
0x199: {  	s21 =	simm.s32 $0x3;
	[tilespmem:s16+$0xFFFFFFA0] =	vst v5  }
0x19a: {  	[tilespmem:s16+$0xFFFFFFB0] =	vst v4;
	v5 =	vld [tilespmem:s16+$0xFFFFFFC0];
	v4 =	vmov s21  }
0x19b: {  	v7 =	vshrl.u32 v4, $0x3;
	v6 =	vld.idx.msk [tilespmem:v6+s26+$0x0], $0xffff  }
0x19c: {  	v8 =	vld [tilespmem:s16+$0xFFFFFFD0];
	v4 =	vor.u32 $0x3, v1;
	v7 =	vshll.u32 v7, v0  }
0x19d: {  	v7 =	vadd.s32 v7, v4  }
0x19e: {  	v7 =	vbroadcast v7, $0x0;
	_ =	sdelay $0x1  }
0x19f: {  	v5 =	vmul.f32 v5, v6  }
0x1a0: {  	v6 =	vmul.f32 v8, v6  }
0x1a1: {  	[tilespmem:s16+$0xFFFFFFC0] =	vst v5  }
0x1a2: {  	s22 =	simm.s32 $0x4;
	[tilespmem:s16+$0xFFFFFFD0] =	vst v6  }
0x1a3: {  	v5 =	vmov s22;
	v6 =	vld.idx.msk [tilespmem:v7+s26+$0x0], $0xffff  }
0x1a4: {  	v7 =	vld [tilespmem:s16+$0xFFFFFFE0];
	v9 =	vshrl.u32 v5, $0x3  }
0x1a5: {  	v8 =	vld [tilespmem:s16+$0xFFFFFFF0];
	v5 =	vor.u32 $0x4, v1;
	v9 =	vshll.u32 v9, v0  }
0x1a6: {  	v9 =	vadd.s32 v9, v5  }
0x1a7: {  	v9 =	vbroadcast v9, $0x0;
	_ =	sdelay $0x1  }
0x1a8: {  	v7 =	vmul.f32 v7, v6  }
0x1a9: {  	v6 =	vmul.f32 v8, v6  }
0x1aa: {  	s18 =	simm.s32 $0x5;
	[tilespmem:s16+$0xFFFFFFE0] =	vst v7  }
0x1ab: {  	[tilespmem:s16+$0xFFFFFFF0] =	vst v6;
	v7 =	vld [tilespmem:s16+$0x0];
	v6 =	vmov s18  }
0x1ac: {  	v8 =	vld.idx.msk [tilespmem:v9+s26+$0x0], $0xffff;
	v9 =	vshrl.u32 v6, $0x3  }
0x1ad: {  	v10 =	vld [tilespmem:s16+$0x10];
	v6 =	vor.u32 $0x5, v1;
	v9 =	vshll.u32 v9, v0  }
0x1ae: {  	v9 =	vadd.s32 v9, v6  }
0x1af: {  	v9 =	vbroadcast v9, $0x0;
	_ =	sdelay $0x1  }
0x1b0: {  	v7 =	vmul.f32 v7, v8  }
0x1b1: {  	v8 =	vmul.f32 v10, v8  }
0x1b2: {  	s20 =	simm.s32 $0x6;
	[tilespmem:s16+$0x0] =	vst v7  }
0x1b3: {  	[tilespmem:s16+$0x10] =	vst v8;
	v8 =	vld [tilespmem:s16+$0x20];
	v7 =	vmov s20  }
0x1b4: {  	v10 =	vshrl.u32 v7, $0x3;
	v9 =	vld.idx.msk [tilespmem:v9+s26+$0x0], $0xffff  }
0x1b5: {  	v11 =	vld [tilespmem:s16+$0x30];
	v7 =	vor.u32 $0x6, v1;
	v10 =	vshll.u32 v10, v0  }
0x1b6: {  	v10 =	vadd.s32 v10, v7  }
0x1b7: {  	v10 =	vbroadcast v10, $0x0;
	_ =	sdelay $0x1  }
0x1b8: {  	v8 =	vmul.f32 v8, v9  }
0x1b9: {  	v11 =	vmul.f32 v11, v9  }
0x1ba: {  	s21 =	simm.s32 $0x7;
	[tilespmem:s16+$0x20] =	vst v8  }
0x1bb: {  	[tilespmem:s16+$0x30] =	vst v11;
	v8 =	vmov s21;
	v11 =	vld [tilespmem:s16+$0x40]  }
0x1bc: {  	v12 =	vshrl.u32 v8, $0x3;
	v13 =	vld.idx.msk [tilespmem:v10+s26+$0x0], $0xffff  }
0x1bd: {  	v8 =	vor.u32 $0x7, v1;
	v10 =	vshll.u32 v12, v0;
	v12 =	vld [tilespmem:s16+$0x50]  }
0x1be: {  	v10 =	vadd.s32 v10, v8  }
0x1bf: {  	v14 =	vbroadcast v10, $0x0;
	_ =	sdelay $0x1  }
0x1c0: {  	v11 =	vmul.f32 v11, v13  }
0x1c1: {  	v12 =	vmul.f32 v12, v13  }
0x1c2: {  	v9 =	vld [tilespmem:s16+$0x60];
	[tilespmem:s16+$0x40] =	vst v11  }
0x1c3: {  	s22 =	simm.s32 $0x8;
	v10 =	vld [tilespmem:s16+$0x70];
	[tilespmem:s16+$0x50] =	vst v12  }
0x1c4: {  	s17 =	simm.s32 $0xF;
	s18 =	simm.s32 $0x14CC0;
	s20 =	simm.s32 $0x17;
	v12 =	vmov s22;
	v11 =	vld.idx.msk [tilespmem:v14+s26+$0x0], $0xffff  }
.LBB2_9:
0x1c5: {  	p0 =	sne.s32 s20, $0x7F  }
0x1c6: {  	v12 =	vshrl.u32 v12, $0x3;
	s16 =	sadd.s32 $0x100, s16;
	s21 =	smov.u32 s20;
	s20 =	sadd.s32 $0x8, s20  }
0x1c7: {  	v12 =	vshll.u32 v12, v0  }
0x1c8: {  	v12 =	vadd.s32 v1, v12  }
0x1c9: {  	v12 =	vbroadcast v12, $0x0;
	_ =	sdelay $0x1  }
0x1ca: {  	v9 =	vmul.f32 v9, v11;
	v10 =	vmul.f32 v10, v11;
	_ =	sdelay $0x1  }
0x1cb: {  	s22 =	sadd.s32 $0xFFFFFFFA, s17;
	[tilespmem:s18+$0x60] =	vst v9  }
0x1cc: {  	v9 =	vmov s22;
	v11 =	vld [tilespmem:s16+$0xFFFFFF80];
	[tilespmem:s18+$0x70] =	vst v10;
	s18 =	smov.u32 s16  }
0x1cd: {  	v9 =	vshrl.u32 v9, $0x3;
	v12 =	vld.idx.msk [tilespmem:v12+s26+$0x0], $0xffff  }
0x1ce: {  	v9 =	vshll.u32 v9, v0;
	v13 =	vld [tilespmem:s16+$0xFFFFFF90]  }
0x1cf: {  	v9 =	vadd.s32 v9, v2;
	v10 =	vld [tilespmem:s16+$0x70]  }
0x1d0: {  	v14 =	vbroadcast v9, $0x0;
	v9 =	vld [tilespmem:s16+$0x60];
	_ =	sdelay $0x2  }
0x1d1: {  	v11 =	vmul.f32 v11, v12;
	v12 =	vmul.f32 v13, v12  }
0x1d2: {  	s22 =	sadd.s32 $0xFFFFFFFB, s17  }
0x1d3: {  	[tilespmem:s16+$0xFFFFFF80] =	vst v11;
	v11 =	vmov s22  }
0x1d4: {  	[tilespmem:s16+$0xFFFFFF90] =	vst v12;
	v12 =	vld [tilespmem:s16+$0xFFFFFFA0];
	v11 =	vshrl.u32 v11, $0x3  }
0x1d5: {  	v13 =	vld.idx.msk [tilespmem:v14+s26+$0x0], $0xffff;
	v11 =	vshll.u32 v11, v0  }
0x1d6: {  	v14 =	vld [tilespmem:s16+$0xFFFFFFB0];
	v11 =	vadd.s32 v11, v3  }
0x1d7: {  	v11 =	vbroadcast v11, $0x0;
	_ =	sdelay $0x3  }
0x1d8: {  	s22 =	sadd.s32 $0xFFFFFFFC, s17;
	v12 =	vmul.f32 v12, v13;
	v13 =	vmul.f32 v14, v13  }
0x1d9: {  	v14 =	vmov s22  }
0x1da: {  	[tilespmem:s16+$0xFFFFFFA0] =	vst v12;
	v12 =	vshrl.u32 v14, $0x3  }
0x1db: {  	[tilespmem:s16+$0xFFFFFFB0] =	vst v13;
	v13 =	vld [tilespmem:s16+$0xFFFFFFC0];
	v12 =	vshll.u32 v12, v0  }
0x1dc: {  	v11 =	vld.idx.msk [tilespmem:v11+s26+$0x0], $0xffff;
	v12 =	vadd.s32 v12, v4  }
0x1dd: {  	v14 =	vld [tilespmem:s16+$0xFFFFFFD0];
	v12 =	vbroadcast v12, $0x0;
	_ =	sdelay $0x3  }
0x1de: {  	s22 =	sadd.s32 $0xFFFFFFFD, s17  }
0x1df: {  	v13 =	vmul.f32 v13, v11;
	v11 =	vmul.f32 v14, v11;
	v14 =	vmov s22  }
0x1e0: {  	v14 =	vshrl.u32 v14, $0x3  }
0x1e1: {  	[tilespmem:s16+$0xFFFFFFC0] =	vst v13;
	v13 =	vld [tilespmem:s16+$0xFFFFFFF0];
	v14 =	vshll.u32 v14, v0  }
0x1e2: {  	[tilespmem:s16+$0xFFFFFFD0] =	vst v11;
	v11 =	vadd.s32 v14, v5  }
0x1e3: {  	v12 =	vld.idx.msk [tilespmem:v12+s26+$0x0], $0xffff;
	v11 =	vbroadcast v11, $0x0  }
0x1e4: {  	v14 =	vld [tilespmem:s16+$0xFFFFFFE0];
	_ =	sdelay $0x2  }
0x1e5: {  	s22 =	sadd.s32 $0xFFFFFFFE, s17  }
0x1e6: {  	v15 =	vmov s22  }
0x1e7: {  	v14 =	vmul.f32 v14, v12;
	v12 =	vmul.f32 v13, v12;
	v13 =	vshrl.u32 v15, $0x3  }
0x1e8: {  	v13 =	vshll.u32 v13, v0  }
0x1e9: {  	[tilespmem:s16+$0xFFFFFFE0] =	vst v14;
	v13 =	vadd.s32 v13, v6  }
0x1ea: {  	[tilespmem:s16+$0xFFFFFFF0] =	vst v12;
	v12 =	vld [tilespmem:s16+$0x0];
	v13 =	vbroadcast v13, $0x0  }
0x1eb: {  	v11 =	vld.idx.msk [tilespmem:v11+s26+$0x0], $0xffff  }
0x1ec: {  	v14 =	vld [tilespmem:s16+$0x10];
	_ =	sdelay $0x1  }
0x1ed: {  	s22 =	sadd.s32 $0xFFFFFFFF, s17  }
0x1ee: {  	v15 =	vmov s22  }
0x1ef: {  	v15 =	vshrl.u32 v15, $0x3  }
0x1f0: {  	v12 =	vmul.f32 v12, v11;
	v11 =	vmul.f32 v14, v11;
	v14 =	vshll.u32 v15, v0  }
0x1f1: {  	v14 =	vadd.s32 v14, v7  }
0x1f2: {  	[tilespmem:s16+$0x0] =	vst v12;
	v12 =	vbroadcast v14, $0x0  }
0x1f3: {  	[tilespmem:s16+$0x10] =	vst v11;
	v11 =	vld [tilespmem:s16+$0x20]  }
0x1f4: {  	v13 =	vld.idx.msk [tilespmem:v13+s26+$0x0], $0xffff  }
0x1f5: {  	v14 =	vld [tilespmem:s16+$0x30];
	_ =	sdelay $0x1  }
0x1f6: {  	v15 =	vmov s17;
	s17 =	smov.u32 s21  }
0x1f7: {  	v15 =	vshrl.u32 v15, $0x3  }
0x1f8: {  	v15 =	vshll.u32 v15, v0  }
0x1f9: {  	v11 =	vmul.f32 v11, v13;
	v13 =	vmul.f32 v14, v13;
	v14 =	vadd.s32 v15, v8  }
0x1fa: {  	v14 =	vbroadcast v14, $0x0  }
0x1fb: {  	[tilespmem:s16+$0x20] =	vst v11  }
0x1fc: {  	[tilespmem:s16+$0x30] =	vst v13;
	v11 =	vld [tilespmem:s16+$0x40]  }
0x1fd: {  	v12 =	vld.idx.msk [tilespmem:v12+s26+$0x0], $0xffff  }
0x1fe: {  	v13 =	vld [tilespmem:s16+$0x50];
	_ =	sdelay $0x4  }
.Ltmp4:
0x1ff: {  	v11 =	vmul.f32 v11, v12;
	v12 =	vmul.f32 v13, v12;
	(pc) =	sbr.rel @p0 .LBB2_9-.Ltmp4, $4  }
0x200: {  	_ = 	snop  }
0x201: {  	[tilespmem:s16+$0x40] =	vst v11  }
0x202: {  	s21 =	sadd.s32 $0xFFFFFFF9, s17;
	[tilespmem:s16+$0x50] =	vst v12  }
0x203: {  	v12 =	vmov s21;
	v11 =	vld.idx.msk [tilespmem:v14+s26+$0x0], $0xffff  }
0x204: {  	v12 =	vshrl.u32 v12, $0x3  }
0x205: {  	v12 =	vshll.u32 v12, v0  }
0x206: {  	v1 =	vadd.s32 v1, v12  }
0x207: {  	v1 =	vbroadcast v1, $0x0;
	_ =	sdelay $0x1  }
0x208: {  	v9 =	vmul.f32 v9, v11  }
0x209: {  	v10 =	vmul.f32 v10, v11  }
0x20a: {  	s16 =	sadd.s32 $0x100, s16;
	s20 =	sadd.s32 $0xFFFFFFFA, s17;
	[tilespmem:s18+$0x60] =	vst v9  }
0x20b: {  	v53 =	vld [tilespmem:s16+$0xFFFFFF80];
	v54 =	vmov s20;
	[tilespmem:s18+$0x70] =	vst v10  }
0x20c: {  	v55 =	vshrl.u32 v54, $0x3;
	v1 =	vld.idx.msk [tilespmem:v1+s26+$0x0], $0xffff  }
0x20d: {  	v56 =	vld [tilespmem:s16+$0xFFFFFF90];
	v10 =	vshll.u32 v55, v0  }
0x20e: {  	v2 =	vadd.s32 v10, v2  }
0x20f: {  	v2 =	vbroadcast v2, $0x0;
	_ =	sdelay $0x1  }
0x210: {  	v9 =	vmul.f32 v53, v1  }
0x211: {  	v1 =	vmul.f32 v56, v1  }
0x212: {  	s21 =	sadd.s32 $0xFFFFFFFB, s17;
	[tilespmem:s16+$0xFFFFFF80] =	vst v9  }
0x213: {  	v57 =	vmov s21;
	[tilespmem:s16+$0xFFFFFF90] =	vst v1;
	v1 =	vld [tilespmem:s16+$0xFFFFFFA0]  }
0x214: {  	v9 =	vshrl.u32 v57, $0x3;
	v2 =	vld.idx.msk [tilespmem:v2+s26+$0x0], $0xffff  }
0x215: {  	v58 =	vld [tilespmem:s16+$0xFFFFFFB0];
	v9 =	vshll.u32 v9, v0  }
0x216: {  	v3 =	vadd.s32 v9, v3  }
0x217: {  	v3 =	vbroadcast v3, $0x0;
	_ =	sdelay $0x1  }
0x218: {  	v1 =	vmul.f32 v1, v2  }
0x219: {  	v2 =	vmul.f32 v58, v2  }
0x21a: {  	s22 =	sadd.s32 $0xFFFFFFFC, s17;
	[tilespmem:s16+$0xFFFFFFA0] =	vst v1  }
0x21b: {  	v1 =	vmov s22;
	[tilespmem:s16+$0xFFFFFFB0] =	vst v2;
	v2 =	vld [tilespmem:s16+$0xFFFFFFC0]  }
0x21c: {  	v1 =	vshrl.u32 v1, $0x3;
	v3 =	vld.idx.msk [tilespmem:v3+s26+$0x0], $0xffff  }
0x21d: {  	v59 =	vld [tilespmem:s16+$0xFFFFFFD0];
	v1 =	vshll.u32 v1, v0  }
0x21e: {  	v1 =	vadd.s32 v1, v4  }
0x21f: {  	v1 =	vbroadcast v1, $0x0;
	_ =	sdelay $0x1  }
0x220: {  	v2 =	vmul.f32 v2, v3  }
0x221: {  	v3 =	vmul.f32 v59, v3  }
0x222: {  	s20 =	sadd.s32 $0xFFFFFFFD, s17;
	[tilespmem:s16+$0xFFFFFFC0] =	vst v2  }
0x223: {  	[tilespmem:s16+$0xFFFFFFD0] =	vst v3;
	v2 =	vmov s20;
	v3 =	vld [tilespmem:s16+$0xFFFFFFE0]  }
0x224: {  	v2 =	vshrl.u32 v2, $0x3;
	v1 =	vld.idx.msk [tilespmem:v1+s26+$0x0], $0xffff  }
0x225: {  	v60 =	vld [tilespmem:s16+$0xFFFFFFF0];
	v2 =	vshll.u32 v2, v0  }
0x226: {  	v2 =	vadd.s32 v2, v5  }
0x227: {  	v2 =	vbroadcast v2, $0x0;
	_ =	sdelay $0x1  }
0x228: {  	v3 =	vmul.f32 v3, v1  }
0x229: {  	v1 =	vmul.f32 v60, v1  }
0x22a: {  	s21 =	sadd.s32 $0xFFFFFFFE, s17;
	[tilespmem:s16+$0xFFFFFFE0] =	vst v3  }
0x22b: {  	v3 =	vmov s21;
	[tilespmem:s16+$0xFFFFFFF0] =	vst v1;
	v1 =	vld [tilespmem:s16+$0x0]  }
0x22c: {  	v3 =	vshrl.u32 v3, $0x3;
	v2 =	vld.idx.msk [tilespmem:v2+s26+$0x0], $0xffff  }
0x22d: {  	v61 =	vld [tilespmem:s16+$0x10];
	v3 =	vshll.u32 v3, v0  }
0x22e: {  	v3 =	vadd.s32 v3, v6  }
0x22f: {  	v3 =	vbroadcast v3, $0x0;
	_ =	sdelay $0x1  }
0x230: {  	v1 =	vmul.f32 v1, v2  }
0x231: {  	v2 =	vmul.f32 v61, v2  }
0x232: {  	s22 =	sadd.s32 $0xFFFFFFFF, s17;
	[tilespmem:s16+$0x0] =	vst v1  }
0x233: {  	v1 =	vmov s22;
	[tilespmem:s16+$0x10] =	vst v2;
	v2 =	vld [tilespmem:s16+$0x20]  }
0x234: {  	v1 =	vshrl.u32 v1, $0x3;
	v3 =	vld.idx.msk [tilespmem:v3+s26+$0x0], $0xffff  }
0x235: {  	v62 =	vld [tilespmem:s16+$0x30];
	v1 =	vshll.u32 v1, v0  }
0x236: {  	v1 =	vadd.s32 v1, v7  }
0x237: {  	v1 =	vbroadcast v1, $0x0;
	_ =	sdelay $0x1  }
0x238: {  	v2 =	vmul.f32 v2, v3  }
0x239: {  	v3 =	vmul.f32 v62, v3  }
0x23a: {  	[tilespmem:s16+$0x20] =	vst v2  }
0x23b: {  	v2 =	vmov s17;
	[tilespmem:s16+$0x30] =	vst v3;
	v3 =	vld [tilespmem:s16+$0x40]  }
0x23c: {  	v2 =	vshrl.u32 v2, $0x3;
	v1 =	vld.idx.msk [tilespmem:v1+s26+$0x0], $0xffff  }
0x23d: {  	v63 =	vld [tilespmem:s16+$0x50];
	v2 =	vshll.u32 v2, v0  }
0x23e: {  	v2 =	vadd.s32 v2, v8  }
0x23f: {  	v2 =	vbroadcast v2, $0x0;
	_ =	sdelay $0x1  }
0x240: {  	v3 =	vmul.f32 v3, v1  }
0x241: {  	v1 =	vmul.f32 v63, v1  }
0x242: {  	[tilespmem:s16+$0x40] =	vst v3  }
0x243: {  	v3 =	vld [tilespmem:s16+$0x60];
	[tilespmem:s16+$0x50] =	vst v1  }
0x244: {  	v1 =	vld.idx.msk [tilespmem:v2+s26+$0x0], $0xffff  }
0x245: {  	v2 =	vld [tilespmem:s16+$0x70];
	_ =	sdelay $0x3  }
0x246: {  	v3 =	vmul.f32 v3, v1  }
0x247: {  	s15 =	sshll.u32 s15, $0x9;
	v1 =	vmul.f32 v2, v1  }
0x248: {  	s11 =	sadd.s32 $0x3, s11;
	s15 =	sshra.s32 s15, $0x2;
	[tilespmem:s16+$0x60] =	vst v3  }
0x249: {  	p0 =	sge.u32 s11, s12;
	s15 =	sadd.s32 $0x2800, s15;
	[tilespmem:s16+$0x70] =	vst v1  }
0x24a: {  	[spmem:s3] =	stream.indirect.scatter.add.f32 [tilespmem:s25], [sflag:$0x3], $0x20, s15, s2, $0xb8;
	[tilespmem:$0x1ACE0] =	vst v63  }
0x24b: {  	s11 =	sshll.u32 @!p0 s11, $0x7;
	_ =	swait.ge [sflag:s24], $0x1000  }
0x24c: {  	s9 =	sadd.s32 $0x1, s9;
	s11 =	sand.u32 @!p0 $0x3FFFFF80, s11;
	[sflag:s24] =	ssyncset.done $0x0  }
0x24d: {  	s16 =	simm.s32 @!p0 $0x14C40;
	s15 =	simm.s32 @!p0 $0x80;
	[sflag:s24] =	ssyncadd.s32 $0xFFFFF000  }
0x24e: {  	[tilespmem:s16], [sflag:$0x2] =	stream.indirect.gather @!p0 [hbm4b:s10+s15], $0x20, s11, s15, $0xb8;
	[tilespmem:$0x1ACE0] =	vst v63  }
0x24f: {  	p0 =	sne.s32 s9, s19  }
.Ltmp5:
0x250: {  	_ = 	snop;
	(pc) =	sbr.rel @p0 .LBB2_6-.Ltmp5, $1  }
0x251: {  	_ =	sdelay $0x3  }
0x252: {  	[bflag:$0x0] =	sbarrier.arrive $0xFFFF  }
0x253: {  	s9 =	rddreg [dreg:$0xe]  }
0x254: {  	[hbm:s9], [sflag:s14] =	dma.local [spmem:s23], $0x9C4  }
0x255: {  	_ =	swait.ge [sflag:s24], $0x9C4  }
0x256: {  	[sflag:s24] =	ssyncset.done $0x0  }
0x257: {  	s21 =	rddreg [dreg:$0xf];
	[sflag:s24] =	ssyncadd.s32 $0xFFFFF63C  }
0x258: {  	[hbm:s21], [sflag:s14] =	dma.local [spmem:s8], $0x50  }
0x259: {  	_ =	swait.ge [sflag:s24], $0x50  }
0x25a: {  	s7 =	sadd.s32 $0x1, s7;
	s22 =	rddreg [dreg:$0x10]  }
0x25b: {  	p0 =	sne.s32 s7, s22  }
.Ltmp6:
0x25c: {  	_ = 	snop;
	(pc) =	sbr.rel @p0 .LBB2_1-.Ltmp6, $3  }
0x25d: {  	_ =	sdelay $0x1  }
0x25e: {  	[sflag:s24] =	ssyncset.done $0x0  }
0x25f: {  	[sflag:s24] =	ssyncadd.s32 $0xFFFFFFB0  }
0x260: {  	_ =	sfence.sel $0x180000  }
0x261: {  	[bflag:$0x0] =	sbarrier.arrive $0xFFFF  }
0x262: {  	_ =	strace $0x9000004D  }
0x263: {  	s0 =	stileid.u32;
	[bflag:$0x2] =	sbarrier.arrive $0xFFFF  }
0x264: {  	p0 =	sne.s32 s0, $0x0;
	s0 =	rddreg [dreg:$0x4]  }
0x265: {  	s0 =	sadd.s32 @!p0 $0x100000, s0  }
0x266: {  	[sflag:s0] =	ssyncadd.tile.s32 @!p0 $0x1;
	_ =	shalt  }
.Lfunc_end2:
_tile_overlayer_lowered:
.L_overlay_start_2:
0x267: {  	(tag) =	ssettag $0x2  }
0x268: {  	s0 =	rddreg [dreg:$0x0];
	s2 =	stileid.u32  }
0x269: {  	s1 =	rddreg [dreg:$0x1];
	p0 =	sne.s32 s2, $0x0  }
0x26a: {  	s3 =	rddreg [dreg:$0x2];
	[bflag:$0x3] =	sbarrier.arrive $0xFFFF;
	s2 =	simm.s32 @!p0 $0x1C03  }
0x26b: {  	[timem:s3], [sflag:s2] =	dma.local @!p0 [hbm:s0], s1  }
0x26c: {  	s0 =	simm.s32 @!p0 $0x3  }
0x26d: {  	_ =	swait.ge @!p0 [sflag:s0], s1  }
0x26e: {  	s1 =	ssub.s32 @!p0 $0x0, s1;
	[sflag:s0] =	ssyncset.done @!p0 $0x0  }
0x26f: {  	[sflag:s0] =	ssyncadd.s32 @!p0 s1  }
0x270: {  	[bflag:$0x3] =	sbarrier.arrive $0xFFFF  }
0x271: {  	_ =	shalt  }

// kernel: kernel.8.cloned.1.call-start
scs
__scs_entry_jumppad:
0x0: {  	(pc) =	sbr.rel $0x88, $3  }
0x1: {  	(tag) =	ssettag $0x0;
	lr =	simm.s32 $0x1  }
0x2: {  	[smem:$0x3F90] =	sst lr;
	_ =	strace $0xD0000000  }
0x3: {  	_ = 	snop  }
0x4: {  	_ = 	snop  }
0x5: {  	_ = 	snop  }
0x6: {  	_ = 	snop  }
0x7: {  	_ = 	snop  }
__scs_overlays_trampoline_lowered:
0x8: {  	[smem:$0x3F9F] =	sst s0  }
0x9: {  	[smem:$0x3FA0] =	sst s1  }
0xa: {  	[smem:$0x3FA1] =	sst s2  }
0xb: {  	[smem:$0x3FA2] =	sst s3  }
0xc: {  	[smem:$0x3FA3] =	sst s4  }
0xd: {  	[smem:$0x3FA4] =	sst s5  }
0xe: {  	[smem:$0x3FA5] =	sst s6  }
0xf: {  	[smem:$0x3FA6] =	sst s7  }
0x10: {  	[smem:$0x3FA7] =	sst s8  }
0x11: {  	[smem:$0x3FA8] =	sst s9;
	s0 =	simm.s32 @!p0 $0x0  }
0x12: {  	s1 =	sld [smem:$0x3F8E];
	s0 =	simm.s32 @p0 $0x1  }
0x13: {  	[smem:$0x3FA9] =	sst s0;
	s0 =	simm.s32 @!p1 $0x0  }
0x14: {  	s2 =	sld [smem:$0x3F8D];
	s0 =	simm.s32 @p1 $0x1  }
0x15: {  	[smem:$0x3FAA] =	sst s0;
	s0 =	simm.s32 @!p2 $0x0  }
0x16: {  	s3 =	sld [smem:$0x3FDB];
	s0 =	simm.s32 @p2 $0x1  }
0x17: {  	s4 =	simm.s32 $0x1BF5;
	[smem:$0x3FAC] =	sst s0  }
0x18: {  	s0 =	sld [smem:$0x3F8F];
	_ =	swait.ge [sflag:s4], $0x0  }
0x19: {  	s7 =	sld [smem:$0x3F90]  }
0x1a: {  	s8 =	sadd.s32 $0xFFFFE003, lr  }
0x1b: {  	s9 =	sadd.s32 $0xFFFFFEF7, lr;
	s5 =	simm.s32 $0xFFFFFFFF;
	p2 =	slt.u32 s8, $0xFFFFF086  }
0x1c: {  	p1 =	slt.u32 s9, $0xF7A;
	s5 =	simm.s32 @!p2 $0x0  }
0x1d: {  	s5 =	simm.s32 @p1 $0x1;
	p0 =	seq.s32 s7, s2  }
0x1e: {  	s7 =	smul.u32 @!p0 $0xF7A, s2;
	p2 =	seq.s32 @!p0 s5, $0x0  }
0x1f: {  	s9 =	smul.u32 $0xF7A, s1;
	s8 =	simm.s32 @!p0 $0x1BF5;
	p2 =	por !p2, p0  }
0x20: {  	[sflag:s8] =	ssyncset.s32 @!p0 $0xFFFFF086;
	s6 =	sadd.s32 @!p0 s3, s7;
	s7 =	simm.s32 @!p0 $0x108  }
0x21: {  	s3 =	sadd.s32 s3, s9;
	s6 =	sadd.s32 @!p0 $0x88, s6;
	s7 =	simm.s32 @p2 $0x1082  }
0x22: {  	[simem:s7], [sflag:s8] =	dma.local @!p0 [hbm:s6], $0xF7A  }
0x23: {  	s9 =	sor.u32 $0xD0000000, s2;
	s6 =	simm.s32 $0x108;
	_ =	swait.ge @!p0 [sflag:s8], $0x0  }
0x24: {  	s3 =	sadd.s32 $0x88, s3;
	s6 =	simm.s32 @!p1 $0x1082;
	[sflag:s4] =	ssyncset.s32 $0xFFFFF086  }
0x25: {  	[simem:s6], [sflag:s4] =	dma.local [hbm:s3], $0xF7A  }
0x26: {  	[smem:$0x3F90] =	sst s1;
	(tag) =	ssettag s2;
	_ =	strace s9  }
0x27: {  	s1 =	sld [smem:$0x3FA0]  }
0x28: {  	s2 =	sld [smem:$0x3FA1]  }
0x29: {  	s4 =	sld [smem:$0x3FA3]  }
0x2a: {  	p0 =	seq.s32 s5, $0x0;
	s5 =	sld [smem:$0x3FA4]  }
0x2b: {  	s6 =	sld [smem:$0x3FA5]  }
0x2c: {  	s7 =	sld [smem:$0x3FA6]  }
0x2d: {  	s3 =	simm.s32 $0x108;
	s8 =	sld [smem:$0x3FA7]  }
0x2e: {  	s3 =	simm.s32 @!p0 $0x1082;
	s9 =	sld [smem:$0x3FA8]  }
0x2f: {  	lr =	sadd.s32 s0, s3;
	s0 =	sld [smem:$0x3F9F]  }
0x30: {  	s3 =	sld [smem:$0x3FA2]  }
0x31: {  	[smem:$0x3FAB] =	sst s10  }
0x32: {  	s10 =	sld [smem:$0x3FA9];
	_ =	sdelay $0x3  }
0x33: {  	p0 =	seq.s32 s10, $0x1;
	s10 =	sld [smem:$0x3FAB];
	_ =	sdelay $0x3  }
0x34: {  	[smem:$0x3FAB] =	sst s10  }
0x35: {  	s10 =	sld [smem:$0x3FAA];
	_ =	sdelay $0x3  }
0x36: {  	p1 =	seq.s32 s10, $0x1;
	s10 =	sld [smem:$0x3FAB];
	_ =	sdelay $0x3  }
0x37: {  	[smem:$0x3FAB] =	sst s10  }
0x38: {  	s10 =	sld [smem:$0x3FAC]  }
0x39: {  	_ = 	snop;
	(pc) =	sbr.ind lr, $3  }
0x3a: {  	_ = 	snop  }
0x3b: {  	_ = 	snop  }
0x3c: {  	p2 =	seq.s32 s10, $0x1;
	s10 =	sld [smem:$0x3FAB]  }
0x3d: {  	_ =	shalt  }
0x3e: {  	_ =	shalt  }
0x3f: {  	_ =	shalt  }
0x40: {  	_ =	shalt  }
0x41: {  	_ =	shalt  }
0x42: {  	_ =	shalt  }
0x43: {  	_ =	shalt  }
0x44: {  	_ =	shalt  }
0x45: {  	_ =	shalt  }
0x46: {  	_ =	shalt  }
0x47: {  	_ =	shalt  }
0x48: {  	_ =	shalt  }
0x49: {  	_ =	shalt  }
0x4a: {  	_ =	shalt  }
0x4b: {  	_ =	shalt  }
0x4c: {  	_ =	shalt  }
0x4d: {  	_ =	shalt  }
0x4e: {  	_ =	shalt  }
0x4f: {  	_ =	shalt  }
0x50: {  	_ =	shalt  }
0x51: {  	_ =	shalt  }
0x52: {  	_ =	shalt  }
0x53: {  	_ =	shalt  }
0x54: {  	_ =	shalt  }
0x55: {  	_ =	shalt  }
0x56: {  	_ =	shalt  }
0x57: {  	_ =	shalt  }
0x58: {  	_ =	shalt  }
0x59: {  	_ =	shalt  }
0x5a: {  	_ =	shalt  }
0x5b: {  	_ =	shalt  }
0x5c: {  	_ =	shalt  }
0x5d: {  	_ =	shalt  }
0x5e: {  	_ =	shalt  }
0x5f: {  	_ =	shalt  }
0x60: {  	_ =	shalt  }
0x61: {  	_ =	shalt  }
0x62: {  	_ =	shalt  }
0x63: {  	_ =	shalt  }
0x64: {  	_ =	shalt  }
0x65: {  	_ =	shalt  }
0x66: {  	_ =	shalt  }
0x67: {  	_ =	shalt  }
0x68: {  	_ =	shalt  }
0x69: {  	_ =	shalt  }
0x6a: {  	_ =	shalt  }
0x6b: {  	_ =	shalt  }
0x6c: {  	_ =	shalt  }
0x6d: {  	_ =	shalt  }
0x6e: {  	_ =	shalt  }
0x6f: {  	_ =	shalt  }
0x70: {  	_ =	shalt  }
0x71: {  	_ =	shalt  }
0x72: {  	_ =	shalt  }
0x73: {  	_ =	shalt  }
0x74: {  	_ =	shalt  }
0x75: {  	_ =	shalt  }
0x76: {  	_ =	shalt  }
0x77: {  	_ =	shalt  }
0x78: {  	_ =	shalt  }
0x79: {  	_ =	shalt  }
0x7a: {  	_ =	shalt  }
0x7b: {  	_ =	shalt  }
0x7c: {  	_ =	shalt  }
0x7d: {  	_ =	shalt  }
0x7e: {  	_ =	shalt  }
0x7f: {  	_ =	shalt  }
0x80: {  	_ =	shalt  }
0x81: {  	_ =	shalt  }
0x82: {  	_ =	shalt  }
0x83: {  	_ =	shalt  }
0x84: {  	_ =	shalt  }
0x85: {  	_ =	shalt  }
0x86: {  	_ =	shalt  }
0x87: {  	_ =	shalt  }
.Lfunc_end0:
.L_simem_size_0:
called_computation_lowered:
.L_overlay_start_0:
0x88: {  	s2 =	sld [smem:$0x3FD9]  }
0x89: {  	s3 =	sld [smem:$0x3FFE];
	_ =	sdelay $0x1  }
0x8a: {  	s1 =	srdreg.scid  }
0x8b: {  	s0 =	sand.u32 $0x1, s1  }
0x8c: {  	s17 =	sshll.u32 s0, $0xA;
	s2 =	sadd.s32 s3, s2  }
0x8d: {  	s2 =	sadd.s32 s2, s17  }
0x8e: {  	[smem:$0x3FB7] =	sst s2  }
0x8f: {  	_ = 	snop  }
0x90: {  	s18 =	sld [smem:$0x3FD0];
	(tm) =	ssettm $0x1  }
0x91: {  	s19 =	sld [smem:$0x3FFB];
	_ =	sdelay $0x3  }
0x92: {  	_ =	strace s19  }
0x93: {  	s2 =	sld [smem:$0x3FFC];
	_ =	sdelay $0x3  }
0x94: {  	_ =	strace s2  }
0x95: {  	s2 =	sld [smem:$0x3FFD];
	_ =	sdelay $0x3  }
0x96: {  	_ =	strace s2  }
0x97: {  	_ =	strace $0x8FFFFFFF  }
0x98: {  	s20 =	sld [smem:$0x3FDB];
	_ =	sdelay $0x1  }
0x99: {  	s4 =	simm.s32 $_scs_section_size  }
0x9a: {  	s5 =	simm.s32 $_size__tile_overlayer_lowered;
	s6 =	simm.s32 $_tile_overlayer_lowered  }
0x9b: {  	s7 =	simm.s32 $0x1BFF;
	s21 =	sshll.u32 s6, $0x1;
	s4 =	sadd.s32 s4, s20  }
0x9c: {  	s22 =	simm.s32 $0x0;
	s5 =	sshll.u32 s5, $0x1;
	s6 =	sadd.s32 s21, s4  }
0x9d: {  	[timem:s22], [sflag:s7] =	dma.local [hbm:s6], s5  }
0x9e: {  	_ =	swait.ge [sflag:s7], s5  }
0x9f: {  	s5 =	ssub.s32 $0x0, s5;
	[sflag:s7] =	ssyncset.done $0x0  }
0xa0: {  	[sflag:s7] =	ssyncadd.s32 s5;
	_ =	sdelay $0x1  }
0xa1: {  	s23 =	simm.s32 $0x1B8B  }
0xa2: {  	_ =	swait.ge [sflag:s23], $0x1  }
0xa3: {  	[sflag:s23] =	ssyncset.done $0x0  }
0xa4: {  	[sflag:s23] =	ssyncadd.s32 $0xFFFFFFFF  }
0xa5: {  	s5 =	sld [smem:$0x0]  }
0xa6: {  	s6 =	sand.u32 $0xFFFFFFFE, s1  }
0xa7: {  	p0 =	sne.s32 s1, s6  }
0xa8: {  	s6 =	sshll.u32 @p0 s6, $0xE  }
0xa9: {  	s6 =	sadd.s32 @p0 $0x11B8D, s6;
	s7 =	sshll.u32 @p0 s5, $0x11  }
0xaa: {  	s6 =	sor.u32 @p0 s7, s6  }
0xab: {  	[sflag:s6] =	ssyncadd.remote.s32 @p0 $0x1;
	_ =	sdelay $0x1  }
0xac: {  	s6 =	simm.s32 @p0 $0x1B8D  }
0xad: {  	_ =	swait.eq @p0 [sflag:s6], $0x1  }
0xae: {  	[sflag:s6] =	ssyncadd.s32 @p0 $0xFFFFFFFF  }
0xaf: {  	s7 =	sshll.u32 @!p0 s1, $0xE  }
0xb0: {  	s7 =	sor.u32 @!p0 $0x4000, s7;
	s6 =	simm.s32 @!p0 $0x1B8D  }
0xb1: {  	s5 =	sshll.u32 @!p0 s5, $0x11;
	s7 =	sadd.s32 @!p0 $0x11B8D, s7;
	_ =	swait.eq @!p0 [sflag:s6], $0x1  }
0xb2: {  	s5 =	sor.u32 @!p0 s5, s7;
	[sflag:s6] =	ssyncadd.s32 @!p0 $0xFFFFFFFF  }
0xb3: {  	s25 =	simm.s32 $0x1B8E;
	s24 =	sld [smem:$0x3FFE];
	[sflag:s5] =	ssyncadd.remote.s32 @!p0 $0x1  }
0xb4: {  	s26 =	simm.s32 $execute0_lowered;
	[smem:$0x3FD2] =	sst s25  }
0xb5: {  	s6 =	sshll.u32 s26, $0x1;
	_ =	strace $0x80000049;
	[dreg:$0x1] =	wrdreg $0xFFFFFFFF  }
0xb6: {  	s28 =	simm.s32 $_size_execute0_lowered;
	s4 =	sadd.s32 s4, s6;
	[dreg:$0x0] =	wrdreg $0x0  }
0xb7: {  	s6 =	sshll.u32 s28, $0x1;
	[dreg:$0x2] =	wrdreg s4  }
0xb8: {  	[dreg:$0x3] =	wrdreg s6  }
0xb9: {  	[dreg:$0x4] =	wrdreg $0xC0  }
0xba: {  	_ =	task [dreg:s22], $0x5FFFF  }
0xbb: {  	[dreg:$0x1] =	wrdreg $0xFFFFFFFF  }
0xbc: {  	[dreg:$0x0] =	wrdreg $0x60  }
0xbd: {  	[dreg:$0x2] =	wrdreg s24  }
0xbe: {  	[dreg:$0x3] =	wrdreg s18  }
0xbf: {  	[dreg:$0x4] =	wrdreg $0x78800  }
0xc0: {  	[dreg:$0x5] =	wrdreg $0x7B000  }
0xc1: {  	[dreg:$0x6] =	wrdreg $0x7D800  }
0xc2: {  	[dreg:$0x7] =	wrdreg $0x9  }
0xc3: {  	_ =	task.clear_ibuf [dreg:s22], $0x8FFFF;
	_ =	strace $0x90000049  }
0xc4: {  	s29 =	simm.s32 $0x9;
	_ =	strace $0x8000004B  }
0xc5: {  	_ =	swait.ge [sflag:s29], $0x1  }
0xc6: {  	[sflag:s29] =	ssyncadd.s32 $0xFFFFFFFF  }
0xc7: {  	_ =	strace $0x9000004B  }
0xc8: {  	_ =	sfence  }
0xc9: {  	s30 =	sld [smem:$0x0];
	_ =	sdelay $0x2  }
0xca: {  	s31 =	sshll.u32 s1, $0xD;
	s1 =	sshrl.u32 s1, $0x2  }
0xcb: {  	s4 =	sand.u32 $0x4000, s31;
	s1 =	sadd.s32 s1, s30  }
0xcc: {  	s0 =	sor.u32 s4, s0;
	s1 =	sshll.u32 s1, $0x11  }
0xcd: {  	s0 =	sor.u32 s1, s0  }
0xce: {  	s0 =	sadd.s32 $0x8F2B, s0  }
0xcf: {  	[sflag:s0] =	ssyncadd.remote.s32 $0x1  }
0xd0: {  	_ =	sfence.sel $0xFFFF  }
0xd1: {  	[dreg:$0x0] =	wrdreg $0xFFFFFFFF;
	(pc) =	sbr.abs _section_cstart, $3  }
0xd2: {  	[dreg:$0x1] =	wrdreg $0xFFFFFFFF  }
0xd3: {  	_ =	task.clear_ibuf [dreg:s22], $0x2FFFF;
	_ =	strace $0x9FFFFFFF  }
0xd4: {  	(tm) =	ssettm $0x7FFFFFFF  }
0xd5: {  	_ =	shalt  }
tec
execute0_lowered:
.L_overlay_start_1:
0x0: {  	(tag) =	ssettag $0x1  }
0x1: {  	s7 =	rddreg [dreg:$0x0]  }
0x2: {  	s1 =	rddreg [dreg:$0x1]  }
0x3: {  	s2 =	rddreg [dreg:$0x2]  }
0x4: {  	s3 =	srdreg.scid;
	s4 =	rddreg [dreg:$0x3]  }
0x5: {  	s0 =	stileid.u32;
	s5 =	rddreg [dreg:$0x4]  }
0x6: {  	s6 =	simm.s32 $0x0;
	s17 =	simm.s32 $0x1;
	s20 =	simm.s32 $0x80  }
0x7: {  	s21 =	simm.s32 $0x2800;
	s8 =	sand.u32 $0x1, s3;
	s3 =	rddreg [dreg:$0x5]  }
0x8: {  	s22 =	simm.s32 $0x0;
	s9 =	smul.u32 $0x280, s0;
	[smem:$0x7FF] =	sst s6  }
0x9: {  	s31 =	sshll.u32 s0, $0x6;
	s10 =	sshll.u32 s8, $0x4;
	s11 =	smul.u32 $0x2800, s8  }
0xa: {  	_ =	strace $0x8000004A;
	s8 =	ssub.s32 $0x2, s8;
	s10 =	sor.u32 s0, s10  }
0xb: {  	s30 =	sshrl.u32 s8, $0x1;
	s16 =	sadd.s32 s9, s2;
	s18 =	sadd.s32 s9, s4  }
0xc: {  	s19 =	sadd.s32 s9, s5;
	s12 =	smul.u32 $0x500, s10;
	s11 =	sadd.s32 s9, s11  }
0xd: {  	p0 =	seq.s32 s10, $0x1F;
	s15 =	ssub.s32 s8, s30;
	s8 =	sor.u32 $0x1C01, s31  }
0xe: {  	s16 =	sshrl.u32 s16, $0x3;
	s18 =	sshrl.u32 s18, $0x3;
	s11 =	sshrl.u32 s11, $0x3  }
0xf: {  	s12 =	sadd.s32 s12, s7;
	s14 =	sadd.s32 s11, s7;
	s7 =	simm.s32 $0x14  }
0x10: {  	s19 =	sshrl.u32 s19, $0x3;
	s15 =	smax.u32 s15, $0x1;
	s7 =	simm.s32 @!p0 $0x50  }
0x11: {  	s9 =	sadd.s32 $0xA000, s12;
	s10 =	sadd.s32 $0x48800, s12;
	s11 =	sadd.s32 $0x52800, s12  }
0x12: {  	v0 =	vimm.f32 $1.000000000e+00;
	s12 =	sadd.s32 $0x5DC00, s14;
	s13 =	sadd.s32 $0x5D200, s14;
	s14 =	sadd.s32 $0x5C800, s14  }
.LBB2_1:
0x13: {  	[spmem:s16], [sflag:s8] =	dma.local [hbm:s1], $0x50  }
0x14: {  	_ =	swait.ge [sflag:s17], $0x50  }
0x15: {  	[sflag:s17] =	ssyncset.done $0x0  }
0x16: {  	[sflag:s17] =	ssyncadd.s32 $0xFFFFFFB0  }
0x17: {  	[spmem:s18], [sflag:s8] =	dma.local [hbm:s1], $0x50  }
0x18: {  	_ =	swait.ge [sflag:s17], $0x50  }
0x19: {  	[sflag:s17] =	ssyncset.done $0x0  }
0x1a: {  	[sflag:s17] =	ssyncadd.s32 $0xFFFFFFB0  }
0x1b: {  	[spmem:s19], [sflag:s8] =	dma.local [hbm:s1], $0x50  }
0x1c: {  	_ =	swait.ge [sflag:s17], $0x50  }
0x1d: {  	[sflag:s17] =	ssyncset.done $0x0  }
0x1e: {  	[sflag:s17] =	ssyncadd.s32 $0xFFFFFFB0  }
0x1f: {  	[tilespmem:s6], [sflag:$0x1] =	stream.linear.gather [hbm4b:s9+s6], $0x2800, $0x38;
	[tilespmem:$0x8000] =	vst v63  }
0x20: {  	_ =	swait.ge [sflag:s17], $0x2800  }
0x21: {  	[sflag:s17] =	ssyncset.done $0x0  }
0x22: {  	s23 =	simm.s32 $0x2880;
	[sflag:s17] =	ssyncadd.s32 $0xFFFFD800  }
0x23: {  	[tilespmem:s23], [sflag:$0x1] =	stream.linear.gather [hbm4b:s10+s6], $0x2800, $0x38;
	[tilespmem:$0x8000] =	vst v63  }
0x24: {  	_ =	swait.ge [sflag:s17], $0x2800  }
0x25: {  	[sflag:s17] =	ssyncset.done $0x0  }
0x26: {  	s24 =	simm.s32 $0x5080;
	[sflag:s17] =	ssyncadd.s32 $0xFFFFD800  }
0x27: {  	[tilespmem:s24], [sflag:$0x1] =	stream.linear.gather [hbm4b:s11+s6], $0x2800, $0x38;
	[tilespmem:$0x8000] =	vst v63  }
0x28: {  	_ =	swait.ge [sflag:s17], $0x2800  }
0x29: {  	[sflag:s17] =	ssyncset.done $0x0  }
0x2a: {  	[sflag:s17] =	ssyncadd.s32 $0xFFFFD800  }
0x2b: {  	[tilespmem:$0x2800] =	vst v0  }
0x2c: {  	[tilespmem:$0x2810] =	vst v0  }
0x2d: {  	[tilespmem:$0x2820] =	vst v0  }
0x2e: {  	[tilespmem:$0x2830] =	vst v0  }
0x2f: {  	[tilespmem:$0x2840] =	vst v0  }
0x30: {  	[tilespmem:$0x2850] =	vst v0  }
0x31: {  	[tilespmem:$0x2860] =	vst v0  }
0x32: {  	[tilespmem:$0x2870] =	vst v0  }
0x33: {  	[bflag:$0x0] =	sbarrier.arrive $0xFFFF  }
0x34: {  	[spmem:s2] =	stream.indirect.scatter.add.f32 [tilespmem:s21], [sflag:$0x1], $0x1, s6, s20, $0xb8;
	[tilespmem:$0x8000] =	vst v63  }
0x35: {  	_ =	swait.ge [sflag:s17], $0x80  }
0x36: {  	[sflag:s17] =	ssyncset.done $0x0  }
0x37: {  	[sflag:s17] =	ssyncadd.s32 $0xFFFFFF80  }
0x38: {  	[spmem:s4] =	stream.indirect.scatter.add.f32 [tilespmem:s23], [sflag:$0x1], $0x1, s6, s20, $0xb8;
	[tilespmem:$0x8000] =	vst v63  }
0x39: {  	p0 =	sne.s32 s7, $0x1;
	_ =	swait.ge [sflag:s17], $0x80  }
.Ltmp0:
0x3a: {  	[sflag:s17] =	ssyncset.done $0x0;
	(pc) =	sbr.rel @!p0 .LBB2_3-.Ltmp0, $4  }
0x3b: {  	[sflag:s17] =	ssyncadd.s32 $0xFFFFFF80  }
0x3c: {  	[spmem:s5] =	stream.indirect.scatter.add.f32 [tilespmem:s24], [sflag:$0x1], $0x1, s6, s20, $0xb8;
	[tilespmem:$0x8000] =	vst v63  }
0x3d: {  	s25 =	simm.s32 $0x5100;
	_ =	swait.ge [sflag:s17], $0x80  }
0x3e: {  	s26 =	simm.s32 $0x0;
	s24 =	sadd.s32 $0xFFFFFFFF, s7;
	[sflag:s17] =	ssyncset.done $0x0  }
.LBB2_2:
0x3f: {  	[sflag:s17] =	ssyncadd.s32 $0xFFFFFF80;
	s26 =	sadd.s32 $0x80, s26;
	s23 =	sadd.s32 $0x80, s23  }
0x40: {  	[spmem:s2] =	stream.indirect.scatter.add.f32 [tilespmem:s21], [sflag:$0x1], $0x1, s26, s20, $0xb8;
	[tilespmem:$0x8000] =	vst v63  }
0x41: {  	p0 =	sne.s32 s24, $0x1;
	s24 =	sadd.s32 $0xFFFFFFFF, s24;
	_ =	swait.ge [sflag:s17], $0x80  }
0x42: {  	[sflag:s17] =	ssyncset.done $0x0  }
0x43: {  	[sflag:s17] =	ssyncadd.s32 $0xFFFFFF80  }
0x44: {  	[spmem:s4] =	stream.indirect.scatter.add.f32 [tilespmem:s23], [sflag:$0x1], $0x1, s26, s20, $0xb8;
	[tilespmem:$0x8000] =	vst v63  }
0x45: {  	_ =	swait.ge [sflag:s17], $0x80  }
.Ltmp1:
0x46: {  	[sflag:s17] =	ssyncset.done $0x0;
	(pc) =	sbr.rel @p0 .LBB2_2-.Ltmp1, $4  }
0x47: {  	[sflag:s17] =	ssyncadd.s32 $0xFFFFFF80  }
0x48: {  	[spmem:s5] =	stream.indirect.scatter.add.f32 [tilespmem:s25], [sflag:$0x1], $0x1, s26, s20, $0xb8;
	[tilespmem:$0x8000] =	vst v63  }
0x49: {  	_ =	swait.ge [sflag:s17], $0x80  }
0x4a: {  	s25 =	sadd.s32 $0x80, s25;
	[sflag:s17] =	ssyncset.done $0x0  }
.LBB2_3:
0x4b: {  	[sflag:s17] =	ssyncadd.s32 $0xFFFFFF80  }
0x4c: {  	[bflag:$0x0] =	sbarrier.arrive $0xFFFF  }
0x4d: {  	[hbm:s12], [sflag:s8] =	dma.local [spmem:s16], $0x50  }
0x4e: {  	_ =	swait.ge [sflag:s17], $0x50  }
0x4f: {  	[sflag:s17] =	ssyncset.done $0x0  }
0x50: {  	[sflag:s17] =	ssyncadd.s32 $0xFFFFFFB0  }
0x51: {  	[hbm:s13], [sflag:s8] =	dma.local [spmem:s18], $0x50  }
0x52: {  	s22 =	sadd.s32 $0x1, s22;
	_ =	swait.ge [sflag:s17], $0x50  }
0x53: {  	p0 =	sne.s32 s22, s15;
	[sflag:s17] =	ssyncset.done $0x0  }
.Ltmp2:
0x54: {  	[sflag:s17] =	ssyncadd.s32 $0xFFFFFFB0;
	(pc) =	sbr.rel @p0 .LBB2_1-.Ltmp2, $4  }
0x55: {  	[hbm:s14], [sflag:s8] =	dma.local [spmem:s19], $0x50  }
0x56: {  	_ =	swait.ge [sflag:s17], $0x50  }
0x57: {  	[sflag:s17] =	ssyncset.done $0x0  }
0x58: {  	[sflag:s17] =	ssyncadd.s32 $0xFFFFFFB0  }
0x59: {  	_ =	sfence.sel $0x180000  }
0x5a: {  	[bflag:$0x0] =	sbarrier.arrive $0xFFFF  }
0x5b: {  	p0 =	sne.s32 s0, $0x0;
	_ =	strace $0x9000004A  }
0x5c: {  	s0 =	sadd.s32 @!p0 $0x100000, s3;
	[bflag:$0x2] =	sbarrier.arrive $0xFFFF  }
0x5d: {  	[sflag:s0] =	ssyncadd.tile.s32 @!p0 $0x1;
	_ =	shalt  }
.Lfunc_end2:
_tile_overlayer_lowered:
.L_overlay_start_2:
0x5e: {  	(tag) =	ssettag $0x2  }
0x5f: {  	s0 =	rddreg [dreg:$0x0];
	s2 =	stileid.u32  }
0x60: {  	s1 =	rddreg [dreg:$0x1];
	p0 =	sne.s32 s2, $0x0  }
0x61: {  	s3 =	rddreg [dreg:$0x2];
	[bflag:$0x3] =	sbarrier.arrive $0xFFFF;
	s2 =	simm.s32 @!p0 $0x1C01  }
0x62: {  	[timem:s3], [sflag:s2] =	dma.local @!p0 [hbm:s0], s1  }
0x63: {  	s0 =	simm.s32 @!p0 $0x1  }
0x64: {  	_ =	swait.ge @!p0 [sflag:s0], s1  }
0x65: {  	s1 =	ssub.s32 @!p0 $0x0, s1;
	[sflag:s0] =	ssyncset.done @!p0 $0x0  }
0x66: {  	[sflag:s0] =	ssyncadd.s32 @!p0 s1  }
0x67: {  	[bflag:$0x3] =	sbarrier.arrive $0xFFFF  }
0x68: {  	_ =	shalt  }

</sc_bundles>
